<compile_context>
chip_gen: v7x
topology: tpu7x:2x2x1
jax: 0.10.2.dev20260603
libtpu: 0.0.44.dev20260713+nightly
codegen_flags: <defaults>
</compile_context>

<pallas_src>
import functools

import jax
import jax.numpy as jnp
from jax import lax
from jax.experimental import pallas as pl
from jax.experimental.pallas import tpu as pltpu
from jax.experimental.pallas import tpu_sc as plsc

N, E, F, H, G, C = 10000, 320000, 128, 64, 64, 3
NS = 16
NCORE = 2
KI = 128
CB = 32
CE = 160
EP = NS * CE * KI
NPAD = N + 16
NRT = N // NS
NZT = NPAD // NS
NB = 5
RB = N // NB
EPS = 1e-5

_mesh = plsc.VectorSubcoreMesh(core_axis_name="c", subcore_axis_name="s",
                               num_cores=NCORE, num_subcores=NS)


def _zero_vmem(ref, nwords):
    def body(i, _):
        ref[pl.ds(i * 16, 16)] = jnp.zeros((16,), jnp.float32)
        return 0
    lax.fori_loop(0, nwords // 16, body, 0)


def _zero_vmem2(ref, rows, cols):
    def body(r, _):
        for o in range(0, cols, 16):
            ref[r, pl.ds(o, 16)] = jnp.zeros((16,), jnp.float32)
        return 0
    lax.fori_loop(0, rows, body, 0)


def _zero_shared_rows(zero_v, sp, base, nrows, zrows):
    full, rem = nrows // zrows, nrows % zrows
    for k in range(full):
        pltpu.sync_copy(zero_v, sp.at[pl.ds(base + k * zrows, zrows)])
    if rem:
        pltpu.sync_copy(zero_v.at[pl.ds(0, rem)],
                        sp.at[pl.ds(base + full * zrows, rem)])


def _edge_loop(s, table, acc_sp, srcm_hbm, dstm_hbm, dummy_hbm,
               siv, div, rbufs, gsems, ssems, extra=None, extra_end=None):
    NIT = CE // 8

    def draing(k):
        pltpu.make_async_copy(dummy_hbm, rbufs[k], gsems[k]).wait()

    def drains(k):
        pltpu.make_async_copy(dummy_hbm, rbufs[k], ssems[k]).wait()

    pltpu.sync_copy(srcm_hbm.at[pl.ds(s * CE, 16)], siv.at[pl.ds(0, 16)])
    pltpu.sync_copy(dstm_hbm.at[pl.ds(s * CE, 16)], div.at[pl.ds(0, 16)])
    for k in range(4):
        pltpu.async_copy(table.at[siv.at[k]], rbufs[k], gsems[k])

    def body(u, _):
        rbase = (8 * u) % CB

        for k in range(4):
            draing(k)
            pltpu.async_copy(rbufs[k], acc_sp.at[div.at[rbase + k]],
                             ssems[k], add=True)
        @pl.when(u > 0)
        def _():
            for k in range(4, 8):
                drains(k)

        for k in range(4, 8):
            pltpu.async_copy(table.at[siv.at[rbase + k]], rbufs[k], gsems[k])
        if extra is not None:
            extra(div, rbase)
        for k in range(4, 8):
            draing(k)
            pltpu.async_copy(rbufs[k], acc_sp.at[div.at[rbase + k]],
                             ssems[k], add=True)
        if extra_end is not None:
            extra_end()

        nxt = u + 1

        @pl.when(jnp.logical_and(nxt < NIT, nxt % 2 == 0))
        def _():
            wbase = (8 * nxt) % CB
            pltpu.sync_copy(srcm_hbm.at[pl.ds(s * CE + 8 * nxt, 16)],
                            siv.at[pl.ds(wbase, 16)])
            pltpu.sync_copy(dstm_hbm.at[pl.ds(s * CE + 8 * nxt, 16)],
                            div.at[pl.ds(wbase, 16)])

        @pl.when(nxt < NIT)
        def _():
            nb_ = (8 * nxt) % CB
            for k in range(4):
                drains(k)
                pltpu.async_copy(table.at[siv.at[nb_ + k]], rbufs[k],
                                 gsems[k])
        return 0

    lax.fori_loop(0, NIT, body, 0)
    for k in range(8):
        drains(k)


@functools.partial(
    pl.kernel,
    out_type=jax.ShapeDtypeStruct((N, F), jnp.float32),
    mesh=_mesh,
    scratch_types=[
        pltpu.VMEM((CB, KI), jnp.int32),
        pltpu.VMEM((CB, KI), jnp.int32),
        pltpu.VMEM((8, KI, H), jnp.float32),
        pltpu.VMEM((64, H), jnp.float32),
        pltpu.VMEM_SHARED((NPAD, H), jnp.float32),
    ] + [pltpu.SemaphoreType.DMA] * 16,
    compiler_params=pltpu.CompilerParams(use_tc_tiling_on_sc=False),
)
def _k1(x2_hbm, srcm_hbm, dstm_hbm, agg_hbm,
        siv, div, rv, zero_v, agg_sp, *sems):
    cc = lax.axis_index("c")
    s = lax.axis_index("s")

    _zero_vmem2(zero_v, 64, H)
    _zero_shared_rows(zero_v, agg_sp, s * NZT, NZT, 64)

    plsc.subcore_barrier()

    dummy = x2_hbm.at[0, pl.ds(0, KI)]
    _edge_loop(s, x2_hbm.at[cc], agg_sp, srcm_hbm, dstm_hbm, dummy,
               siv, div, [rv.at[k] for k in range(8)],
               list(sems[:8]), list(sems[8:16]))

    plsc.subcore_barrier()

    pltpu.sync_copy(agg_sp.at[pl.ds(s * NRT, NRT)],
                    agg_hbm.at[pl.ds(s * NRT, NRT), pl.ds(cc * H, H)])


@functools.partial(
    pl.kernel,
    out_type=(jax.ShapeDtypeStruct((2, N, H // 2), jnp.float32),
              jax.ShapeDtypeStruct((N, H), jnp.float32),
              jax.ShapeDtypeStruct((2, NPAD), jnp.float32)),
    mesh=_mesh,
    scratch_types=[
        pltpu.VMEM((CB, KI), jnp.int32),
        pltpu.VMEM((CB, KI), jnp.int32),
        pltpu.VMEM((8, KI, H // 2), jnp.float32),
        pltpu.VMEM((64, H // 2), jnp.float32),
        pltpu.VMEM((NRT, H // 2), jnp.float32),
        pltpu.VMEM((2, H // 2), jnp.float32),
        pltpu.VMEM((KI,), jnp.float32),
        pltpu.VMEM((1024,), jnp.float32),
        pltpu.VMEM_SHARED((NPAD, H // 2), jnp.float32),
        pltpu.VMEM_SHARED((NPAD,), jnp.float32),
    ] + [pltpu.SemaphoreType.DMA] * 17,
    compiler_params=pltpu.CompilerParams(use_tc_tiling_on_sc=False),
)
def _k3(hpre_hbm, ac_hbm, srcm_hbm, dstm_hbm, h_hbm, nb_hbm, deg_hbm,
        siv, div, rv, zero_v, hbuf, acv, ones_v, degz_v,
        nb_sp, deg_sp, *sems):
    cc = lax.axis_index("c")
    s = lax.axis_index("s")
    HW = H // 2

    _zero_vmem2(zero_v, 64, HW)

    def ones_body(i, _):
        ones_v[pl.ds(i * 16, 16)] = jnp.ones((16,), jnp.float32)
        return 0
    lax.fori_loop(0, KI // 16, ones_body, 0)

    pltpu.sync_copy(hpre_hbm.at[pl.ds(s * NRT, NRT), pl.ds(cc * HW, HW)], hbuf)
    pltpu.sync_copy(ac_hbm.at[:, pl.ds(cc * HW, HW)], acv)
    _zero_shared_rows(zero_v, nb_sp, s * NZT, NZT, 64)

    @pl.when(s == 0)
    def _():
        _zero_vmem(degz_v, 1024)
        for k in range(NPAD // 1024):
            pltpu.sync_copy(degz_v, deg_sp.at[pl.ds(k * 1024, 1024)])
        rem = NPAD % 1024
        pltpu.sync_copy(degz_v.at[pl.ds(0, rem)],
                        deg_sp.at[pl.ds(NPAD - rem, rem)])

    a_lo = acv[0, pl.ds(0, 16)]
    a_hi = acv[0, pl.ds(16, 16)]
    c_lo = acv[1, pl.ds(0, 16)]
    c_hi = acv[1, pl.ds(16, 16)]

    def bn_body(r, _):
        v0 = hbuf[r, pl.ds(0, 16)]
        hbuf[r, pl.ds(0, 16)] = jnp.maximum(a_lo * v0 + c_lo, 0.0)
        v1 = hbuf[r, pl.ds(16, 16)]
        hbuf[r, pl.ds(16, 16)] = jnp.maximum(a_hi * v1 + c_hi, 0.0)
        return 0
    lax.fori_loop(0, NRT, bn_body, 0)

    pltpu.sync_copy(hbuf, h_hbm.at[cc, pl.ds(s * NRT, NRT)])

    plsc.subcore_barrier()

    sD = sems[16]

    def deg_extra(div_, base):
        @pl.when(cc == 0)
        def _():
            for k in range(4):
                pltpu.async_copy(ones_v, deg_sp.at[div_.at[base + k]],
                                 sD, add=True)

        @pl.when(cc == 1)
        def _():
            for k in range(4, 8):
                pltpu.async_copy(ones_v, deg_sp.at[div_.at[base + k]],
                                 sD, add=True)

    dummy1 = deg_hbm.at[0, pl.ds(0, KI)]

    def deg_drain():
        for _i in range(4):
            pltpu.make_async_copy(dummy1, ones_v, sD).wait()

    dummy = h_hbm.at[0, pl.ds(0, KI)]
    _edge_loop(s, h_hbm.at[cc], nb_sp, srcm_hbm, dstm_hbm, dummy,
               siv, div, [rv.at[k] for k in range(8)],
               list(sems[:8]), list(sems[8:16]),
               extra=deg_extra, extra_end=deg_drain)

    plsc.subcore_barrier()

    pltpu.sync_copy(nb_sp.at[pl.ds(s * NRT, NRT)],
                    nb_hbm.at[pl.ds(s * NRT, NRT), pl.ds(cc * HW, HW)])

    @pl.when(jnp.logical_and(cc == 0, s == 0))
    def _():
        pltpu.sync_copy(deg_sp, deg_hbm.at[0])

    @pl.when(jnp.logical_and(cc == 1, s == 0))
    def _():
        pltpu.sync_copy(deg_sp, deg_hbm.at[1])


def _k2_body(x_ref, agg_ref, W1_ref, b1_ref, W2_ref, b2_ref, g1_ref, bt1_ref,
             hpre_ref, ac_ref, sums_ref):
    i = pl.program_id(0)
    xa = x_ref[...] + agg_ref[...]
    z = jnp.maximum(
        jnp.dot(xa, W1_ref[...], preferred_element_type=jnp.float32)
        + b1_ref[...], 0.0)
    h = jnp.dot(z, W2_ref[...], preferred_element_type=jnp.float32) + b2_ref[...]
    hpre_ref[...] = h

    @pl.when(i == 0)
    def _():
        sums_ref[...] = jnp.zeros_like(sums_ref)

    sums_ref[0:1, :] += jnp.sum(h, axis=0, keepdims=True)
    sums_ref[1:2, :] += jnp.sum(h * h, axis=0, keepdims=True)

    @pl.when(i == NB - 1)
    def _():
        mu = sums_ref[0:1, :] / N
        var = sums_ref[1:2, :] / N - mu * mu
        a = g1_ref[...] * lax.rsqrt(var + EPS)
        csh = bt1_ref[...] - mu * a
        ac_ref[...] = jnp.concatenate([a, csh], axis=0)


def _k2(x, agg, W1, b1, W2, b2, g1, bt1):
    return pl.pallas_call(
        _k2_body,
        grid=(NB,),
        in_specs=[
            pl.BlockSpec((RB, F), lambda i: (i, 0)),
            pl.BlockSpec((RB, F), lambda i: (i, 0)),
            pl.BlockSpec((F, H), lambda i: (0, 0)),
            pl.BlockSpec((1, H), lambda i: (0, 0)),
            pl.BlockSpec((H, H), lambda i: (0, 0)),
            pl.BlockSpec((1, H), lambda i: (0, 0)),
            pl.BlockSpec((1, H), lambda i: (0, 0)),
            pl.BlockSpec((1, H), lambda i: (0, 0)),
        ],
        out_specs=[
            pl.BlockSpec((RB, H), lambda i: (i, 0)),
            pl.BlockSpec((2, H), lambda i: (0, 0)),
        ],
        out_shape=[
            jax.ShapeDtypeStruct((N, H), jnp.float32),
            jax.ShapeDtypeStruct((2, H), jnp.float32),
        ],
        scratch_shapes=[pltpu.VMEM((2, H), jnp.float32)],
    )(x, agg, W1, b1, W2, b2, g1, bt1)


def _k45_body(nb_ref, deg0_ref, deg1_ref, hlo_ref, hhi_ref, Wl_ref, bl_ref,
              Wr_ref, g2_ref, bt2_ref, batch_ref, Wc1_ref, bc1_ref, Wc2_ref,
              bc2_ref, out_ref, h2s_ref, sums_ref, pool_ref, cnt_ref):
    i = pl.program_id(0)

    @pl.when(i < NB)
    def _():
        inv = 1.0 / jnp.maximum(deg0_ref[...] + deg1_ref[...], 1.0)
        nbm = nb_ref[...] * inv
        h = jnp.concatenate([hlo_ref[...], hhi_ref[...]], axis=1)
        h2 = (jnp.dot(nbm, Wl_ref[...], preferred_element_type=jnp.float32)
              + bl_ref[...]
              + jnp.dot(h, Wr_ref[...], preferred_element_type=jnp.float32))
        h2s_ref[pl.ds(i * RB, RB), :] = h2

        @pl.when(i == 0)
        def _():
            sums_ref[...] = jnp.zeros_like(sums_ref)
            pool_ref[...] = jnp.zeros_like(pool_ref)
            cnt_ref[...] = jnp.zeros_like(cnt_ref)

        sums_ref[0:1, :] += jnp.sum(h2, axis=0, keepdims=True)
        sums_ref[1:2, :] += jnp.sum(h2 * h2, axis=0, keepdims=True)

        @pl.when(i == NB - 1)
        def _():
            mu = sums_ref[0:1, :] / N
            var = sums_ref[1:2, :] / N - mu * mu
            a = g2_ref[...] * lax.rsqrt(var + EPS)
            csh = bt2_ref[...] - mu * a
            sums_ref[...] = jnp.concatenate([a, csh], axis=0)

    @pl.when(i >= NB)
    def _():
        j = i - NB
        a = sums_ref[0:1, :]
        csh = sums_ref[1:2, :]
        h2 = jnp.maximum(h2s_ref[pl.ds(j * RB, RB), :] * a + csh, 0.0)
        b = batch_ref[0]
        oh = (lax.broadcasted_iota(jnp.int32, (G, RB), 0)
              == b).astype(jnp.float32)
        pool_ref[...] += jnp.dot(oh, h2, preferred_element_type=jnp.float32)
        cnt_ref[...] += jnp.broadcast_to(jnp.sum(oh, axis=1, keepdims=True),
                                         cnt_ref.shape)

        @pl.when(i == 2 * NB - 1)
        def _():
            counts = cnt_ref[:, 0:1]
            pooled = pool_ref[...] / jnp.maximum(counts, 1.0)
            z = jnp.maximum(
                jnp.dot(pooled, Wc1_ref[...],
                        preferred_element_type=jnp.float32)
                + bc1_ref[...], 0.0)
            out_ref[...] = (jnp.dot(z, Wc2_ref[...],
                                    preferred_element_type=jnp.float32)
                            + bc2_ref[...])


def _k45(nb, deg0, deg1, hlo, hhi, Wl, bl, Wr, g2, bt2, batch3,
         Wc1, bc1, Wc2, bc2):
    def rowmap(i):
        return (jnp.minimum(i, NB - 1), 0)

    def zmap(i):
        return (0, 0)

    return pl.pallas_call(
        _k45_body,
        grid=(2 * NB,),
        in_specs=[
            pl.BlockSpec((RB, H), rowmap),
            pl.BlockSpec((RB, 1), rowmap),
            pl.BlockSpec((RB, 1), rowmap),
            pl.BlockSpec((RB, H // 2), rowmap),
            pl.BlockSpec((RB, H // 2), rowmap),
            pl.BlockSpec((H, H), zmap),
            pl.BlockSpec((1, H), zmap),
            pl.BlockSpec((H, H), zmap),
            pl.BlockSpec((1, H), zmap),
            pl.BlockSpec((1, H), zmap),
            pl.BlockSpec((1, 1, RB), lambda i: (jnp.maximum(i - NB, 0), 0, 0)),
            pl.BlockSpec((H, 32), zmap),
            pl.BlockSpec((1, 32), zmap),
            pl.BlockSpec((32, C), zmap),
            pl.BlockSpec((1, C), zmap),
        ],
        out_specs=pl.BlockSpec((G, C), lambda i: (0, 0)),
        out_shape=jax.ShapeDtypeStruct((G, C), jnp.float32),
        scratch_shapes=[pltpu.VMEM((N, H), jnp.float32),
                        pltpu.VMEM((2, H), jnp.float32),
                        pltpu.VMEM((G, H), jnp.float32),
                        pltpu.VMEM((G, 128), jnp.float32)],
    )(nb, deg0, deg1, hlo, hhi, Wl, bl, Wr, g2, bt2, batch3,
      Wc1, bc1, Wc2, bc2)


def kernel(x, edge_index, batch, W1, b1, W2, b2, Wl, bl, Wr,
           g1, beta1, g2, beta2, Wc1, bc1, Wc2, bc2):
    src = edge_index[0]
    dst = edge_index[1]
    pad = EP - E
    src_p = jnp.concatenate([src, jnp.arange(pad, dtype=jnp.int32) % N])
    dst_p = jnp.concatenate(
        [dst, N + (jnp.arange(pad, dtype=jnp.int32) % 16)])
    srcm = src_p.reshape(NS * CE, KI)
    dstm = dst_p.reshape(NS * CE, KI)
    x2 = jnp.stack([x[:, :H], x[:, H:]])

    agg = _k1(x2, srcm, dstm)
    hpre, ac1 = _k2(x, agg, W1, b1.reshape(1, H), W2, b2.reshape(1, H),
                    g1.reshape(1, H), beta1.reshape(1, H))
    h2f, nb, degp = _k3(hpre, ac1, srcm, dstm)
    deg0 = degp[0, :N].reshape(N, 1)
    deg1 = degp[1, :N].reshape(N, 1)
    batch3 = batch.reshape(NB, 1, RB)
    out = _k45(nb, deg0, deg1, h2f[0], h2f[1], Wl, bl.reshape(1, H),
               Wr, g2.reshape(1, H), beta2.reshape(1, H), batch3,
               Wc1, bc1.reshape(1, 32), Wc2, bc2.reshape(1, C))
    return out

# --- scband reference (transcript-rebuilt; emitter-appended) ---
"""Pipeline reference for scband-crypto-gnn-46677704573771 (READ-ONLY COPY).

The authoritative reference and input builder live on the scoring server;
editing this copy changes nothing except your own understanding.
"""

import jax, jax.numpy as jnp
import numpy as np

N, E, F, H, G, C = 10000, 320000, 128, 64, 64, 3

def setup_inputs(seed: int = 0) -> dict:
    key = jax.random.key(seed)
    ks = jax.random.split(key, 20)
    x = jax.random.normal(ks[0], (N, F), dtype=jnp.float32)
    edge_index = jax.random.randint(ks[1], (2, E), 0, N, dtype=jnp.int32)
    batch = jnp.sort(jax.random.randint(ks[2], (N,), 0, G, dtype=jnp.int32))
    # GIN MLP params: Linear(F,64) -> ReLU -> Linear(64,64)
    W1 = jax.random.normal(ks[3], (F, H), dtype=jnp.float32) / np.sqrt(F)
    b1 = jnp.zeros((H,), dtype=jnp.float32)
    W2 = jax.random.normal(ks[4], (H, H), dtype=jnp.float32) / np.sqrt(H)
    b2 = jnp.zeros((H,), dtype=jnp.float32)
    # SAGEConv params: lin_l (neighbor agg, with bias) + lin_r (root)
    Wl = jax.random.normal(ks[5], (H, H), dtype=jnp.float32) / np.sqrt(H)
    bl = jnp.zeros((H,), dtype=jnp.float32)
    Wr = jax.random.normal(ks[6], (H, H), dtype=jnp.float32) / np.sqrt(H)
    # BatchNorm affine params
    g1 = jnp.ones((H,), dtype=jnp.float32)
    beta1 = jnp.zeros((H,), dtype=jnp.float32)
    g2 = jnp.ones((H,), dtype=jnp.float32)
    beta2 = jnp.zeros((H,), dtype=jnp.float32)
    # classifier: Linear(64,32) -> ReLU -> Dropout(eval) -> Linear(32,3)
    Wc1 = jax.random.normal(ks[7], (H, 32), dtype=jnp.float32) / np.sqrt(H)
    bc1 = jnp.zeros((32,), dtype=jnp.float32)
    Wc2 = jax.random.normal(ks[8], (32, C), dtype=jnp.float32) / np.sqrt(32)
    bc2 = jnp.zeros((C,), dtype=jnp.float32)
    return {"x": x, "edge_index": edge_index, "batch": batch,
            "W1": W1, "b1": b1, "W2": W2, "b2": b2,
            "Wl": Wl, "bl": bl, "Wr": Wr,
            "g1": g1, "beta1": beta1, "g2": g2, "beta2": beta2,
            "Wc1": Wc1, "bc1": bc1, "Wc2": Wc2, "bc2": bc2}

def _batchnorm(h, gamma, beta, eps=1e-5):
    mu = jnp.mean(h, axis=0, keepdims=True)
    var = jnp.var(h, axis=0, keepdims=True)
    return gamma * (h - mu) / jnp.sqrt(var + eps) + beta

def reference(x, edge_index, batch, W1, b1, W2, b2, Wl, bl, Wr, g1, beta1, g2, beta2, Wc1, bc1, Wc2, bc2):
    src = edge_index[0]
    dst = edge_index[1]
    # GINConv (eps=0): h_i = MLP(x_i + sum_{j->i} x_j)
    agg = jax.ops.segment_sum(jnp.take(x, src, axis=0), dst, num_segments=N)
    h = x + agg
    h = jax.nn.relu(h @ W1 + b1) @ W2 + b2
    h = jax.nn.relu(_batchnorm(h, g1, beta1))
    # SAGEConv (mean aggregation): out_i = lin_l(mean_j h_j) + lin_r(h_i)
    nb_sum = jax.ops.segment_sum(jnp.take(h, src, axis=0), dst, num_segments=N)
    deg = jax.ops.segment_sum(jnp.ones((E,), dtype=jnp.float32), dst, num_segments=N)
    nb_mean = nb_sum / jnp.maximum(deg, 1.0)[:, None]
    h2 = nb_mean @ Wl + bl + h @ Wr
    h2 = jax.nn.relu(_batchnorm(h2, g2, beta2))
    # global_mean_pool over batch ids
    pool_sum = jax.ops.segment_sum(h2, batch, num_segments=G)
    counts = jax.ops.segment_sum(jnp.ones((N,), dtype=jnp.float32), batch, num_segments=G)
    pooled = pool_sum / jnp.maximum(counts, 1.0)[:, None]
    # classifier (dropout is identity in eval)
    out = jax.nn.relu(pooled @ Wc1 + bc1) @ Wc2 + bc2
    return out

if __name__ == "__main__":
    import jax
    _d = setup_inputs()
    print(jax.jit(kernel)(*tuple(_d.values())))

</pallas_src>

<mosaic_0001>
#map = affine_map<(d0, d1) -> (0, 0)>
#map1 = affine_map<(d0, d1) -> (0, 0, 0)>
module attributes {stable_mosaic.version = 14 : i64} {
  func.func @_k3(%arg0: i32, %arg1: i32, %arg2: memref<10000x64xf32, #tpu.memory_space<hbm>>, %arg3: memref<2x64xf32, #tpu.memory_space<hbm>>, %arg4: memref<2560x128xi32, #tpu.memory_space<hbm>>, %arg5: memref<2560x128xi32, #tpu.memory_space<hbm>>, %arg6: memref<2x10000x32xf32, #tpu.memory_space<hbm>>, %arg7: memref<10000x64xf32, #tpu.memory_space<hbm>>, %arg8: memref<2x10016xf32, #tpu.memory_space<hbm>>, %arg9: memref<32x128xi32, #tpu.memory_space<vmem>>, %arg10: memref<32x128xi32, #tpu.memory_space<vmem>>, %arg11: memref<8x128x32xf32, #tpu.memory_space<vmem>>, %arg12: memref<64x32xf32, #tpu.memory_space<vmem>>, %arg13: memref<625x32xf32, #tpu.memory_space<vmem>>, %arg14: memref<2x32xf32, #tpu.memory_space<vmem>>, %arg15: memref<128xf32, #tpu.memory_space<vmem>>, %arg16: memref<1024xf32, #tpu.memory_space<vmem>>, %arg17: memref<10016x32xf32, #tpu.memory_space<vmem_shared>>, %arg18: memref<10016xf32, #tpu.memory_space<vmem_shared>>, %arg19: memref<!tpu.dma_semaphore, #tpu.memory_space<semaphore_mem>>, %arg20: memref<!tpu.dma_semaphore, #tpu.memory_space<semaphore_mem>>, %arg21: memref<!tpu.dma_semaphore, #tpu.memory_space<semaphore_mem>>, %arg22: memref<!tpu.dma_semaphore, #tpu.memory_space<semaphore_mem>>, %arg23: memref<!tpu.dma_semaphore, #tpu.memory_space<semaphore_mem>>, %arg24: memref<!tpu.dma_semaphore, #tpu.memory_space<semaphore_mem>>, %arg25: memref<!tpu.dma_semaphore, #tpu.memory_space<semaphore_mem>>, %arg26: memref<!tpu.dma_semaphore, #tpu.memory_space<semaphore_mem>>, %arg27: memref<!tpu.dma_semaphore, #tpu.memory_space<semaphore_mem>>, %arg28: memref<!tpu.dma_semaphore, #tpu.memory_space<semaphore_mem>>, %arg29: memref<!tpu.dma_semaphore, #tpu.memory_space<semaphore_mem>>, %arg30: memref<!tpu.dma_semaphore, #tpu.memory_space<semaphore_mem>>, %arg31: memref<!tpu.dma_semaphore, #tpu.memory_space<semaphore_mem>>, %arg32: memref<!tpu.dma_semaphore, #tpu.memory_space<semaphore_mem>>, %arg33: memref<!tpu.dma_semaphore, #tpu.memory_space<semaphore_mem>>, %arg34: memref<!tpu.dma_semaphore, #tpu.memory_space<semaphore_mem>>, %arg35: memref<!tpu.dma_semaphore, #tpu.memory_space<semaphore_mem>>) attributes {dimension_semantics = [#tpu.dimension_semantics<core_parallel>, #tpu.dimension_semantics<subcore_parallel>], iteration_bounds = array<i64: 2, 16>, scalar_prefetch = 0 : i64, scratch_operands = 27 : i64, tpu.core_type = #tpu.core_type<sc_vector_subcore>, window_params = [{transform_indices = #map}, {transform_indices = #map}, {transform_indices = #map}, {transform_indices = #map}, {transform_indices = #map1}, {transform_indices = #map}, {transform_indices = #map}]} {
    %scan3A = arith.constant 0 : i32
    %scan3A_0 = arith.constant 0 : i32
    %scan3A_1 = arith.constant 64 : i32
    %scan3A_2 = arith.addi %scan3A_0, %scan3A_1 : i32
    %scan3A_3 = arith.constant 1 : i32
    %scan3A_4 = scf.for %scan3A_318 = %scan3A_0 to %scan3A_2 step %scan3A_3 iter_args(%scan3A_319 = %scan3A) -> (i32)  : i32 {
      %broadcast_in_dim3A = arith.constant 0.000000e+00 : f32
      %broadcast_in_dim3A_320 = vector.broadcast %broadcast_in_dim3A : f32 to vector<16xf32>
      %swap3A = arith.index_cast %scan3A_318 : i32 to index
      %swap3A_321 = arith.constant 0 : index
      %swap3A_322 = tpu.vector_load %arg12[%swap3A, %swap3A_321] {strides = array<i32>} : memref<64x32xf32, #tpu.memory_space<vmem>>, vector<1x16xf32>,
      %swap3A_323 = vector.shape_cast %swap3A_322 : vector<1x16xf32> to vector<16xf32>
      %swap3A_324 = vector.shape_cast %broadcast_in_dim3A_320 : vector<16xf32> to vector<1x16xf32>
      tpu.vector_store %arg12[%swap3A, %swap3A_321], %swap3A_324 {strides = array<i32>} : memref<64x32xf32, #tpu.memory_space<vmem>>, vector<1x16xf32>,
      %broadcast_in_dim3A_325 = arith.constant 0.000000e+00 : f32
      %broadcast_in_dim3A_326 = vector.broadcast %broadcast_in_dim3A_325 : f32 to vector<16xf32>
      %swap3A_327 = arith.index_cast %scan3A_318 : i32 to index
      %swap3A_328 = arith.constant 16 : index
      %swap3A_329 = tpu.vector_load %arg12[%swap3A_327, %swap3A_328] {strides = array<i32>} : memref<64x32xf32, #tpu.memory_space<vmem>>, vector<1x16xf32>,
      %swap3A_330 = vector.shape_cast %swap3A_329 : vector<1x16xf32> to vector<16xf32>
      %swap3A_331 = vector.shape_cast %broadcast_in_dim3A_326 : vector<16xf32> to vector<1x16xf32>
      tpu.vector_store %arg12[%swap3A_327, %swap3A_328], %swap3A_331 {strides = array<i32>} : memref<64x32xf32, #tpu.memory_space<vmem>>, vector<1x16xf32>,
      %scan3A_332 = arith.constant 0 : i32
      scf.yield %scan3A_332 : i32
    }
    %scan3A_5 = arith.constant 64 : i32
    %scan3A_6 = arith.constant 0 : i32
    %scan3A_7 = arith.constant 0 : i32
    %scan3A_8 = arith.constant 8 : i32
    %scan3A_9 = arith.addi %scan3A_7, %scan3A_8 : i32
    %scan3A_10 = arith.constant 1 : i32
    %scan3A_11 = scf.for %scan3A_318 = %scan3A_7 to %scan3A_9 step %scan3A_10 iter_args(%scan3A_319 = %scan3A_6) -> (i32)  : i32 {
      %broadcast_in_dim3A = arith.constant 1.000000e+00 : f32
      %broadcast_in_dim3A_320 = vector.broadcast %broadcast_in_dim3A : f32 to vector<16xf32>
      %mul3A_321 = arith.constant 16 : i32
      %mul3A_322 = arith.muli %scan3A_318, %mul3A_321 : i32
      %swap3A = arith.index_cast %mul3A_322 : i32 to index
      %swap3A_323 = tpu.vector_load %arg15[%swap3A] {strides = array<i32>} : memref<128xf32, #tpu.memory_space<vmem>>, vector<16xf32>,
      %swap3A_324 = vector.shape_cast %swap3A_323 : vector<16xf32> to vector<16xf32>
      %swap3A_325 = vector.shape_cast %broadcast_in_dim3A_320 : vector<16xf32> to vector<16xf32>
      tpu.vector_store %arg15[%swap3A], %swap3A_325 {strides = array<i32>} : memref<128xf32, #tpu.memory_space<vmem>>, vector<16xf32>,
      %scan3A_326 = arith.constant 0 : i32
      scf.yield %scan3A_326 : i32
    }
    %scan3A_12 = arith.constant 8 : i32
    %mul3A = arith.constant 625 : i32
    %mul3A_13 = arith.muli %arg1, %mul3A : i32
    %mul3A_14 = arith.constant 32 : i32
    %mul3A_15 = arith.muli %arg0, %mul3A_14 : i32
    "tpu.region"() ({
      %run_scoped3A = tpu.sem_alloc : memref<!tpu.dma_semaphore, #tpu.memory_space<semaphore_mem>>
      %dma_start3A_318 = tpu.memref_slice %arg2[%mul3A_13, %mul3A_15] : memref<10000x64xf32, #tpu.memory_space<hbm>> -> memref<625x32xf32, #tpu.memory_space<hbm>>
      %dma_start3A_319 = tpu.memref_slice %arg2[%mul3A_13, %mul3A_15] : memref<10000x64xf32, #tpu.memory_space<hbm>> -> memref<625x32xf32, #tpu.memory_space<hbm>>
      tpu.enqueue_dma source(%dma_start3A_319 : memref<625x32xf32, #tpu.memory_space<hbm>>) target(%arg13 : memref<625x32xf32, #tpu.memory_space<vmem>>) target_semaphore(%run_scoped3A : memref<!tpu.dma_semaphore, #tpu.memory_space<semaphore_mem>>)
      %dma_wait3A_320 = tpu.memref_slice %arg2[%mul3A_13, %mul3A_15] : memref<10000x64xf32, #tpu.memory_space<hbm>> -> memref<625x32xf32, #tpu.memory_space<hbm>>
      %dma_wait3A_321 = tpu.memref_slice %arg2[%mul3A_13, %mul3A_15] : memref<10000x64xf32, #tpu.memory_space<hbm>> -> memref<625x32xf32, #tpu.memory_space<hbm>>
      tpu.wait_dma2 semaphore(%run_scoped3A : memref<!tpu.dma_semaphore, #tpu.memory_space<semaphore_mem>>) src(%dma_wait3A_321 : memref<625x32xf32, #tpu.memory_space<hbm>>) dst(%arg13 : memref<625x32xf32, #tpu.memory_space<vmem>>)
      tpu.yield
    }) : () -> ()
    %mul3A_16 = arith.constant 32 : i32
    %mul3A_17 = arith.muli %arg0, %mul3A_16 : i32
    "tpu.region"() ({
      %run_scoped3A = tpu.sem_alloc : memref<!tpu.dma_semaphore, #tpu.memory_space<semaphore_mem>>
      %dma_start3A_318 = arith.constant 0 : i32
      %dma_start3A_319 = tpu.memref_slice %arg3[%dma_start3A_318, %mul3A_17] : memref<2x64xf32, #tpu.memory_space<hbm>> -> memref<2x32xf32, #tpu.memory_space<hbm>>
      %dma_start3A_320 = arith.constant 0 : i32
      %dma_start3A_321 = tpu.memref_slice %arg3[%dma_start3A_320, %mul3A_17] : memref<2x64xf32, #tpu.memory_space<hbm>> -> memref<2x32xf32, #tpu.memory_space<hbm>>
      tpu.enqueue_dma source(%dma_start3A_321 : memref<2x32xf32, #tpu.memory_space<hbm>>) target(%arg14 : memref<2x32xf32, #tpu.memory_space<vmem>>) target_semaphore(%run_scoped3A : memref<!tpu.dma_semaphore, #tpu.memory_space<semaphore_mem>>)
      %dma_wait3A_322 = arith.constant 0 : i32
      %dma_wait3A_323 = tpu.memref_slice %arg3[%dma_wait3A_322, %mul3A_17] : memref<2x64xf32, #tpu.memory_space<hbm>> -> memref<2x32xf32, #tpu.memory_space<hbm>>
      %dma_wait3A_324 = arith.constant 0 : i32
      %dma_wait3A_325 = tpu.memref_slice %arg3[%dma_wait3A_324, %mul3A_17] : memref<2x64xf32, #tpu.memory_space<hbm>> -> memref<2x32xf32, #tpu.memory_space<hbm>>
      tpu.wait_dma2 semaphore(%run_scoped3A : memref<!tpu.dma_semaphore, #tpu.memory_space<semaphore_mem>>) src(%dma_wait3A_325 : memref<2x32xf32, #tpu.memory_space<hbm>>) dst(%arg14 : memref<2x32xf32, #tpu.memory_space<vmem>>)
      tpu.yield
    }) : () -> ()
    %mul3A_18 = arith.constant 626 : i32
    %mul3A_19 = arith.muli %arg1, %mul3A_18 : i32
    %add3A = arith.constant 0 : i32
    %add3A_20 = arith.addi %mul3A_19, %add3A : i32
    "tpu.region"() ({
      %run_scoped3A = tpu.sem_alloc : memref<!tpu.dma_semaphore, #tpu.memory_space<semaphore_mem>>
      %dma_start3A_318 = arith.constant 0 : i32
      %dma_start3A_319 = tpu.memref_slice %arg17[%add3A_20, %dma_start3A_318] : memref<10016x32xf32, #tpu.memory_space<vmem_shared>> -> memref<64x32xf32, #tpu.memory_space<vmem_shared>>
      %dma_start3A_320 = arith.constant 0 : i32
      %dma_start3A_321 = tpu.memref_slice %arg17[%add3A_20, %dma_start3A_320] : memref<10016x32xf32, #tpu.memory_space<vmem_shared>> -> memref<64x32xf32, #tpu.memory_space<vmem_shared>>
      tpu.enqueue_dma source(%arg12 : memref<64x32xf32, #tpu.memory_space<vmem>>) target(%dma_start3A_321 : memref<64x32xf32, #tpu.memory_space<vmem_shared>>) target_semaphore(%run_scoped3A : memref<!tpu.dma_semaphore, #tpu.memory_space<semaphore_mem>>)
      %dma_wait3A_322 = arith.constant 0 : i32
      %dma_wait3A_323 = tpu.memref_slice %arg17[%add3A_20, %dma_wait3A_322] : memref<10016x32xf32, #tpu.memory_space<vmem_shared>> -> memref<64x32xf32, #tpu.memory_space<vmem_shared>>
      %dma_wait3A_324 = arith.constant 0 : i32
      %dma_wait3A_325 = tpu.memref_slice %arg17[%add3A_20, %dma_wait3A_324] : memref<10016x32xf32, #tpu.memory_space<vmem_shared>> -> memref<64x32xf32, #tpu.memory_space<vmem_shared>>
      tpu.wait_dma2 semaphore(%run_scoped3A : memref<!tpu.dma_semaphore, #tpu.memory_space<semaphore_mem>>) src(%arg12 : memref<64x32xf32, #tpu.memory_space<vmem>>) dst(%dma_wait3A_325 : memref<64x32xf32, #tpu.memory_space<vmem_shared>>)
      tpu.yield
    }) : () -> ()
    %add3A_21 = arith.constant 64 : i32
    %add3A_22 = arith.addi %mul3A_19, %add3A_21 : i32
    "tpu.region"() ({
      %run_scoped3A = tpu.sem_alloc : memref<!tpu.dma_semaphore, #tpu.memory_space<semaphore_mem>>
      %dma_start3A_318 = arith.constant 0 : i32
      %dma_start3A_319 = tpu.memref_slice %arg17[%add3A_22, %dma_start3A_318] : memref<10016x32xf32, #tpu.memory_space<vmem_shared>> -> memref<64x32xf32, #tpu.memory_space<vmem_shared>>
      %dma_start3A_320 = arith.constant 0 : i32
      %dma_start3A_321 = tpu.memref_slice %arg17[%add3A_22, %dma_start3A_320] : memref<10016x32xf32, #tpu.memory_space<vmem_shared>> -> memref<64x32xf32, #tpu.memory_space<vmem_shared>>
      tpu.enqueue_dma source(%arg12 : memref<64x32xf32, #tpu.memory_space<vmem>>) target(%dma_start3A_321 : memref<64x32xf32, #tpu.memory_space<vmem_shared>>) target_semaphore(%run_scoped3A : memref<!tpu.dma_semaphore, #tpu.memory_space<semaphore_mem>>)
      %dma_wait3A_322 = arith.constant 0 : i32
      %dma_wait3A_323 = tpu.memref_slice %arg17[%add3A_22, %dma_wait3A_322] : memref<10016x32xf32, #tpu.memory_space<vmem_shared>> -> memref<64x32xf32, #tpu.memory_space<vmem_shared>>
      %dma_wait3A_324 = arith.constant 0 : i32
      %dma_wait3A_325 = tpu.memref_slice %arg17[%add3A_22, %dma_wait3A_324] : memref<10016x32xf32, #tpu.memory_space<vmem_shared>> -> memref<64x32xf32, #tpu.memory_space<vmem_shared>>
      tpu.wait_dma2 semaphore(%run_scoped3A : memref<!tpu.dma_semaphore, #tpu.memory_space<semaphore_mem>>) src(%arg12 : memref<64x32xf32, #tpu.memory_space<vmem>>) dst(%dma_wait3A_325 : memref<64x32xf32, #tpu.memory_space<vmem_shared>>)
      tpu.yield
    }) : () -> ()
    %add3A_23 = arith.constant 128 : i32
    %add3A_24 = arith.addi %mul3A_19, %add3A_23 : i32
    "tpu.region"() ({
      %run_scoped3A = tpu.sem_alloc : memref<!tpu.dma_semaphore, #tpu.memory_space<semaphore_mem>>
      %dma_start3A_318 = arith.constant 0 : i32
      %dma_start3A_319 = tpu.memref_slice %arg17[%add3A_24, %dma_start3A_318] : memref<10016x32xf32, #tpu.memory_space<vmem_shared>> -> memref<64x32xf32, #tpu.memory_space<vmem_shared>>
      %dma_start3A_320 = arith.constant 0 : i32
      %dma_start3A_321 = tpu.memref_slice %arg17[%add3A_24, %dma_start3A_320] : memref<10016x32xf32, #tpu.memory_space<vmem_shared>> -> memref<64x32xf32, #tpu.memory_space<vmem_shared>>
      tpu.enqueue_dma source(%arg12 : memref<64x32xf32, #tpu.memory_space<vmem>>) target(%dma_start3A_321 : memref<64x32xf32, #tpu.memory_space<vmem_shared>>) target_semaphore(%run_scoped3A : memref<!tpu.dma_semaphore, #tpu.memory_space<semaphore_mem>>)
      %dma_wait3A_322 = arith.constant 0 : i32
      %dma_wait3A_323 = tpu.memref_slice %arg17[%add3A_24, %dma_wait3A_322] : memref<10016x32xf32, #tpu.memory_space<vmem_shared>> -> memref<64x32xf32, #tpu.memory_space<vmem_shared>>
      %dma_wait3A_324 = arith.constant 0 : i32
      %dma_wait3A_325 = tpu.memref_slice %arg17[%add3A_24, %dma_wait3A_324] : memref<10016x32xf32, #tpu.memory_space<vmem_shared>> -> memref<64x32xf32, #tpu.memory_space<vmem_shared>>
      tpu.wait_dma2 semaphore(%run_scoped3A : memref<!tpu.dma_semaphore, #tpu.memory_space<semaphore_mem>>) src(%arg12 : memref<64x32xf32, #tpu.memory_space<vmem>>) dst(%dma_wait3A_325 : memref<64x32xf32, #tpu.memory_space<vmem_shared>>)
      tpu.yield
    }) : () -> ()
    %add3A_25 = arith.constant 192 : i32
    %add3A_26 = arith.addi %mul3A_19, %add3A_25 : i32
    "tpu.region"() ({
      %run_scoped3A = tpu.sem_alloc : memref<!tpu.dma_semaphore, #tpu.memory_space<semaphore_mem>>
      %dma_start3A_318 = arith.constant 0 : i32
      %dma_start3A_319 = tpu.memref_slice %arg17[%add3A_26, %dma_start3A_318] : memref<10016x32xf32, #tpu.memory_space<vmem_shared>> -> memref<64x32xf32, #tpu.memory_space<vmem_shared>>
      %dma_start3A_320 = arith.constant 0 : i32
      %dma_start3A_321 = tpu.memref_slice %arg17[%add3A_26, %dma_start3A_320] : memref<10016x32xf32, #tpu.memory_space<vmem_shared>> -> memref<64x32xf32, #tpu.memory_space<vmem_shared>>
      tpu.enqueue_dma source(%arg12 : memref<64x32xf32, #tpu.memory_space<vmem>>) target(%dma_start3A_321 : memref<64x32xf32, #tpu.memory_space<vmem_shared>>) target_semaphore(%run_scoped3A : memref<!tpu.dma_semaphore, #tpu.memory_space<semaphore_mem>>)
      %dma_wait3A_322 = arith.constant 0 : i32
      %dma_wait3A_323 = tpu.memref_slice %arg17[%add3A_26, %dma_wait3A_322] : memref<10016x32xf32, #tpu.memory_space<vmem_shared>> -> memref<64x32xf32, #tpu.memory_space<vmem_shared>>
      %dma_wait3A_324 = arith.constant 0 : i32
      %dma_wait3A_325 = tpu.memref_slice %arg17[%add3A_26, %dma_wait3A_324] : memref<10016x32xf32, #tpu.memory_space<vmem_shared>> -> memref<64x32xf32, #tpu.memory_space<vmem_shared>>
      tpu.wait_dma2 semaphore(%run_scoped3A : memref<!tpu.dma_semaphore, #tpu.memory_space<semaphore_mem>>) src(%arg12 : memref<64x32xf32, #tpu.memory_space<vmem>>) dst(%dma_wait3A_325 : memref<64x32xf32, #tpu.memory_space<vmem_shared>>)
      tpu.yield
    }) : () -> ()
    %add3A_27 = arith.constant 256 : i32
    %add3A_28 = arith.addi %mul3A_19, %add3A_27 : i32
    "tpu.region"() ({
      %run_scoped3A = tpu.sem_alloc : memref<!tpu.dma_semaphore, #tpu.memory_space<semaphore_mem>>
      %dma_start3A_318 = arith.constant 0 : i32
      %dma_start3A_319 = tpu.memref_slice %arg17[%add3A_28, %dma_start3A_318] : memref<10016x32xf32, #tpu.memory_space<vmem_shared>> -> memref<64x32xf32, #tpu.memory_space<vmem_shared>>
      %dma_start3A_320 = arith.constant 0 : i32
      %dma_start3A_321 = tpu.memref_slice %arg17[%add3A_28, %dma_start3A_320] : memref<10016x32xf32, #tpu.memory_space<vmem_shared>> -> memref<64x32xf32, #tpu.memory_space<vmem_shared>>
      tpu.enqueue_dma source(%arg12 : memref<64x32xf32, #tpu.memory_space<vmem>>) target(%dma_start3A_321 : memref<64x32xf32, #tpu.memory_space<vmem_shared>>) target_semaphore(%run_scoped3A : memref<!tpu.dma_semaphore, #tpu.memory_space<semaphore_mem>>)
      %dma_wait3A_322 = arith.constant 0 : i32
      %dma_wait3A_323 = tpu.memref_slice %arg17[%add3A_28, %dma_wait3A_322] : memref<10016x32xf32, #tpu.memory_space<vmem_shared>> -> memref<64x32xf32, #tpu.memory_space<vmem_shared>>
      %dma_wait3A_324 = arith.constant 0 : i32
      %dma_wait3A_325 = tpu.memref_slice %arg17[%add3A_28, %dma_wait3A_324] : memref<10016x32xf32, #tpu.memory_space<vmem_shared>> -> memref<64x32xf32, #tpu.memory_space<vmem_shared>>
      tpu.wait_dma2 semaphore(%run_scoped3A : memref<!tpu.dma_semaphore, #tpu.memory_space<semaphore_mem>>) src(%arg12 : memref<64x32xf32, #tpu.memory_space<vmem>>) dst(%dma_wait3A_325 : memref<64x32xf32, #tpu.memory_space<vmem_shared>>)
      tpu.yield
    }) : () -> ()
    %add3A_29 = arith.constant 320 : i32
    %add3A_30 = arith.addi %mul3A_19, %add3A_29 : i32
    "tpu.region"() ({
      %run_scoped3A = tpu.sem_alloc : memref<!tpu.dma_semaphore, #tpu.memory_space<semaphore_mem>>
      %dma_start3A_318 = arith.constant 0 : i32
      %dma_start3A_319 = tpu.memref_slice %arg17[%add3A_30, %dma_start3A_318] : memref<10016x32xf32, #tpu.memory_space<vmem_shared>> -> memref<64x32xf32, #tpu.memory_space<vmem_shared>>
      %dma_start3A_320 = arith.constant 0 : i32
      %dma_start3A_321 = tpu.memref_slice %arg17[%add3A_30, %dma_start3A_320] : memref<10016x32xf32, #tpu.memory_space<vmem_shared>> -> memref<64x32xf32, #tpu.memory_space<vmem_shared>>
      tpu.enqueue_dma source(%arg12 : memref<64x32xf32, #tpu.memory_space<vmem>>) target(%dma_start3A_321 : memref<64x32xf32, #tpu.memory_space<vmem_shared>>) target_semaphore(%run_scoped3A : memref<!tpu.dma_semaphore, #tpu.memory_space<semaphore_mem>>)
      %dma_wait3A_322 = arith.constant 0 : i32
      %dma_wait3A_323 = tpu.memref_slice %arg17[%add3A_30, %dma_wait3A_322] : memref<10016x32xf32, #tpu.memory_space<vmem_shared>> -> memref<64x32xf32, #tpu.memory_space<vmem_shared>>
      %dma_wait3A_324 = arith.constant 0 : i32
      %dma_wait3A_325 = tpu.memref_slice %arg17[%add3A_30, %dma_wait3A_324] : memref<10016x32xf32, #tpu.memory_space<vmem_shared>> -> memref<64x32xf32, #tpu.memory_space<vmem_shared>>
      tpu.wait_dma2 semaphore(%run_scoped3A : memref<!tpu.dma_semaphore, #tpu.memory_space<semaphore_mem>>) src(%arg12 : memref<64x32xf32, #tpu.memory_space<vmem>>) dst(%dma_wait3A_325 : memref<64x32xf32, #tpu.memory_space<vmem_shared>>)
      tpu.yield
    }) : () -> ()
    %add3A_31 = arith.constant 384 : i32
    %add3A_32 = arith.addi %mul3A_19, %add3A_31 : i32
    "tpu.region"() ({
      %run_scoped3A = tpu.sem_alloc : memref<!tpu.dma_semaphore, #tpu.memory_space<semaphore_mem>>
      %dma_start3A_318 = arith.constant 0 : i32
      %dma_start3A_319 = tpu.memref_slice %arg17[%add3A_32, %dma_start3A_318] : memref<10016x32xf32, #tpu.memory_space<vmem_shared>> -> memref<64x32xf32, #tpu.memory_space<vmem_shared>>
      %dma_start3A_320 = arith.constant 0 : i32
      %dma_start3A_321 = tpu.memref_slice %arg17[%add3A_32, %dma_start3A_320] : memref<10016x32xf32, #tpu.memory_space<vmem_shared>> -> memref<64x32xf32, #tpu.memory_space<vmem_shared>>
      tpu.enqueue_dma source(%arg12 : memref<64x32xf32, #tpu.memory_space<vmem>>) target(%dma_start3A_321 : memref<64x32xf32, #tpu.memory_space<vmem_shared>>) target_semaphore(%run_scoped3A : memref<!tpu.dma_semaphore, #tpu.memory_space<semaphore_mem>>)
      %dma_wait3A_322 = arith.constant 0 : i32
      %dma_wait3A_323 = tpu.memref_slice %arg17[%add3A_32, %dma_wait3A_322] : memref<10016x32xf32, #tpu.memory_space<vmem_shared>> -> memref<64x32xf32, #tpu.memory_space<vmem_shared>>
      %dma_wait3A_324 = arith.constant 0 : i32
      %dma_wait3A_325 = tpu.memref_slice %arg17[%add3A_32, %dma_wait3A_324] : memref<10016x32xf32, #tpu.memory_space<vmem_shared>> -> memref<64x32xf32, #tpu.memory_space<vmem_shared>>
      tpu.wait_dma2 semaphore(%run_scoped3A : memref<!tpu.dma_semaphore, #tpu.memory_space<semaphore_mem>>) src(%arg12 : memref<64x32xf32, #tpu.memory_space<vmem>>) dst(%dma_wait3A_325 : memref<64x32xf32, #tpu.memory_space<vmem_shared>>)
      tpu.yield
    }) : () -> ()
    %add3A_33 = arith.constant 448 : i32
    %add3A_34 = arith.addi %mul3A_19, %add3A_33 : i32
    "tpu.region"() ({
      %run_scoped3A = tpu.sem_alloc : memref<!tpu.dma_semaphore, #tpu.memory_space<semaphore_mem>>
      %dma_start3A_318 = arith.constant 0 : i32
      %dma_start3A_319 = tpu.memref_slice %arg17[%add3A_34, %dma_start3A_318] : memref<10016x32xf32, #tpu.memory_space<vmem_shared>> -> memref<64x32xf32, #tpu.memory_space<vmem_shared>>
      %dma_start3A_320 = arith.constant 0 : i32
      %dma_start3A_321 = tpu.memref_slice %arg17[%add3A_34, %dma_start3A_320] : memref<10016x32xf32, #tpu.memory_space<vmem_shared>> -> memref<64x32xf32, #tpu.memory_space<vmem_shared>>
      tpu.enqueue_dma source(%arg12 : memref<64x32xf32, #tpu.memory_space<vmem>>) target(%dma_start3A_321 : memref<64x32xf32, #tpu.memory_space<vmem_shared>>) target_semaphore(%run_scoped3A : memref<!tpu.dma_semaphore, #tpu.memory_space<semaphore_mem>>)
      %dma_wait3A_322 = arith.constant 0 : i32
      %dma_wait3A_323 = tpu.memref_slice %arg17[%add3A_34, %dma_wait3A_322] : memref<10016x32xf32, #tpu.memory_space<vmem_shared>> -> memref<64x32xf32, #tpu.memory_space<vmem_shared>>
      %dma_wait3A_324 = arith.constant 0 : i32
      %dma_wait3A_325 = tpu.memref_slice %arg17[%add3A_34, %dma_wait3A_324] : memref<10016x32xf32, #tpu.memory_space<vmem_shared>> -> memref<64x32xf32, #tpu.memory_space<vmem_shared>>
      tpu.wait_dma2 semaphore(%run_scoped3A : memref<!tpu.dma_semaphore, #tpu.memory_space<semaphore_mem>>) src(%arg12 : memref<64x32xf32, #tpu.memory_space<vmem>>) dst(%dma_wait3A_325 : memref<64x32xf32, #tpu.memory_space<vmem_shared>>)
      tpu.yield
    }) : () -> ()
    %add3A_35 = arith.constant 512 : i32
    %add3A_36 = arith.addi %mul3A_19, %add3A_35 : i32
    "tpu.region"() ({
      %run_scoped3A = tpu.sem_alloc : memref<!tpu.dma_semaphore, #tpu.memory_space<semaphore_mem>>
      %dma_start3A_318 = arith.constant 0 : i32
      %dma_start3A_319 = tpu.memref_slice %arg17[%add3A_36, %dma_start3A_318] : memref<10016x32xf32, #tpu.memory_space<vmem_shared>> -> memref<64x32xf32, #tpu.memory_space<vmem_shared>>
      %dma_start3A_320 = arith.constant 0 : i32
      %dma_start3A_321 = tpu.memref_slice %arg17[%add3A_36, %dma_start3A_320] : memref<10016x32xf32, #tpu.memory_space<vmem_shared>> -> memref<64x32xf32, #tpu.memory_space<vmem_shared>>
      tpu.enqueue_dma source(%arg12 : memref<64x32xf32, #tpu.memory_space<vmem>>) target(%dma_start3A_321 : memref<64x32xf32, #tpu.memory_space<vmem_shared>>) target_semaphore(%run_scoped3A : memref<!tpu.dma_semaphore, #tpu.memory_space<semaphore_mem>>)
      %dma_wait3A_322 = arith.constant 0 : i32
      %dma_wait3A_323 = tpu.memref_slice %arg17[%add3A_36, %dma_wait3A_322] : memref<10016x32xf32, #tpu.memory_space<vmem_shared>> -> memref<64x32xf32, #tpu.memory_space<vmem_shared>>
      %dma_wait3A_324 = arith.constant 0 : i32
      %dma_wait3A_325 = tpu.memref_slice %arg17[%add3A_36, %dma_wait3A_324] : memref<10016x32xf32, #tpu.memory_space<vmem_shared>> -> memref<64x32xf32, #tpu.memory_space<vmem_shared>>
      tpu.wait_dma2 semaphore(%run_scoped3A : memref<!tpu.dma_semaphore, #tpu.memory_space<semaphore_mem>>) src(%arg12 : memref<64x32xf32, #tpu.memory_space<vmem>>) dst(%dma_wait3A_325 : memref<64x32xf32, #tpu.memory_space<vmem_shared>>)
      tpu.yield
    }) : () -> ()
    %add3A_37 = arith.constant 576 : i32
    %add3A_38 = arith.addi %mul3A_19, %add3A_37 : i32
    "tpu.region"() ({
      %run_scoped3A = tpu.sem_alloc : memref<!tpu.dma_semaphore, #tpu.memory_space<semaphore_mem>>
      %dma_start3A_318 = arith.constant 0 : i32
      %dma_start3A_319 = arith.constant 0 : i32
      %dma_start3A_320 = tpu.memref_slice %arg12[%dma_start3A_318, %dma_start3A_319] : memref<64x32xf32, #tpu.memory_space<vmem>> -> memref<50x32xf32, #tpu.memory_space<vmem>>
      %dma_start3A_321 = arith.constant 0 : i32
      %dma_start3A_322 = tpu.memref_slice %arg17[%add3A_38, %dma_start3A_321] : memref<10016x32xf32, #tpu.memory_space<vmem_shared>> -> memref<50x32xf32, #tpu.memory_space<vmem_shared>>
      %dma_start3A_323 = arith.constant 0 : i32
      %dma_start3A_324 = tpu.memref_slice %arg17[%add3A_38, %dma_start3A_323] : memref<10016x32xf32, #tpu.memory_space<vmem_shared>> -> memref<50x32xf32, #tpu.memory_space<vmem_shared>>
      %dma_start3A_325 = arith.constant 0 : i32
      %dma_start3A_326 = arith.constant 0 : i32
      %dma_start3A_327 = tpu.memref_slice %arg12[%dma_start3A_325, %dma_start3A_326] : memref<64x32xf32, #tpu.memory_space<vmem>> -> memref<50x32xf32, #tpu.memory_space<vmem>>
      tpu.enqueue_dma source(%dma_start3A_327 : memref<50x32xf32, #tpu.memory_space<vmem>>) target(%dma_start3A_324 : memref<50x32xf32, #tpu.memory_space<vmem_shared>>) target_semaphore(%run_scoped3A : memref<!tpu.dma_semaphore, #tpu.memory_space<semaphore_mem>>)
      %dma_wait3A_328 = arith.constant 0 : i32
      %dma_wait3A_329 = arith.constant 0 : i32
      %dma_wait3A_330 = tpu.memref_slice %arg12[%dma_wait3A_328, %dma_wait3A_329] : memref<64x32xf32, #tpu.memory_space<vmem>> -> memref<50x32xf32, #tpu.memory_space<vmem>>
      %dma_wait3A_331 = arith.constant 0 : i32
      %dma_wait3A_332 = tpu.memref_slice %arg17[%add3A_38, %dma_wait3A_331] : memref<10016x32xf32, #tpu.memory_space<vmem_shared>> -> memref<50x32xf32, #tpu.memory_space<vmem_shared>>
      %dma_wait3A_333 = arith.constant 0 : i32
      %dma_wait3A_334 = tpu.memref_slice %arg17[%add3A_38, %dma_wait3A_333] : memref<10016x32xf32, #tpu.memory_space<vmem_shared>> -> memref<50x32xf32, #tpu.memory_space<vmem_shared>>
      %dma_wait3A_335 = arith.constant 0 : i32
      %dma_wait3A_336 = arith.constant 0 : i32
      %dma_wait3A_337 = tpu.memref_slice %arg12[%dma_wait3A_335, %dma_wait3A_336] : memref<64x32xf32, #tpu.memory_space<vmem>> -> memref<50x32xf32, #tpu.memory_space<vmem>>
      tpu.wait_dma2 semaphore(%run_scoped3A : memref<!tpu.dma_semaphore, #tpu.memory_space<semaphore_mem>>) src(%dma_wait3A_337 : memref<50x32xf32, #tpu.memory_space<vmem>>) dst(%dma_wait3A_334 : memref<50x32xf32, #tpu.memory_space<vmem_shared>>)
      tpu.yield
    }) : () -> ()
    %eq3A = arith.constant 0 : i32
    %eq3A_39 = arith.cmpi eq, %arg1, %eq3A : i32
    %convert_element_type3A = arith.extui %eq3A_39 : i1 to i32
    %cond3A = arith.constant 0 : i32
    %cond3A_40 = arith.cmpi ne, %convert_element_type3A, %cond3A : i32
    scf.if %cond3A_40 {
      %scan3A_318 = arith.constant 0 : i32
      %scan3A_319 = arith.constant 0 : i32
      %scan3A_320 = arith.constant 64 : i32
      %scan3A_321 = arith.addi %scan3A_319, %scan3A_320 : i32
      %scan3A_322 = arith.constant 1 : i32
      %scan3A_323 = scf.for %scan3A_325 = %scan3A_319 to %scan3A_321 step %scan3A_322 iter_args(%scan3A_326 = %scan3A_318) -> (i32)  : i32 {
        %broadcast_in_dim3A = arith.constant 0.000000e+00 : f32
        %broadcast_in_dim3A_327 = vector.broadcast %broadcast_in_dim3A : f32 to vector<16xf32>
        %mul3A_328 = arith.constant 16 : i32
        %mul3A_329 = arith.muli %scan3A_325, %mul3A_328 : i32
        %swap3A = arith.index_cast %mul3A_329 : i32 to index
        %swap3A_330 = tpu.vector_load %arg16[%swap3A] {strides = array<i32>} : memref<1024xf32, #tpu.memory_space<vmem>>, vector<16xf32>,
        %swap3A_331 = vector.shape_cast %swap3A_330 : vector<16xf32> to vector<16xf32>
        %swap3A_332 = vector.shape_cast %broadcast_in_dim3A_327 : vector<16xf32> to vector<16xf32>
        tpu.vector_store %arg16[%swap3A], %swap3A_332 {strides = array<i32>} : memref<1024xf32, #tpu.memory_space<vmem>>, vector<16xf32>,
        %scan3A_333 = arith.constant 0 : i32
        scf.yield %scan3A_333 : i32
      }
      %scan3A_324 = arith.constant 64 : i32
      "tpu.region"() ({
        %run_scoped3A = tpu.sem_alloc : memref<!tpu.dma_semaphore, #tpu.memory_space<semaphore_mem>>
        %dma_start3A_325 = arith.constant 0 : i32
        %dma_start3A_326 = tpu.memref_slice %arg18[%dma_start3A_325] : memref<10016xf32, #tpu.memory_space<vmem_shared>> -> memref<1024xf32, #tpu.memory_space<vmem_shared>>
        %dma_start3A_327 = arith.constant 0 : i32
        %dma_start3A_328 = tpu.memref_slice %arg18[%dma_start3A_327] : memref<10016xf32, #tpu.memory_space<vmem_shared>> -> memref<1024xf32, #tpu.memory_space<vmem_shared>>
        tpu.enqueue_dma source(%arg16 : memref<1024xf32, #tpu.memory_space<vmem>>) target(%dma_start3A_328 : memref<1024xf32, #tpu.memory_space<vmem_shared>>) target_semaphore(%run_scoped3A : memref<!tpu.dma_semaphore, #tpu.memory_space<semaphore_mem>>)
        %dma_wait3A_329 = arith.constant 0 : i32
        %dma_wait3A_330 = tpu.memref_slice %arg18[%dma_wait3A_329] : memref<10016xf32, #tpu.memory_space<vmem_shared>> -> memref<1024xf32, #tpu.memory_space<vmem_shared>>
        %dma_wait3A_331 = arith.constant 0 : i32
        %dma_wait3A_332 = tpu.memref_slice %arg18[%dma_wait3A_331] : memref<10016xf32, #tpu.memory_space<vmem_shared>> -> memref<1024xf32, #tpu.memory_space<vmem_shared>>
        tpu.wait_dma2 semaphore(%run_scoped3A : memref<!tpu.dma_semaphore, #tpu.memory_space<semaphore_mem>>) src(%arg16 : memref<1024xf32, #tpu.memory_space<vmem>>) dst(%dma_wait3A_332 : memref<1024xf32, #tpu.memory_space<vmem_shared>>)
        tpu.yield
      }) : () -> ()
      "tpu.region"() ({
        %run_scoped3A = tpu.sem_alloc : memref<!tpu.dma_semaphore, #tpu.memory_space<semaphore_mem>>
        %dma_start3A_325 = arith.constant 1024 : i32
        %dma_start3A_326 = tpu.memref_slice %arg18[%dma_start3A_325] : memref<10016xf32, #tpu.memory_space<vmem_shared>> -> memref<1024xf32, #tpu.memory_space<vmem_shared>>
        %dma_start3A_327 = arith.constant 1024 : i32
        %dma_start3A_328 = tpu.memref_slice %arg18[%dma_start3A_327] : memref<10016xf32, #tpu.memory_space<vmem_shared>> -> memref<1024xf32, #tpu.memory_space<vmem_shared>>
        tpu.enqueue_dma source(%arg16 : memref<1024xf32, #tpu.memory_space<vmem>>) target(%dma_start3A_328 : memref<1024xf32, #tpu.memory_space<vmem_shared>>) target_semaphore(%run_scoped3A : memref<!tpu.dma_semaphore, #tpu.memory_space<semaphore_mem>>)
        %dma_wait3A_329 = arith.constant 1024 : i32
        %dma_wait3A_330 = tpu.memref_slice %arg18[%dma_wait3A_329] : memref<10016xf32, #tpu.memory_space<vmem_shared>> -> memref<1024xf32, #tpu.memory_space<vmem_shared>>
        %dma_wait3A_331 = arith.constant 1024 : i32
        %dma_wait3A_332 = tpu.memref_slice %arg18[%dma_wait3A_331] : memref<10016xf32, #tpu.memory_space<vmem_shared>> -> memref<1024xf32, #tpu.memory_space<vmem_shared>>
        tpu.wait_dma2 semaphore(%run_scoped3A : memref<!tpu.dma_semaphore, #tpu.memory_space<semaphore_mem>>) src(%arg16 : memref<1024xf32, #tpu.memory_space<vmem>>) dst(%dma_wait3A_332 : memref<1024xf32, #tpu.memory_space<vmem_shared>>)
        tpu.yield
      }) : () -> ()
      "tpu.region"() ({
        %run_scoped3A = tpu.sem_alloc : memref<!tpu.dma_semaphore, #tpu.memory_space<semaphore_mem>>
        %dma_start3A_325 = arith.constant 2048 : i32
        %dma_start3A_326 = tpu.memref_slice %arg18[%dma_start3A_325] : memref<10016xf32, #tpu.memory_space<vmem_shared>> -> memref<1024xf32, #tpu.memory_space<vmem_shared>>
        %dma_start3A_327 = arith.constant 2048 : i32
        %dma_start3A_328 = tpu.memref_slice %arg18[%dma_start3A_327] : memref<10016xf32, #tpu.memory_space<vmem_shared>> -> memref<1024xf32, #tpu.memory_space<vmem_shared>>
        tpu.enqueue_dma source(%arg16 : memref<1024xf32, #tpu.memory_space<vmem>>) target(%dma_start3A_328 : memref<1024xf32, #tpu.memory_space<vmem_shared>>) target_semaphore(%run_scoped3A : memref<!tpu.dma_semaphore, #tpu.memory_space<semaphore_mem>>)
        %dma_wait3A_329 = arith.constant 2048 : i32
        %dma_wait3A_330 = tpu.memref_slice %arg18[%dma_wait3A_329] : memref<10016xf32, #tpu.memory_space<vmem_shared>> -> memref<1024xf32, #tpu.memory_space<vmem_shared>>
        %dma_wait3A_331 = arith.constant 2048 : i32
        %dma_wait3A_332 = tpu.memref_slice %arg18[%dma_wait3A_331] : memref<10016xf32, #tpu.memory_space<vmem_shared>> -> memref<1024xf32, #tpu.memory_space<vmem_shared>>
        tpu.wait_dma2 semaphore(%run_scoped3A : memref<!tpu.dma_semaphore, #tpu.memory_space<semaphore_mem>>) src(%arg16 : memref<1024xf32, #tpu.memory_space<vmem>>) dst(%dma_wait3A_332 : memref<1024xf32, #tpu.memory_space<vmem_shared>>)
        tpu.yield
      }) : () -> ()
      "tpu.region"() ({
        %run_scoped3A = tpu.sem_alloc : memref<!tpu.dma_semaphore, #tpu.memory_space<semaphore_mem>>
        %dma_start3A_325 = arith.constant 3072 : i32
        %dma_start3A_326 = tpu.memref_slice %arg18[%dma_start3A_325] : memref<10016xf32, #tpu.memory_space<vmem_shared>> -> memref<1024xf32, #tpu.memory_space<vmem_shared>>
        %dma_start3A_327 = arith.constant 3072 : i32
        %dma_start3A_328 = tpu.memref_slice %arg18[%dma_start3A_327] : memref<10016xf32, #tpu.memory_space<vmem_shared>> -> memref<1024xf32, #tpu.memory_space<vmem_shared>>
        tpu.enqueue_dma source(%arg16 : memref<1024xf32, #tpu.memory_space<vmem>>) target(%dma_start3A_328 : memref<1024xf32, #tpu.memory_space<vmem_shared>>) target_semaphore(%run_scoped3A : memref<!tpu.dma_semaphore, #tpu.memory_space<semaphore_mem>>)
        %dma_wait3A_329 = arith.constant 3072 : i32
        %dma_wait3A_330 = tpu.memref_slice %arg18[%dma_wait3A_329] : memref<10016xf32, #tpu.memory_space<vmem_shared>> -> memref<1024xf32, #tpu.memory_space<vmem_shared>>
        %dma_wait3A_331 = arith.constant 3072 : i32
        %dma_wait3A_332 = tpu.memref_slice %arg18[%dma_wait3A_331] : memref<10016xf32, #tpu.memory_space<vmem_shared>> -> memref<1024xf32, #tpu.memory_space<vmem_shared>>
        tpu.wait_dma2 semaphore(%run_scoped3A : memref<!tpu.dma_semaphore, #tpu.memory_space<semaphore_mem>>) src(%arg16 : memref<1024xf32, #tpu.memory_space<vmem>>) dst(%dma_wait3A_332 : memref<1024xf32, #tpu.memory_space<vmem_shared>>)
        tpu.yield
      }) : () -> ()
      "tpu.region"() ({
        %run_scoped3A = tpu.sem_alloc : memref<!tpu.dma_semaphore, #tpu.memory_space<semaphore_mem>>
        %dma_start3A_325 = arith.constant 4096 : i32
        %dma_start3A_326 = tpu.memref_slice %arg18[%dma_start3A_325] : memref<10016xf32, #tpu.memory_space<vmem_shared>> -> memref<1024xf32, #tpu.memory_space<vmem_shared>>
        %dma_start3A_327 = arith.constant 4096 : i32
        %dma_start3A_328 = tpu.memref_slice %arg18[%dma_start3A_327] : memref<10016xf32, #tpu.memory_space<vmem_shared>> -> memref<1024xf32, #tpu.memory_space<vmem_shared>>
        tpu.enqueue_dma source(%arg16 : memref<1024xf32, #tpu.memory_space<vmem>>) target(%dma_start3A_328 : memref<1024xf32, #tpu.memory_space<vmem_shared>>) target_semaphore(%run_scoped3A : memref<!tpu.dma_semaphore, #tpu.memory_space<semaphore_mem>>)
        %dma_wait3A_329 = arith.constant 4096 : i32
        %dma_wait3A_330 = tpu.memref_slice %arg18[%dma_wait3A_329] : memref<10016xf32, #tpu.memory_space<vmem_shared>> -> memref<1024xf32, #tpu.memory_space<vmem_shared>>
        %dma_wait3A_331 = arith.constant 4096 : i32
        %dma_wait3A_332 = tpu.memref_slice %arg18[%dma_wait3A_331] : memref<10016xf32, #tpu.memory_space<vmem_shared>> -> memref<1024xf32, #tpu.memory_space<vmem_shared>>
        tpu.wait_dma2 semaphore(%run_scoped3A : memref<!tpu.dma_semaphore, #tpu.memory_space<semaphore_mem>>) src(%arg16 : memref<1024xf32, #tpu.memory_space<vmem>>) dst(%dma_wait3A_332 : memref<1024xf32, #tpu.memory_space<vmem_shared>>)
        tpu.yield
      }) : () -> ()
      "tpu.region"() ({
        %run_scoped3A = tpu.sem_alloc : memref<!tpu.dma_semaphore, #tpu.memory_space<semaphore_mem>>
        %dma_start3A_325 = arith.constant 5120 : i32
        %dma_start3A_326 = tpu.memref_slice %arg18[%dma_start3A_325] : memref<10016xf32, #tpu.memory_space<vmem_shared>> -> memref<1024xf32, #tpu.memory_space<vmem_shared>>
        %dma_start3A_327 = arith.constant 5120 : i32
        %dma_start3A_328 = tpu.memref_slice %arg18[%dma_start3A_327] : memref<10016xf32, #tpu.memory_space<vmem_shared>> -> memref<1024xf32, #tpu.memory_space<vmem_shared>>
        tpu.enqueue_dma source(%arg16 : memref<1024xf32, #tpu.memory_space<vmem>>) target(%dma_start3A_328 : memref<1024xf32, #tpu.memory_space<vmem_shared>>) target_semaphore(%run_scoped3A : memref<!tpu.dma_semaphore, #tpu.memory_space<semaphore_mem>>)
        %dma_wait3A_329 = arith.constant 5120 : i32
        %dma_wait3A_330 = tpu.memref_slice %arg18[%dma_wait3A_329] : memref<10016xf32, #tpu.memory_space<vmem_shared>> -> memref<1024xf32, #tpu.memory_space<vmem_shared>>
        %dma_wait3A_331 = arith.constant 5120 : i32
        %dma_wait3A_332 = tpu.memref_slice %arg18[%dma_wait3A_331] : memref<10016xf32, #tpu.memory_space<vmem_shared>> -> memref<1024xf32, #tpu.memory_space<vmem_shared>>
        tpu.wait_dma2 semaphore(%run_scoped3A : memref<!tpu.dma_semaphore, #tpu.memory_space<semaphore_mem>>) src(%arg16 : memref<1024xf32, #tpu.memory_space<vmem>>) dst(%dma_wait3A_332 : memref<1024xf32, #tpu.memory_space<vmem_shared>>)
        tpu.yield
      }) : () -> ()
      "tpu.region"() ({
        %run_scoped3A = tpu.sem_alloc : memref<!tpu.dma_semaphore, #tpu.memory_space<semaphore_mem>>
        %dma_start3A_325 = arith.constant 6144 : i32
        %dma_start3A_326 = tpu.memref_slice %arg18[%dma_start3A_325] : memref<10016xf32, #tpu.memory_space<vmem_shared>> -> memref<1024xf32, #tpu.memory_space<vmem_shared>>
        %dma_start3A_327 = arith.constant 6144 : i32
        %dma_start3A_328 = tpu.memref_slice %arg18[%dma_start3A_327] : memref<10016xf32, #tpu.memory_space<vmem_shared>> -> memref<1024xf32, #tpu.memory_space<vmem_shared>>
        tpu.enqueue_dma source(%arg16 : memref<1024xf32, #tpu.memory_space<vmem>>) target(%dma_start3A_328 : memref<1024xf32, #tpu.memory_space<vmem_shared>>) target_semaphore(%run_scoped3A : memref<!tpu.dma_semaphore, #tpu.memory_space<semaphore_mem>>)
        %dma_wait3A_329 = arith.constant 6144 : i32
        %dma_wait3A_330 = tpu.memref_slice %arg18[%dma_wait3A_329] : memref<10016xf32, #tpu.memory_space<vmem_shared>> -> memref<1024xf32, #tpu.memory_space<vmem_shared>>
        %dma_wait3A_331 = arith.constant 6144 : i32
        %dma_wait3A_332 = tpu.memref_slice %arg18[%dma_wait3A_331] : memref<10016xf32, #tpu.memory_space<vmem_shared>> -> memref<1024xf32, #tpu.memory_space<vmem_shared>>
        tpu.wait_dma2 semaphore(%run_scoped3A : memref<!tpu.dma_semaphore, #tpu.memory_space<semaphore_mem>>) src(%arg16 : memref<1024xf32, #tpu.memory_space<vmem>>) dst(%dma_wait3A_332 : memref<1024xf32, #tpu.memory_space<vmem_shared>>)
        tpu.yield
      }) : () -> ()
      "tpu.region"() ({
        %run_scoped3A = tpu.sem_alloc : memref<!tpu.dma_semaphore, #tpu.memory_space<semaphore_mem>>
        %dma_start3A_325 = arith.constant 7168 : i32
        %dma_start3A_326 = tpu.memref_slice %arg18[%dma_start3A_325] : memref<10016xf32, #tpu.memory_space<vmem_shared>> -> memref<1024xf32, #tpu.memory_space<vmem_shared>>
        %dma_start3A_327 = arith.constant 7168 : i32
        %dma_start3A_328 = tpu.memref_slice %arg18[%dma_start3A_327] : memref<10016xf32, #tpu.memory_space<vmem_shared>> -> memref<1024xf32, #tpu.memory_space<vmem_shared>>
        tpu.enqueue_dma source(%arg16 : memref<1024xf32, #tpu.memory_space<vmem>>) target(%dma_start3A_328 : memref<1024xf32, #tpu.memory_space<vmem_shared>>) target_semaphore(%run_scoped3A : memref<!tpu.dma_semaphore, #tpu.memory_space<semaphore_mem>>)
        %dma_wait3A_329 = arith.constant 7168 : i32
        %dma_wait3A_330 = tpu.memref_slice %arg18[%dma_wait3A_329] : memref<10016xf32, #tpu.memory_space<vmem_shared>> -> memref<1024xf32, #tpu.memory_space<vmem_shared>>
        %dma_wait3A_331 = arith.constant 7168 : i32
        %dma_wait3A_332 = tpu.memref_slice %arg18[%dma_wait3A_331] : memref<10016xf32, #tpu.memory_space<vmem_shared>> -> memref<1024xf32, #tpu.memory_space<vmem_shared>>
        tpu.wait_dma2 semaphore(%run_scoped3A : memref<!tpu.dma_semaphore, #tpu.memory_space<semaphore_mem>>) src(%arg16 : memref<1024xf32, #tpu.memory_space<vmem>>) dst(%dma_wait3A_332 : memref<1024xf32, #tpu.memory_space<vmem_shared>>)
        tpu.yield
      }) : () -> ()
      "tpu.region"() ({
        %run_scoped3A = tpu.sem_alloc : memref<!tpu.dma_semaphore, #tpu.memory_space<semaphore_mem>>
        %dma_start3A_325 = arith.constant 8192 : i32
        %dma_start3A_326 = tpu.memref_slice %arg18[%dma_start3A_325] : memref<10016xf32, #tpu.memory_space<vmem_shared>> -> memref<1024xf32, #tpu.memory_space<vmem_shared>>
        %dma_start3A_327 = arith.constant 8192 : i32
        %dma_start3A_328 = tpu.memref_slice %arg18[%dma_start3A_327] : memref<10016xf32, #tpu.memory_space<vmem_shared>> -> memref<1024xf32, #tpu.memory_space<vmem_shared>>
        tpu.enqueue_dma source(%arg16 : memref<1024xf32, #tpu.memory_space<vmem>>) target(%dma_start3A_328 : memref<1024xf32, #tpu.memory_space<vmem_shared>>) target_semaphore(%run_scoped3A : memref<!tpu.dma_semaphore, #tpu.memory_space<semaphore_mem>>)
        %dma_wait3A_329 = arith.constant 8192 : i32
        %dma_wait3A_330 = tpu.memref_slice %arg18[%dma_wait3A_329] : memref<10016xf32, #tpu.memory_space<vmem_shared>> -> memref<1024xf32, #tpu.memory_space<vmem_shared>>
        %dma_wait3A_331 = arith.constant 8192 : i32
        %dma_wait3A_332 = tpu.memref_slice %arg18[%dma_wait3A_331] : memref<10016xf32, #tpu.memory_space<vmem_shared>> -> memref<1024xf32, #tpu.memory_space<vmem_shared>>
        tpu.wait_dma2 semaphore(%run_scoped3A : memref<!tpu.dma_semaphore, #tpu.memory_space<semaphore_mem>>) src(%arg16 : memref<1024xf32, #tpu.memory_space<vmem>>) dst(%dma_wait3A_332 : memref<1024xf32, #tpu.memory_space<vmem_shared>>)
        tpu.yield
      }) : () -> ()
      "tpu.region"() ({
        %run_scoped3A = tpu.sem_alloc : memref<!tpu.dma_semaphore, #tpu.memory_space<semaphore_mem>>
        %dma_start3A_325 = arith.constant 0 : i32
        %dma_start3A_326 = tpu.memref_slice %arg16[%dma_start3A_325] : memref<1024xf32, #tpu.memory_space<vmem>> -> memref<800xf32, #tpu.memory_space<vmem>>
        %dma_start3A_327 = arith.constant 9216 : i32
        %dma_start3A_328 = tpu.memref_slice %arg18[%dma_start3A_327] : memref<10016xf32, #tpu.memory_space<vmem_shared>> -> memref<800xf32, #tpu.memory_space<vmem_shared>>
        %dma_start3A_329 = arith.constant 9216 : i32
        %dma_start3A_330 = tpu.memref_slice %arg18[%dma_start3A_329] : memref<10016xf32, #tpu.memory_space<vmem_shared>> -> memref<800xf32, #tpu.memory_space<vmem_shared>>
        %dma_start3A_331 = arith.constant 0 : i32
        %dma_start3A_332 = tpu.memref_slice %arg16[%dma_start3A_331] : memref<1024xf32, #tpu.memory_space<vmem>> -> memref<800xf32, #tpu.memory_space<vmem>>
        tpu.enqueue_dma source(%dma_start3A_332 : memref<800xf32, #tpu.memory_space<vmem>>) target(%dma_start3A_330 : memref<800xf32, #tpu.memory_space<vmem_shared>>) target_semaphore(%run_scoped3A : memref<!tpu.dma_semaphore, #tpu.memory_space<semaphore_mem>>)
        %dma_wait3A_333 = arith.constant 0 : i32
        %dma_wait3A_334 = tpu.memref_slice %arg16[%dma_wait3A_333] : memref<1024xf32, #tpu.memory_space<vmem>> -> memref<800xf32, #tpu.memory_space<vmem>>
        %dma_wait3A_335 = arith.constant 9216 : i32
        %dma_wait3A_336 = tpu.memref_slice %arg18[%dma_wait3A_335] : memref<10016xf32, #tpu.memory_space<vmem_shared>> -> memref<800xf32, #tpu.memory_space<vmem_shared>>
        %dma_wait3A_337 = arith.constant 9216 : i32
        %dma_wait3A_338 = tpu.memref_slice %arg18[%dma_wait3A_337] : memref<10016xf32, #tpu.memory_space<vmem_shared>> -> memref<800xf32, #tpu.memory_space<vmem_shared>>
        %dma_wait3A_339 = arith.constant 0 : i32
        %dma_wait3A_340 = tpu.memref_slice %arg16[%dma_wait3A_339] : memref<1024xf32, #tpu.memory_space<vmem>> -> memref<800xf32, #tpu.memory_space<vmem>>
        tpu.wait_dma2 semaphore(%run_scoped3A : memref<!tpu.dma_semaphore, #tpu.memory_space<semaphore_mem>>) src(%dma_wait3A_340 : memref<800xf32, #tpu.memory_space<vmem>>) dst(%dma_wait3A_338 : memref<800xf32, #tpu.memory_space<vmem_shared>>)
        tpu.yield
      }) : () -> ()
    } else {
    }
    %get3A = arith.constant 0 : i32
    %get3A_41 = arith.index_cast %get3A : i32 to index
    %get3A_42 = arith.constant 0 : index
    %get3A_43 = tpu.vector_load %arg14[%get3A_41, %get3A_42] {strides = array<i32>} : memref<2x32xf32, #tpu.memory_space<vmem>>, vector<1x16xf32>,
    %get3A_44 = vector.shape_cast %get3A_43 : vector<1x16xf32> to vector<16xf32>
    %get3A_45 = arith.constant 0 : i32
    %get3A_46 = arith.index_cast %get3A_45 : i32 to index
    %get3A_47 = arith.constant 16 : index
    %get3A_48 = tpu.vector_load %arg14[%get3A_46, %get3A_47] {strides = array<i32>} : memref<2x32xf32, #tpu.memory_space<vmem>>, vector<1x16xf32>,
    %get3A_49 = vector.shape_cast %get3A_48 : vector<1x16xf32> to vector<16xf32>
    %get3A_50 = arith.constant 1 : i32
    %get3A_51 = arith.index_cast %get3A_50 : i32 to index
    %get3A_52 = arith.constant 0 : index
    %get3A_53 = tpu.vector_load %arg14[%get3A_51, %get3A_52] {strides = array<i32>} : memref<2x32xf32, #tpu.memory_space<vmem>>, vector<1x16xf32>,
    %get3A_54 = vector.shape_cast %get3A_53 : vector<1x16xf32> to vector<16xf32>
    %get3A_55 = arith.constant 1 : i32
    %get3A_56 = arith.index_cast %get3A_55 : i32 to index
    %get3A_57 = arith.constant 16 : index
    %get3A_58 = tpu.vector_load %arg14[%get3A_56, %get3A_57] {strides = array<i32>} : memref<2x32xf32, #tpu.memory_space<vmem>>, vector<1x16xf32>,
    %get3A_59 = vector.shape_cast %get3A_58 : vector<1x16xf32> to vector<16xf32>
    %scan3A_60 = arith.constant 0 : i32
    %scan3A_61 = arith.constant 0 : i32
    %scan3A_62 = arith.constant 625 : i32
    %scan3A_63 = arith.addi %scan3A_61, %scan3A_62 : i32
    %scan3A_64 = arith.constant 1 : i32
    %scan3A_65 = scf.for %scan3A_318 = %scan3A_61 to %scan3A_63 step %scan3A_64 iter_args(%scan3A_319 = %scan3A_60) -> (i32)  : i32 {
      %get3A_320 = arith.index_cast %scan3A_318 : i32 to index
      %get3A_321 = arith.constant 0 : index
      %get3A_322 = tpu.vector_load %arg13[%get3A_320, %get3A_321] {strides = array<i32>} : memref<625x32xf32, #tpu.memory_space<vmem>>, vector<1x16xf32>,
      %get3A_323 = vector.shape_cast %get3A_322 : vector<1x16xf32> to vector<16xf32>
      %mul3A_324 = arith.mulf %get3A_44, %get3A_323 : vector<16xf32>
      %add3A_325 = arith.addf %mul3A_324, %get3A_54 : vector<16xf32>
      %max3A = arith.constant 0.000000e+00 : f32
      %max3A_326 = vector.broadcast %max3A : f32 to vector<16xf32>
      %max3A_327 = arith.maximumf %add3A_325, %max3A_326 : vector<16xf32>
      %swap3A = arith.index_cast %scan3A_318 : i32 to index
      %swap3A_328 = arith.constant 0 : index
      %swap3A_329 = tpu.vector_load %arg13[%swap3A, %swap3A_328] {strides = array<i32>} : memref<625x32xf32, #tpu.memory_space<vmem>>, vector<1x16xf32>,
      %swap3A_330 = vector.shape_cast %swap3A_329 : vector<1x16xf32> to vector<16xf32>
      %swap3A_331 = vector.shape_cast %max3A_327 : vector<16xf32> to vector<1x16xf32>
      tpu.vector_store %arg13[%swap3A, %swap3A_328], %swap3A_331 {strides = array<i32>} : memref<625x32xf32, #tpu.memory_space<vmem>>, vector<1x16xf32>,
      %get3A_332 = arith.index_cast %scan3A_318 : i32 to index
      %get3A_333 = arith.constant 16 : index
      %get3A_334 = tpu.vector_load %arg13[%get3A_332, %get3A_333] {strides = array<i32>} : memref<625x32xf32, #tpu.memory_space<vmem>>, vector<1x16xf32>,
      %get3A_335 = vector.shape_cast %get3A_334 : vector<1x16xf32> to vector<16xf32>
      %mul3A_336 = arith.mulf %get3A_49, %get3A_335 : vector<16xf32>
      %add3A_337 = arith.addf %mul3A_336, %get3A_59 : vector<16xf32>
      %max3A_338 = arith.constant 0.000000e+00 : f32
      %max3A_339 = vector.broadcast %max3A_338 : f32 to vector<16xf32>
      %max3A_340 = arith.maximumf %add3A_337, %max3A_339 : vector<16xf32>
      %swap3A_341 = arith.index_cast %scan3A_318 : i32 to index
      %swap3A_342 = arith.constant 16 : index
      %swap3A_343 = tpu.vector_load %arg13[%swap3A_341, %swap3A_342] {strides = array<i32>} : memref<625x32xf32, #tpu.memory_space<vmem>>, vector<1x16xf32>,
      %swap3A_344 = vector.shape_cast %swap3A_343 : vector<1x16xf32> to vector<16xf32>
      %swap3A_345 = vector.shape_cast %max3A_340 : vector<16xf32> to vector<1x16xf32>
      tpu.vector_store %arg13[%swap3A_341, %swap3A_342], %swap3A_345 {strides = array<i32>} : memref<625x32xf32, #tpu.memory_space<vmem>>, vector<1x16xf32>,
      %scan3A_346 = arith.constant 0 : i32
      scf.yield %scan3A_346 : i32
    }
    %scan3A_66 = arith.constant 625 : i32
    %mul3A_67 = arith.constant 625 : i32
    %mul3A_68 = arith.muli %arg1, %mul3A_67 : i32
    "tpu.region"() ({
      %run_scoped3A = tpu.sem_alloc : memref<!tpu.dma_semaphore, #tpu.memory_space<semaphore_mem>>
      %dma_start3A_318 = arith.constant 0 : i32
      %dma_start3A_319 = tpu.memref_slice %arg6[%arg0, %mul3A_68, %dma_start3A_318] : memref<2x10000x32xf32, #tpu.memory_space<hbm>> -> memref<1x625x32xf32, #tpu.memory_space<hbm>>
      %dma_start3A_320 = tpu.memref_squeeze %dma_start3A_319 : memref<1x625x32xf32, #tpu.memory_space<hbm>> -> memref<625x32xf32, #tpu.memory_space<hbm>>
      %dma_start3A_321 = arith.constant 0 : i32
      %dma_start3A_322 = tpu.memref_slice %arg6[%arg0, %mul3A_68, %dma_start3A_321] : memref<2x10000x32xf32, #tpu.memory_space<hbm>> -> memref<1x625x32xf32, #tpu.memory_space<hbm>>
      %dma_start3A_323 = tpu.memref_squeeze %dma_start3A_322 : memref<1x625x32xf32, #tpu.memory_space<hbm>> -> memref<625x32xf32, #tpu.memory_space<hbm>>
      tpu.enqueue_dma source(%arg13 : memref<625x32xf32, #tpu.memory_space<vmem>>) target(%dma_start3A_323 : memref<625x32xf32, #tpu.memory_space<hbm>>) target_semaphore(%run_scoped3A : memref<!tpu.dma_semaphore, #tpu.memory_space<semaphore_mem>>)
      %dma_wait3A_324 = arith.constant 0 : i32
      %dma_wait3A_325 = tpu.memref_slice %arg6[%arg0, %mul3A_68, %dma_wait3A_324] : memref<2x10000x32xf32, #tpu.memory_space<hbm>> -> memref<1x625x32xf32, #tpu.memory_space<hbm>>
      %dma_wait3A_326 = tpu.memref_squeeze %dma_wait3A_325 : memref<1x625x32xf32, #tpu.memory_space<hbm>> -> memref<625x32xf32, #tpu.memory_space<hbm>>
      %dma_wait3A_327 = arith.constant 0 : i32
      %dma_wait3A_328 = tpu.memref_slice %arg6[%arg0, %mul3A_68, %dma_wait3A_327] : memref<2x10000x32xf32, #tpu.memory_space<hbm>> -> memref<1x625x32xf32, #tpu.memory_space<hbm>>
      %dma_wait3A_329 = tpu.memref_squeeze %dma_wait3A_328 : memref<1x625x32xf32, #tpu.memory_space<hbm>> -> memref<625x32xf32, #tpu.memory_space<hbm>>
      tpu.wait_dma2 semaphore(%run_scoped3A : memref<!tpu.dma_semaphore, #tpu.memory_space<semaphore_mem>>) src(%arg13 : memref<625x32xf32, #tpu.memory_space<vmem>>) dst(%dma_wait3A_329 : memref<625x32xf32, #tpu.memory_space<hbm>>)
      tpu.yield
    }) : () -> ()
    %barrier3A = arith.constant 0 : index
    tpu.barrier barrier_id(%barrier3A)
    %mul3A_69 = arith.constant 160 : i32
    %mul3A_70 = arith.muli %arg1, %mul3A_69 : i32
    "tpu.region"() ({
      %run_scoped3A = tpu.sem_alloc : memref<!tpu.dma_semaphore, #tpu.memory_space<semaphore_mem>>
      %dma_start3A_318 = arith.constant 0 : i32
      %dma_start3A_319 = arith.constant 0 : i32
      %dma_start3A_320 = tpu.memref_slice %arg9[%dma_start3A_318, %dma_start3A_319] : memref<32x128xi32, #tpu.memory_space<vmem>> -> memref<16x128xi32, #tpu.memory_space<vmem>>
      %dma_start3A_321 = arith.constant 0 : i32
      %dma_start3A_322 = tpu.memref_slice %arg4[%mul3A_70, %dma_start3A_321] : memref<2560x128xi32, #tpu.memory_space<hbm>> -> memref<16x128xi32, #tpu.memory_space<hbm>>
      %dma_start3A_323 = arith.constant 0 : i32
      %dma_start3A_324 = arith.constant 0 : i32
      %dma_start3A_325 = tpu.memref_slice %arg9[%dma_start3A_323, %dma_start3A_324] : memref<32x128xi32, #tpu.memory_space<vmem>> -> memref<16x128xi32, #tpu.memory_space<vmem>>
      %dma_start3A_326 = arith.constant 0 : i32
      %dma_start3A_327 = tpu.memref_slice %arg4[%mul3A_70, %dma_start3A_326] : memref<2560x128xi32, #tpu.memory_space<hbm>> -> memref<16x128xi32, #tpu.memory_space<hbm>>
      tpu.enqueue_dma source(%dma_start3A_327 : memref<16x128xi32, #tpu.memory_space<hbm>>) target(%dma_start3A_325 : memref<16x128xi32, #tpu.memory_space<vmem>>) target_semaphore(%run_scoped3A : memref<!tpu.dma_semaphore, #tpu.memory_space<semaphore_mem>>)
      %dma_wait3A_328 = arith.constant 0 : i32
      %dma_wait3A_329 = arith.constant 0 : i32
      %dma_wait3A_330 = tpu.memref_slice %arg9[%dma_wait3A_328, %dma_wait3A_329] : memref<32x128xi32, #tpu.memory_space<vmem>> -> memref<16x128xi32, #tpu.memory_space<vmem>>
      %dma_wait3A_331 = arith.constant 0 : i32
      %dma_wait3A_332 = tpu.memref_slice %arg4[%mul3A_70, %dma_wait3A_331] : memref<2560x128xi32, #tpu.memory_space<hbm>> -> memref<16x128xi32, #tpu.memory_space<hbm>>
      %dma_wait3A_333 = arith.constant 0 : i32
      %dma_wait3A_334 = arith.constant 0 : i32
      %dma_wait3A_335 = tpu.memref_slice %arg9[%dma_wait3A_333, %dma_wait3A_334] : memref<32x128xi32, #tpu.memory_space<vmem>> -> memref<16x128xi32, #tpu.memory_space<vmem>>
      %dma_wait3A_336 = arith.constant 0 : i32
      %dma_wait3A_337 = tpu.memref_slice %arg4[%mul3A_70, %dma_wait3A_336] : memref<2560x128xi32, #tpu.memory_space<hbm>> -> memref<16x128xi32, #tpu.memory_space<hbm>>
      tpu.wait_dma2 semaphore(%run_scoped3A : memref<!tpu.dma_semaphore, #tpu.memory_space<semaphore_mem>>) src(%dma_wait3A_337 : memref<16x128xi32, #tpu.memory_space<hbm>>) dst(%dma_wait3A_335 : memref<16x128xi32, #tpu.memory_space<vmem>>)
      tpu.yield
    }) : () -> ()
    %mul3A_71 = arith.constant 160 : i32
    %mul3A_72 = arith.muli %arg1, %mul3A_71 : i32
    "tpu.region"() ({
      %run_scoped3A = tpu.sem_alloc : memref<!tpu.dma_semaphore, #tpu.memory_space<semaphore_mem>>
      %dma_start3A_318 = arith.constant 0 : i32
      %dma_start3A_319 = arith.constant 0 : i32
      %dma_start3A_320 = tpu.memref_slice %arg10[%dma_start3A_318, %dma_start3A_319] : memref<32x128xi32, #tpu.memory_space<vmem>> -> memref<16x128xi32, #tpu.memory_space<vmem>>
      %dma_start3A_321 = arith.constant 0 : i32
      %dma_start3A_322 = tpu.memref_slice %arg5[%mul3A_72, %dma_start3A_321] : memref<2560x128xi32, #tpu.memory_space<hbm>> -> memref<16x128xi32, #tpu.memory_space<hbm>>
      %dma_start3A_323 = arith.constant 0 : i32
      %dma_start3A_324 = arith.constant 0 : i32
      %dma_start3A_325 = tpu.memref_slice %arg10[%dma_start3A_323, %dma_start3A_324] : memref<32x128xi32, #tpu.memory_space<vmem>> -> memref<16x128xi32, #tpu.memory_space<vmem>>
      %dma_start3A_326 = arith.constant 0 : i32
      %dma_start3A_327 = tpu.memref_slice %arg5[%mul3A_72, %dma_start3A_326] : memref<2560x128xi32, #tpu.memory_space<hbm>> -> memref<16x128xi32, #tpu.memory_space<hbm>>
      tpu.enqueue_dma source(%dma_start3A_327 : memref<16x128xi32, #tpu.memory_space<hbm>>) target(%dma_start3A_325 : memref<16x128xi32, #tpu.memory_space<vmem>>) target_semaphore(%run_scoped3A : memref<!tpu.dma_semaphore, #tpu.memory_space<semaphore_mem>>)
      %dma_wait3A_328 = arith.constant 0 : i32
      %dma_wait3A_329 = arith.constant 0 : i32
      %dma_wait3A_330 = tpu.memref_slice %arg10[%dma_wait3A_328, %dma_wait3A_329] : memref<32x128xi32, #tpu.memory_space<vmem>> -> memref<16x128xi32, #tpu.memory_space<vmem>>
      %dma_wait3A_331 = arith.constant 0 : i32
      %dma_wait3A_332 = tpu.memref_slice %arg5[%mul3A_72, %dma_wait3A_331] : memref<2560x128xi32, #tpu.memory_space<hbm>> -> memref<16x128xi32, #tpu.memory_space<hbm>>
      %dma_wait3A_333 = arith.constant 0 : i32
      %dma_wait3A_334 = arith.constant 0 : i32
      %dma_wait3A_335 = tpu.memref_slice %arg10[%dma_wait3A_333, %dma_wait3A_334] : memref<32x128xi32, #tpu.memory_space<vmem>> -> memref<16x128xi32, #tpu.memory_space<vmem>>
      %dma_wait3A_336 = arith.constant 0 : i32
      %dma_wait3A_337 = tpu.memref_slice %arg5[%mul3A_72, %dma_wait3A_336] : memref<2560x128xi32, #tpu.memory_space<hbm>> -> memref<16x128xi32, #tpu.memory_space<hbm>>
      tpu.wait_dma2 semaphore(%run_scoped3A : memref<!tpu.dma_semaphore, #tpu.memory_space<semaphore_mem>>) src(%dma_wait3A_337 : memref<16x128xi32, #tpu.memory_space<hbm>>) dst(%dma_wait3A_335 : memref<16x128xi32, #tpu.memory_space<vmem>>)
      tpu.yield
    }) : () -> ()
    %dma_start3A = arith.constant 0 : i32
    %dma_start3A_73 = arith.constant 0 : i32
    %dma_start3A_74 = arith.constant 0 : i32
    %dma_start3A_75 = arith.constant 0 : i32
    %dma_start3A_76 = tpu.memref_slice %arg11[%dma_start3A_73, %dma_start3A_74, %dma_start3A_75] : memref<8x128x32xf32, #tpu.memory_space<vmem>> -> memref<1x128x32xf32, #tpu.memory_space<vmem>>
    %dma_start3A_77 = tpu.memref_squeeze %dma_start3A_76 : memref<1x128x32xf32, #tpu.memory_space<vmem>> -> memref<128x32xf32, #tpu.memory_space<vmem>>
    %dma_start3A_78 = arith.constant 0 : i32
    %dma_start3A_79 = tpu.memref_slice %arg9[%dma_start3A, %dma_start3A_78] : memref<32x128xi32, #tpu.memory_space<vmem>> -> memref<1x128xi32, #tpu.memory_space<vmem>>
    %dma_start3A_80 = tpu.memref_squeeze %dma_start3A_79 : memref<1x128xi32, #tpu.memory_space<vmem>> -> memref<128xi32, #tpu.memory_space<vmem>>
    %dma_start3A_81 = arith.constant 0 : i32
    %dma_start3A_82 = arith.constant 0 : i32
    %dma_start3A_83 = tpu.memref_slice %arg6[%arg0, %dma_start3A_81, %dma_start3A_82] : memref<2x10000x32xf32, #tpu.memory_space<hbm>> -> memref<1x10000x32xf32, #tpu.memory_space<hbm>>
    %dma_start3A_84 = tpu.memref_squeeze %dma_start3A_83 : memref<1x10000x32xf32, #tpu.memory_space<hbm>> -> memref<10000x32xf32, #tpu.memory_space<hbm>>
    %dma_start3A_85 = arith.constant 0 : i32
    %dma_start3A_86 = arith.constant 0 : i32
    %dma_start3A_87 = tpu.memref_slice %dma_start3A_84[%dma_start3A_85, %dma_start3A_86] : memref<10000x32xf32, #tpu.memory_space<hbm>> -> memref<10000x32xf32, #tpu.memory_space<hbm>>
    tpu.enqueue_indirect_dma source(%dma_start3A_87 : memref<10000x32xf32, #tpu.memory_space<hbm>>) target(%dma_start3A_77 : memref<128x32xf32, #tpu.memory_space<vmem>>) offsets(%dma_start3A_80 : memref<128xi32, #tpu.memory_space<vmem>>) semaphore(%arg19 : memref<!tpu.dma_semaphore, #tpu.memory_space<semaphore_mem>>)
    %dma_start3A_88 = arith.constant 1 : i32
    %dma_start3A_89 = arith.constant 1 : i32
    %dma_start3A_90 = arith.constant 0 : i32
    %dma_start3A_91 = arith.constant 0 : i32
    %dma_start3A_92 = tpu.memref_slice %arg11[%dma_start3A_89, %dma_start3A_90, %dma_start3A_91] : memref<8x128x32xf32, #tpu.memory_space<vmem>> -> memref<1x128x32xf32, #tpu.memory_space<vmem>>
    %dma_start3A_93 = tpu.memref_squeeze %dma_start3A_92 : memref<1x128x32xf32, #tpu.memory_space<vmem>> -> memref<128x32xf32, #tpu.memory_space<vmem>>
    %dma_start3A_94 = arith.constant 0 : i32
    %dma_start3A_95 = tpu.memref_slice %arg9[%dma_start3A_88, %dma_start3A_94] : memref<32x128xi32, #tpu.memory_space<vmem>> -> memref<1x128xi32, #tpu.memory_space<vmem>>
    %dma_start3A_96 = tpu.memref_squeeze %dma_start3A_95 : memref<1x128xi32, #tpu.memory_space<vmem>> -> memref<128xi32, #tpu.memory_space<vmem>>
    %dma_start3A_97 = arith.constant 0 : i32
    %dma_start3A_98 = arith.constant 0 : i32
    %dma_start3A_99 = tpu.memref_slice %arg6[%arg0, %dma_start3A_97, %dma_start3A_98] : memref<2x10000x32xf32, #tpu.memory_space<hbm>> -> memref<1x10000x32xf32, #tpu.memory_space<hbm>>
    %dma_start3A_100 = tpu.memref_squeeze %dma_start3A_99 : memref<1x10000x32xf32, #tpu.memory_space<hbm>> -> memref<10000x32xf32, #tpu.memory_space<hbm>>
    %dma_start3A_101 = arith.constant 0 : i32
    %dma_start3A_102 = arith.constant 0 : i32
    %dma_start3A_103 = tpu.memref_slice %dma_start3A_100[%dma_start3A_101, %dma_start3A_102] : memref<10000x32xf32, #tpu.memory_space<hbm>> -> memref<10000x32xf32, #tpu.memory_space<hbm>>
    tpu.enqueue_indirect_dma source(%dma_start3A_103 : memref<10000x32xf32, #tpu.memory_space<hbm>>) target(%dma_start3A_93 : memref<128x32xf32, #tpu.memory_space<vmem>>) offsets(%dma_start3A_96 : memref<128xi32, #tpu.memory_space<vmem>>) semaphore(%arg20 : memref<!tpu.dma_semaphore, #tpu.memory_space<semaphore_mem>>)
    %dma_start3A_104 = arith.constant 2 : i32
    %dma_start3A_105 = arith.constant 2 : i32
    %dma_start3A_106 = arith.constant 0 : i32
    %dma_start3A_107 = arith.constant 0 : i32
    %dma_start3A_108 = tpu.memref_slice %arg11[%dma_start3A_105, %dma_start3A_106, %dma_start3A_107] : memref<8x128x32xf32, #tpu.memory_space<vmem>> -> memref<1x128x32xf32, #tpu.memory_space<vmem>>
    %dma_start3A_109 = tpu.memref_squeeze %dma_start3A_108 : memref<1x128x32xf32, #tpu.memory_space<vmem>> -> memref<128x32xf32, #tpu.memory_space<vmem>>
    %dma_start3A_110 = arith.constant 0 : i32
    %dma_start3A_111 = tpu.memref_slice %arg9[%dma_start3A_104, %dma_start3A_110] : memref<32x128xi32, #tpu.memory_space<vmem>> -> memref<1x128xi32, #tpu.memory_space<vmem>>
    %dma_start3A_112 = tpu.memref_squeeze %dma_start3A_111 : memref<1x128xi32, #tpu.memory_space<vmem>> -> memref<128xi32, #tpu.memory_space<vmem>>
    %dma_start3A_113 = arith.constant 0 : i32
    %dma_start3A_114 = arith.constant 0 : i32
    %dma_start3A_115 = tpu.memref_slice %arg6[%arg0, %dma_start3A_113, %dma_start3A_114] : memref<2x10000x32xf32, #tpu.memory_space<hbm>> -> memref<1x10000x32xf32, #tpu.memory_space<hbm>>
    %dma_start3A_116 = tpu.memref_squeeze %dma_start3A_115 : memref<1x10000x32xf32, #tpu.memory_space<hbm>> -> memref<10000x32xf32, #tpu.memory_space<hbm>>
    %dma_start3A_117 = arith.constant 0 : i32
    %dma_start3A_118 = arith.constant 0 : i32
    %dma_start3A_119 = tpu.memref_slice %dma_start3A_116[%dma_start3A_117, %dma_start3A_118] : memref<10000x32xf32, #tpu.memory_space<hbm>> -> memref<10000x32xf32, #tpu.memory_space<hbm>>
    tpu.enqueue_indirect_dma source(%dma_start3A_119 : memref<10000x32xf32, #tpu.memory_space<hbm>>) target(%dma_start3A_109 : memref<128x32xf32, #tpu.memory_space<vmem>>) offsets(%dma_start3A_112 : memref<128xi32, #tpu.memory_space<vmem>>) semaphore(%arg21 : memref<!tpu.dma_semaphore, #tpu.memory_space<semaphore_mem>>)
    %dma_start3A_120 = arith.constant 3 : i32
    %dma_start3A_121 = arith.constant 3 : i32
    %dma_start3A_122 = arith.constant 0 : i32
    %dma_start3A_123 = arith.constant 0 : i32
    %dma_start3A_124 = tpu.memref_slice %arg11[%dma_start3A_121, %dma_start3A_122, %dma_start3A_123] : memref<8x128x32xf32, #tpu.memory_space<vmem>> -> memref<1x128x32xf32, #tpu.memory_space<vmem>>
    %dma_start3A_125 = tpu.memref_squeeze %dma_start3A_124 : memref<1x128x32xf32, #tpu.memory_space<vmem>> -> memref<128x32xf32, #tpu.memory_space<vmem>>
    %dma_start3A_126 = arith.constant 0 : i32
    %dma_start3A_127 = tpu.memref_slice %arg9[%dma_start3A_120, %dma_start3A_126] : memref<32x128xi32, #tpu.memory_space<vmem>> -> memref<1x128xi32, #tpu.memory_space<vmem>>
    %dma_start3A_128 = tpu.memref_squeeze %dma_start3A_127 : memref<1x128xi32, #tpu.memory_space<vmem>> -> memref<128xi32, #tpu.memory_space<vmem>>
    %dma_start3A_129 = arith.constant 0 : i32
    %dma_start3A_130 = arith.constant 0 : i32
    %dma_start3A_131 = tpu.memref_slice %arg6[%arg0, %dma_start3A_129, %dma_start3A_130] : memref<2x10000x32xf32, #tpu.memory_space<hbm>> -> memref<1x10000x32xf32, #tpu.memory_space<hbm>>
    %dma_start3A_132 = tpu.memref_squeeze %dma_start3A_131 : memref<1x10000x32xf32, #tpu.memory_space<hbm>> -> memref<10000x32xf32, #tpu.memory_space<hbm>>
    %dma_start3A_133 = arith.constant 0 : i32
    %dma_start3A_134 = arith.constant 0 : i32
    %dma_start3A_135 = tpu.memref_slice %dma_start3A_132[%dma_start3A_133, %dma_start3A_134] : memref<10000x32xf32, #tpu.memory_space<hbm>> -> memref<10000x32xf32, #tpu.memory_space<hbm>>
    tpu.enqueue_indirect_dma source(%dma_start3A_135 : memref<10000x32xf32, #tpu.memory_space<hbm>>) target(%dma_start3A_125 : memref<128x32xf32, #tpu.memory_space<vmem>>) offsets(%dma_start3A_128 : memref<128xi32, #tpu.memory_space<vmem>>) semaphore(%arg22 : memref<!tpu.dma_semaphore, #tpu.memory_space<semaphore_mem>>)
    %scan3A_136 = arith.constant 0 : i32
    %scan3A_137 = arith.constant 0 : i32
    %scan3A_138 = arith.constant 1 : i32
    %scan3A_139 = arith.constant 2 : i32
    %scan3A_140 = arith.constant 3 : i32
    %scan3A_141 = arith.constant 4 : i32
    %scan3A_142 = arith.constant 5 : i32
    %scan3A_143 = arith.constant 6 : i32
    %scan3A_144 = arith.constant 7 : i32
    %scan3A_145 = arith.constant 0 : i32
    %scan3A_146 = arith.constant 0 : i32
    %scan3A_147 = arith.constant 0 : i32
    %scan3A_148 = arith.constant 20 : i32
    %scan3A_149 = arith.addi %scan3A_147, %scan3A_148 : i32
    %scan3A_150 = arith.constant 1 : i32
    %scan3A_151 = scf.for %scan3A_318 = %scan3A_147 to %scan3A_149 step %scan3A_150 iter_args(%scan3A_319 = %scan3A_146) -> (i32)  : i32 {
      %mul3A_320 = arith.constant 8 : i32
      %mul3A_321 = arith.muli %mul3A_320, %scan3A_318 : i32
      %jit3A = arith.constant 32 : i32
      %eq3A_322 = arith.constant 0 : i32
      %eq3A_323 = arith.cmpi eq, %jit3A, %eq3A_322 : i32
      %jit3A_324 = arith.constant 1 : i32
      %select_n3A = arith.select %eq3A_323, %jit3A_324, %jit3A : i32
      %rem3A = arith.remsi %mul3A_321, %select_n3A : i32
      %ne3A = arith.constant 0 : i32
      %ne3A_325 = arith.cmpi ne, %rem3A, %ne3A : i32
      %lt3A = arith.constant 0 : i32
      %lt3A_326 = arith.cmpi slt, %rem3A, %lt3A : i32
      %lt3A_327 = arith.constant 0 : i32
      %lt3A_328 = arith.cmpi slt, %select_n3A, %lt3A_327 : i32
      %ne3A_329 = arith.xori %lt3A_326, %lt3A_328 : i1
      %and3A_330 = arith.andi %ne3A_329, %ne3A_325 : i1
      %add3A_331 = arith.addi %rem3A, %select_n3A : i32
      %select_n3A_332 = arith.select %and3A_330, %add3A_331, %rem3A : i32
      %dma_wait3A_333 = arith.constant 0 : i32
      %dma_wait3A_334 = arith.constant 0 : i32
      %dma_wait3A_335 = tpu.memref_slice %arg11[%scan3A_137, %dma_wait3A_333, %dma_wait3A_334] : memref<8x128x32xf32, #tpu.memory_space<vmem>> -> memref<1x128x32xf32, #tpu.memory_space<vmem>>
      %dma_wait3A_336 = tpu.memref_squeeze %dma_wait3A_335 : memref<1x128x32xf32, #tpu.memory_space<vmem>> -> memref<128x32xf32, #tpu.memory_space<vmem>>
      %dma_wait3A_337 = arith.constant 0 : i32
      %dma_wait3A_338 = arith.constant 0 : i32
      %dma_wait3A_339 = tpu.memref_slice %arg6[%scan3A_136, %dma_wait3A_337, %dma_wait3A_338] : memref<2x10000x32xf32, #tpu.memory_space<hbm>> -> memref<1x128x32xf32, #tpu.memory_space<hbm>>
      %dma_wait3A_340 = tpu.memref_squeeze %dma_wait3A_339 : memref<1x128x32xf32, #tpu.memory_space<hbm>> -> memref<128x32xf32, #tpu.memory_space<hbm>>
      %dma_wait3A_341 = arith.constant 0 : i32
      %dma_wait3A_342 = arith.constant 0 : i32
      %dma_wait3A_343 = tpu.memref_slice %arg11[%scan3A_137, %dma_wait3A_341, %dma_wait3A_342] : memref<8x128x32xf32, #tpu.memory_space<vmem>> -> memref<1x128x32xf32, #tpu.memory_space<vmem>>
      %dma_wait3A_344 = tpu.memref_squeeze %dma_wait3A_343 : memref<1x128x32xf32, #tpu.memory_space<vmem>> -> memref<128x32xf32, #tpu.memory_space<vmem>>
      %dma_wait3A_345 = arith.constant 0 : i32
      %dma_wait3A_346 = arith.constant 0 : i32
      %dma_wait3A_347 = tpu.memref_slice %arg6[%scan3A_136, %dma_wait3A_345, %dma_wait3A_346] : memref<2x10000x32xf32, #tpu.memory_space<hbm>> -> memref<1x128x32xf32, #tpu.memory_space<hbm>>
      %dma_wait3A_348 = tpu.memref_squeeze %dma_wait3A_347 : memref<1x128x32xf32, #tpu.memory_space<hbm>> -> memref<128x32xf32, #tpu.memory_space<hbm>>
      tpu.wait_dma2 semaphore(%arg19 : memref<!tpu.dma_semaphore, #tpu.memory_space<semaphore_mem>>) src(%dma_wait3A_348 : memref<128x32xf32, #tpu.memory_space<hbm>>) dst(%dma_wait3A_344 : memref<128x32xf32, #tpu.memory_space<vmem>>)
      %add3A_349 = arith.constant 0 : i32
      %add3A_350 = arith.addi %select_n3A_332, %add3A_349 : i32
      %dma_start3A_351 = arith.constant 0 : i32
      %dma_start3A_352 = arith.constant 0 : i32
      %dma_start3A_353 = tpu.memref_slice %arg11[%scan3A_137, %dma_start3A_351, %dma_start3A_352] : memref<8x128x32xf32, #tpu.memory_space<vmem>> -> memref<1x128x32xf32, #tpu.memory_space<vmem>>
      %dma_start3A_354 = tpu.memref_squeeze %dma_start3A_353 : memref<1x128x32xf32, #tpu.memory_space<vmem>> -> memref<128x32xf32, #tpu.memory_space<vmem>>
      %dma_start3A_355 = arith.constant 0 : i32
      %dma_start3A_356 = tpu.memref_slice %arg10[%add3A_350, %dma_start3A_355] : memref<32x128xi32, #tpu.memory_space<vmem>> -> memref<1x128xi32, #tpu.memory_space<vmem>>
      %dma_start3A_357 = tpu.memref_squeeze %dma_start3A_356 : memref<1x128xi32, #tpu.memory_space<vmem>> -> memref<128xi32, #tpu.memory_space<vmem>>
      %dma_start3A_358 = arith.constant 0 : i32
      %dma_start3A_359 = arith.constant 0 : i32
      %dma_start3A_360 = tpu.memref_slice %arg17[%dma_start3A_358, %dma_start3A_359] : memref<10016x32xf32, #tpu.memory_space<vmem_shared>> -> memref<10016x32xf32, #tpu.memory_space<vmem_shared>>
      tpu.enqueue_indirect_dma source(%dma_start3A_354 : memref<128x32xf32, #tpu.memory_space<vmem>>) target(%dma_start3A_360 : memref<10016x32xf32, #tpu.memory_space<vmem_shared>>) offsets(%dma_start3A_357 : memref<128xi32, #tpu.memory_space<vmem>>) semaphore(%arg27 : memref<!tpu.dma_semaphore, #tpu.memory_space<semaphore_mem>>) {add = true}
      %dma_wait3A_361 = arith.constant 0 : i32
      %dma_wait3A_362 = arith.constant 0 : i32
      %dma_wait3A_363 = tpu.memref_slice %arg11[%scan3A_138, %dma_wait3A_361, %dma_wait3A_362] : memref<8x128x32xf32, #tpu.memory_space<vmem>> -> memref<1x128x32xf32, #tpu.memory_space<vmem>>
      %dma_wait3A_364 = tpu.memref_squeeze %dma_wait3A_363 : memref<1x128x32xf32, #tpu.memory_space<vmem>> -> memref<128x32xf32, #tpu.memory_space<vmem>>
      %dma_wait3A_365 = arith.constant 0 : i32
      %dma_wait3A_366 = arith.constant 0 : i32
      %dma_wait3A_367 = tpu.memref_slice %arg6[%scan3A_136, %dma_wait3A_365, %dma_wait3A_366] : memref<2x10000x32xf32, #tpu.memory_space<hbm>> -> memref<1x128x32xf32, #tpu.memory_space<hbm>>
      %dma_wait3A_368 = tpu.memref_squeeze %dma_wait3A_367 : memref<1x128x32xf32, #tpu.memory_space<hbm>> -> memref<128x32xf32, #tpu.memory_space<hbm>>
      %dma_wait3A_369 = arith.constant 0 : i32
      %dma_wait3A_370 = arith.constant 0 : i32
      %dma_wait3A_371 = tpu.memref_slice %arg11[%scan3A_138, %dma_wait3A_369, %dma_wait3A_370] : memref<8x128x32xf32, #tpu.memory_space<vmem>> -> memref<1x128x32xf32, #tpu.memory_space<vmem>>
      %dma_wait3A_372 = tpu.memref_squeeze %dma_wait3A_371 : memref<1x128x32xf32, #tpu.memory_space<vmem>> -> memref<128x32xf32, #tpu.memory_space<vmem>>
      %dma_wait3A_373 = arith.constant 0 : i32
      %dma_wait3A_374 = arith.constant 0 : i32
      %dma_wait3A_375 = tpu.memref_slice %arg6[%scan3A_136, %dma_wait3A_373, %dma_wait3A_374] : memref<2x10000x32xf32, #tpu.memory_space<hbm>> -> memref<1x128x32xf32, #tpu.memory_space<hbm>>
      %dma_wait3A_376 = tpu.memref_squeeze %dma_wait3A_375 : memref<1x128x32xf32, #tpu.memory_space<hbm>> -> memref<128x32xf32, #tpu.memory_space<hbm>>
      tpu.wait_dma2 semaphore(%arg20 : memref<!tpu.dma_semaphore, #tpu.memory_space<semaphore_mem>>) src(%dma_wait3A_376 : memref<128x32xf32, #tpu.memory_space<hbm>>) dst(%dma_wait3A_372 : memref<128x32xf32, #tpu.memory_space<vmem>>)
      %add3A_377 = arith.constant 1 : i32
      %add3A_378 = arith.addi %select_n3A_332, %add3A_377 : i32
      %dma_start3A_379 = arith.constant 0 : i32
      %dma_start3A_380 = arith.constant 0 : i32
      %dma_start3A_381 = tpu.memref_slice %arg11[%scan3A_138, %dma_start3A_379, %dma_start3A_380] : memref<8x128x32xf32, #tpu.memory_space<vmem>> -> memref<1x128x32xf32, #tpu.memory_space<vmem>>
      %dma_start3A_382 = tpu.memref_squeeze %dma_start3A_381 : memref<1x128x32xf32, #tpu.memory_space<vmem>> -> memref<128x32xf32, #tpu.memory_space<vmem>>
      %dma_start3A_383 = arith.constant 0 : i32
      %dma_start3A_384 = tpu.memref_slice %arg10[%add3A_378, %dma_start3A_383] : memref<32x128xi32, #tpu.memory_space<vmem>> -> memref<1x128xi32, #tpu.memory_space<vmem>>
      %dma_start3A_385 = tpu.memref_squeeze %dma_start3A_384 : memref<1x128xi32, #tpu.memory_space<vmem>> -> memref<128xi32, #tpu.memory_space<vmem>>
      %dma_start3A_386 = arith.constant 0 : i32
      %dma_start3A_387 = arith.constant 0 : i32
      %dma_start3A_388 = tpu.memref_slice %arg17[%dma_start3A_386, %dma_start3A_387] : memref<10016x32xf32, #tpu.memory_space<vmem_shared>> -> memref<10016x32xf32, #tpu.memory_space<vmem_shared>>
      tpu.enqueue_indirect_dma source(%dma_start3A_382 : memref<128x32xf32, #tpu.memory_space<vmem>>) target(%dma_start3A_388 : memref<10016x32xf32, #tpu.memory_space<vmem_shared>>) offsets(%dma_start3A_385 : memref<128xi32, #tpu.memory_space<vmem>>) semaphore(%arg28 : memref<!tpu.dma_semaphore, #tpu.memory_space<semaphore_mem>>) {add = true}
      %dma_wait3A_389 = arith.constant 0 : i32
      %dma_wait3A_390 = arith.constant 0 : i32
      %dma_wait3A_391 = tpu.memref_slice %arg11[%scan3A_139, %dma_wait3A_389, %dma_wait3A_390] : memref<8x128x32xf32, #tpu.memory_space<vmem>> -> memref<1x128x32xf32, #tpu.memory_space<vmem>>
      %dma_wait3A_392 = tpu.memref_squeeze %dma_wait3A_391 : memref<1x128x32xf32, #tpu.memory_space<vmem>> -> memref<128x32xf32, #tpu.memory_space<vmem>>
      %dma_wait3A_393 = arith.constant 0 : i32
      %dma_wait3A_394 = arith.constant 0 : i32
      %dma_wait3A_395 = tpu.memref_slice %arg6[%scan3A_136, %dma_wait3A_393, %dma_wait3A_394] : memref<2x10000x32xf32, #tpu.memory_space<hbm>> -> memref<1x128x32xf32, #tpu.memory_space<hbm>>
      %dma_wait3A_396 = tpu.memref_squeeze %dma_wait3A_395 : memref<1x128x32xf32, #tpu.memory_space<hbm>> -> memref<128x32xf32, #tpu.memory_space<hbm>>
      %dma_wait3A_397 = arith.constant 0 : i32
      %dma_wait3A_398 = arith.constant 0 : i32
      %dma_wait3A_399 = tpu.memref_slice %arg11[%scan3A_139, %dma_wait3A_397, %dma_wait3A_398] : memref<8x128x32xf32, #tpu.memory_space<vmem>> -> memref<1x128x32xf32, #tpu.memory_space<vmem>>
      %dma_wait3A_400 = tpu.memref_squeeze %dma_wait3A_399 : memref<1x128x32xf32, #tpu.memory_space<vmem>> -> memref<128x32xf32, #tpu.memory_space<vmem>>
      %dma_wait3A_401 = arith.constant 0 : i32
      %dma_wait3A_402 = arith.constant 0 : i32
      %dma_wait3A_403 = tpu.memref_slice %arg6[%scan3A_136, %dma_wait3A_401, %dma_wait3A_402] : memref<2x10000x32xf32, #tpu.memory_space<hbm>> -> memref<1x128x32xf32, #tpu.memory_space<hbm>>
      %dma_wait3A_404 = tpu.memref_squeeze %dma_wait3A_403 : memref<1x128x32xf32, #tpu.memory_space<hbm>> -> memref<128x32xf32, #tpu.memory_space<hbm>>
      tpu.wait_dma2 semaphore(%arg21 : memref<!tpu.dma_semaphore, #tpu.memory_space<semaphore_mem>>) src(%dma_wait3A_404 : memref<128x32xf32, #tpu.memory_space<hbm>>) dst(%dma_wait3A_400 : memref<128x32xf32, #tpu.memory_space<vmem>>)
      %add3A_405 = arith.constant 2 : i32
      %add3A_406 = arith.addi %select_n3A_332, %add3A_405 : i32
      %dma_start3A_407 = arith.constant 0 : i32
      %dma_start3A_408 = arith.constant 0 : i32
      %dma_start3A_409 = tpu.memref_slice %arg11[%scan3A_139, %dma_start3A_407, %dma_start3A_408] : memref<8x128x32xf32, #tpu.memory_space<vmem>> -> memref<1x128x32xf32, #tpu.memory_space<vmem>>
      %dma_start3A_410 = tpu.memref_squeeze %dma_start3A_409 : memref<1x128x32xf32, #tpu.memory_space<vmem>> -> memref<128x32xf32, #tpu.memory_space<vmem>>
      %dma_start3A_411 = arith.constant 0 : i32
      %dma_start3A_412 = tpu.memref_slice %arg10[%add3A_406, %dma_start3A_411] : memref<32x128xi32, #tpu.memory_space<vmem>> -> memref<1x128xi32, #tpu.memory_space<vmem>>
      %dma_start3A_413 = tpu.memref_squeeze %dma_start3A_412 : memref<1x128xi32, #tpu.memory_space<vmem>> -> memref<128xi32, #tpu.memory_space<vmem>>
      %dma_start3A_414 = arith.constant 0 : i32
      %dma_start3A_415 = arith.constant 0 : i32
      %dma_start3A_416 = tpu.memref_slice %arg17[%dma_start3A_414, %dma_start3A_415] : memref<10016x32xf32, #tpu.memory_space<vmem_shared>> -> memref<10016x32xf32, #tpu.memory_space<vmem_shared>>
      tpu.enqueue_indirect_dma source(%dma_start3A_410 : memref<128x32xf32, #tpu.memory_space<vmem>>) target(%dma_start3A_416 : memref<10016x32xf32, #tpu.memory_space<vmem_shared>>) offsets(%dma_start3A_413 : memref<128xi32, #tpu.memory_space<vmem>>) semaphore(%arg29 : memref<!tpu.dma_semaphore, #tpu.memory_space<semaphore_mem>>) {add = true}
      %dma_wait3A_417 = arith.constant 0 : i32
      %dma_wait3A_418 = arith.constant 0 : i32
      %dma_wait3A_419 = tpu.memref_slice %arg11[%scan3A_140, %dma_wait3A_417, %dma_wait3A_418] : memref<8x128x32xf32, #tpu.memory_space<vmem>> -> memref<1x128x32xf32, #tpu.memory_space<vmem>>
      %dma_wait3A_420 = tpu.memref_squeeze %dma_wait3A_419 : memref<1x128x32xf32, #tpu.memory_space<vmem>> -> memref<128x32xf32, #tpu.memory_space<vmem>>
      %dma_wait3A_421 = arith.constant 0 : i32
      %dma_wait3A_422 = arith.constant 0 : i32
      %dma_wait3A_423 = tpu.memref_slice %arg6[%scan3A_136, %dma_wait3A_421, %dma_wait3A_422] : memref<2x10000x32xf32, #tpu.memory_space<hbm>> -> memref<1x128x32xf32, #tpu.memory_space<hbm>>
      %dma_wait3A_424 = tpu.memref_squeeze %dma_wait3A_423 : memref<1x128x32xf32, #tpu.memory_space<hbm>> -> memref<128x32xf32, #tpu.memory_space<hbm>>
      %dma_wait3A_425 = arith.constant 0 : i32
      %dma_wait3A_426 = arith.constant 0 : i32
      %dma_wait3A_427 = tpu.memref_slice %arg11[%scan3A_140, %dma_wait3A_425, %dma_wait3A_426] : memref<8x128x32xf32, #tpu.memory_space<vmem>> -> memref<1x128x32xf32, #tpu.memory_space<vmem>>
      %dma_wait3A_428 = tpu.memref_squeeze %dma_wait3A_427 : memref<1x128x32xf32, #tpu.memory_space<vmem>> -> memref<128x32xf32, #tpu.memory_space<vmem>>
      %dma_wait3A_429 = arith.constant 0 : i32
      %dma_wait3A_430 = arith.constant 0 : i32
      %dma_wait3A_431 = tpu.memref_slice %arg6[%scan3A_136, %dma_wait3A_429, %dma_wait3A_430] : memref<2x10000x32xf32, #tpu.memory_space<hbm>> -> memref<1x128x32xf32, #tpu.memory_space<hbm>>
      %dma_wait3A_432 = tpu.memref_squeeze %dma_wait3A_431 : memref<1x128x32xf32, #tpu.memory_space<hbm>> -> memref<128x32xf32, #tpu.memory_space<hbm>>
      tpu.wait_dma2 semaphore(%arg22 : memref<!tpu.dma_semaphore, #tpu.memory_space<semaphore_mem>>) src(%dma_wait3A_432 : memref<128x32xf32, #tpu.memory_space<hbm>>) dst(%dma_wait3A_428 : memref<128x32xf32, #tpu.memory_space<vmem>>)
      %add3A_433 = arith.constant 3 : i32
      %add3A_434 = arith.addi %select_n3A_332, %add3A_433 : i32
      %dma_start3A_435 = arith.constant 0 : i32
      %dma_start3A_436 = arith.constant 0 : i32
      %dma_start3A_437 = tpu.memref_slice %arg11[%scan3A_140, %dma_start3A_435, %dma_start3A_436] : memref<8x128x32xf32, #tpu.memory_space<vmem>> -> memref<1x128x32xf32, #tpu.memory_space<vmem>>
      %dma_start3A_438 = tpu.memref_squeeze %dma_start3A_437 : memref<1x128x32xf32, #tpu.memory_space<vmem>> -> memref<128x32xf32, #tpu.memory_space<vmem>>
      %dma_start3A_439 = arith.constant 0 : i32
      %dma_start3A_440 = tpu.memref_slice %arg10[%add3A_434, %dma_start3A_439] : memref<32x128xi32, #tpu.memory_space<vmem>> -> memref<1x128xi32, #tpu.memory_space<vmem>>
      %dma_start3A_441 = tpu.memref_squeeze %dma_start3A_440 : memref<1x128xi32, #tpu.memory_space<vmem>> -> memref<128xi32, #tpu.memory_space<vmem>>
      %dma_start3A_442 = arith.constant 0 : i32
      %dma_start3A_443 = arith.constant 0 : i32
      %dma_start3A_444 = tpu.memref_slice %arg17[%dma_start3A_442, %dma_start3A_443] : memref<10016x32xf32, #tpu.memory_space<vmem_shared>> -> memref<10016x32xf32, #tpu.memory_space<vmem_shared>>
      tpu.enqueue_indirect_dma source(%dma_start3A_438 : memref<128x32xf32, #tpu.memory_space<vmem>>) target(%dma_start3A_444 : memref<10016x32xf32, #tpu.memory_space<vmem_shared>>) offsets(%dma_start3A_441 : memref<128xi32, #tpu.memory_space<vmem>>) semaphore(%arg30 : memref<!tpu.dma_semaphore, #tpu.memory_space<semaphore_mem>>) {add = true}
      %gt3A = arith.constant 0 : i32
      %gt3A_445 = arith.cmpi sgt, %scan3A_318, %gt3A : i32
      %convert_element_type3A_446 = arith.extui %gt3A_445 : i1 to i32
      %cond3A_447 = arith.constant 0 : i32
      %cond3A_448 = arith.cmpi ne, %convert_element_type3A_446, %cond3A_447 : i32
      scf.if %cond3A_448 {
        %dma_wait3A_691 = arith.constant 0 : i32
        %dma_wait3A_692 = arith.constant 0 : i32
        %dma_wait3A_693 = tpu.memref_slice %arg11[%scan3A_141, %dma_wait3A_691, %dma_wait3A_692] : memref<8x128x32xf32, #tpu.memory_space<vmem>> -> memref<1x128x32xf32, #tpu.memory_space<vmem>>
        %dma_wait3A_694 = tpu.memref_squeeze %dma_wait3A_693 : memref<1x128x32xf32, #tpu.memory_space<vmem>> -> memref<128x32xf32, #tpu.memory_space<vmem>>
        %dma_wait3A_695 = arith.constant 0 : i32
        %dma_wait3A_696 = arith.constant 0 : i32
        %dma_wait3A_697 = tpu.memref_slice %arg6[%scan3A_136, %dma_wait3A_695, %dma_wait3A_696] : memref<2x10000x32xf32, #tpu.memory_space<hbm>> -> memref<1x128x32xf32, #tpu.memory_space<hbm>>
        %dma_wait3A_698 = tpu.memref_squeeze %dma_wait3A_697 : memref<1x128x32xf32, #tpu.memory_space<hbm>> -> memref<128x32xf32, #tpu.memory_space<hbm>>
        %dma_wait3A_699 = arith.constant 0 : i32
        %dma_wait3A_700 = arith.constant 0 : i32
        %dma_wait3A_701 = tpu.memref_slice %arg11[%scan3A_141, %dma_wait3A_699, %dma_wait3A_700] : memref<8x128x32xf32, #tpu.memory_space<vmem>> -> memref<1x128x32xf32, #tpu.memory_space<vmem>>
        %dma_wait3A_702 = tpu.memref_squeeze %dma_wait3A_701 : memref<1x128x32xf32, #tpu.memory_space<vmem>> -> memref<128x32xf32, #tpu.memory_space<vmem>>
        %dma_wait3A_703 = arith.constant 0 : i32
        %dma_wait3A_704 = arith.constant 0 : i32
        %dma_wait3A_705 = tpu.memref_slice %arg6[%scan3A_136, %dma_wait3A_703, %dma_wait3A_704] : memref<2x10000x32xf32, #tpu.memory_space<hbm>> -> memref<1x128x32xf32, #tpu.memory_space<hbm>>
        %dma_wait3A_706 = tpu.memref_squeeze %dma_wait3A_705 : memref<1x128x32xf32, #tpu.memory_space<hbm>> -> memref<128x32xf32, #tpu.memory_space<hbm>>
        tpu.wait_dma2 semaphore(%arg31 : memref<!tpu.dma_semaphore, #tpu.memory_space<semaphore_mem>>) src(%dma_wait3A_706 : memref<128x32xf32, #tpu.memory_space<hbm>>) dst(%dma_wait3A_702 : memref<128x32xf32, #tpu.memory_space<vmem>>)
        %dma_wait3A_707 = arith.constant 0 : i32
        %dma_wait3A_708 = arith.constant 0 : i32
        %dma_wait3A_709 = tpu.memref_slice %arg11[%scan3A_142, %dma_wait3A_707, %dma_wait3A_708] : memref<8x128x32xf32, #tpu.memory_space<vmem>> -> memref<1x128x32xf32, #tpu.memory_space<vmem>>
        %dma_wait3A_710 = tpu.memref_squeeze %dma_wait3A_709 : memref<1x128x32xf32, #tpu.memory_space<vmem>> -> memref<128x32xf32, #tpu.memory_space<vmem>>
        %dma_wait3A_711 = arith.constant 0 : i32
        %dma_wait3A_712 = arith.constant 0 : i32
        %dma_wait3A_713 = tpu.memref_slice %arg6[%scan3A_136, %dma_wait3A_711, %dma_wait3A_712] : memref<2x10000x32xf32, #tpu.memory_space<hbm>> -> memref<1x128x32xf32, #tpu.memory_space<hbm>>
        %dma_wait3A_714 = tpu.memref_squeeze %dma_wait3A_713 : memref<1x128x32xf32, #tpu.memory_space<hbm>> -> memref<128x32xf32, #tpu.memory_space<hbm>>
        %dma_wait3A_715 = arith.constant 0 : i32
        %dma_wait3A_716 = arith.constant 0 : i32
        %dma_wait3A_717 = tpu.memref_slice %arg11[%scan3A_142, %dma_wait3A_715, %dma_wait3A_716] : memref<8x128x32xf32, #tpu.memory_space<vmem>> -> memref<1x128x32xf32, #tpu.memory_space<vmem>>
        %dma_wait3A_718 = tpu.memref_squeeze %dma_wait3A_717 : memref<1x128x32xf32, #tpu.memory_space<vmem>> -> memref<128x32xf32, #tpu.memory_space<vmem>>
        %dma_wait3A_719 = arith.constant 0 : i32
        %dma_wait3A_720 = arith.constant 0 : i32
        %dma_wait3A_721 = tpu.memref_slice %arg6[%scan3A_136, %dma_wait3A_719, %dma_wait3A_720] : memref<2x10000x32xf32, #tpu.memory_space<hbm>> -> memref<1x128x32xf32, #tpu.memory_space<hbm>>
        %dma_wait3A_722 = tpu.memref_squeeze %dma_wait3A_721 : memref<1x128x32xf32, #tpu.memory_space<hbm>> -> memref<128x32xf32, #tpu.memory_space<hbm>>
        tpu.wait_dma2 semaphore(%arg32 : memref<!tpu.dma_semaphore, #tpu.memory_space<semaphore_mem>>) src(%dma_wait3A_722 : memref<128x32xf32, #tpu.memory_space<hbm>>) dst(%dma_wait3A_718 : memref<128x32xf32, #tpu.memory_space<vmem>>)
        %dma_wait3A_723 = arith.constant 0 : i32
        %dma_wait3A_724 = arith.constant 0 : i32
        %dma_wait3A_725 = tpu.memref_slice %arg11[%scan3A_143, %dma_wait3A_723, %dma_wait3A_724] : memref<8x128x32xf32, #tpu.memory_space<vmem>> -> memref<1x128x32xf32, #tpu.memory_space<vmem>>
        %dma_wait3A_726 = tpu.memref_squeeze %dma_wait3A_725 : memref<1x128x32xf32, #tpu.memory_space<vmem>> -> memref<128x32xf32, #tpu.memory_space<vmem>>
        %dma_wait3A_727 = arith.constant 0 : i32
        %dma_wait3A_728 = arith.constant 0 : i32
        %dma_wait3A_729 = tpu.memref_slice %arg6[%scan3A_136, %dma_wait3A_727, %dma_wait3A_728] : memref<2x10000x32xf32, #tpu.memory_space<hbm>> -> memref<1x128x32xf32, #tpu.memory_space<hbm>>
        %dma_wait3A_730 = tpu.memref_squeeze %dma_wait3A_729 : memref<1x128x32xf32, #tpu.memory_space<hbm>> -> memref<128x32xf32, #tpu.memory_space<hbm>>
        %dma_wait3A_731 = arith.constant 0 : i32
        %dma_wait3A_732 = arith.constant 0 : i32
        %dma_wait3A_733 = tpu.memref_slice %arg11[%scan3A_143, %dma_wait3A_731, %dma_wait3A_732] : memref<8x128x32xf32, #tpu.memory_space<vmem>> -> memref<1x128x32xf32, #tpu.memory_space<vmem>>
        %dma_wait3A_734 = tpu.memref_squeeze %dma_wait3A_733 : memref<1x128x32xf32, #tpu.memory_space<vmem>> -> memref<128x32xf32, #tpu.memory_space<vmem>>
        %dma_wait3A_735 = arith.constant 0 : i32
        %dma_wait3A_736 = arith.constant 0 : i32
        %dma_wait3A_737 = tpu.memref_slice %arg6[%scan3A_136, %dma_wait3A_735, %dma_wait3A_736] : memref<2x10000x32xf32, #tpu.memory_space<hbm>> -> memref<1x128x32xf32, #tpu.memory_space<hbm>>
        %dma_wait3A_738 = tpu.memref_squeeze %dma_wait3A_737 : memref<1x128x32xf32, #tpu.memory_space<hbm>> -> memref<128x32xf32, #tpu.memory_space<hbm>>
        tpu.wait_dma2 semaphore(%arg33 : memref<!tpu.dma_semaphore, #tpu.memory_space<semaphore_mem>>) src(%dma_wait3A_738 : memref<128x32xf32, #tpu.memory_space<hbm>>) dst(%dma_wait3A_734 : memref<128x32xf32, #tpu.memory_space<vmem>>)
        %dma_wait3A_739 = arith.constant 0 : i32
        %dma_wait3A_740 = arith.constant 0 : i32
        %dma_wait3A_741 = tpu.memref_slice %arg11[%scan3A_144, %dma_wait3A_739, %dma_wait3A_740] : memref<8x128x32xf32, #tpu.memory_space<vmem>> -> memref<1x128x32xf32, #tpu.memory_space<vmem>>
        %dma_wait3A_742 = tpu.memref_squeeze %dma_wait3A_741 : memref<1x128x32xf32, #tpu.memory_space<vmem>> -> memref<128x32xf32, #tpu.memory_space<vmem>>
        %dma_wait3A_743 = arith.constant 0 : i32
        %dma_wait3A_744 = arith.constant 0 : i32
        %dma_wait3A_745 = tpu.memref_slice %arg6[%scan3A_136, %dma_wait3A_743, %dma_wait3A_744] : memref<2x10000x32xf32, #tpu.memory_space<hbm>> -> memref<1x128x32xf32, #tpu.memory_space<hbm>>
        %dma_wait3A_746 = tpu.memref_squeeze %dma_wait3A_745 : memref<1x128x32xf32, #tpu.memory_space<hbm>> -> memref<128x32xf32, #tpu.memory_space<hbm>>
        %dma_wait3A_747 = arith.constant 0 : i32
        %dma_wait3A_748 = arith.constant 0 : i32
        %dma_wait3A_749 = tpu.memref_slice %arg11[%scan3A_144, %dma_wait3A_747, %dma_wait3A_748] : memref<8x128x32xf32, #tpu.memory_space<vmem>> -> memref<1x128x32xf32, #tpu.memory_space<vmem>>
        %dma_wait3A_750 = tpu.memref_squeeze %dma_wait3A_749 : memref<1x128x32xf32, #tpu.memory_space<vmem>> -> memref<128x32xf32, #tpu.memory_space<vmem>>
        %dma_wait3A_751 = arith.constant 0 : i32
        %dma_wait3A_752 = arith.constant 0 : i32
        %dma_wait3A_753 = tpu.memref_slice %arg6[%scan3A_136, %dma_wait3A_751, %dma_wait3A_752] : memref<2x10000x32xf32, #tpu.memory_space<hbm>> -> memref<1x128x32xf32, #tpu.memory_space<hbm>>
        %dma_wait3A_754 = tpu.memref_squeeze %dma_wait3A_753 : memref<1x128x32xf32, #tpu.memory_space<hbm>> -> memref<128x32xf32, #tpu.memory_space<hbm>>
        tpu.wait_dma2 semaphore(%arg34 : memref<!tpu.dma_semaphore, #tpu.memory_space<semaphore_mem>>) src(%dma_wait3A_754 : memref<128x32xf32, #tpu.memory_space<hbm>>) dst(%dma_wait3A_750 : memref<128x32xf32, #tpu.memory_space<vmem>>)
      } else {
      }
      %add3A_449 = arith.constant 4 : i32
      %add3A_450 = arith.addi %select_n3A_332, %add3A_449 : i32
      %dma_start3A_451 = arith.constant 0 : i32
      %dma_start3A_452 = arith.constant 0 : i32
      %dma_start3A_453 = tpu.memref_slice %arg11[%scan3A_141, %dma_start3A_451, %dma_start3A_452] : memref<8x128x32xf32, #tpu.memory_space<vmem>> -> memref<1x128x32xf32, #tpu.memory_space<vmem>>
      %dma_start3A_454 = tpu.memref_squeeze %dma_start3A_453 : memref<1x128x32xf32, #tpu.memory_space<vmem>> -> memref<128x32xf32, #tpu.memory_space<vmem>>
      %dma_start3A_455 = arith.constant 0 : i32
      %dma_start3A_456 = tpu.memref_slice %arg9[%add3A_450, %dma_start3A_455] : memref<32x128xi32, #tpu.memory_space<vmem>> -> memref<1x128xi32, #tpu.memory_space<vmem>>
      %dma_start3A_457 = tpu.memref_squeeze %dma_start3A_456 : memref<1x128xi32, #tpu.memory_space<vmem>> -> memref<128xi32, #tpu.memory_space<vmem>>
      %dma_start3A_458 = arith.constant 0 : i32
      %dma_start3A_459 = arith.constant 0 : i32
      %dma_start3A_460 = tpu.memref_slice %arg6[%arg0, %dma_start3A_458, %dma_start3A_459] : memref<2x10000x32xf32, #tpu.memory_space<hbm>> -> memref<1x10000x32xf32, #tpu.memory_space<hbm>>
      %dma_start3A_461 = tpu.memref_squeeze %dma_start3A_460 : memref<1x10000x32xf32, #tpu.memory_space<hbm>> -> memref<10000x32xf32, #tpu.memory_space<hbm>>
      %dma_start3A_462 = arith.constant 0 : i32
      %dma_start3A_463 = arith.constant 0 : i32
      %dma_start3A_464 = tpu.memref_slice %dma_start3A_461[%dma_start3A_462, %dma_start3A_463] : memref<10000x32xf32, #tpu.memory_space<hbm>> -> memref<10000x32xf32, #tpu.memory_space<hbm>>
      tpu.enqueue_indirect_dma source(%dma_start3A_464 : memref<10000x32xf32, #tpu.memory_space<hbm>>) target(%dma_start3A_454 : memref<128x32xf32, #tpu.memory_space<vmem>>) offsets(%dma_start3A_457 : memref<128xi32, #tpu.memory_space<vmem>>) semaphore(%arg23 : memref<!tpu.dma_semaphore, #tpu.memory_space<semaphore_mem>>)
      %add3A_465 = arith.constant 5 : i32
      %add3A_466 = arith.addi %select_n3A_332, %add3A_465 : i32
      %dma_start3A_467 = arith.constant 0 : i32
      %dma_start3A_468 = arith.constant 0 : i32
      %dma_start3A_469 = tpu.memref_slice %arg11[%scan3A_142, %dma_start3A_467, %dma_start3A_468] : memref<8x128x32xf32, #tpu.memory_space<vmem>> -> memref<1x128x32xf32, #tpu.memory_space<vmem>>
      %dma_start3A_470 = tpu.memref_squeeze %dma_start3A_469 : memref<1x128x32xf32, #tpu.memory_space<vmem>> -> memref<128x32xf32, #tpu.memory_space<vmem>>
      %dma_start3A_471 = arith.constant 0 : i32
      %dma_start3A_472 = tpu.memref_slice %arg9[%add3A_466, %dma_start3A_471] : memref<32x128xi32, #tpu.memory_space<vmem>> -> memref<1x128xi32, #tpu.memory_space<vmem>>
      %dma_start3A_473 = tpu.memref_squeeze %dma_start3A_472 : memref<1x128xi32, #tpu.memory_space<vmem>> -> memref<128xi32, #tpu.memory_space<vmem>>
      %dma_start3A_474 = arith.constant 0 : i32
      %dma_start3A_475 = arith.constant 0 : i32
      %dma_start3A_476 = tpu.memref_slice %arg6[%arg0, %dma_start3A_474, %dma_start3A_475] : memref<2x10000x32xf32, #tpu.memory_space<hbm>> -> memref<1x10000x32xf32, #tpu.memory_space<hbm>>
      %dma_start3A_477 = tpu.memref_squeeze %dma_start3A_476 : memref<1x10000x32xf32, #tpu.memory_space<hbm>> -> memref<10000x32xf32, #tpu.memory_space<hbm>>
      %dma_start3A_478 = arith.constant 0 : i32
      %dma_start3A_479 = arith.constant 0 : i32
      %dma_start3A_480 = tpu.memref_slice %dma_start3A_477[%dma_start3A_478, %dma_start3A_479] : memref<10000x32xf32, #tpu.memory_space<hbm>> -> memref<10000x32xf32, #tpu.memory_space<hbm>>
      tpu.enqueue_indirect_dma source(%dma_start3A_480 : memref<10000x32xf32, #tpu.memory_space<hbm>>) target(%dma_start3A_470 : memref<128x32xf32, #tpu.memory_space<vmem>>) offsets(%dma_start3A_473 : memref<128xi32, #tpu.memory_space<vmem>>) semaphore(%arg24 : memref<!tpu.dma_semaphore, #tpu.memory_space<semaphore_mem>>)
      %add3A_481 = arith.constant 6 : i32
      %add3A_482 = arith.addi %select_n3A_332, %add3A_481 : i32
      %dma_start3A_483 = arith.constant 0 : i32
      %dma_start3A_484 = arith.constant 0 : i32
      %dma_start3A_485 = tpu.memref_slice %arg11[%scan3A_143, %dma_start3A_483, %dma_start3A_484] : memref<8x128x32xf32, #tpu.memory_space<vmem>> -> memref<1x128x32xf32, #tpu.memory_space<vmem>>
      %dma_start3A_486 = tpu.memref_squeeze %dma_start3A_485 : memref<1x128x32xf32, #tpu.memory_space<vmem>> -> memref<128x32xf32, #tpu.memory_space<vmem>>
      %dma_start3A_487 = arith.constant 0 : i32
      %dma_start3A_488 = tpu.memref_slice %arg9[%add3A_482, %dma_start3A_487] : memref<32x128xi32, #tpu.memory_space<vmem>> -> memref<1x128xi32, #tpu.memory_space<vmem>>
      %dma_start3A_489 = tpu.memref_squeeze %dma_start3A_488 : memref<1x128xi32, #tpu.memory_space<vmem>> -> memref<128xi32, #tpu.memory_space<vmem>>
      %dma_start3A_490 = arith.constant 0 : i32
      %dma_start3A_491 = arith.constant 0 : i32
      %dma_start3A_492 = tpu.memref_slice %arg6[%arg0, %dma_start3A_490, %dma_start3A_491] : memref<2x10000x32xf32, #tpu.memory_space<hbm>> -> memref<1x10000x32xf32, #tpu.memory_space<hbm>>
      %dma_start3A_493 = tpu.memref_squeeze %dma_start3A_492 : memref<1x10000x32xf32, #tpu.memory_space<hbm>> -> memref<10000x32xf32, #tpu.memory_space<hbm>>
      %dma_start3A_494 = arith.constant 0 : i32
      %dma_start3A_495 = arith.constant 0 : i32
      %dma_start3A_496 = tpu.memref_slice %dma_start3A_493[%dma_start3A_494, %dma_start3A_495] : memref<10000x32xf32, #tpu.memory_space<hbm>> -> memref<10000x32xf32, #tpu.memory_space<hbm>>
      tpu.enqueue_indirect_dma source(%dma_start3A_496 : memref<10000x32xf32, #tpu.memory_space<hbm>>) target(%dma_start3A_486 : memref<128x32xf32, #tpu.memory_space<vmem>>) offsets(%dma_start3A_489 : memref<128xi32, #tpu.memory_space<vmem>>) semaphore(%arg25 : memref<!tpu.dma_semaphore, #tpu.memory_space<semaphore_mem>>)
      %add3A_497 = arith.constant 7 : i32
      %add3A_498 = arith.addi %select_n3A_332, %add3A_497 : i32
      %dma_start3A_499 = arith.constant 0 : i32
      %dma_start3A_500 = arith.constant 0 : i32
      %dma_start3A_501 = tpu.memref_slice %arg11[%scan3A_144, %dma_start3A_499, %dma_start3A_500] : memref<8x128x32xf32, #tpu.memory_space<vmem>> -> memref<1x128x32xf32, #tpu.memory_space<vmem>>
      %dma_start3A_502 = tpu.memref_squeeze %dma_start3A_501 : memref<1x128x32xf32, #tpu.memory_space<vmem>> -> memref<128x32xf32, #tpu.memory_space<vmem>>
      %dma_start3A_503 = arith.constant 0 : i32
      %dma_start3A_504 = tpu.memref_slice %arg9[%add3A_498, %dma_start3A_503] : memref<32x128xi32, #tpu.memory_space<vmem>> -> memref<1x128xi32, #tpu.memory_space<vmem>>
      %dma_start3A_505 = tpu.memref_squeeze %dma_start3A_504 : memref<1x128xi32, #tpu.memory_space<vmem>> -> memref<128xi32, #tpu.memory_space<vmem>>
      %dma_start3A_506 = arith.constant 0 : i32
      %dma_start3A_507 = arith.constant 0 : i32
      %dma_start3A_508 = tpu.memref_slice %arg6[%arg0, %dma_start3A_506, %dma_start3A_507] : memref<2x10000x32xf32, #tpu.memory_space<hbm>> -> memref<1x10000x32xf32, #tpu.memory_space<hbm>>
      %dma_start3A_509 = tpu.memref_squeeze %dma_start3A_508 : memref<1x10000x32xf32, #tpu.memory_space<hbm>> -> memref<10000x32xf32, #tpu.memory_space<hbm>>
      %dma_start3A_510 = arith.constant 0 : i32
      %dma_start3A_511 = arith.constant 0 : i32
      %dma_start3A_512 = tpu.memref_slice %dma_start3A_509[%dma_start3A_510, %dma_start3A_511] : memref<10000x32xf32, #tpu.memory_space<hbm>> -> memref<10000x32xf32, #tpu.memory_space<hbm>>
      tpu.enqueue_indirect_dma source(%dma_start3A_512 : memref<10000x32xf32, #tpu.memory_space<hbm>>) target(%dma_start3A_502 : memref<128x32xf32, #tpu.memory_space<vmem>>) offsets(%dma_start3A_505 : memref<128xi32, #tpu.memory_space<vmem>>) semaphore(%arg26 : memref<!tpu.dma_semaphore, #tpu.memory_space<semaphore_mem>>)
      %eq3A_513 = arith.constant 0 : i32
      %eq3A_514 = arith.cmpi eq, %arg0, %eq3A_513 : i32
      %convert_element_type3A_515 = arith.extui %eq3A_514 : i1 to i32
      %cond3A_516 = arith.constant 0 : i32
      %cond3A_517 = arith.cmpi ne, %convert_element_type3A_515, %cond3A_516 : i32
      scf.if %cond3A_517 {
        %add3A_691 = arith.constant 0 : i32
        %add3A_692 = arith.addi %select_n3A_332, %add3A_691 : i32
        %dma_start3A_693 = arith.constant 0 : i32
        %dma_start3A_694 = tpu.memref_slice %arg10[%add3A_692, %dma_start3A_693] : memref<32x128xi32, #tpu.memory_space<vmem>> -> memref<1x128xi32, #tpu.memory_space<vmem>>
        %dma_start3A_695 = tpu.memref_squeeze %dma_start3A_694 : memref<1x128xi32, #tpu.memory_space<vmem>> -> memref<128xi32, #tpu.memory_space<vmem>>
        %dma_start3A_696 = arith.constant 0 : i32
        %dma_start3A_697 = tpu.memref_slice %arg18[%dma_start3A_696] : memref<10016xf32, #tpu.memory_space<vmem_shared>> -> memref<10016xf32, #tpu.memory_space<vmem_shared>>
        tpu.enqueue_indirect_dma source(%arg15 : memref<128xf32, #tpu.memory_space<vmem>>) target(%dma_start3A_697 : memref<10016xf32, #tpu.memory_space<vmem_shared>>) offsets(%dma_start3A_695 : memref<128xi32, #tpu.memory_space<vmem>>) semaphore(%arg35 : memref<!tpu.dma_semaphore, #tpu.memory_space<semaphore_mem>>) {add = true}
        %add3A_698 = arith.constant 1 : i32
        %add3A_699 = arith.addi %select_n3A_332, %add3A_698 : i32
        %dma_start3A_700 = arith.constant 0 : i32
        %dma_start3A_701 = tpu.memref_slice %arg10[%add3A_699, %dma_start3A_700] : memref<32x128xi32, #tpu.memory_space<vmem>> -> memref<1x128xi32, #tpu.memory_space<vmem>>
        %dma_start3A_702 = tpu.memref_squeeze %dma_start3A_701 : memref<1x128xi32, #tpu.memory_space<vmem>> -> memref<128xi32, #tpu.memory_space<vmem>>
        %dma_start3A_703 = arith.constant 0 : i32
        %dma_start3A_704 = tpu.memref_slice %arg18[%dma_start3A_703] : memref<10016xf32, #tpu.memory_space<vmem_shared>> -> memref<10016xf32, #tpu.memory_space<vmem_shared>>
        tpu.enqueue_indirect_dma source(%arg15 : memref<128xf32, #tpu.memory_space<vmem>>) target(%dma_start3A_704 : memref<10016xf32, #tpu.memory_space<vmem_shared>>) offsets(%dma_start3A_702 : memref<128xi32, #tpu.memory_space<vmem>>) semaphore(%arg35 : memref<!tpu.dma_semaphore, #tpu.memory_space<semaphore_mem>>) {add = true}
        %add3A_705 = arith.constant 2 : i32
        %add3A_706 = arith.addi %select_n3A_332, %add3A_705 : i32
        %dma_start3A_707 = arith.constant 0 : i32
        %dma_start3A_708 = tpu.memref_slice %arg10[%add3A_706, %dma_start3A_707] : memref<32x128xi32, #tpu.memory_space<vmem>> -> memref<1x128xi32, #tpu.memory_space<vmem>>
        %dma_start3A_709 = tpu.memref_squeeze %dma_start3A_708 : memref<1x128xi32, #tpu.memory_space<vmem>> -> memref<128xi32, #tpu.memory_space<vmem>>
        %dma_start3A_710 = arith.constant 0 : i32
        %dma_start3A_711 = tpu.memref_slice %arg18[%dma_start3A_710] : memref<10016xf32, #tpu.memory_space<vmem_shared>> -> memref<10016xf32, #tpu.memory_space<vmem_shared>>
        tpu.enqueue_indirect_dma source(%arg15 : memref<128xf32, #tpu.memory_space<vmem>>) target(%dma_start3A_711 : memref<10016xf32, #tpu.memory_space<vmem_shared>>) offsets(%dma_start3A_709 : memref<128xi32, #tpu.memory_space<vmem>>) semaphore(%arg35 : memref<!tpu.dma_semaphore, #tpu.memory_space<semaphore_mem>>) {add = true}
        %add3A_712 = arith.constant 3 : i32
        %add3A_713 = arith.addi %select_n3A_332, %add3A_712 : i32
        %dma_start3A_714 = arith.constant 0 : i32
        %dma_start3A_715 = tpu.memref_slice %arg10[%add3A_713, %dma_start3A_714] : memref<32x128xi32, #tpu.memory_space<vmem>> -> memref<1x128xi32, #tpu.memory_space<vmem>>
        %dma_start3A_716 = tpu.memref_squeeze %dma_start3A_715 : memref<1x128xi32, #tpu.memory_space<vmem>> -> memref<128xi32, #tpu.memory_space<vmem>>
        %dma_start3A_717 = arith.constant 0 : i32
        %dma_start3A_718 = tpu.memref_slice %arg18[%dma_start3A_717] : memref<10016xf32, #tpu.memory_space<vmem_shared>> -> memref<10016xf32, #tpu.memory_space<vmem_shared>>
        tpu.enqueue_indirect_dma source(%arg15 : memref<128xf32, #tpu.memory_space<vmem>>) target(%dma_start3A_718 : memref<10016xf32, #tpu.memory_space<vmem_shared>>) offsets(%dma_start3A_716 : memref<128xi32, #tpu.memory_space<vmem>>) semaphore(%arg35 : memref<!tpu.dma_semaphore, #tpu.memory_space<semaphore_mem>>) {add = true}
      } else {
      }
      %eq3A_518 = arith.constant 1 : i32
      %eq3A_519 = arith.cmpi eq, %arg0, %eq3A_518 : i32
      %convert_element_type3A_520 = arith.extui %eq3A_519 : i1 to i32
      %cond3A_521 = arith.constant 0 : i32
      %cond3A_522 = arith.cmpi ne, %convert_element_type3A_520, %cond3A_521 : i32
      scf.if %cond3A_522 {
        %add3A_691 = arith.constant 4 : i32
        %add3A_692 = arith.addi %select_n3A_332, %add3A_691 : i32
        %dma_start3A_693 = arith.constant 0 : i32
        %dma_start3A_694 = tpu.memref_slice %arg10[%add3A_692, %dma_start3A_693] : memref<32x128xi32, #tpu.memory_space<vmem>> -> memref<1x128xi32, #tpu.memory_space<vmem>>
        %dma_start3A_695 = tpu.memref_squeeze %dma_start3A_694 : memref<1x128xi32, #tpu.memory_space<vmem>> -> memref<128xi32, #tpu.memory_space<vmem>>
        %dma_start3A_696 = arith.constant 0 : i32
        %dma_start3A_697 = tpu.memref_slice %arg18[%dma_start3A_696] : memref<10016xf32, #tpu.memory_space<vmem_shared>> -> memref<10016xf32, #tpu.memory_space<vmem_shared>>
        tpu.enqueue_indirect_dma source(%arg15 : memref<128xf32, #tpu.memory_space<vmem>>) target(%dma_start3A_697 : memref<10016xf32, #tpu.memory_space<vmem_shared>>) offsets(%dma_start3A_695 : memref<128xi32, #tpu.memory_space<vmem>>) semaphore(%arg35 : memref<!tpu.dma_semaphore, #tpu.memory_space<semaphore_mem>>) {add = true}
        %add3A_698 = arith.constant 5 : i32
        %add3A_699 = arith.addi %select_n3A_332, %add3A_698 : i32
        %dma_start3A_700 = arith.constant 0 : i32
        %dma_start3A_701 = tpu.memref_slice %arg10[%add3A_699, %dma_start3A_700] : memref<32x128xi32, #tpu.memory_space<vmem>> -> memref<1x128xi32, #tpu.memory_space<vmem>>
        %dma_start3A_702 = tpu.memref_squeeze %dma_start3A_701 : memref<1x128xi32, #tpu.memory_space<vmem>> -> memref<128xi32, #tpu.memory_space<vmem>>
        %dma_start3A_703 = arith.constant 0 : i32
        %dma_start3A_704 = tpu.memref_slice %arg18[%dma_start3A_703] : memref<10016xf32, #tpu.memory_space<vmem_shared>> -> memref<10016xf32, #tpu.memory_space<vmem_shared>>
        tpu.enqueue_indirect_dma source(%arg15 : memref<128xf32, #tpu.memory_space<vmem>>) target(%dma_start3A_704 : memref<10016xf32, #tpu.memory_space<vmem_shared>>) offsets(%dma_start3A_702 : memref<128xi32, #tpu.memory_space<vmem>>) semaphore(%arg35 : memref<!tpu.dma_semaphore, #tpu.memory_space<semaphore_mem>>) {add = true}
        %add3A_705 = arith.constant 6 : i32
        %add3A_706 = arith.addi %select_n3A_332, %add3A_705 : i32
        %dma_start3A_707 = arith.constant 0 : i32
        %dma_start3A_708 = tpu.memref_slice %arg10[%add3A_706, %dma_start3A_707] : memref<32x128xi32, #tpu.memory_space<vmem>> -> memref<1x128xi32, #tpu.memory_space<vmem>>
        %dma_start3A_709 = tpu.memref_squeeze %dma_start3A_708 : memref<1x128xi32, #tpu.memory_space<vmem>> -> memref<128xi32, #tpu.memory_space<vmem>>
        %dma_start3A_710 = arith.constant 0 : i32
        %dma_start3A_711 = tpu.memref_slice %arg18[%dma_start3A_710] : memref<10016xf32, #tpu.memory_space<vmem_shared>> -> memref<10016xf32, #tpu.memory_space<vmem_shared>>
        tpu.enqueue_indirect_dma source(%arg15 : memref<128xf32, #tpu.memory_space<vmem>>) target(%dma_start3A_711 : memref<10016xf32, #tpu.memory_space<vmem_shared>>) offsets(%dma_start3A_709 : memref<128xi32, #tpu.memory_space<vmem>>) semaphore(%arg35 : memref<!tpu.dma_semaphore, #tpu.memory_space<semaphore_mem>>) {add = true}
        %add3A_712 = arith.constant 7 : i32
        %add3A_713 = arith.addi %select_n3A_332, %add3A_712 : i32
        %dma_start3A_714 = arith.constant 0 : i32
        %dma_start3A_715 = tpu.memref_slice %arg10[%add3A_713, %dma_start3A_714] : memref<32x128xi32, #tpu.memory_space<vmem>> -> memref<1x128xi32, #tpu.memory_space<vmem>>
        %dma_start3A_716 = tpu.memref_squeeze %dma_start3A_715 : memref<1x128xi32, #tpu.memory_space<vmem>> -> memref<128xi32, #tpu.memory_space<vmem>>
        %dma_start3A_717 = arith.constant 0 : i32
        %dma_start3A_718 = tpu.memref_slice %arg18[%dma_start3A_717] : memref<10016xf32, #tpu.memory_space<vmem_shared>> -> memref<10016xf32, #tpu.memory_space<vmem_shared>>
        tpu.enqueue_indirect_dma source(%arg15 : memref<128xf32, #tpu.memory_space<vmem>>) target(%dma_start3A_718 : memref<10016xf32, #tpu.memory_space<vmem_shared>>) offsets(%dma_start3A_716 : memref<128xi32, #tpu.memory_space<vmem>>) semaphore(%arg35 : memref<!tpu.dma_semaphore, #tpu.memory_space<semaphore_mem>>) {add = true}
      } else {
      }
      %dma_wait3A_523 = arith.constant 0 : i32
      %dma_wait3A_524 = arith.constant 0 : i32
      %dma_wait3A_525 = tpu.memref_slice %arg11[%scan3A_141, %dma_wait3A_523, %dma_wait3A_524] : memref<8x128x32xf32, #tpu.memory_space<vmem>> -> memref<1x128x32xf32, #tpu.memory_space<vmem>>
      %dma_wait3A_526 = tpu.memref_squeeze %dma_wait3A_525 : memref<1x128x32xf32, #tpu.memory_space<vmem>> -> memref<128x32xf32, #tpu.memory_space<vmem>>
      %dma_wait3A_527 = arith.constant 0 : i32
      %dma_wait3A_528 = arith.constant 0 : i32
      %dma_wait3A_529 = tpu.memref_slice %arg6[%scan3A_136, %dma_wait3A_527, %dma_wait3A_528] : memref<2x10000x32xf32, #tpu.memory_space<hbm>> -> memref<1x128x32xf32, #tpu.memory_space<hbm>>
      %dma_wait3A_530 = tpu.memref_squeeze %dma_wait3A_529 : memref<1x128x32xf32, #tpu.memory_space<hbm>> -> memref<128x32xf32, #tpu.memory_space<hbm>>
      %dma_wait3A_531 = arith.constant 0 : i32
      %dma_wait3A_532 = arith.constant 0 : i32
      %dma_wait3A_533 = tpu.memref_slice %arg11[%scan3A_141, %dma_wait3A_531, %dma_wait3A_532] : memref<8x128x32xf32, #tpu.memory_space<vmem>> -> memref<1x128x32xf32, #tpu.memory_space<vmem>>
      %dma_wait3A_534 = tpu.memref_squeeze %dma_wait3A_533 : memref<1x128x32xf32, #tpu.memory_space<vmem>> -> memref<128x32xf32, #tpu.memory_space<vmem>>
      %dma_wait3A_535 = arith.constant 0 : i32
      %dma_wait3A_536 = arith.constant 0 : i32
      %dma_wait3A_537 = tpu.memref_slice %arg6[%scan3A_136, %dma_wait3A_535, %dma_wait3A_536] : memref<2x10000x32xf32, #tpu.memory_space<hbm>> -> memref<1x128x32xf32, #tpu.memory_space<hbm>>
      %dma_wait3A_538 = tpu.memref_squeeze %dma_wait3A_537 : memref<1x128x32xf32, #tpu.memory_space<hbm>> -> memref<128x32xf32, #tpu.memory_space<hbm>>
      tpu.wait_dma2 semaphore(%arg23 : memref<!tpu.dma_semaphore, #tpu.memory_space<semaphore_mem>>) src(%dma_wait3A_538 : memref<128x32xf32, #tpu.memory_space<hbm>>) dst(%dma_wait3A_534 : memref<128x32xf32, #tpu.memory_space<vmem>>)
      %add3A_539 = arith.constant 4 : i32
      %add3A_540 = arith.addi %select_n3A_332, %add3A_539 : i32
      %dma_start3A_541 = arith.constant 0 : i32
      %dma_start3A_542 = arith.constant 0 : i32
      %dma_start3A_543 = tpu.memref_slice %arg11[%scan3A_141, %dma_start3A_541, %dma_start3A_542] : memref<8x128x32xf32, #tpu.memory_space<vmem>> -> memref<1x128x32xf32, #tpu.memory_space<vmem>>
      %dma_start3A_544 = tpu.memref_squeeze %dma_start3A_543 : memref<1x128x32xf32, #tpu.memory_space<vmem>> -> memref<128x32xf32, #tpu.memory_space<vmem>>
      %dma_start3A_545 = arith.constant 0 : i32
      %dma_start3A_546 = tpu.memref_slice %arg10[%add3A_540, %dma_start3A_545] : memref<32x128xi32, #tpu.memory_space<vmem>> -> memref<1x128xi32, #tpu.memory_space<vmem>>
      %dma_start3A_547 = tpu.memref_squeeze %dma_start3A_546 : memref<1x128xi32, #tpu.memory_space<vmem>> -> memref<128xi32, #tpu.memory_space<vmem>>
      %dma_start3A_548 = arith.constant 0 : i32
      %dma_start3A_549 = arith.constant 0 : i32
      %dma_start3A_550 = tpu.memref_slice %arg17[%dma_start3A_548, %dma_start3A_549] : memref<10016x32xf32, #tpu.memory_space<vmem_shared>> -> memref<10016x32xf32, #tpu.memory_space<vmem_shared>>
      tpu.enqueue_indirect_dma source(%dma_start3A_544 : memref<128x32xf32, #tpu.memory_space<vmem>>) target(%dma_start3A_550 : memref<10016x32xf32, #tpu.memory_space<vmem_shared>>) offsets(%dma_start3A_547 : memref<128xi32, #tpu.memory_space<vmem>>) semaphore(%arg31 : memref<!tpu.dma_semaphore, #tpu.memory_space<semaphore_mem>>) {add = true}
      %dma_wait3A_551 = arith.constant 0 : i32
      %dma_wait3A_552 = arith.constant 0 : i32
      %dma_wait3A_553 = tpu.memref_slice %arg11[%scan3A_142, %dma_wait3A_551, %dma_wait3A_552] : memref<8x128x32xf32, #tpu.memory_space<vmem>> -> memref<1x128x32xf32, #tpu.memory_space<vmem>>
      %dma_wait3A_554 = tpu.memref_squeeze %dma_wait3A_553 : memref<1x128x32xf32, #tpu.memory_space<vmem>> -> memref<128x32xf32, #tpu.memory_space<vmem>>
      %dma_wait3A_555 = arith.constant 0 : i32
      %dma_wait3A_556 = arith.constant 0 : i32
      %dma_wait3A_557 = tpu.memref_slice %arg6[%scan3A_136, %dma_wait3A_555, %dma_wait3A_556] : memref<2x10000x32xf32, #tpu.memory_space<hbm>> -> memref<1x128x32xf32, #tpu.memory_space<hbm>>
      %dma_wait3A_558 = tpu.memref_squeeze %dma_wait3A_557 : memref<1x128x32xf32, #tpu.memory_space<hbm>> -> memref<128x32xf32, #tpu.memory_space<hbm>>
      %dma_wait3A_559 = arith.constant 0 : i32
      %dma_wait3A_560 = arith.constant 0 : i32
      %dma_wait3A_561 = tpu.memref_slice %arg11[%scan3A_142, %dma_wait3A_559, %dma_wait3A_560] : memref<8x128x32xf32, #tpu.memory_space<vmem>> -> memref<1x128x32xf32, #tpu.memory_space<vmem>>
      %dma_wait3A_562 = tpu.memref_squeeze %dma_wait3A_561 : memref<1x128x32xf32, #tpu.memory_space<vmem>> -> memref<128x32xf32, #tpu.memory_space<vmem>>
      %dma_wait3A_563 = arith.constant 0 : i32
      %dma_wait3A_564 = arith.constant 0 : i32
      %dma_wait3A_565 = tpu.memref_slice %arg6[%scan3A_136, %dma_wait3A_563, %dma_wait3A_564] : memref<2x10000x32xf32, #tpu.memory_space<hbm>> -> memref<1x128x32xf32, #tpu.memory_space<hbm>>
      %dma_wait3A_566 = tpu.memref_squeeze %dma_wait3A_565 : memref<1x128x32xf32, #tpu.memory_space<hbm>> -> memref<128x32xf32, #tpu.memory_space<hbm>>
      tpu.wait_dma2 semaphore(%arg24 : memref<!tpu.dma_semaphore, #tpu.memory_space<semaphore_mem>>) src(%dma_wait3A_566 : memref<128x32xf32, #tpu.memory_space<hbm>>) dst(%dma_wait3A_562 : memref<128x32xf32, #tpu.memory_space<vmem>>)
      %add3A_567 = arith.constant 5 : i32
      %add3A_568 = arith.addi %select_n3A_332, %add3A_567 : i32
      %dma_start3A_569 = arith.constant 0 : i32
      %dma_start3A_570 = arith.constant 0 : i32
      %dma_start3A_571 = tpu.memref_slice %arg11[%scan3A_142, %dma_start3A_569, %dma_start3A_570] : memref<8x128x32xf32, #tpu.memory_space<vmem>> -> memref<1x128x32xf32, #tpu.memory_space<vmem>>
      %dma_start3A_572 = tpu.memref_squeeze %dma_start3A_571 : memref<1x128x32xf32, #tpu.memory_space<vmem>> -> memref<128x32xf32, #tpu.memory_space<vmem>>
      %dma_start3A_573 = arith.constant 0 : i32
      %dma_start3A_574 = tpu.memref_slice %arg10[%add3A_568, %dma_start3A_573] : memref<32x128xi32, #tpu.memory_space<vmem>> -> memref<1x128xi32, #tpu.memory_space<vmem>>
      %dma_start3A_575 = tpu.memref_squeeze %dma_start3A_574 : memref<1x128xi32, #tpu.memory_space<vmem>> -> memref<128xi32, #tpu.memory_space<vmem>>
      %dma_start3A_576 = arith.constant 0 : i32
      %dma_start3A_577 = arith.constant 0 : i32
      %dma_start3A_578 = tpu.memref_slice %arg17[%dma_start3A_576, %dma_start3A_577] : memref<10016x32xf32, #tpu.memory_space<vmem_shared>> -> memref<10016x32xf32, #tpu.memory_space<vmem_shared>>
      tpu.enqueue_indirect_dma source(%dma_start3A_572 : memref<128x32xf32, #tpu.memory_space<vmem>>) target(%dma_start3A_578 : memref<10016x32xf32, #tpu.memory_space<vmem_shared>>) offsets(%dma_start3A_575 : memref<128xi32, #tpu.memory_space<vmem>>) semaphore(%arg32 : memref<!tpu.dma_semaphore, #tpu.memory_space<semaphore_mem>>) {add = true}
      %dma_wait3A_579 = arith.constant 0 : i32
      %dma_wait3A_580 = arith.constant 0 : i32
      %dma_wait3A_581 = tpu.memref_slice %arg11[%scan3A_143, %dma_wait3A_579, %dma_wait3A_580] : memref<8x128x32xf32, #tpu.memory_space<vmem>> -> memref<1x128x32xf32, #tpu.memory_space<vmem>>
      %dma_wait3A_582 = tpu.memref_squeeze %dma_wait3A_581 : memref<1x128x32xf32, #tpu.memory_space<vmem>> -> memref<128x32xf32, #tpu.memory_space<vmem>>
      %dma_wait3A_583 = arith.constant 0 : i32
      %dma_wait3A_584 = arith.constant 0 : i32
      %dma_wait3A_585 = tpu.memref_slice %arg6[%scan3A_136, %dma_wait3A_583, %dma_wait3A_584] : memref<2x10000x32xf32, #tpu.memory_space<hbm>> -> memref<1x128x32xf32, #tpu.memory_space<hbm>>
      %dma_wait3A_586 = tpu.memref_squeeze %dma_wait3A_585 : memref<1x128x32xf32, #tpu.memory_space<hbm>> -> memref<128x32xf32, #tpu.memory_space<hbm>>
      %dma_wait3A_587 = arith.constant 0 : i32
      %dma_wait3A_588 = arith.constant 0 : i32
      %dma_wait3A_589 = tpu.memref_slice %arg11[%scan3A_143, %dma_wait3A_587, %dma_wait3A_588] : memref<8x128x32xf32, #tpu.memory_space<vmem>> -> memref<1x128x32xf32, #tpu.memory_space<vmem>>
      %dma_wait3A_590 = tpu.memref_squeeze %dma_wait3A_589 : memref<1x128x32xf32, #tpu.memory_space<vmem>> -> memref<128x32xf32, #tpu.memory_space<vmem>>
      %dma_wait3A_591 = arith.constant 0 : i32
      %dma_wait3A_592 = arith.constant 0 : i32
      %dma_wait3A_593 = tpu.memref_slice %arg6[%scan3A_136, %dma_wait3A_591, %dma_wait3A_592] : memref<2x10000x32xf32, #tpu.memory_space<hbm>> -> memref<1x128x32xf32, #tpu.memory_space<hbm>>
      %dma_wait3A_594 = tpu.memref_squeeze %dma_wait3A_593 : memref<1x128x32xf32, #tpu.memory_space<hbm>> -> memref<128x32xf32, #tpu.memory_space<hbm>>
      tpu.wait_dma2 semaphore(%arg25 : memref<!tpu.dma_semaphore, #tpu.memory_space<semaphore_mem>>) src(%dma_wait3A_594 : memref<128x32xf32, #tpu.memory_space<hbm>>) dst(%dma_wait3A_590 : memref<128x32xf32, #tpu.memory_space<vmem>>)
      %add3A_595 = arith.constant 6 : i32
      %add3A_596 = arith.addi %select_n3A_332, %add3A_595 : i32
      %dma_start3A_597 = arith.constant 0 : i32
      %dma_start3A_598 = arith.constant 0 : i32
      %dma_start3A_599 = tpu.memref_slice %arg11[%scan3A_143, %dma_start3A_597, %dma_start3A_598] : memref<8x128x32xf32, #tpu.memory_space<vmem>> -> memref<1x128x32xf32, #tpu.memory_space<vmem>>
      %dma_start3A_600 = tpu.memref_squeeze %dma_start3A_599 : memref<1x128x32xf32, #tpu.memory_space<vmem>> -> memref<128x32xf32, #tpu.memory_space<vmem>>
      %dma_start3A_601 = arith.constant 0 : i32
      %dma_start3A_602 = tpu.memref_slice %arg10[%add3A_596, %dma_start3A_601] : memref<32x128xi32, #tpu.memory_space<vmem>> -> memref<1x128xi32, #tpu.memory_space<vmem>>
      %dma_start3A_603 = tpu.memref_squeeze %dma_start3A_602 : memref<1x128xi32, #tpu.memory_space<vmem>> -> memref<128xi32, #tpu.memory_space<vmem>>
      %dma_start3A_604 = arith.constant 0 : i32
      %dma_start3A_605 = arith.constant 0 : i32
      %dma_start3A_606 = tpu.memref_slice %arg17[%dma_start3A_604, %dma_start3A_605] : memref<10016x32xf32, #tpu.memory_space<vmem_shared>> -> memref<10016x32xf32, #tpu.memory_space<vmem_shared>>
      tpu.enqueue_indirect_dma source(%dma_start3A_600 : memref<128x32xf32, #tpu.memory_space<vmem>>) target(%dma_start3A_606 : memref<10016x32xf32, #tpu.memory_space<vmem_shared>>) offsets(%dma_start3A_603 : memref<128xi32, #tpu.memory_space<vmem>>) semaphore(%arg33 : memref<!tpu.dma_semaphore, #tpu.memory_space<semaphore_mem>>) {add = true}
      %dma_wait3A_607 = arith.constant 0 : i32
      %dma_wait3A_608 = arith.constant 0 : i32
      %dma_wait3A_609 = tpu.memref_slice %arg11[%scan3A_144, %dma_wait3A_607, %dma_wait3A_608] : memref<8x128x32xf32, #tpu.memory_space<vmem>> -> memref<1x128x32xf32, #tpu.memory_space<vmem>>
      %dma_wait3A_610 = tpu.memref_squeeze %dma_wait3A_609 : memref<1x128x32xf32, #tpu.memory_space<vmem>> -> memref<128x32xf32, #tpu.memory_space<vmem>>
      %dma_wait3A_611 = arith.constant 0 : i32
      %dma_wait3A_612 = arith.constant 0 : i32
      %dma_wait3A_613 = tpu.memref_slice %arg6[%scan3A_136, %dma_wait3A_611, %dma_wait3A_612] : memref<2x10000x32xf32, #tpu.memory_space<hbm>> -> memref<1x128x32xf32, #tpu.memory_space<hbm>>
      %dma_wait3A_614 = tpu.memref_squeeze %dma_wait3A_613 : memref<1x128x32xf32, #tpu.memory_space<hbm>> -> memref<128x32xf32, #tpu.memory_space<hbm>>
      %dma_wait3A_615 = arith.constant 0 : i32
      %dma_wait3A_616 = arith.constant 0 : i32
      %dma_wait3A_617 = tpu.memref_slice %arg11[%scan3A_144, %dma_wait3A_615, %dma_wait3A_616] : memref<8x128x32xf32, #tpu.memory_space<vmem>> -> memref<1x128x32xf32, #tpu.memory_space<vmem>>
      %dma_wait3A_618 = tpu.memref_squeeze %dma_wait3A_617 : memref<1x128x32xf32, #tpu.memory_space<vmem>> -> memref<128x32xf32, #tpu.memory_space<vmem>>
      %dma_wait3A_619 = arith.constant 0 : i32
      %dma_wait3A_620 = arith.constant 0 : i32
      %dma_wait3A_621 = tpu.memref_slice %arg6[%scan3A_136, %dma_wait3A_619, %dma_wait3A_620] : memref<2x10000x32xf32, #tpu.memory_space<hbm>> -> memref<1x128x32xf32, #tpu.memory_space<hbm>>
      %dma_wait3A_622 = tpu.memref_squeeze %dma_wait3A_621 : memref<1x128x32xf32, #tpu.memory_space<hbm>> -> memref<128x32xf32, #tpu.memory_space<hbm>>
      tpu.wait_dma2 semaphore(%arg26 : memref<!tpu.dma_semaphore, #tpu.memory_space<semaphore_mem>>) src(%dma_wait3A_622 : memref<128x32xf32, #tpu.memory_space<hbm>>) dst(%dma_wait3A_618 : memref<128x32xf32, #tpu.memory_space<vmem>>)
      %add3A_623 = arith.constant 7 : i32
      %add3A_624 = arith.addi %select_n3A_332, %add3A_623 : i32
      %dma_start3A_625 = arith.constant 0 : i32
      %dma_start3A_626 = arith.constant 0 : i32
      %dma_start3A_627 = tpu.memref_slice %arg11[%scan3A_144, %dma_start3A_625, %dma_start3A_626] : memref<8x128x32xf32, #tpu.memory_space<vmem>> -> memref<1x128x32xf32, #tpu.memory_space<vmem>>
      %dma_start3A_628 = tpu.memref_squeeze %dma_start3A_627 : memref<1x128x32xf32, #tpu.memory_space<vmem>> -> memref<128x32xf32, #tpu.memory_space<vmem>>
      %dma_start3A_629 = arith.constant 0 : i32
      %dma_start3A_630 = tpu.memref_slice %arg10[%add3A_624, %dma_start3A_629] : memref<32x128xi32, #tpu.memory_space<vmem>> -> memref<1x128xi32, #tpu.memory_space<vmem>>
      %dma_start3A_631 = tpu.memref_squeeze %dma_start3A_630 : memref<1x128xi32, #tpu.memory_space<vmem>> -> memref<128xi32, #tpu.memory_space<vmem>>
      %dma_start3A_632 = arith.constant 0 : i32
      %dma_start3A_633 = arith.constant 0 : i32
      %dma_start3A_634 = tpu.memref_slice %arg17[%dma_start3A_632, %dma_start3A_633] : memref<10016x32xf32, #tpu.memory_space<vmem_shared>> -> memref<10016x32xf32, #tpu.memory_space<vmem_shared>>
      tpu.enqueue_indirect_dma source(%dma_start3A_628 : memref<128x32xf32, #tpu.memory_space<vmem>>) target(%dma_start3A_634 : memref<10016x32xf32, #tpu.memory_space<vmem_shared>>) offsets(%dma_start3A_631 : memref<128xi32, #tpu.memory_space<vmem>>) semaphore(%arg34 : memref<!tpu.dma_semaphore, #tpu.memory_space<semaphore_mem>>) {add = true}
      %dma_wait3A_635 = arith.constant 0 : i32
      %dma_wait3A_636 = tpu.memref_slice %arg8[%scan3A_145, %dma_wait3A_635] : memref<2x10016xf32, #tpu.memory_space<hbm>> -> memref<1x128xf32, #tpu.memory_space<hbm>>
      %dma_wait3A_637 = tpu.memref_squeeze %dma_wait3A_636 : memref<1x128xf32, #tpu.memory_space<hbm>> -> memref<128xf32, #tpu.memory_space<hbm>>
      %dma_wait3A_638 = arith.constant 0 : i32
      %dma_wait3A_639 = tpu.memref_slice %arg8[%scan3A_145, %dma_wait3A_638] : memref<2x10016xf32, #tpu.memory_space<hbm>> -> memref<1x128xf32, #tpu.memory_space<hbm>>
      %dma_wait3A_640 = tpu.memref_squeeze %dma_wait3A_639 : memref<1x128xf32, #tpu.memory_space<hbm>> -> memref<128xf32, #tpu.memory_space<hbm>>
      tpu.wait_dma2 semaphore(%arg35 : memref<!tpu.dma_semaphore, #tpu.memory_space<semaphore_mem>>) src(%dma_wait3A_640 : memref<128xf32, #tpu.memory_space<hbm>>) dst(%arg15 : memref<128xf32, #tpu.memory_space<vmem>>)
      %dma_wait3A_641 = arith.constant 0 : i32
      %dma_wait3A_642 = tpu.memref_slice %arg8[%scan3A_145, %dma_wait3A_641] : memref<2x10016xf32, #tpu.memory_space<hbm>> -> memref<1x128xf32, #tpu.memory_space<hbm>>
      %dma_wait3A_643 = tpu.memref_squeeze %dma_wait3A_642 : memref<1x128xf32, #tpu.memory_space<hbm>> -> memref<128xf32, #tpu.memory_space<hbm>>
      %dma_wait3A_644 = arith.constant 0 : i32
      %dma_wait3A_645 = tpu.memref_slice %arg8[%scan3A_145, %dma_wait3A_644] : memref<2x10016xf32, #tpu.memory_space<hbm>> -> memref<1x128xf32, #tpu.memory_space<hbm>>
      %dma_wait3A_646 = tpu.memref_squeeze %dma_wait3A_645 : memref<1x128xf32, #tpu.memory_space<hbm>> -> memref<128xf32, #tpu.memory_space<hbm>>
      tpu.wait_dma2 semaphore(%arg35 : memref<!tpu.dma_semaphore, #tpu.memory_space<semaphore_mem>>) src(%dma_wait3A_646 : memref<128xf32, #tpu.memory_space<hbm>>) dst(%arg15 : memref<128xf32, #tpu.memory_space<vmem>>)
      %dma_wait3A_647 = arith.constant 0 : i32
      %dma_wait3A_648 = tpu.memref_slice %arg8[%scan3A_145, %dma_wait3A_647] : memref<2x10016xf32, #tpu.memory_space<hbm>> -> memref<1x128xf32, #tpu.memory_space<hbm>>
      %dma_wait3A_649 = tpu.memref_squeeze %dma_wait3A_648 : memref<1x128xf32, #tpu.memory_space<hbm>> -> memref<128xf32, #tpu.memory_space<hbm>>
      %dma_wait3A_650 = arith.constant 0 : i32
      %dma_wait3A_651 = tpu.memref_slice %arg8[%scan3A_145, %dma_wait3A_650] : memref<2x10016xf32, #tpu.memory_space<hbm>> -> memref<1x128xf32, #tpu.memory_space<hbm>>
      %dma_wait3A_652 = tpu.memref_squeeze %dma_wait3A_651 : memref<1x128xf32, #tpu.memory_space<hbm>> -> memref<128xf32, #tpu.memory_space<hbm>>
      tpu.wait_dma2 semaphore(%arg35 : memref<!tpu.dma_semaphore, #tpu.memory_space<semaphore_mem>>) src(%dma_wait3A_652 : memref<128xf32, #tpu.memory_space<hbm>>) dst(%arg15 : memref<128xf32, #tpu.memory_space<vmem>>)
      %dma_wait3A_653 = arith.constant 0 : i32
      %dma_wait3A_654 = tpu.memref_slice %arg8[%scan3A_145, %dma_wait3A_653] : memref<2x10016xf32, #tpu.memory_space<hbm>> -> memref<1x128xf32, #tpu.memory_space<hbm>>
      %dma_wait3A_655 = tpu.memref_squeeze %dma_wait3A_654 : memref<1x128xf32, #tpu.memory_space<hbm>> -> memref<128xf32, #tpu.memory_space<hbm>>
      %dma_wait3A_656 = arith.constant 0 : i32
      %dma_wait3A_657 = tpu.memref_slice %arg8[%scan3A_145, %dma_wait3A_656] : memref<2x10016xf32, #tpu.memory_space<hbm>> -> memref<1x128xf32, #tpu.memory_space<hbm>>
      %dma_wait3A_658 = tpu.memref_squeeze %dma_wait3A_657 : memref<1x128xf32, #tpu.memory_space<hbm>> -> memref<128xf32, #tpu.memory_space<hbm>>
      tpu.wait_dma2 semaphore(%arg35 : memref<!tpu.dma_semaphore, #tpu.memory_space<semaphore_mem>>) src(%dma_wait3A_658 : memref<128xf32, #tpu.memory_space<hbm>>) dst(%arg15 : memref<128xf32, #tpu.memory_space<vmem>>)
      %add3A_659 = arith.constant 1 : i32
      %add3A_660 = arith.addi %scan3A_318, %add3A_659 : i32
      %lt3A_661 = arith.constant 20 : i32
      %lt3A_662 = arith.cmpi slt, %add3A_660, %lt3A_661 : i32
      %jit3A_663 = arith.constant 2 : i32
      %eq3A_664 = arith.constant 0 : i32
      %eq3A_665 = arith.cmpi eq, %jit3A_663, %eq3A_664 : i32
      %jit3A_666 = arith.constant 1 : i32
      %select_n3A_667 = arith.select %eq3A_665, %jit3A_666, %jit3A_663 : i32
      %rem3A_668 = arith.remsi %add3A_660, %select_n3A_667 : i32
      %ne3A_669 = arith.constant 0 : i32
      %ne3A_670 = arith.cmpi ne, %rem3A_668, %ne3A_669 : i32
      %lt3A_671 = arith.constant 0 : i32
      %lt3A_672 = arith.cmpi slt, %rem3A_668, %lt3A_671 : i32
      %lt3A_673 = arith.constant 0 : i32
      %lt3A_674 = arith.cmpi slt, %select_n3A_667, %lt3A_673 : i32
      %ne3A_675 = arith.xori %lt3A_672, %lt3A_674 : i1
      %and3A_676 = arith.andi %ne3A_675, %ne3A_670 : i1
      %add3A_677 = arith.addi %rem3A_668, %select_n3A_667 : i32
      %select_n3A_678 = arith.select %and3A_676, %add3A_677, %rem3A_668 : i32
      %eq3A_679 = arith.constant 0 : i32
      %eq3A_680 = arith.cmpi eq, %select_n3A_678, %eq3A_679 : i32
      %and3A_681 = arith.andi %lt3A_662, %eq3A_680 : i1
      %convert_element_type3A_682 = arith.extui %and3A_681 : i1 to i32
      %cond3A_683 = arith.constant 0 : i32
      %cond3A_684 = arith.cmpi ne, %convert_element_type3A_682, %cond3A_683 : i32
      scf.if %cond3A_684 {
        %mul3A_691 = arith.constant 8 : i32
        %mul3A_692 = arith.muli %mul3A_691, %add3A_660 : i32
        %jit3A_693 = arith.constant 32 : i32
        %eq3A_694 = arith.constant 0 : i32
        %eq3A_695 = arith.cmpi eq, %jit3A_693, %eq3A_694 : i32
        %jit3A_696 = arith.constant 1 : i32
        %select_n3A_697 = arith.select %eq3A_695, %jit3A_696, %jit3A_693 : i32
        %rem3A_698 = arith.remsi %mul3A_692, %select_n3A_697 : i32
        %ne3A_699 = arith.constant 0 : i32
        %ne3A_700 = arith.cmpi ne, %rem3A_698, %ne3A_699 : i32
        %lt3A_701 = arith.constant 0 : i32
        %lt3A_702 = arith.cmpi slt, %rem3A_698, %lt3A_701 : i32
        %lt3A_703 = arith.constant 0 : i32
        %lt3A_704 = arith.cmpi slt, %select_n3A_697, %lt3A_703 : i32
        %ne3A_705 = arith.xori %lt3A_702, %lt3A_704 : i1
        %and3A_706 = arith.andi %ne3A_705, %ne3A_700 : i1
        %add3A_707 = arith.addi %rem3A_698, %select_n3A_697 : i32
        %select_n3A_708 = arith.select %and3A_706, %add3A_707, %rem3A_698 : i32
        %mul3A_709 = arith.constant 160 : i32
        %mul3A_710 = arith.muli %arg1, %mul3A_709 : i32
        %mul3A_711 = arith.constant 8 : i32
        %mul3A_712 = arith.muli %mul3A_711, %add3A_660 : i32
        %add3A_713 = arith.addi %mul3A_710, %mul3A_712 : i32
        "tpu.region"() ({
          %run_scoped3A = tpu.sem_alloc : memref<!tpu.dma_semaphore, #tpu.memory_space<semaphore_mem>>
          %dma_start3A_719 = arith.constant 0 : i32
          %dma_start3A_720 = tpu.memref_slice %arg9[%select_n3A_708, %dma_start3A_719] : memref<32x128xi32, #tpu.memory_space<vmem>> -> memref<16x128xi32, #tpu.memory_space<vmem>>
          %dma_start3A_721 = arith.constant 0 : i32
          %dma_start3A_722 = tpu.memref_slice %arg4[%add3A_713, %dma_start3A_721] : memref<2560x128xi32, #tpu.memory_space<hbm>> -> memref<16x128xi32, #tpu.memory_space<hbm>>
          %dma_start3A_723 = arith.constant 0 : i32
          %dma_start3A_724 = tpu.memref_slice %arg9[%select_n3A_708, %dma_start3A_723] : memref<32x128xi32, #tpu.memory_space<vmem>> -> memref<16x128xi32, #tpu.memory_space<vmem>>
          %dma_start3A_725 = arith.constant 0 : i32
          %dma_start3A_726 = tpu.memref_slice %arg4[%add3A_713, %dma_start3A_725] : memref<2560x128xi32, #tpu.memory_space<hbm>> -> memref<16x128xi32, #tpu.memory_space<hbm>>
          tpu.enqueue_dma source(%dma_start3A_726 : memref<16x128xi32, #tpu.memory_space<hbm>>) target(%dma_start3A_724 : memref<16x128xi32, #tpu.memory_space<vmem>>) target_semaphore(%run_scoped3A : memref<!tpu.dma_semaphore, #tpu.memory_space<semaphore_mem>>)
          %dma_wait3A_727 = arith.constant 0 : i32
          %dma_wait3A_728 = tpu.memref_slice %arg9[%select_n3A_708, %dma_wait3A_727] : memref<32x128xi32, #tpu.memory_space<vmem>> -> memref<16x128xi32, #tpu.memory_space<vmem>>
          %dma_wait3A_729 = arith.constant 0 : i32
          %dma_wait3A_730 = tpu.memref_slice %arg4[%add3A_713, %dma_wait3A_729] : memref<2560x128xi32, #tpu.memory_space<hbm>> -> memref<16x128xi32, #tpu.memory_space<hbm>>
          %dma_wait3A_731 = arith.constant 0 : i32
          %dma_wait3A_732 = tpu.memref_slice %arg9[%select_n3A_708, %dma_wait3A_731] : memref<32x128xi32, #tpu.memory_space<vmem>> -> memref<16x128xi32, #tpu.memory_space<vmem>>
          %dma_wait3A_733 = arith.constant 0 : i32
          %dma_wait3A_734 = tpu.memref_slice %arg4[%add3A_713, %dma_wait3A_733] : memref<2560x128xi32, #tpu.memory_space<hbm>> -> memref<16x128xi32, #tpu.memory_space<hbm>>
          tpu.wait_dma2 semaphore(%run_scoped3A : memref<!tpu.dma_semaphore, #tpu.memory_space<semaphore_mem>>) src(%dma_wait3A_734 : memref<16x128xi32, #tpu.memory_space<hbm>>) dst(%dma_wait3A_732 : memref<16x128xi32, #tpu.memory_space<vmem>>)
          tpu.yield
        }) : () -> ()
        %mul3A_714 = arith.constant 160 : i32
        %mul3A_715 = arith.muli %arg1, %mul3A_714 : i32
        %mul3A_716 = arith.constant 8 : i32
        %mul3A_717 = arith.muli %mul3A_716, %add3A_660 : i32
        %add3A_718 = arith.addi %mul3A_715, %mul3A_717 : i32
        "tpu.region"() ({
          %run_scoped3A = tpu.sem_alloc : memref<!tpu.dma_semaphore, #tpu.memory_space<semaphore_mem>>
          %dma_start3A_719 = arith.constant 0 : i32
          %dma_start3A_720 = tpu.memref_slice %arg10[%select_n3A_708, %dma_start3A_719] : memref<32x128xi32, #tpu.memory_space<vmem>> -> memref<16x128xi32, #tpu.memory_space<vmem>>
          %dma_start3A_721 = arith.constant 0 : i32
          %dma_start3A_722 = tpu.memref_slice %arg5[%add3A_718, %dma_start3A_721] : memref<2560x128xi32, #tpu.memory_space<hbm>> -> memref<16x128xi32, #tpu.memory_space<hbm>>
          %dma_start3A_723 = arith.constant 0 : i32
          %dma_start3A_724 = tpu.memref_slice %arg10[%select_n3A_708, %dma_start3A_723] : memref<32x128xi32, #tpu.memory_space<vmem>> -> memref<16x128xi32, #tpu.memory_space<vmem>>
          %dma_start3A_725 = arith.constant 0 : i32
          %dma_start3A_726 = tpu.memref_slice %arg5[%add3A_718, %dma_start3A_725] : memref<2560x128xi32, #tpu.memory_space<hbm>> -> memref<16x128xi32, #tpu.memory_space<hbm>>
          tpu.enqueue_dma source(%dma_start3A_726 : memref<16x128xi32, #tpu.memory_space<hbm>>) target(%dma_start3A_724 : memref<16x128xi32, #tpu.memory_space<vmem>>) target_semaphore(%run_scoped3A : memref<!tpu.dma_semaphore, #tpu.memory_space<semaphore_mem>>)
          %dma_wait3A_727 = arith.constant 0 : i32
          %dma_wait3A_728 = tpu.memref_slice %arg10[%select_n3A_708, %dma_wait3A_727] : memref<32x128xi32, #tpu.memory_space<vmem>> -> memref<16x128xi32, #tpu.memory_space<vmem>>
          %dma_wait3A_729 = arith.constant 0 : i32
          %dma_wait3A_730 = tpu.memref_slice %arg5[%add3A_718, %dma_wait3A_729] : memref<2560x128xi32, #tpu.memory_space<hbm>> -> memref<16x128xi32, #tpu.memory_space<hbm>>
          %dma_wait3A_731 = arith.constant 0 : i32
          %dma_wait3A_732 = tpu.memref_slice %arg10[%select_n3A_708, %dma_wait3A_731] : memref<32x128xi32, #tpu.memory_space<vmem>> -> memref<16x128xi32, #tpu.memory_space<vmem>>
          %dma_wait3A_733 = arith.constant 0 : i32
          %dma_wait3A_734 = tpu.memref_slice %arg5[%add3A_718, %dma_wait3A_733] : memref<2560x128xi32, #tpu.memory_space<hbm>> -> memref<16x128xi32, #tpu.memory_space<hbm>>
          tpu.wait_dma2 semaphore(%run_scoped3A : memref<!tpu.dma_semaphore, #tpu.memory_space<semaphore_mem>>) src(%dma_wait3A_734 : memref<16x128xi32, #tpu.memory_space<hbm>>) dst(%dma_wait3A_732 : memref<16x128xi32, #tpu.memory_space<vmem>>)
          tpu.yield
        }) : () -> ()
      } else {
      }
      %lt3A_685 = arith.constant 20 : i32
      %lt3A_686 = arith.cmpi slt, %add3A_660, %lt3A_685 : i32
      %convert_element_type3A_687 = arith.extui %lt3A_686 : i1 to i32
      %cond3A_688 = arith.constant 0 : i32
      %cond3A_689 = arith.cmpi ne, %convert_element_type3A_687, %cond3A_688 : i32
      scf.if %cond3A_689 {
        %mul3A_691 = arith.constant 8 : i32
        %mul3A_692 = arith.muli %mul3A_691, %add3A_660 : i32
        %jit3A_693 = arith.constant 32 : i32
        %eq3A_694 = arith.constant 0 : i32
        %eq3A_695 = arith.cmpi eq, %jit3A_693, %eq3A_694 : i32
        %jit3A_696 = arith.constant 1 : i32
        %select_n3A_697 = arith.select %eq3A_695, %jit3A_696, %jit3A_693 : i32
        %rem3A_698 = arith.remsi %mul3A_692, %select_n3A_697 : i32
        %ne3A_699 = arith.constant 0 : i32
        %ne3A_700 = arith.cmpi ne, %rem3A_698, %ne3A_699 : i32
        %lt3A_701 = arith.constant 0 : i32
        %lt3A_702 = arith.cmpi slt, %rem3A_698, %lt3A_701 : i32
        %lt3A_703 = arith.constant 0 : i32
        %lt3A_704 = arith.cmpi slt, %select_n3A_697, %lt3A_703 : i32
        %ne3A_705 = arith.xori %lt3A_702, %lt3A_704 : i1
        %and3A_706 = arith.andi %ne3A_705, %ne3A_700 : i1
        %add3A_707 = arith.addi %rem3A_698, %select_n3A_697 : i32
        %select_n3A_708 = arith.select %and3A_706, %add3A_707, %rem3A_698 : i32
        %dma_wait3A_709 = arith.constant 0 : i32
        %dma_wait3A_710 = arith.constant 0 : i32
        %dma_wait3A_711 = tpu.memref_slice %arg11[%scan3A_137, %dma_wait3A_709, %dma_wait3A_710] : memref<8x128x32xf32, #tpu.memory_space<vmem>> -> memref<1x128x32xf32, #tpu.memory_space<vmem>>
        %dma_wait3A_712 = tpu.memref_squeeze %dma_wait3A_711 : memref<1x128x32xf32, #tpu.memory_space<vmem>> -> memref<128x32xf32, #tpu.memory_space<vmem>>
        %dma_wait3A_713 = arith.constant 0 : i32
        %dma_wait3A_714 = arith.constant 0 : i32
        %dma_wait3A_715 = tpu.memref_slice %arg6[%scan3A_136, %dma_wait3A_713, %dma_wait3A_714] : memref<2x10000x32xf32, #tpu.memory_space<hbm>> -> memref<1x128x32xf32, #tpu.memory_space<hbm>>
        %dma_wait3A_716 = tpu.memref_squeeze %dma_wait3A_715 : memref<1x128x32xf32, #tpu.memory_space<hbm>> -> memref<128x32xf32, #tpu.memory_space<hbm>>
        %dma_wait3A_717 = arith.constant 0 : i32
        %dma_wait3A_718 = arith.constant 0 : i32
        %dma_wait3A_719 = tpu.memref_slice %arg11[%scan3A_137, %dma_wait3A_717, %dma_wait3A_718] : memref<8x128x32xf32, #tpu.memory_space<vmem>> -> memref<1x128x32xf32, #tpu.memory_space<vmem>>
        %dma_wait3A_720 = tpu.memref_squeeze %dma_wait3A_719 : memref<1x128x32xf32, #tpu.memory_space<vmem>> -> memref<128x32xf32, #tpu.memory_space<vmem>>
        %dma_wait3A_721 = arith.constant 0 : i32
        %dma_wait3A_722 = arith.constant 0 : i32
        %dma_wait3A_723 = tpu.memref_slice %arg6[%scan3A_136, %dma_wait3A_721, %dma_wait3A_722] : memref<2x10000x32xf32, #tpu.memory_space<hbm>> -> memref<1x128x32xf32, #tpu.memory_space<hbm>>
        %dma_wait3A_724 = tpu.memref_squeeze %dma_wait3A_723 : memref<1x128x32xf32, #tpu.memory_space<hbm>> -> memref<128x32xf32, #tpu.memory_space<hbm>>
        tpu.wait_dma2 semaphore(%arg27 : memref<!tpu.dma_semaphore, #tpu.memory_space<semaphore_mem>>) src(%dma_wait3A_724 : memref<128x32xf32, #tpu.memory_space<hbm>>) dst(%dma_wait3A_720 : memref<128x32xf32, #tpu.memory_space<vmem>>)
        %add3A_725 = arith.constant 0 : i32
        %add3A_726 = arith.addi %select_n3A_708, %add3A_725 : i32
        %dma_start3A_727 = arith.constant 0 : i32
        %dma_start3A_728 = arith.constant 0 : i32
        %dma_start3A_729 = tpu.memref_slice %arg11[%scan3A_137, %dma_start3A_727, %dma_start3A_728] : memref<8x128x32xf32, #tpu.memory_space<vmem>> -> memref<1x128x32xf32, #tpu.memory_space<vmem>>
        %dma_start3A_730 = tpu.memref_squeeze %dma_start3A_729 : memref<1x128x32xf32, #tpu.memory_space<vmem>> -> memref<128x32xf32, #tpu.memory_space<vmem>>
        %dma_start3A_731 = arith.constant 0 : i32
        %dma_start3A_732 = tpu.memref_slice %arg9[%add3A_726, %dma_start3A_731] : memref<32x128xi32, #tpu.memory_space<vmem>> -> memref<1x128xi32, #tpu.memory_space<vmem>>
        %dma_start3A_733 = tpu.memref_squeeze %dma_start3A_732 : memref<1x128xi32, #tpu.memory_space<vmem>> -> memref<128xi32, #tpu.memory_space<vmem>>
        %dma_start3A_734 = arith.constant 0 : i32
        %dma_start3A_735 = arith.constant 0 : i32
        %dma_start3A_736 = tpu.memref_slice %arg6[%arg0, %dma_start3A_734, %dma_start3A_735] : memref<2x10000x32xf32, #tpu.memory_space<hbm>> -> memref<1x10000x32xf32, #tpu.memory_space<hbm>>
        %dma_start3A_737 = tpu.memref_squeeze %dma_start3A_736 : memref<1x10000x32xf32, #tpu.memory_space<hbm>> -> memref<10000x32xf32, #tpu.memory_space<hbm>>
        %dma_start3A_738 = arith.constant 0 : i32
        %dma_start3A_739 = arith.constant 0 : i32
        %dma_start3A_740 = tpu.memref_slice %dma_start3A_737[%dma_start3A_738, %dma_start3A_739] : memref<10000x32xf32, #tpu.memory_space<hbm>> -> memref<10000x32xf32, #tpu.memory_space<hbm>>
        tpu.enqueue_indirect_dma source(%dma_start3A_740 : memref<10000x32xf32, #tpu.memory_space<hbm>>) target(%dma_start3A_730 : memref<128x32xf32, #tpu.memory_space<vmem>>) offsets(%dma_start3A_733 : memref<128xi32, #tpu.memory_space<vmem>>) semaphore(%arg19 : memref<!tpu.dma_semaphore, #tpu.memory_space<semaphore_mem>>)
        %dma_wait3A_741 = arith.constant 0 : i32
        %dma_wait3A_742 = arith.constant 0 : i32
        %dma_wait3A_743 = tpu.memref_slice %arg11[%scan3A_138, %dma_wait3A_741, %dma_wait3A_742] : memref<8x128x32xf32, #tpu.memory_space<vmem>> -> memref<1x128x32xf32, #tpu.memory_space<vmem>>
        %dma_wait3A_744 = tpu.memref_squeeze %dma_wait3A_743 : memref<1x128x32xf32, #tpu.memory_space<vmem>> -> memref<128x32xf32, #tpu.memory_space<vmem>>
        %dma_wait3A_745 = arith.constant 0 : i32
        %dma_wait3A_746 = arith.constant 0 : i32
        %dma_wait3A_747 = tpu.memref_slice %arg6[%scan3A_136, %dma_wait3A_745, %dma_wait3A_746] : memref<2x10000x32xf32, #tpu.memory_space<hbm>> -> memref<1x128x32xf32, #tpu.memory_space<hbm>>
        %dma_wait3A_748 = tpu.memref_squeeze %dma_wait3A_747 : memref<1x128x32xf32, #tpu.memory_space<hbm>> -> memref<128x32xf32, #tpu.memory_space<hbm>>
        %dma_wait3A_749 = arith.constant 0 : i32
        %dma_wait3A_750 = arith.constant 0 : i32
        %dma_wait3A_751 = tpu.memref_slice %arg11[%scan3A_138, %dma_wait3A_749, %dma_wait3A_750] : memref<8x128x32xf32, #tpu.memory_space<vmem>> -> memref<1x128x32xf32, #tpu.memory_space<vmem>>
        %dma_wait3A_752 = tpu.memref_squeeze %dma_wait3A_751 : memref<1x128x32xf32, #tpu.memory_space<vmem>> -> memref<128x32xf32, #tpu.memory_space<vmem>>
        %dma_wait3A_753 = arith.constant 0 : i32
        %dma_wait3A_754 = arith.constant 0 : i32
        %dma_wait3A_755 = tpu.memref_slice %arg6[%scan3A_136, %dma_wait3A_753, %dma_wait3A_754] : memref<2x10000x32xf32, #tpu.memory_space<hbm>> -> memref<1x128x32xf32, #tpu.memory_space<hbm>>
        %dma_wait3A_756 = tpu.memref_squeeze %dma_wait3A_755 : memref<1x128x32xf32, #tpu.memory_space<hbm>> -> memref<128x32xf32, #tpu.memory_space<hbm>>
        tpu.wait_dma2 semaphore(%arg28 : memref<!tpu.dma_semaphore, #tpu.memory_space<semaphore_mem>>) src(%dma_wait3A_756 : memref<128x32xf32, #tpu.memory_space<hbm>>) dst(%dma_wait3A_752 : memref<128x32xf32, #tpu.memory_space<vmem>>)
        %add3A_757 = arith.constant 1 : i32
        %add3A_758 = arith.addi %select_n3A_708, %add3A_757 : i32
        %dma_start3A_759 = arith.constant 0 : i32
        %dma_start3A_760 = arith.constant 0 : i32
        %dma_start3A_761 = tpu.memref_slice %arg11[%scan3A_138, %dma_start3A_759, %dma_start3A_760] : memref<8x128x32xf32, #tpu.memory_space<vmem>> -> memref<1x128x32xf32, #tpu.memory_space<vmem>>
        %dma_start3A_762 = tpu.memref_squeeze %dma_start3A_761 : memref<1x128x32xf32, #tpu.memory_space<vmem>> -> memref<128x32xf32, #tpu.memory_space<vmem>>
        %dma_start3A_763 = arith.constant 0 : i32
        %dma_start3A_764 = tpu.memref_slice %arg9[%add3A_758, %dma_start3A_763] : memref<32x128xi32, #tpu.memory_space<vmem>> -> memref<1x128xi32, #tpu.memory_space<vmem>>
        %dma_start3A_765 = tpu.memref_squeeze %dma_start3A_764 : memref<1x128xi32, #tpu.memory_space<vmem>> -> memref<128xi32, #tpu.memory_space<vmem>>
        %dma_start3A_766 = arith.constant 0 : i32
        %dma_start3A_767 = arith.constant 0 : i32
        %dma_start3A_768 = tpu.memref_slice %arg6[%arg0, %dma_start3A_766, %dma_start3A_767] : memref<2x10000x32xf32, #tpu.memory_space<hbm>> -> memref<1x10000x32xf32, #tpu.memory_space<hbm>>
        %dma_start3A_769 = tpu.memref_squeeze %dma_start3A_768 : memref<1x10000x32xf32, #tpu.memory_space<hbm>> -> memref<10000x32xf32, #tpu.memory_space<hbm>>
        %dma_start3A_770 = arith.constant 0 : i32
        %dma_start3A_771 = arith.constant 0 : i32
        %dma_start3A_772 = tpu.memref_slice %dma_start3A_769[%dma_start3A_770, %dma_start3A_771] : memref<10000x32xf32, #tpu.memory_space<hbm>> -> memref<10000x32xf32, #tpu.memory_space<hbm>>
        tpu.enqueue_indirect_dma source(%dma_start3A_772 : memref<10000x32xf32, #tpu.memory_space<hbm>>) target(%dma_start3A_762 : memref<128x32xf32, #tpu.memory_space<vmem>>) offsets(%dma_start3A_765 : memref<128xi32, #tpu.memory_space<vmem>>) semaphore(%arg20 : memref<!tpu.dma_semaphore, #tpu.memory_space<semaphore_mem>>)
        %dma_wait3A_773 = arith.constant 0 : i32
        %dma_wait3A_774 = arith.constant 0 : i32
        %dma_wait3A_775 = tpu.memref_slice %arg11[%scan3A_139, %dma_wait3A_773, %dma_wait3A_774] : memref<8x128x32xf32, #tpu.memory_space<vmem>> -> memref<1x128x32xf32, #tpu.memory_space<vmem>>
        %dma_wait3A_776 = tpu.memref_squeeze %dma_wait3A_775 : memref<1x128x32xf32, #tpu.memory_space<vmem>> -> memref<128x32xf32, #tpu.memory_space<vmem>>
        %dma_wait3A_777 = arith.constant 0 : i32
        %dma_wait3A_778 = arith.constant 0 : i32
        %dma_wait3A_779 = tpu.memref_slice %arg6[%scan3A_136, %dma_wait3A_777, %dma_wait3A_778] : memref<2x10000x32xf32, #tpu.memory_space<hbm>> -> memref<1x128x32xf32, #tpu.memory_space<hbm>>
        %dma_wait3A_780 = tpu.memref_squeeze %dma_wait3A_779 : memref<1x128x32xf32, #tpu.memory_space<hbm>> -> memref<128x32xf32, #tpu.memory_space<hbm>>
        %dma_wait3A_781 = arith.constant 0 : i32
        %dma_wait3A_782 = arith.constant 0 : i32
        %dma_wait3A_783 = tpu.memref_slice %arg11[%scan3A_139, %dma_wait3A_781, %dma_wait3A_782] : memref<8x128x32xf32, #tpu.memory_space<vmem>> -> memref<1x128x32xf32, #tpu.memory_space<vmem>>
        %dma_wait3A_784 = tpu.memref_squeeze %dma_wait3A_783 : memref<1x128x32xf32, #tpu.memory_space<vmem>> -> memref<128x32xf32, #tpu.memory_space<vmem>>
        %dma_wait3A_785 = arith.constant 0 : i32
        %dma_wait3A_786 = arith.constant 0 : i32
        %dma_wait3A_787 = tpu.memref_slice %arg6[%scan3A_136, %dma_wait3A_785, %dma_wait3A_786] : memref<2x10000x32xf32, #tpu.memory_space<hbm>> -> memref<1x128x32xf32, #tpu.memory_space<hbm>>
        %dma_wait3A_788 = tpu.memref_squeeze %dma_wait3A_787 : memref<1x128x32xf32, #tpu.memory_space<hbm>> -> memref<128x32xf32, #tpu.memory_space<hbm>>
        tpu.wait_dma2 semaphore(%arg29 : memref<!tpu.dma_semaphore, #tpu.memory_space<semaphore_mem>>) src(%dma_wait3A_788 : memref<128x32xf32, #tpu.memory_space<hbm>>) dst(%dma_wait3A_784 : memref<128x32xf32, #tpu.memory_space<vmem>>)
        %add3A_789 = arith.constant 2 : i32
        %add3A_790 = arith.addi %select_n3A_708, %add3A_789 : i32
        %dma_start3A_791 = arith.constant 0 : i32
        %dma_start3A_792 = arith.constant 0 : i32
        %dma_start3A_793 = tpu.memref_slice %arg11[%scan3A_139, %dma_start3A_791, %dma_start3A_792] : memref<8x128x32xf32, #tpu.memory_space<vmem>> -> memref<1x128x32xf32, #tpu.memory_space<vmem>>
        %dma_start3A_794 = tpu.memref_squeeze %dma_start3A_793 : memref<1x128x32xf32, #tpu.memory_space<vmem>> -> memref<128x32xf32, #tpu.memory_space<vmem>>
        %dma_start3A_795 = arith.constant 0 : i32
        %dma_start3A_796 = tpu.memref_slice %arg9[%add3A_790, %dma_start3A_795] : memref<32x128xi32, #tpu.memory_space<vmem>> -> memref<1x128xi32, #tpu.memory_space<vmem>>
        %dma_start3A_797 = tpu.memref_squeeze %dma_start3A_796 : memref<1x128xi32, #tpu.memory_space<vmem>> -> memref<128xi32, #tpu.memory_space<vmem>>
        %dma_start3A_798 = arith.constant 0 : i32
        %dma_start3A_799 = arith.constant 0 : i32
        %dma_start3A_800 = tpu.memref_slice %arg6[%arg0, %dma_start3A_798, %dma_start3A_799] : memref<2x10000x32xf32, #tpu.memory_space<hbm>> -> memref<1x10000x32xf32, #tpu.memory_space<hbm>>
        %dma_start3A_801 = tpu.memref_squeeze %dma_start3A_800 : memref<1x10000x32xf32, #tpu.memory_space<hbm>> -> memref<10000x32xf32, #tpu.memory_space<hbm>>
        %dma_start3A_802 = arith.constant 0 : i32
        %dma_start3A_803 = arith.constant 0 : i32
        %dma_start3A_804 = tpu.memref_slice %dma_start3A_801[%dma_start3A_802, %dma_start3A_803] : memref<10000x32xf32, #tpu.memory_space<hbm>> -> memref<10000x32xf32, #tpu.memory_space<hbm>>
        tpu.enqueue_indirect_dma source(%dma_start3A_804 : memref<10000x32xf32, #tpu.memory_space<hbm>>) target(%dma_start3A_794 : memref<128x32xf32, #tpu.memory_space<vmem>>) offsets(%dma_start3A_797 : memref<128xi32, #tpu.memory_space<vmem>>) semaphore(%arg21 : memref<!tpu.dma_semaphore, #tpu.memory_space<semaphore_mem>>)
        %dma_wait3A_805 = arith.constant 0 : i32
        %dma_wait3A_806 = arith.constant 0 : i32
        %dma_wait3A_807 = tpu.memref_slice %arg11[%scan3A_140, %dma_wait3A_805, %dma_wait3A_806] : memref<8x128x32xf32, #tpu.memory_space<vmem>> -> memref<1x128x32xf32, #tpu.memory_space<vmem>>
        %dma_wait3A_808 = tpu.memref_squeeze %dma_wait3A_807 : memref<1x128x32xf32, #tpu.memory_space<vmem>> -> memref<128x32xf32, #tpu.memory_space<vmem>>
        %dma_wait3A_809 = arith.constant 0 : i32
        %dma_wait3A_810 = arith.constant 0 : i32
        %dma_wait3A_811 = tpu.memref_slice %arg6[%scan3A_136, %dma_wait3A_809, %dma_wait3A_810] : memref<2x10000x32xf32, #tpu.memory_space<hbm>> -> memref<1x128x32xf32, #tpu.memory_space<hbm>>
        %dma_wait3A_812 = tpu.memref_squeeze %dma_wait3A_811 : memref<1x128x32xf32, #tpu.memory_space<hbm>> -> memref<128x32xf32, #tpu.memory_space<hbm>>
        %dma_wait3A_813 = arith.constant 0 : i32
        %dma_wait3A_814 = arith.constant 0 : i32
        %dma_wait3A_815 = tpu.memref_slice %arg11[%scan3A_140, %dma_wait3A_813, %dma_wait3A_814] : memref<8x128x32xf32, #tpu.memory_space<vmem>> -> memref<1x128x32xf32, #tpu.memory_space<vmem>>
        %dma_wait3A_816 = tpu.memref_squeeze %dma_wait3A_815 : memref<1x128x32xf32, #tpu.memory_space<vmem>> -> memref<128x32xf32, #tpu.memory_space<vmem>>
        %dma_wait3A_817 = arith.constant 0 : i32
        %dma_wait3A_818 = arith.constant 0 : i32
        %dma_wait3A_819 = tpu.memref_slice %arg6[%scan3A_136, %dma_wait3A_817, %dma_wait3A_818] : memref<2x10000x32xf32, #tpu.memory_space<hbm>> -> memref<1x128x32xf32, #tpu.memory_space<hbm>>
        %dma_wait3A_820 = tpu.memref_squeeze %dma_wait3A_819 : memref<1x128x32xf32, #tpu.memory_space<hbm>> -> memref<128x32xf32, #tpu.memory_space<hbm>>
        tpu.wait_dma2 semaphore(%arg30 : memref<!tpu.dma_semaphore, #tpu.memory_space<semaphore_mem>>) src(%dma_wait3A_820 : memref<128x32xf32, #tpu.memory_space<hbm>>) dst(%dma_wait3A_816 : memref<128x32xf32, #tpu.memory_space<vmem>>)
        %add3A_821 = arith.constant 3 : i32
        %add3A_822 = arith.addi %select_n3A_708, %add3A_821 : i32
        %dma_start3A_823 = arith.constant 0 : i32
        %dma_start3A_824 = arith.constant 0 : i32
        %dma_start3A_825 = tpu.memref_slice %arg11[%scan3A_140, %dma_start3A_823, %dma_start3A_824] : memref<8x128x32xf32, #tpu.memory_space<vmem>> -> memref<1x128x32xf32, #tpu.memory_space<vmem>>
        %dma_start3A_826 = tpu.memref_squeeze %dma_start3A_825 : memref<1x128x32xf32, #tpu.memory_space<vmem>> -> memref<128x32xf32, #tpu.memory_space<vmem>>
        %dma_start3A_827 = arith.constant 0 : i32
        %dma_start3A_828 = tpu.memref_slice %arg9[%add3A_822, %dma_start3A_827] : memref<32x128xi32, #tpu.memory_space<vmem>> -> memref<1x128xi32, #tpu.memory_space<vmem>>
        %dma_start3A_829 = tpu.memref_squeeze %dma_start3A_828 : memref<1x128xi32, #tpu.memory_space<vmem>> -> memref<128xi32, #tpu.memory_space<vmem>>
        %dma_start3A_830 = arith.constant 0 : i32
        %dma_start3A_831 = arith.constant 0 : i32
        %dma_start3A_832 = tpu.memref_slice %arg6[%arg0, %dma_start3A_830, %dma_start3A_831] : memref<2x10000x32xf32, #tpu.memory_space<hbm>> -> memref<1x10000x32xf32, #tpu.memory_space<hbm>>
        %dma_start3A_833 = tpu.memref_squeeze %dma_start3A_832 : memref<1x10000x32xf32, #tpu.memory_space<hbm>> -> memref<10000x32xf32, #tpu.memory_space<hbm>>
        %dma_start3A_834 = arith.constant 0 : i32
        %dma_start3A_835 = arith.constant 0 : i32
        %dma_start3A_836 = tpu.memref_slice %dma_start3A_833[%dma_start3A_834, %dma_start3A_835] : memref<10000x32xf32, #tpu.memory_space<hbm>> -> memref<10000x32xf32, #tpu.memory_space<hbm>>
        tpu.enqueue_indirect_dma source(%dma_start3A_836 : memref<10000x32xf32, #tpu.memory_space<hbm>>) target(%dma_start3A_826 : memref<128x32xf32, #tpu.memory_space<vmem>>) offsets(%dma_start3A_829 : memref<128xi32, #tpu.memory_space<vmem>>) semaphore(%arg22 : memref<!tpu.dma_semaphore, #tpu.memory_space<semaphore_mem>>)
      } else {
      }
      %scan3A_690 = arith.constant 0 : i32
      scf.yield %scan3A_690 : i32
    }
    %scan3A_152 = arith.constant 20 : i32
    %dma_wait3A = arith.constant 0 : i32
    %dma_wait3A_153 = arith.constant 0 : i32
    %dma_wait3A_154 = arith.constant 0 : i32
    %dma_wait3A_155 = arith.constant 0 : i32
    %dma_wait3A_156 = tpu.memref_slice %arg11[%dma_wait3A_153, %dma_wait3A_154, %dma_wait3A_155] : memref<8x128x32xf32, #tpu.memory_space<vmem>> -> memref<1x128x32xf32, #tpu.memory_space<vmem>>
    %dma_wait3A_157 = tpu.memref_squeeze %dma_wait3A_156 : memref<1x128x32xf32, #tpu.memory_space<vmem>> -> memref<128x32xf32, #tpu.memory_space<vmem>>
    %dma_wait3A_158 = arith.constant 0 : i32
    %dma_wait3A_159 = arith.constant 0 : i32
    %dma_wait3A_160 = tpu.memref_slice %arg6[%dma_wait3A, %dma_wait3A_158, %dma_wait3A_159] : memref<2x10000x32xf32, #tpu.memory_space<hbm>> -> memref<1x128x32xf32, #tpu.memory_space<hbm>>
    %dma_wait3A_161 = tpu.memref_squeeze %dma_wait3A_160 : memref<1x128x32xf32, #tpu.memory_space<hbm>> -> memref<128x32xf32, #tpu.memory_space<hbm>>
    %dma_wait3A_162 = arith.constant 0 : i32
    %dma_wait3A_163 = arith.constant 0 : i32
    %dma_wait3A_164 = tpu.memref_slice %arg11[%dma_wait3A_153, %dma_wait3A_162, %dma_wait3A_163] : memref<8x128x32xf32, #tpu.memory_space<vmem>> -> memref<1x128x32xf32, #tpu.memory_space<vmem>>
    %dma_wait3A_165 = tpu.memref_squeeze %dma_wait3A_164 : memref<1x128x32xf32, #tpu.memory_space<vmem>> -> memref<128x32xf32, #tpu.memory_space<vmem>>
    %dma_wait3A_166 = arith.constant 0 : i32
    %dma_wait3A_167 = arith.constant 0 : i32
    %dma_wait3A_168 = tpu.memref_slice %arg6[%dma_wait3A, %dma_wait3A_166, %dma_wait3A_167] : memref<2x10000x32xf32, #tpu.memory_space<hbm>> -> memref<1x128x32xf32, #tpu.memory_space<hbm>>
    %dma_wait3A_169 = tpu.memref_squeeze %dma_wait3A_168 : memref<1x128x32xf32, #tpu.memory_space<hbm>> -> memref<128x32xf32, #tpu.memory_space<hbm>>
    tpu.wait_dma2 semaphore(%arg27 : memref<!tpu.dma_semaphore, #tpu.memory_space<semaphore_mem>>) src(%dma_wait3A_169 : memref<128x32xf32, #tpu.memory_space<hbm>>) dst(%dma_wait3A_165 : memref<128x32xf32, #tpu.memory_space<vmem>>)
    %dma_wait3A_170 = arith.constant 0 : i32
    %dma_wait3A_171 = arith.constant 1 : i32
    %dma_wait3A_172 = arith.constant 0 : i32
    %dma_wait3A_173 = arith.constant 0 : i32
    %dma_wait3A_174 = tpu.memref_slice %arg11[%dma_wait3A_171, %dma_wait3A_172, %dma_wait3A_173] : memref<8x128x32xf32, #tpu.memory_space<vmem>> -> memref<1x128x32xf32, #tpu.memory_space<vmem>>
    %dma_wait3A_175 = tpu.memref_squeeze %dma_wait3A_174 : memref<1x128x32xf32, #tpu.memory_space<vmem>> -> memref<128x32xf32, #tpu.memory_space<vmem>>
    %dma_wait3A_176 = arith.constant 0 : i32
    %dma_wait3A_177 = arith.constant 0 : i32
    %dma_wait3A_178 = tpu.memref_slice %arg6[%dma_wait3A_170, %dma_wait3A_176, %dma_wait3A_177] : memref<2x10000x32xf32, #tpu.memory_space<hbm>> -> memref<1x128x32xf32, #tpu.memory_space<hbm>>
    %dma_wait3A_179 = tpu.memref_squeeze %dma_wait3A_178 : memref<1x128x32xf32, #tpu.memory_space<hbm>> -> memref<128x32xf32, #tpu.memory_space<hbm>>
    %dma_wait3A_180 = arith.constant 0 : i32
    %dma_wait3A_181 = arith.constant 0 : i32
    %dma_wait3A_182 = tpu.memref_slice %arg11[%dma_wait3A_171, %dma_wait3A_180, %dma_wait3A_181] : memref<8x128x32xf32, #tpu.memory_space<vmem>> -> memref<1x128x32xf32, #tpu.memory_space<vmem>>
    %dma_wait3A_183 = tpu.memref_squeeze %dma_wait3A_182 : memref<1x128x32xf32, #tpu.memory_space<vmem>> -> memref<128x32xf32, #tpu.memory_space<vmem>>
    %dma_wait3A_184 = arith.constant 0 : i32
    %dma_wait3A_185 = arith.constant 0 : i32
    %dma_wait3A_186 = tpu.memref_slice %arg6[%dma_wait3A_170, %dma_wait3A_184, %dma_wait3A_185] : memref<2x10000x32xf32, #tpu.memory_space<hbm>> -> memref<1x128x32xf32, #tpu.memory_space<hbm>>
    %dma_wait3A_187 = tpu.memref_squeeze %dma_wait3A_186 : memref<1x128x32xf32, #tpu.memory_space<hbm>> -> memref<128x32xf32, #tpu.memory_space<hbm>>
    tpu.wait_dma2 semaphore(%arg28 : memref<!tpu.dma_semaphore, #tpu.memory_space<semaphore_mem>>) src(%dma_wait3A_187 : memref<128x32xf32, #tpu.memory_space<hbm>>) dst(%dma_wait3A_183 : memref<128x32xf32, #tpu.memory_space<vmem>>)
    %dma_wait3A_188 = arith.constant 0 : i32
    %dma_wait3A_189 = arith.constant 2 : i32
    %dma_wait3A_190 = arith.constant 0 : i32
    %dma_wait3A_191 = arith.constant 0 : i32
    %dma_wait3A_192 = tpu.memref_slice %arg11[%dma_wait3A_189, %dma_wait3A_190, %dma_wait3A_191] : memref<8x128x32xf32, #tpu.memory_space<vmem>> -> memref<1x128x32xf32, #tpu.memory_space<vmem>>
    %dma_wait3A_193 = tpu.memref_squeeze %dma_wait3A_192 : memref<1x128x32xf32, #tpu.memory_space<vmem>> -> memref<128x32xf32, #tpu.memory_space<vmem>>
    %dma_wait3A_194 = arith.constant 0 : i32
    %dma_wait3A_195 = arith.constant 0 : i32
    %dma_wait3A_196 = tpu.memref_slice %arg6[%dma_wait3A_188, %dma_wait3A_194, %dma_wait3A_195] : memref<2x10000x32xf32, #tpu.memory_space<hbm>> -> memref<1x128x32xf32, #tpu.memory_space<hbm>>
    %dma_wait3A_197 = tpu.memref_squeeze %dma_wait3A_196 : memref<1x128x32xf32, #tpu.memory_space<hbm>> -> memref<128x32xf32, #tpu.memory_space<hbm>>
    %dma_wait3A_198 = arith.constant 0 : i32
    %dma_wait3A_199 = arith.constant 0 : i32
    %dma_wait3A_200 = tpu.memref_slice %arg11[%dma_wait3A_189, %dma_wait3A_198, %dma_wait3A_199] : memref<8x128x32xf32, #tpu.memory_space<vmem>> -> memref<1x128x32xf32, #tpu.memory_space<vmem>>
    %dma_wait3A_201 = tpu.memref_squeeze %dma_wait3A_200 : memref<1x128x32xf32, #tpu.memory_space<vmem>> -> memref<128x32xf32, #tpu.memory_space<vmem>>
    %dma_wait3A_202 = arith.constant 0 : i32
    %dma_wait3A_203 = arith.constant 0 : i32
    %dma_wait3A_204 = tpu.memref_slice %arg6[%dma_wait3A_188, %dma_wait3A_202, %dma_wait3A_203] : memref<2x10000x32xf32, #tpu.memory_space<hbm>> -> memref<1x128x32xf32, #tpu.memory_space<hbm>>
    %dma_wait3A_205 = tpu.memref_squeeze %dma_wait3A_204 : memref<1x128x32xf32, #tpu.memory_space<hbm>> -> memref<128x32xf32, #tpu.memory_space<hbm>>
    tpu.wait_dma2 semaphore(%arg29 : memref<!tpu.dma_semaphore, #tpu.memory_space<semaphore_mem>>) src(%dma_wait3A_205 : memref<128x32xf32, #tpu.memory_space<hbm>>) dst(%dma_wait3A_201 : memref<128x32xf32, #tpu.memory_space<vmem>>)
    %dma_wait3A_206 = arith.constant 0 : i32
    %dma_wait3A_207 = arith.constant 3 : i32
    %dma_wait3A_208 = arith.constant 0 : i32
    %dma_wait3A_209 = arith.constant 0 : i32
    %dma_wait3A_210 = tpu.memref_slice %arg11[%dma_wait3A_207, %dma_wait3A_208, %dma_wait3A_209] : memref<8x128x32xf32, #tpu.memory_space<vmem>> -> memref<1x128x32xf32, #tpu.memory_space<vmem>>
    %dma_wait3A_211 = tpu.memref_squeeze %dma_wait3A_210 : memref<1x128x32xf32, #tpu.memory_space<vmem>> -> memref<128x32xf32, #tpu.memory_space<vmem>>
    %dma_wait3A_212 = arith.constant 0 : i32
    %dma_wait3A_213 = arith.constant 0 : i32
    %dma_wait3A_214 = tpu.memref_slice %arg6[%dma_wait3A_206, %dma_wait3A_212, %dma_wait3A_213] : memref<2x10000x32xf32, #tpu.memory_space<hbm>> -> memref<1x128x32xf32, #tpu.memory_space<hbm>>
    %dma_wait3A_215 = tpu.memref_squeeze %dma_wait3A_214 : memref<1x128x32xf32, #tpu.memory_space<hbm>> -> memref<128x32xf32, #tpu.memory_space<hbm>>
    %dma_wait3A_216 = arith.constant 0 : i32
    %dma_wait3A_217 = arith.constant 0 : i32
    %dma_wait3A_218 = tpu.memref_slice %arg11[%dma_wait3A_207, %dma_wait3A_216, %dma_wait3A_217] : memref<8x128x32xf32, #tpu.memory_space<vmem>> -> memref<1x128x32xf32, #tpu.memory_space<vmem>>
    %dma_wait3A_219 = tpu.memref_squeeze %dma_wait3A_218 : memref<1x128x32xf32, #tpu.memory_space<vmem>> -> memref<128x32xf32, #tpu.memory_space<vmem>>
    %dma_wait3A_220 = arith.constant 0 : i32
    %dma_wait3A_221 = arith.constant 0 : i32
    %dma_wait3A_222 = tpu.memref_slice %arg6[%dma_wait3A_206, %dma_wait3A_220, %dma_wait3A_221] : memref<2x10000x32xf32, #tpu.memory_space<hbm>> -> memref<1x128x32xf32, #tpu.memory_space<hbm>>
    %dma_wait3A_223 = tpu.memref_squeeze %dma_wait3A_222 : memref<1x128x32xf32, #tpu.memory_space<hbm>> -> memref<128x32xf32, #tpu.memory_space<hbm>>
    tpu.wait_dma2 semaphore(%arg30 : memref<!tpu.dma_semaphore, #tpu.memory_space<semaphore_mem>>) src(%dma_wait3A_223 : memref<128x32xf32, #tpu.memory_space<hbm>>) dst(%dma_wait3A_219 : memref<128x32xf32, #tpu.memory_space<vmem>>)
    %dma_wait3A_224 = arith.constant 0 : i32
    %dma_wait3A_225 = arith.constant 4 : i32
    %dma_wait3A_226 = arith.constant 0 : i32
    %dma_wait3A_227 = arith.constant 0 : i32
    %dma_wait3A_228 = tpu.memref_slice %arg11[%dma_wait3A_225, %dma_wait3A_226, %dma_wait3A_227] : memref<8x128x32xf32, #tpu.memory_space<vmem>> -> memref<1x128x32xf32, #tpu.memory_space<vmem>>
    %dma_wait3A_229 = tpu.memref_squeeze %dma_wait3A_228 : memref<1x128x32xf32, #tpu.memory_space<vmem>> -> memref<128x32xf32, #tpu.memory_space<vmem>>
    %dma_wait3A_230 = arith.constant 0 : i32
    %dma_wait3A_231 = arith.constant 0 : i32
    %dma_wait3A_232 = tpu.memref_slice %arg6[%dma_wait3A_224, %dma_wait3A_230, %dma_wait3A_231] : memref<2x10000x32xf32, #tpu.memory_space<hbm>> -> memref<1x128x32xf32, #tpu.memory_space<hbm>>
    %dma_wait3A_233 = tpu.memref_squeeze %dma_wait3A_232 : memref<1x128x32xf32, #tpu.memory_space<hbm>> -> memref<128x32xf32, #tpu.memory_space<hbm>>
    %dma_wait3A_234 = arith.constant 0 : i32
    %dma_wait3A_235 = arith.constant 0 : i32
    %dma_wait3A_236 = tpu.memref_slice %arg11[%dma_wait3A_225, %dma_wait3A_234, %dma_wait3A_235] : memref<8x128x32xf32, #tpu.memory_space<vmem>> -> memref<1x128x32xf32, #tpu.memory_space<vmem>>
    %dma_wait3A_237 = tpu.memref_squeeze %dma_wait3A_236 : memref<1x128x32xf32, #tpu.memory_space<vmem>> -> memref<128x32xf32, #tpu.memory_space<vmem>>
    %dma_wait3A_238 = arith.constant 0 : i32
    %dma_wait3A_239 = arith.constant 0 : i32
    %dma_wait3A_240 = tpu.memref_slice %arg6[%dma_wait3A_224, %dma_wait3A_238, %dma_wait3A_239] : memref<2x10000x32xf32, #tpu.memory_space<hbm>> -> memref<1x128x32xf32, #tpu.memory_space<hbm>>
    %dma_wait3A_241 = tpu.memref_squeeze %dma_wait3A_240 : memref<1x128x32xf32, #tpu.memory_space<hbm>> -> memref<128x32xf32, #tpu.memory_space<hbm>>
    tpu.wait_dma2 semaphore(%arg31 : memref<!tpu.dma_semaphore, #tpu.memory_space<semaphore_mem>>) src(%dma_wait3A_241 : memref<128x32xf32, #tpu.memory_space<hbm>>) dst(%dma_wait3A_237 : memref<128x32xf32, #tpu.memory_space<vmem>>)
    %dma_wait3A_242 = arith.constant 0 : i32
    %dma_wait3A_243 = arith.constant 5 : i32
    %dma_wait3A_244 = arith.constant 0 : i32
    %dma_wait3A_245 = arith.constant 0 : i32
    %dma_wait3A_246 = tpu.memref_slice %arg11[%dma_wait3A_243, %dma_wait3A_244, %dma_wait3A_245] : memref<8x128x32xf32, #tpu.memory_space<vmem>> -> memref<1x128x32xf32, #tpu.memory_space<vmem>>
    %dma_wait3A_247 = tpu.memref_squeeze %dma_wait3A_246 : memref<1x128x32xf32, #tpu.memory_space<vmem>> -> memref<128x32xf32, #tpu.memory_space<vmem>>
    %dma_wait3A_248 = arith.constant 0 : i32
    %dma_wait3A_249 = arith.constant 0 : i32
    %dma_wait3A_250 = tpu.memref_slice %arg6[%dma_wait3A_242, %dma_wait3A_248, %dma_wait3A_249] : memref<2x10000x32xf32, #tpu.memory_space<hbm>> -> memref<1x128x32xf32, #tpu.memory_space<hbm>>
    %dma_wait3A_251 = tpu.memref_squeeze %dma_wait3A_250 : memref<1x128x32xf32, #tpu.memory_space<hbm>> -> memref<128x32xf32, #tpu.memory_space<hbm>>
    %dma_wait3A_252 = arith.constant 0 : i32
    %dma_wait3A_253 = arith.constant 0 : i32
    %dma_wait3A_254 = tpu.memref_slice %arg11[%dma_wait3A_243, %dma_wait3A_252, %dma_wait3A_253] : memref<8x128x32xf32, #tpu.memory_space<vmem>> -> memref<1x128x32xf32, #tpu.memory_space<vmem>>
    %dma_wait3A_255 = tpu.memref_squeeze %dma_wait3A_254 : memref<1x128x32xf32, #tpu.memory_space<vmem>> -> memref<128x32xf32, #tpu.memory_space<vmem>>
    %dma_wait3A_256 = arith.constant 0 : i32
    %dma_wait3A_257 = arith.constant 0 : i32
    %dma_wait3A_258 = tpu.memref_slice %arg6[%dma_wait3A_242, %dma_wait3A_256, %dma_wait3A_257] : memref<2x10000x32xf32, #tpu.memory_space<hbm>> -> memref<1x128x32xf32, #tpu.memory_space<hbm>>
    %dma_wait3A_259 = tpu.memref_squeeze %dma_wait3A_258 : memref<1x128x32xf32, #tpu.memory_space<hbm>> -> memref<128x32xf32, #tpu.memory_space<hbm>>
    tpu.wait_dma2 semaphore(%arg32 : memref<!tpu.dma_semaphore, #tpu.memory_space<semaphore_mem>>) src(%dma_wait3A_259 : memref<128x32xf32, #tpu.memory_space<hbm>>) dst(%dma_wait3A_255 : memref<128x32xf32, #tpu.memory_space<vmem>>)
    %dma_wait3A_260 = arith.constant 0 : i32
    %dma_wait3A_261 = arith.constant 6 : i32
    %dma_wait3A_262 = arith.constant 0 : i32
    %dma_wait3A_263 = arith.constant 0 : i32
    %dma_wait3A_264 = tpu.memref_slice %arg11[%dma_wait3A_261, %dma_wait3A_262, %dma_wait3A_263] : memref<8x128x32xf32, #tpu.memory_space<vmem>> -> memref<1x128x32xf32, #tpu.memory_space<vmem>>
    %dma_wait3A_265 = tpu.memref_squeeze %dma_wait3A_264 : memref<1x128x32xf32, #tpu.memory_space<vmem>> -> memref<128x32xf32, #tpu.memory_space<vmem>>
    %dma_wait3A_266 = arith.constant 0 : i32
    %dma_wait3A_267 = arith.constant 0 : i32
    %dma_wait3A_268 = tpu.memref_slice %arg6[%dma_wait3A_260, %dma_wait3A_266, %dma_wait3A_267] : memref<2x10000x32xf32, #tpu.memory_space<hbm>> -> memref<1x128x32xf32, #tpu.memory_space<hbm>>
    %dma_wait3A_269 = tpu.memref_squeeze %dma_wait3A_268 : memref<1x128x32xf32, #tpu.memory_space<hbm>> -> memref<128x32xf32, #tpu.memory_space<hbm>>
    %dma_wait3A_270 = arith.constant 0 : i32
    %dma_wait3A_271 = arith.constant 0 : i32
    %dma_wait3A_272 = tpu.memref_slice %arg11[%dma_wait3A_261, %dma_wait3A_270, %dma_wait3A_271] : memref<8x128x32xf32, #tpu.memory_space<vmem>> -> memref<1x128x32xf32, #tpu.memory_space<vmem>>
    %dma_wait3A_273 = tpu.memref_squeeze %dma_wait3A_272 : memref<1x128x32xf32, #tpu.memory_space<vmem>> -> memref<128x32xf32, #tpu.memory_space<vmem>>
    %dma_wait3A_274 = arith.constant 0 : i32
    %dma_wait3A_275 = arith.constant 0 : i32
    %dma_wait3A_276 = tpu.memref_slice %arg6[%dma_wait3A_260, %dma_wait3A_274, %dma_wait3A_275] : memref<2x10000x32xf32, #tpu.memory_space<hbm>> -> memref<1x128x32xf32, #tpu.memory_space<hbm>>
    %dma_wait3A_277 = tpu.memref_squeeze %dma_wait3A_276 : memref<1x128x32xf32, #tpu.memory_space<hbm>> -> memref<128x32xf32, #tpu.memory_space<hbm>>
    tpu.wait_dma2 semaphore(%arg33 : memref<!tpu.dma_semaphore, #tpu.memory_space<semaphore_mem>>) src(%dma_wait3A_277 : memref<128x32xf32, #tpu.memory_space<hbm>>) dst(%dma_wait3A_273 : memref<128x32xf32, #tpu.memory_space<vmem>>)
    %dma_wait3A_278 = arith.constant 0 : i32
    %dma_wait3A_279 = arith.constant 7 : i32
    %dma_wait3A_280 = arith.constant 0 : i32
    %dma_wait3A_281 = arith.constant 0 : i32
    %dma_wait3A_282 = tpu.memref_slice %arg11[%dma_wait3A_279, %dma_wait3A_280, %dma_wait3A_281] : memref<8x128x32xf32, #tpu.memory_space<vmem>> -> memref<1x128x32xf32, #tpu.memory_space<vmem>>
    %dma_wait3A_283 = tpu.memref_squeeze %dma_wait3A_282 : memref<1x128x32xf32, #tpu.memory_space<vmem>> -> memref<128x32xf32, #tpu.memory_space<vmem>>
    %dma_wait3A_284 = arith.constant 0 : i32
    %dma_wait3A_285 = arith.constant 0 : i32
    %dma_wait3A_286 = tpu.memref_slice %arg6[%dma_wait3A_278, %dma_wait3A_284, %dma_wait3A_285] : memref<2x10000x32xf32, #tpu.memory_space<hbm>> -> memref<1x128x32xf32, #tpu.memory_space<hbm>>
    %dma_wait3A_287 = tpu.memref_squeeze %dma_wait3A_286 : memref<1x128x32xf32, #tpu.memory_space<hbm>> -> memref<128x32xf32, #tpu.memory_space<hbm>>
    %dma_wait3A_288 = arith.constant 0 : i32
    %dma_wait3A_289 = arith.constant 0 : i32
    %dma_wait3A_290 = tpu.memref_slice %arg11[%dma_wait3A_279, %dma_wait3A_288, %dma_wait3A_289] : memref<8x128x32xf32, #tpu.memory_space<vmem>> -> memref<1x128x32xf32, #tpu.memory_space<vmem>>
    %dma_wait3A_291 = tpu.memref_squeeze %dma_wait3A_290 : memref<1x128x32xf32, #tpu.memory_space<vmem>> -> memref<128x32xf32, #tpu.memory_space<vmem>>
    %dma_wait3A_292 = arith.constant 0 : i32
    %dma_wait3A_293 = arith.constant 0 : i32
    %dma_wait3A_294 = tpu.memref_slice %arg6[%dma_wait3A_278, %dma_wait3A_292, %dma_wait3A_293] : memref<2x10000x32xf32, #tpu.memory_space<hbm>> -> memref<1x128x32xf32, #tpu.memory_space<hbm>>
    %dma_wait3A_295 = tpu.memref_squeeze %dma_wait3A_294 : memref<1x128x32xf32, #tpu.memory_space<hbm>> -> memref<128x32xf32, #tpu.memory_space<hbm>>
    tpu.wait_dma2 semaphore(%arg34 : memref<!tpu.dma_semaphore, #tpu.memory_space<semaphore_mem>>) src(%dma_wait3A_295 : memref<128x32xf32, #tpu.memory_space<hbm>>) dst(%dma_wait3A_291 : memref<128x32xf32, #tpu.memory_space<vmem>>)
    %barrier3A_296 = arith.constant 0 : index
    tpu.barrier barrier_id(%barrier3A_296)
    %mul3A_297 = arith.constant 625 : i32
    %mul3A_298 = arith.muli %arg1, %mul3A_297 : i32
    %mul3A_299 = arith.constant 625 : i32
    %mul3A_300 = arith.muli %arg1, %mul3A_299 : i32
    %mul3A_301 = arith.constant 32 : i32
    %mul3A_302 = arith.muli %arg0, %mul3A_301 : i32
    "tpu.region"() ({
      %run_scoped3A = tpu.sem_alloc : memref<!tpu.dma_semaphore, #tpu.memory_space<semaphore_mem>>
      %dma_start3A_318 = tpu.memref_slice %arg7[%mul3A_300, %mul3A_302] : memref<10000x64xf32, #tpu.memory_space<hbm>> -> memref<625x32xf32, #tpu.memory_space<hbm>>
      %dma_start3A_319 = arith.constant 0 : i32
      %dma_start3A_320 = tpu.memref_slice %arg17[%mul3A_298, %dma_start3A_319] : memref<10016x32xf32, #tpu.memory_space<vmem_shared>> -> memref<625x32xf32, #tpu.memory_space<vmem_shared>>
      tpu.enqueue_dma source(%dma_start3A_320 : memref<625x32xf32, #tpu.memory_space<vmem_shared>>) target(%dma_start3A_318 : memref<625x32xf32, #tpu.memory_space<hbm>>) target_semaphore(%run_scoped3A : memref<!tpu.dma_semaphore, #tpu.memory_space<semaphore_mem>>)
      %dma_wait3A_321 = tpu.memref_slice %arg7[%mul3A_300, %mul3A_302] : memref<10000x64xf32, #tpu.memory_space<hbm>> -> memref<625x32xf32, #tpu.memory_space<hbm>>
      %dma_wait3A_322 = arith.constant 0 : i32
      %dma_wait3A_323 = tpu.memref_slice %arg17[%mul3A_298, %dma_wait3A_322] : memref<10016x32xf32, #tpu.memory_space<vmem_shared>> -> memref<625x32xf32, #tpu.memory_space<vmem_shared>>
      tpu.wait_dma2 semaphore(%run_scoped3A : memref<!tpu.dma_semaphore, #tpu.memory_space<semaphore_mem>>) src(%dma_wait3A_323 : memref<625x32xf32, #tpu.memory_space<vmem_shared>>) dst(%dma_wait3A_321 : memref<625x32xf32, #tpu.memory_space<hbm>>)
      tpu.yield
    }) : () -> ()
    %eq3A_303 = arith.constant 0 : i32
    %eq3A_304 = arith.cmpi eq, %arg0, %eq3A_303 : i32
    %eq3A_305 = arith.constant 0 : i32
    %eq3A_306 = arith.cmpi eq, %arg1, %eq3A_305 : i32
    %and3A = arith.andi %eq3A_304, %eq3A_306 : i1
    %convert_element_type3A_307 = arith.extui %and3A : i1 to i32
    %cond3A_308 = arith.constant 0 : i32
    %cond3A_309 = arith.cmpi ne, %convert_element_type3A_307, %cond3A_308 : i32
    scf.if %cond3A_309 {
      %run_scoped3A = arith.constant 0 : i32
      "tpu.region"() ({
        %run_scoped3A_318 = tpu.sem_alloc : memref<!tpu.dma_semaphore, #tpu.memory_space<semaphore_mem>>
        %dma_start3A_319 = arith.constant 0 : i32
        %dma_start3A_320 = tpu.memref_slice %arg8[%run_scoped3A, %dma_start3A_319] : memref<2x10016xf32, #tpu.memory_space<hbm>> -> memref<1x10016xf32, #tpu.memory_space<hbm>>
        %dma_start3A_321 = tpu.memref_squeeze %dma_start3A_320 : memref<1x10016xf32, #tpu.memory_space<hbm>> -> memref<10016xf32, #tpu.memory_space<hbm>>
        tpu.enqueue_dma source(%arg18 : memref<10016xf32, #tpu.memory_space<vmem_shared>>) target(%dma_start3A_321 : memref<10016xf32, #tpu.memory_space<hbm>>) target_semaphore(%run_scoped3A_318 : memref<!tpu.dma_semaphore, #tpu.memory_space<semaphore_mem>>)
        %dma_wait3A_322 = arith.constant 0 : i32
        %dma_wait3A_323 = tpu.memref_slice %arg8[%run_scoped3A, %dma_wait3A_322] : memref<2x10016xf32, #tpu.memory_space<hbm>> -> memref<1x10016xf32, #tpu.memory_space<hbm>>
        %dma_wait3A_324 = tpu.memref_squeeze %dma_wait3A_323 : memref<1x10016xf32, #tpu.memory_space<hbm>> -> memref<10016xf32, #tpu.memory_space<hbm>>
        tpu.wait_dma2 semaphore(%run_scoped3A_318 : memref<!tpu.dma_semaphore, #tpu.memory_space<semaphore_mem>>) src(%arg18 : memref<10016xf32, #tpu.memory_space<vmem_shared>>) dst(%dma_wait3A_324 : memref<10016xf32, #tpu.memory_space<hbm>>)
        tpu.yield
      }) : () -> ()
    } else {
    }
    %eq3A_310 = arith.constant 1 : i32
    %eq3A_311 = arith.cmpi eq, %arg0, %eq3A_310 : i32
    %eq3A_312 = arith.constant 0 : i32
    %eq3A_313 = arith.cmpi eq, %arg1, %eq3A_312 : i32
    %and3A_314 = arith.andi %eq3A_311, %eq3A_313 : i1
    %convert_element_type3A_315 = arith.extui %and3A_314 : i1 to i32
    %cond3A_316 = arith.constant 0 : i32
    %cond3A_317 = arith.cmpi ne, %convert_element_type3A_315, %cond3A_316 : i32
    scf.if %cond3A_317 {
      %run_scoped3A = arith.constant 1 : i32
      "tpu.region"() ({
        %run_scoped3A_318 = tpu.sem_alloc : memref<!tpu.dma_semaphore, #tpu.memory_space<semaphore_mem>>
        %dma_start3A_319 = arith.constant 0 : i32
        %dma_start3A_320 = tpu.memref_slice %arg8[%run_scoped3A, %dma_start3A_319] : memref<2x10016xf32, #tpu.memory_space<hbm>> -> memref<1x10016xf32, #tpu.memory_space<hbm>>
        %dma_start3A_321 = tpu.memref_squeeze %dma_start3A_320 : memref<1x10016xf32, #tpu.memory_space<hbm>> -> memref<10016xf32, #tpu.memory_space<hbm>>
        tpu.enqueue_dma source(%arg18 : memref<10016xf32, #tpu.memory_space<vmem_shared>>) target(%dma_start3A_321 : memref<10016xf32, #tpu.memory_space<hbm>>) target_semaphore(%run_scoped3A_318 : memref<!tpu.dma_semaphore, #tpu.memory_space<semaphore_mem>>)
        %dma_wait3A_322 = arith.constant 0 : i32
        %dma_wait3A_323 = tpu.memref_slice %arg8[%run_scoped3A, %dma_wait3A_322] : memref<2x10016xf32, #tpu.memory_space<hbm>> -> memref<1x10016xf32, #tpu.memory_space<hbm>>
        %dma_wait3A_324 = tpu.memref_squeeze %dma_wait3A_323 : memref<1x10016xf32, #tpu.memory_space<hbm>> -> memref<10016xf32, #tpu.memory_space<hbm>>
        tpu.wait_dma2 semaphore(%run_scoped3A_318 : memref<!tpu.dma_semaphore, #tpu.memory_space<semaphore_mem>>) src(%arg18 : memref<10016xf32, #tpu.memory_space<vmem_shared>>) dst(%dma_wait3A_324 : memref<10016xf32, #tpu.memory_space<hbm>>)
        tpu.yield
      }) : () -> ()
    } else {
    }
    return
  }
}

#map = affine_map<(d0, d1) -> (0, 0, 0)>
#map1 = affine_map<(d0, d1) -> (0, 0)>
module attributes {stable_mosaic.version = 14 : i64} {
  func.func @_k1(%arg0: i32, %arg1: i32, %arg2: memref<2x10000x64xf32, #tpu.memory_space<hbm>>, %arg3: memref<2560x128xi32, #tpu.memory_space<hbm>>, %arg4: memref<2560x128xi32, #tpu.memory_space<hbm>>, %arg5: memref<10000x128xf32, #tpu.memory_space<hbm>>, %arg6: memref<32x128xi32, #tpu.memory_space<vmem>>, %arg7: memref<32x128xi32, #tpu.memory_space<vmem>>, %arg8: memref<8x128x64xf32, #tpu.memory_space<vmem>>, %arg9: memref<64x64xf32, #tpu.memory_space<vmem>>, %arg10: memref<10016x64xf32, #tpu.memory_space<vmem_shared>>, %arg11: memref<!tpu.dma_semaphore, #tpu.memory_space<semaphore_mem>>, %arg12: memref<!tpu.dma_semaphore, #tpu.memory_space<semaphore_mem>>, %arg13: memref<!tpu.dma_semaphore, #tpu.memory_space<semaphore_mem>>, %arg14: memref<!tpu.dma_semaphore, #tpu.memory_space<semaphore_mem>>, %arg15: memref<!tpu.dma_semaphore, #tpu.memory_space<semaphore_mem>>, %arg16: memref<!tpu.dma_semaphore, #tpu.memory_space<semaphore_mem>>, %arg17: memref<!tpu.dma_semaphore, #tpu.memory_space<semaphore_mem>>, %arg18: memref<!tpu.dma_semaphore, #tpu.memory_space<semaphore_mem>>, %arg19: memref<!tpu.dma_semaphore, #tpu.memory_space<semaphore_mem>>, %arg20: memref<!tpu.dma_semaphore, #tpu.memory_space<semaphore_mem>>, %arg21: memref<!tpu.dma_semaphore, #tpu.memory_space<semaphore_mem>>, %arg22: memref<!tpu.dma_semaphore, #tpu.memory_space<semaphore_mem>>, %arg23: memref<!tpu.dma_semaphore, #tpu.memory_space<semaphore_mem>>, %arg24: memref<!tpu.dma_semaphore, #tpu.memory_space<semaphore_mem>>, %arg25: memref<!tpu.dma_semaphore, #tpu.memory_space<semaphore_mem>>, %arg26: memref<!tpu.dma_semaphore, #tpu.memory_space<semaphore_mem>>) attributes {dimension_semantics = [#tpu.dimension_semantics<core_parallel>, #tpu.dimension_semantics<subcore_parallel>], iteration_bounds = array<i64: 2, 16>, scalar_prefetch = 0 : i64, scratch_operands = 21 : i64, tpu.core_type = #tpu.core_type<sc_vector_subcore>, window_params = [{transform_indices = #map}, {transform_indices = #map1}, {transform_indices = #map1}, {transform_indices = #map1}]} {
    %scan3A = arith.constant 0 : i32
    %scan3A_0 = arith.constant 0 : i32
    %scan3A_1 = arith.constant 64 : i32
    %scan3A_2 = arith.addi %scan3A_0, %scan3A_1 : i32
    %scan3A_3 = arith.constant 1 : i32
    %scan3A_4 = scf.for %scan3A_259 = %scan3A_0 to %scan3A_2 step %scan3A_3 iter_args(%scan3A_260 = %scan3A) -> (i32)  : i32 {
      %broadcast_in_dim3A = arith.constant 0.000000e+00 : f32
      %broadcast_in_dim3A_261 = vector.broadcast %broadcast_in_dim3A : f32 to vector<16xf32>
      %swap3A = arith.index_cast %scan3A_259 : i32 to index
      %swap3A_262 = arith.constant 0 : index
      %swap3A_263 = tpu.vector_load %arg9[%swap3A, %swap3A_262] {strides = array<i32>} : memref<64x64xf32, #tpu.memory_space<vmem>>, vector<1x16xf32>,
      %swap3A_264 = vector.shape_cast %swap3A_263 : vector<1x16xf32> to vector<16xf32>
      %swap3A_265 = vector.shape_cast %broadcast_in_dim3A_261 : vector<16xf32> to vector<1x16xf32>
      tpu.vector_store %arg9[%swap3A, %swap3A_262], %swap3A_265 {strides = array<i32>} : memref<64x64xf32, #tpu.memory_space<vmem>>, vector<1x16xf32>,
      %broadcast_in_dim3A_266 = arith.constant 0.000000e+00 : f32
      %broadcast_in_dim3A_267 = vector.broadcast %broadcast_in_dim3A_266 : f32 to vector<16xf32>
      %swap3A_268 = arith.index_cast %scan3A_259 : i32 to index
      %swap3A_269 = arith.constant 16 : index
      %swap3A_270 = tpu.vector_load %arg9[%swap3A_268, %swap3A_269] {strides = array<i32>} : memref<64x64xf32, #tpu.memory_space<vmem>>, vector<1x16xf32>,
      %swap3A_271 = vector.shape_cast %swap3A_270 : vector<1x16xf32> to vector<16xf32>
      %swap3A_272 = vector.shape_cast %broadcast_in_dim3A_267 : vector<16xf32> to vector<1x16xf32>
      tpu.vector_store %arg9[%swap3A_268, %swap3A_269], %swap3A_272 {strides = array<i32>} : memref<64x64xf32, #tpu.memory_space<vmem>>, vector<1x16xf32>,
      %broadcast_in_dim3A_273 = arith.constant 0.000000e+00 : f32
      %broadcast_in_dim3A_274 = vector.broadcast %broadcast_in_dim3A_273 : f32 to vector<16xf32>
      %swap3A_275 = arith.index_cast %scan3A_259 : i32 to index
      %swap3A_276 = arith.constant 32 : index
      %swap3A_277 = tpu.vector_load %arg9[%swap3A_275, %swap3A_276] {strides = array<i32>} : memref<64x64xf32, #tpu.memory_space<vmem>>, vector<1x16xf32>,
      %swap3A_278 = vector.shape_cast %swap3A_277 : vector<1x16xf32> to vector<16xf32>
      %swap3A_279 = vector.shape_cast %broadcast_in_dim3A_274 : vector<16xf32> to vector<1x16xf32>
      tpu.vector_store %arg9[%swap3A_275, %swap3A_276], %swap3A_279 {strides = array<i32>} : memref<64x64xf32, #tpu.memory_space<vmem>>, vector<1x16xf32>,
      %broadcast_in_dim3A_280 = arith.constant 0.000000e+00 : f32
      %broadcast_in_dim3A_281 = vector.broadcast %broadcast_in_dim3A_280 : f32 to vector<16xf32>
      %swap3A_282 = arith.index_cast %scan3A_259 : i32 to index
      %swap3A_283 = arith.constant 48 : index
      %swap3A_284 = tpu.vector_load %arg9[%swap3A_282, %swap3A_283] {strides = array<i32>} : memref<64x64xf32, #tpu.memory_space<vmem>>, vector<1x16xf32>,
      %swap3A_285 = vector.shape_cast %swap3A_284 : vector<1x16xf32> to vector<16xf32>
      %swap3A_286 = vector.shape_cast %broadcast_in_dim3A_281 : vector<16xf32> to vector<1x16xf32>
      tpu.vector_store %arg9[%swap3A_282, %swap3A_283], %swap3A_286 {strides = array<i32>} : memref<64x64xf32, #tpu.memory_space<vmem>>, vector<1x16xf32>,
      %scan3A_287 = arith.constant 0 : i32
      scf.yield %scan3A_287 : i32
    }
    %scan3A_5 = arith.constant 64 : i32
    %mul3A = arith.constant 626 : i32
    %mul3A_6 = arith.muli %arg1, %mul3A : i32
    %add3A = arith.constant 0 : i32
    %add3A_7 = arith.addi %mul3A_6, %add3A : i32
    "tpu.region"() ({
      %run_scoped3A = tpu.sem_alloc : memref<!tpu.dma_semaphore, #tpu.memory_space<semaphore_mem>>
      %dma_start3A_259 = arith.constant 0 : i32
      %dma_start3A_260 = tpu.memref_slice %arg10[%add3A_7, %dma_start3A_259] : memref<10016x64xf32, #tpu.memory_space<vmem_shared>> -> memref<64x64xf32, #tpu.memory_space<vmem_shared>>
      %dma_start3A_261 = arith.constant 0 : i32
      %dma_start3A_262 = tpu.memref_slice %arg10[%add3A_7, %dma_start3A_261] : memref<10016x64xf32, #tpu.memory_space<vmem_shared>> -> memref<64x64xf32, #tpu.memory_space<vmem_shared>>
      tpu.enqueue_dma source(%arg9 : memref<64x64xf32, #tpu.memory_space<vmem>>) target(%dma_start3A_262 : memref<64x64xf32, #tpu.memory_space<vmem_shared>>) target_semaphore(%run_scoped3A : memref<!tpu.dma_semaphore, #tpu.memory_space<semaphore_mem>>)
      %dma_wait3A_263 = arith.constant 0 : i32
      %dma_wait3A_264 = tpu.memref_slice %arg10[%add3A_7, %dma_wait3A_263] : memref<10016x64xf32, #tpu.memory_space<vmem_shared>> -> memref<64x64xf32, #tpu.memory_space<vmem_shared>>
      %dma_wait3A_265 = arith.constant 0 : i32
      %dma_wait3A_266 = tpu.memref_slice %arg10[%add3A_7, %dma_wait3A_265] : memref<10016x64xf32, #tpu.memory_space<vmem_shared>> -> memref<64x64xf32, #tpu.memory_space<vmem_shared>>
      tpu.wait_dma2 semaphore(%run_scoped3A : memref<!tpu.dma_semaphore, #tpu.memory_space<semaphore_mem>>) src(%arg9 : memref<64x64xf32, #tpu.memory_space<vmem>>) dst(%dma_wait3A_266 : memref<64x64xf32, #tpu.memory_space<vmem_shared>>)
      tpu.yield
    }) : () -> ()
    %add3A_8 = arith.constant 64 : i32
    %add3A_9 = arith.addi %mul3A_6, %add3A_8 : i32
    "tpu.region"() ({
      %run_scoped3A = tpu.sem_alloc : memref<!tpu.dma_semaphore, #tpu.memory_space<semaphore_mem>>
      %dma_start3A_259 = arith.constant 0 : i32
      %dma_start3A_260 = tpu.memref_slice %arg10[%add3A_9, %dma_start3A_259] : memref<10016x64xf32, #tpu.memory_space<vmem_shared>> -> memref<64x64xf32, #tpu.memory_space<vmem_shared>>
      %dma_start3A_261 = arith.constant 0 : i32
      %dma_start3A_262 = tpu.memref_slice %arg10[%add3A_9, %dma_start3A_261] : memref<10016x64xf32, #tpu.memory_space<vmem_shared>> -> memref<64x64xf32, #tpu.memory_space<vmem_shared>>
      tpu.enqueue_dma source(%arg9 : memref<64x64xf32, #tpu.memory_space<vmem>>) target(%dma_start3A_262 : memref<64x64xf32, #tpu.memory_space<vmem_shared>>) target_semaphore(%run_scoped3A : memref<!tpu.dma_semaphore, #tpu.memory_space<semaphore_mem>>)
      %dma_wait3A_263 = arith.constant 0 : i32
      %dma_wait3A_264 = tpu.memref_slice %arg10[%add3A_9, %dma_wait3A_263] : memref<10016x64xf32, #tpu.memory_space<vmem_shared>> -> memref<64x64xf32, #tpu.memory_space<vmem_shared>>
      %dma_wait3A_265 = arith.constant 0 : i32
      %dma_wait3A_266 = tpu.memref_slice %arg10[%add3A_9, %dma_wait3A_265] : memref<10016x64xf32, #tpu.memory_space<vmem_shared>> -> memref<64x64xf32, #tpu.memory_space<vmem_shared>>
      tpu.wait_dma2 semaphore(%run_scoped3A : memref<!tpu.dma_semaphore, #tpu.memory_space<semaphore_mem>>) src(%arg9 : memref<64x64xf32, #tpu.memory_space<vmem>>) dst(%dma_wait3A_266 : memref<64x64xf32, #tpu.memory_space<vmem_shared>>)
      tpu.yield
    }) : () -> ()
    %add3A_10 = arith.constant 128 : i32
    %add3A_11 = arith.addi %mul3A_6, %add3A_10 : i32
    "tpu.region"() ({
      %run_scoped3A = tpu.sem_alloc : memref<!tpu.dma_semaphore, #tpu.memory_space<semaphore_mem>>
      %dma_start3A_259 = arith.constant 0 : i32
      %dma_start3A_260 = tpu.memref_slice %arg10[%add3A_11, %dma_start3A_259] : memref<10016x64xf32, #tpu.memory_space<vmem_shared>> -> memref<64x64xf32, #tpu.memory_space<vmem_shared>>
      %dma_start3A_261 = arith.constant 0 : i32
      %dma_start3A_262 = tpu.memref_slice %arg10[%add3A_11, %dma_start3A_261] : memref<10016x64xf32, #tpu.memory_space<vmem_shared>> -> memref<64x64xf32, #tpu.memory_space<vmem_shared>>
      tpu.enqueue_dma source(%arg9 : memref<64x64xf32, #tpu.memory_space<vmem>>) target(%dma_start3A_262 : memref<64x64xf32, #tpu.memory_space<vmem_shared>>) target_semaphore(%run_scoped3A : memref<!tpu.dma_semaphore, #tpu.memory_space<semaphore_mem>>)
      %dma_wait3A_263 = arith.constant 0 : i32
      %dma_wait3A_264 = tpu.memref_slice %arg10[%add3A_11, %dma_wait3A_263] : memref<10016x64xf32, #tpu.memory_space<vmem_shared>> -> memref<64x64xf32, #tpu.memory_space<vmem_shared>>
      %dma_wait3A_265 = arith.constant 0 : i32
      %dma_wait3A_266 = tpu.memref_slice %arg10[%add3A_11, %dma_wait3A_265] : memref<10016x64xf32, #tpu.memory_space<vmem_shared>> -> memref<64x64xf32, #tpu.memory_space<vmem_shared>>
      tpu.wait_dma2 semaphore(%run_scoped3A : memref<!tpu.dma_semaphore, #tpu.memory_space<semaphore_mem>>) src(%arg9 : memref<64x64xf32, #tpu.memory_space<vmem>>) dst(%dma_wait3A_266 : memref<64x64xf32, #tpu.memory_space<vmem_shared>>)
      tpu.yield
    }) : () -> ()
    %add3A_12 = arith.constant 192 : i32
    %add3A_13 = arith.addi %mul3A_6, %add3A_12 : i32
    "tpu.region"() ({
      %run_scoped3A = tpu.sem_alloc : memref<!tpu.dma_semaphore, #tpu.memory_space<semaphore_mem>>
      %dma_start3A_259 = arith.constant 0 : i32
      %dma_start3A_260 = tpu.memref_slice %arg10[%add3A_13, %dma_start3A_259] : memref<10016x64xf32, #tpu.memory_space<vmem_shared>> -> memref<64x64xf32, #tpu.memory_space<vmem_shared>>
      %dma_start3A_261 = arith.constant 0 : i32
      %dma_start3A_262 = tpu.memref_slice %arg10[%add3A_13, %dma_start3A_261] : memref<10016x64xf32, #tpu.memory_space<vmem_shared>> -> memref<64x64xf32, #tpu.memory_space<vmem_shared>>
      tpu.enqueue_dma source(%arg9 : memref<64x64xf32, #tpu.memory_space<vmem>>) target(%dma_start3A_262 : memref<64x64xf32, #tpu.memory_space<vmem_shared>>) target_semaphore(%run_scoped3A : memref<!tpu.dma_semaphore, #tpu.memory_space<semaphore_mem>>)
      %dma_wait3A_263 = arith.constant 0 : i32
      %dma_wait3A_264 = tpu.memref_slice %arg10[%add3A_13, %dma_wait3A_263] : memref<10016x64xf32, #tpu.memory_space<vmem_shared>> -> memref<64x64xf32, #tpu.memory_space<vmem_shared>>
      %dma_wait3A_265 = arith.constant 0 : i32
      %dma_wait3A_266 = tpu.memref_slice %arg10[%add3A_13, %dma_wait3A_265] : memref<10016x64xf32, #tpu.memory_space<vmem_shared>> -> memref<64x64xf32, #tpu.memory_space<vmem_shared>>
      tpu.wait_dma2 semaphore(%run_scoped3A : memref<!tpu.dma_semaphore, #tpu.memory_space<semaphore_mem>>) src(%arg9 : memref<64x64xf32, #tpu.memory_space<vmem>>) dst(%dma_wait3A_266 : memref<64x64xf32, #tpu.memory_space<vmem_shared>>)
      tpu.yield
    }) : () -> ()
    %add3A_14 = arith.constant 256 : i32
    %add3A_15 = arith.addi %mul3A_6, %add3A_14 : i32
    "tpu.region"() ({
      %run_scoped3A = tpu.sem_alloc : memref<!tpu.dma_semaphore, #tpu.memory_space<semaphore_mem>>
      %dma_start3A_259 = arith.constant 0 : i32
      %dma_start3A_260 = tpu.memref_slice %arg10[%add3A_15, %dma_start3A_259] : memref<10016x64xf32, #tpu.memory_space<vmem_shared>> -> memref<64x64xf32, #tpu.memory_space<vmem_shared>>
      %dma_start3A_261 = arith.constant 0 : i32
      %dma_start3A_262 = tpu.memref_slice %arg10[%add3A_15, %dma_start3A_261] : memref<10016x64xf32, #tpu.memory_space<vmem_shared>> -> memref<64x64xf32, #tpu.memory_space<vmem_shared>>
      tpu.enqueue_dma source(%arg9 : memref<64x64xf32, #tpu.memory_space<vmem>>) target(%dma_start3A_262 : memref<64x64xf32, #tpu.memory_space<vmem_shared>>) target_semaphore(%run_scoped3A : memref<!tpu.dma_semaphore, #tpu.memory_space<semaphore_mem>>)
      %dma_wait3A_263 = arith.constant 0 : i32
      %dma_wait3A_264 = tpu.memref_slice %arg10[%add3A_15, %dma_wait3A_263] : memref<10016x64xf32, #tpu.memory_space<vmem_shared>> -> memref<64x64xf32, #tpu.memory_space<vmem_shared>>
      %dma_wait3A_265 = arith.constant 0 : i32
      %dma_wait3A_266 = tpu.memref_slice %arg10[%add3A_15, %dma_wait3A_265] : memref<10016x64xf32, #tpu.memory_space<vmem_shared>> -> memref<64x64xf32, #tpu.memory_space<vmem_shared>>
      tpu.wait_dma2 semaphore(%run_scoped3A : memref<!tpu.dma_semaphore, #tpu.memory_space<semaphore_mem>>) src(%arg9 : memref<64x64xf32, #tpu.memory_space<vmem>>) dst(%dma_wait3A_266 : memref<64x64xf32, #tpu.memory_space<vmem_shared>>)
      tpu.yield
    }) : () -> ()
    %add3A_16 = arith.constant 320 : i32
    %add3A_17 = arith.addi %mul3A_6, %add3A_16 : i32
    "tpu.region"() ({
      %run_scoped3A = tpu.sem_alloc : memref<!tpu.dma_semaphore, #tpu.memory_space<semaphore_mem>>
      %dma_start3A_259 = arith.constant 0 : i32
      %dma_start3A_260 = tpu.memref_slice %arg10[%add3A_17, %dma_start3A_259] : memref<10016x64xf32, #tpu.memory_space<vmem_shared>> -> memref<64x64xf32, #tpu.memory_space<vmem_shared>>
      %dma_start3A_261 = arith.constant 0 : i32
      %dma_start3A_262 = tpu.memref_slice %arg10[%add3A_17, %dma_start3A_261] : memref<10016x64xf32, #tpu.memory_space<vmem_shared>> -> memref<64x64xf32, #tpu.memory_space<vmem_shared>>
      tpu.enqueue_dma source(%arg9 : memref<64x64xf32, #tpu.memory_space<vmem>>) target(%dma_start3A_262 : memref<64x64xf32, #tpu.memory_space<vmem_shared>>) target_semaphore(%run_scoped3A : memref<!tpu.dma_semaphore, #tpu.memory_space<semaphore_mem>>)
      %dma_wait3A_263 = arith.constant 0 : i32
      %dma_wait3A_264 = tpu.memref_slice %arg10[%add3A_17, %dma_wait3A_263] : memref<10016x64xf32, #tpu.memory_space<vmem_shared>> -> memref<64x64xf32, #tpu.memory_space<vmem_shared>>
      %dma_wait3A_265 = arith.constant 0 : i32
      %dma_wait3A_266 = tpu.memref_slice %arg10[%add3A_17, %dma_wait3A_265] : memref<10016x64xf32, #tpu.memory_space<vmem_shared>> -> memref<64x64xf32, #tpu.memory_space<vmem_shared>>
      tpu.wait_dma2 semaphore(%run_scoped3A : memref<!tpu.dma_semaphore, #tpu.memory_space<semaphore_mem>>) src(%arg9 : memref<64x64xf32, #tpu.memory_space<vmem>>) dst(%dma_wait3A_266 : memref<64x64xf32, #tpu.memory_space<vmem_shared>>)
      tpu.yield
    }) : () -> ()
    %add3A_18 = arith.constant 384 : i32
    %add3A_19 = arith.addi %mul3A_6, %add3A_18 : i32
    "tpu.region"() ({
      %run_scoped3A = tpu.sem_alloc : memref<!tpu.dma_semaphore, #tpu.memory_space<semaphore_mem>>
      %dma_start3A_259 = arith.constant 0 : i32
      %dma_start3A_260 = tpu.memref_slice %arg10[%add3A_19, %dma_start3A_259] : memref<10016x64xf32, #tpu.memory_space<vmem_shared>> -> memref<64x64xf32, #tpu.memory_space<vmem_shared>>
      %dma_start3A_261 = arith.constant 0 : i32
      %dma_start3A_262 = tpu.memref_slice %arg10[%add3A_19, %dma_start3A_261] : memref<10016x64xf32, #tpu.memory_space<vmem_shared>> -> memref<64x64xf32, #tpu.memory_space<vmem_shared>>
      tpu.enqueue_dma source(%arg9 : memref<64x64xf32, #tpu.memory_space<vmem>>) target(%dma_start3A_262 : memref<64x64xf32, #tpu.memory_space<vmem_shared>>) target_semaphore(%run_scoped3A : memref<!tpu.dma_semaphore, #tpu.memory_space<semaphore_mem>>)
      %dma_wait3A_263 = arith.constant 0 : i32
      %dma_wait3A_264 = tpu.memref_slice %arg10[%add3A_19, %dma_wait3A_263] : memref<10016x64xf32, #tpu.memory_space<vmem_shared>> -> memref<64x64xf32, #tpu.memory_space<vmem_shared>>
      %dma_wait3A_265 = arith.constant 0 : i32
      %dma_wait3A_266 = tpu.memref_slice %arg10[%add3A_19, %dma_wait3A_265] : memref<10016x64xf32, #tpu.memory_space<vmem_shared>> -> memref<64x64xf32, #tpu.memory_space<vmem_shared>>
      tpu.wait_dma2 semaphore(%run_scoped3A : memref<!tpu.dma_semaphore, #tpu.memory_space<semaphore_mem>>) src(%arg9 : memref<64x64xf32, #tpu.memory_space<vmem>>) dst(%dma_wait3A_266 : memref<64x64xf32, #tpu.memory_space<vmem_shared>>)
      tpu.yield
    }) : () -> ()
    %add3A_20 = arith.constant 448 : i32
    %add3A_21 = arith.addi %mul3A_6, %add3A_20 : i32
    "tpu.region"() ({
      %run_scoped3A = tpu.sem_alloc : memref<!tpu.dma_semaphore, #tpu.memory_space<semaphore_mem>>
      %dma_start3A_259 = arith.constant 0 : i32
      %dma_start3A_260 = tpu.memref_slice %arg10[%add3A_21, %dma_start3A_259] : memref<10016x64xf32, #tpu.memory_space<vmem_shared>> -> memref<64x64xf32, #tpu.memory_space<vmem_shared>>
      %dma_start3A_261 = arith.constant 0 : i32
      %dma_start3A_262 = tpu.memref_slice %arg10[%add3A_21, %dma_start3A_261] : memref<10016x64xf32, #tpu.memory_space<vmem_shared>> -> memref<64x64xf32, #tpu.memory_space<vmem_shared>>
      tpu.enqueue_dma source(%arg9 : memref<64x64xf32, #tpu.memory_space<vmem>>) target(%dma_start3A_262 : memref<64x64xf32, #tpu.memory_space<vmem_shared>>) target_semaphore(%run_scoped3A : memref<!tpu.dma_semaphore, #tpu.memory_space<semaphore_mem>>)
      %dma_wait3A_263 = arith.constant 0 : i32
      %dma_wait3A_264 = tpu.memref_slice %arg10[%add3A_21, %dma_wait3A_263] : memref<10016x64xf32, #tpu.memory_space<vmem_shared>> -> memref<64x64xf32, #tpu.memory_space<vmem_shared>>
      %dma_wait3A_265 = arith.constant 0 : i32
      %dma_wait3A_266 = tpu.memref_slice %arg10[%add3A_21, %dma_wait3A_265] : memref<10016x64xf32, #tpu.memory_space<vmem_shared>> -> memref<64x64xf32, #tpu.memory_space<vmem_shared>>
      tpu.wait_dma2 semaphore(%run_scoped3A : memref<!tpu.dma_semaphore, #tpu.memory_space<semaphore_mem>>) src(%arg9 : memref<64x64xf32, #tpu.memory_space<vmem>>) dst(%dma_wait3A_266 : memref<64x64xf32, #tpu.memory_space<vmem_shared>>)
      tpu.yield
    }) : () -> ()
    %add3A_22 = arith.constant 512 : i32
    %add3A_23 = arith.addi %mul3A_6, %add3A_22 : i32
    "tpu.region"() ({
      %run_scoped3A = tpu.sem_alloc : memref<!tpu.dma_semaphore, #tpu.memory_space<semaphore_mem>>
      %dma_start3A_259 = arith.constant 0 : i32
      %dma_start3A_260 = tpu.memref_slice %arg10[%add3A_23, %dma_start3A_259] : memref<10016x64xf32, #tpu.memory_space<vmem_shared>> -> memref<64x64xf32, #tpu.memory_space<vmem_shared>>
      %dma_start3A_261 = arith.constant 0 : i32
      %dma_start3A_262 = tpu.memref_slice %arg10[%add3A_23, %dma_start3A_261] : memref<10016x64xf32, #tpu.memory_space<vmem_shared>> -> memref<64x64xf32, #tpu.memory_space<vmem_shared>>
      tpu.enqueue_dma source(%arg9 : memref<64x64xf32, #tpu.memory_space<vmem>>) target(%dma_start3A_262 : memref<64x64xf32, #tpu.memory_space<vmem_shared>>) target_semaphore(%run_scoped3A : memref<!tpu.dma_semaphore, #tpu.memory_space<semaphore_mem>>)
      %dma_wait3A_263 = arith.constant 0 : i32
      %dma_wait3A_264 = tpu.memref_slice %arg10[%add3A_23, %dma_wait3A_263] : memref<10016x64xf32, #tpu.memory_space<vmem_shared>> -> memref<64x64xf32, #tpu.memory_space<vmem_shared>>
      %dma_wait3A_265 = arith.constant 0 : i32
      %dma_wait3A_266 = tpu.memref_slice %arg10[%add3A_23, %dma_wait3A_265] : memref<10016x64xf32, #tpu.memory_space<vmem_shared>> -> memref<64x64xf32, #tpu.memory_space<vmem_shared>>
      tpu.wait_dma2 semaphore(%run_scoped3A : memref<!tpu.dma_semaphore, #tpu.memory_space<semaphore_mem>>) src(%arg9 : memref<64x64xf32, #tpu.memory_space<vmem>>) dst(%dma_wait3A_266 : memref<64x64xf32, #tpu.memory_space<vmem_shared>>)
      tpu.yield
    }) : () -> ()
    %add3A_24 = arith.constant 576 : i32
    %add3A_25 = arith.addi %mul3A_6, %add3A_24 : i32
    "tpu.region"() ({
      %run_scoped3A = tpu.sem_alloc : memref<!tpu.dma_semaphore, #tpu.memory_space<semaphore_mem>>
      %dma_start3A_259 = arith.constant 0 : i32
      %dma_start3A_260 = arith.constant 0 : i32
      %dma_start3A_261 = tpu.memref_slice %arg9[%dma_start3A_259, %dma_start3A_260] : memref<64x64xf32, #tpu.memory_space<vmem>> -> memref<50x64xf32, #tpu.memory_space<vmem>>
      %dma_start3A_262 = arith.constant 0 : i32
      %dma_start3A_263 = tpu.memref_slice %arg10[%add3A_25, %dma_start3A_262] : memref<10016x64xf32, #tpu.memory_space<vmem_shared>> -> memref<50x64xf32, #tpu.memory_space<vmem_shared>>
      %dma_start3A_264 = arith.constant 0 : i32
      %dma_start3A_265 = tpu.memref_slice %arg10[%add3A_25, %dma_start3A_264] : memref<10016x64xf32, #tpu.memory_space<vmem_shared>> -> memref<50x64xf32, #tpu.memory_space<vmem_shared>>
      %dma_start3A_266 = arith.constant 0 : i32
      %dma_start3A_267 = arith.constant 0 : i32
      %dma_start3A_268 = tpu.memref_slice %arg9[%dma_start3A_266, %dma_start3A_267] : memref<64x64xf32, #tpu.memory_space<vmem>> -> memref<50x64xf32, #tpu.memory_space<vmem>>
      tpu.enqueue_dma source(%dma_start3A_268 : memref<50x64xf32, #tpu.memory_space<vmem>>) target(%dma_start3A_265 : memref<50x64xf32, #tpu.memory_space<vmem_shared>>) target_semaphore(%run_scoped3A : memref<!tpu.dma_semaphore, #tpu.memory_space<semaphore_mem>>)
      %dma_wait3A_269 = arith.constant 0 : i32
      %dma_wait3A_270 = arith.constant 0 : i32
      %dma_wait3A_271 = tpu.memref_slice %arg9[%dma_wait3A_269, %dma_wait3A_270] : memref<64x64xf32, #tpu.memory_space<vmem>> -> memref<50x64xf32, #tpu.memory_space<vmem>>
      %dma_wait3A_272 = arith.constant 0 : i32
      %dma_wait3A_273 = tpu.memref_slice %arg10[%add3A_25, %dma_wait3A_272] : memref<10016x64xf32, #tpu.memory_space<vmem_shared>> -> memref<50x64xf32, #tpu.memory_space<vmem_shared>>
      %dma_wait3A_274 = arith.constant 0 : i32
      %dma_wait3A_275 = tpu.memref_slice %arg10[%add3A_25, %dma_wait3A_274] : memref<10016x64xf32, #tpu.memory_space<vmem_shared>> -> memref<50x64xf32, #tpu.memory_space<vmem_shared>>
      %dma_wait3A_276 = arith.constant 0 : i32
      %dma_wait3A_277 = arith.constant 0 : i32
      %dma_wait3A_278 = tpu.memref_slice %arg9[%dma_wait3A_276, %dma_wait3A_277] : memref<64x64xf32, #tpu.memory_space<vmem>> -> memref<50x64xf32, #tpu.memory_space<vmem>>
      tpu.wait_dma2 semaphore(%run_scoped3A : memref<!tpu.dma_semaphore, #tpu.memory_space<semaphore_mem>>) src(%dma_wait3A_278 : memref<50x64xf32, #tpu.memory_space<vmem>>) dst(%dma_wait3A_275 : memref<50x64xf32, #tpu.memory_space<vmem_shared>>)
      tpu.yield
    }) : () -> ()
    %barrier3A = arith.constant 0 : index
    tpu.barrier barrier_id(%barrier3A)
    %mul3A_26 = arith.constant 160 : i32
    %mul3A_27 = arith.muli %arg1, %mul3A_26 : i32
    "tpu.region"() ({
      %run_scoped3A = tpu.sem_alloc : memref<!tpu.dma_semaphore, #tpu.memory_space<semaphore_mem>>
      %dma_start3A_259 = arith.constant 0 : i32
      %dma_start3A_260 = arith.constant 0 : i32
      %dma_start3A_261 = tpu.memref_slice %arg6[%dma_start3A_259, %dma_start3A_260] : memref<32x128xi32, #tpu.memory_space<vmem>> -> memref<16x128xi32, #tpu.memory_space<vmem>>
      %dma_start3A_262 = arith.constant 0 : i32
      %dma_start3A_263 = tpu.memref_slice %arg3[%mul3A_27, %dma_start3A_262] : memref<2560x128xi32, #tpu.memory_space<hbm>> -> memref<16x128xi32, #tpu.memory_space<hbm>>
      %dma_start3A_264 = arith.constant 0 : i32
      %dma_start3A_265 = arith.constant 0 : i32
      %dma_start3A_266 = tpu.memref_slice %arg6[%dma_start3A_264, %dma_start3A_265] : memref<32x128xi32, #tpu.memory_space<vmem>> -> memref<16x128xi32, #tpu.memory_space<vmem>>
      %dma_start3A_267 = arith.constant 0 : i32
      %dma_start3A_268 = tpu.memref_slice %arg3[%mul3A_27, %dma_start3A_267] : memref<2560x128xi32, #tpu.memory_space<hbm>> -> memref<16x128xi32, #tpu.memory_space<hbm>>
      tpu.enqueue_dma source(%dma_start3A_268 : memref<16x128xi32, #tpu.memory_space<hbm>>) target(%dma_start3A_266 : memref<16x128xi32, #tpu.memory_space<vmem>>) target_semaphore(%run_scoped3A : memref<!tpu.dma_semaphore, #tpu.memory_space<semaphore_mem>>)
      %dma_wait3A_269 = arith.constant 0 : i32
      %dma_wait3A_270 = arith.constant 0 : i32
      %dma_wait3A_271 = tpu.memref_slice %arg6[%dma_wait3A_269, %dma_wait3A_270] : memref<32x128xi32, #tpu.memory_space<vmem>> -> memref<16x128xi32, #tpu.memory_space<vmem>>
      %dma_wait3A_272 = arith.constant 0 : i32
      %dma_wait3A_273 = tpu.memref_slice %arg3[%mul3A_27, %dma_wait3A_272] : memref<2560x128xi32, #tpu.memory_space<hbm>> -> memref<16x128xi32, #tpu.memory_space<hbm>>
      %dma_wait3A_274 = arith.constant 0 : i32
      %dma_wait3A_275 = arith.constant 0 : i32
      %dma_wait3A_276 = tpu.memref_slice %arg6[%dma_wait3A_274, %dma_wait3A_275] : memref<32x128xi32, #tpu.memory_space<vmem>> -> memref<16x128xi32, #tpu.memory_space<vmem>>
      %dma_wait3A_277 = arith.constant 0 : i32
      %dma_wait3A_278 = tpu.memref_slice %arg3[%mul3A_27, %dma_wait3A_277] : memref<2560x128xi32, #tpu.memory_space<hbm>> -> memref<16x128xi32, #tpu.memory_space<hbm>>
      tpu.wait_dma2 semaphore(%run_scoped3A : memref<!tpu.dma_semaphore, #tpu.memory_space<semaphore_mem>>) src(%dma_wait3A_278 : memref<16x128xi32, #tpu.memory_space<hbm>>) dst(%dma_wait3A_276 : memref<16x128xi32, #tpu.memory_space<vmem>>)
      tpu.yield
    }) : () -> ()
    %mul3A_28 = arith.constant 160 : i32
    %mul3A_29 = arith.muli %arg1, %mul3A_28 : i32
    "tpu.region"() ({
      %run_scoped3A = tpu.sem_alloc : memref<!tpu.dma_semaphore, #tpu.memory_space<semaphore_mem>>
      %dma_start3A_259 = arith.constant 0 : i32
      %dma_start3A_260 = arith.constant 0 : i32
      %dma_start3A_261 = tpu.memref_slice %arg7[%dma_start3A_259, %dma_start3A_260] : memref<32x128xi32, #tpu.memory_space<vmem>> -> memref<16x128xi32, #tpu.memory_space<vmem>>
      %dma_start3A_262 = arith.constant 0 : i32
      %dma_start3A_263 = tpu.memref_slice %arg4[%mul3A_29, %dma_start3A_262] : memref<2560x128xi32, #tpu.memory_space<hbm>> -> memref<16x128xi32, #tpu.memory_space<hbm>>
      %dma_start3A_264 = arith.constant 0 : i32
      %dma_start3A_265 = arith.constant 0 : i32
      %dma_start3A_266 = tpu.memref_slice %arg7[%dma_start3A_264, %dma_start3A_265] : memref<32x128xi32, #tpu.memory_space<vmem>> -> memref<16x128xi32, #tpu.memory_space<vmem>>
      %dma_start3A_267 = arith.constant 0 : i32
      %dma_start3A_268 = tpu.memref_slice %arg4[%mul3A_29, %dma_start3A_267] : memref<2560x128xi32, #tpu.memory_space<hbm>> -> memref<16x128xi32, #tpu.memory_space<hbm>>
      tpu.enqueue_dma source(%dma_start3A_268 : memref<16x128xi32, #tpu.memory_space<hbm>>) target(%dma_start3A_266 : memref<16x128xi32, #tpu.memory_space<vmem>>) target_semaphore(%run_scoped3A : memref<!tpu.dma_semaphore, #tpu.memory_space<semaphore_mem>>)
      %dma_wait3A_269 = arith.constant 0 : i32
      %dma_wait3A_270 = arith.constant 0 : i32
      %dma_wait3A_271 = tpu.memref_slice %arg7[%dma_wait3A_269, %dma_wait3A_270] : memref<32x128xi32, #tpu.memory_space<vmem>> -> memref<16x128xi32, #tpu.memory_space<vmem>>
      %dma_wait3A_272 = arith.constant 0 : i32
      %dma_wait3A_273 = tpu.memref_slice %arg4[%mul3A_29, %dma_wait3A_272] : memref<2560x128xi32, #tpu.memory_space<hbm>> -> memref<16x128xi32, #tpu.memory_space<hbm>>
      %dma_wait3A_274 = arith.constant 0 : i32
      %dma_wait3A_275 = arith.constant 0 : i32
      %dma_wait3A_276 = tpu.memref_slice %arg7[%dma_wait3A_274, %dma_wait3A_275] : memref<32x128xi32, #tpu.memory_space<vmem>> -> memref<16x128xi32, #tpu.memory_space<vmem>>
      %dma_wait3A_277 = arith.constant 0 : i32
      %dma_wait3A_278 = tpu.memref_slice %arg4[%mul3A_29, %dma_wait3A_277] : memref<2560x128xi32, #tpu.memory_space<hbm>> -> memref<16x128xi32, #tpu.memory_space<hbm>>
      tpu.wait_dma2 semaphore(%run_scoped3A : memref<!tpu.dma_semaphore, #tpu.memory_space<semaphore_mem>>) src(%dma_wait3A_278 : memref<16x128xi32, #tpu.memory_space<hbm>>) dst(%dma_wait3A_276 : memref<16x128xi32, #tpu.memory_space<vmem>>)
      tpu.yield
    }) : () -> ()
    %dma_start3A = arith.constant 0 : i32
    %dma_start3A_30 = arith.constant 0 : i32
    %dma_start3A_31 = arith.constant 0 : i32
    %dma_start3A_32 = arith.constant 0 : i32
    %dma_start3A_33 = tpu.memref_slice %arg8[%dma_start3A_30, %dma_start3A_31, %dma_start3A_32] : memref<8x128x64xf32, #tpu.memory_space<vmem>> -> memref<1x128x64xf32, #tpu.memory_space<vmem>>
    %dma_start3A_34 = tpu.memref_squeeze %dma_start3A_33 : memref<1x128x64xf32, #tpu.memory_space<vmem>> -> memref<128x64xf32, #tpu.memory_space<vmem>>
    %dma_start3A_35 = arith.constant 0 : i32
    %dma_start3A_36 = tpu.memref_slice %arg6[%dma_start3A, %dma_start3A_35] : memref<32x128xi32, #tpu.memory_space<vmem>> -> memref<1x128xi32, #tpu.memory_space<vmem>>
    %dma_start3A_37 = tpu.memref_squeeze %dma_start3A_36 : memref<1x128xi32, #tpu.memory_space<vmem>> -> memref<128xi32, #tpu.memory_space<vmem>>
    %dma_start3A_38 = arith.constant 0 : i32
    %dma_start3A_39 = arith.constant 0 : i32
    %dma_start3A_40 = tpu.memref_slice %arg2[%arg0, %dma_start3A_38, %dma_start3A_39] : memref<2x10000x64xf32, #tpu.memory_space<hbm>> -> memref<1x10000x64xf32, #tpu.memory_space<hbm>>
    %dma_start3A_41 = tpu.memref_squeeze %dma_start3A_40 : memref<1x10000x64xf32, #tpu.memory_space<hbm>> -> memref<10000x64xf32, #tpu.memory_space<hbm>>
    %dma_start3A_42 = arith.constant 0 : i32
    %dma_start3A_43 = arith.constant 0 : i32
    %dma_start3A_44 = tpu.memref_slice %dma_start3A_41[%dma_start3A_42, %dma_start3A_43] : memref<10000x64xf32, #tpu.memory_space<hbm>> -> memref<10000x64xf32, #tpu.memory_space<hbm>>
    tpu.enqueue_indirect_dma source(%dma_start3A_44 : memref<10000x64xf32, #tpu.memory_space<hbm>>) target(%dma_start3A_34 : memref<128x64xf32, #tpu.memory_space<vmem>>) offsets(%dma_start3A_37 : memref<128xi32, #tpu.memory_space<vmem>>) semaphore(%arg11 : memref<!tpu.dma_semaphore, #tpu.memory_space<semaphore_mem>>)
    %dma_start3A_45 = arith.constant 1 : i32
    %dma_start3A_46 = arith.constant 1 : i32
    %dma_start3A_47 = arith.constant 0 : i32
    %dma_start3A_48 = arith.constant 0 : i32
    %dma_start3A_49 = tpu.memref_slice %arg8[%dma_start3A_46, %dma_start3A_47, %dma_start3A_48] : memref<8x128x64xf32, #tpu.memory_space<vmem>> -> memref<1x128x64xf32, #tpu.memory_space<vmem>>
    %dma_start3A_50 = tpu.memref_squeeze %dma_start3A_49 : memref<1x128x64xf32, #tpu.memory_space<vmem>> -> memref<128x64xf32, #tpu.memory_space<vmem>>
    %dma_start3A_51 = arith.constant 0 : i32
    %dma_start3A_52 = tpu.memref_slice %arg6[%dma_start3A_45, %dma_start3A_51] : memref<32x128xi32, #tpu.memory_space<vmem>> -> memref<1x128xi32, #tpu.memory_space<vmem>>
    %dma_start3A_53 = tpu.memref_squeeze %dma_start3A_52 : memref<1x128xi32, #tpu.memory_space<vmem>> -> memref<128xi32, #tpu.memory_space<vmem>>
    %dma_start3A_54 = arith.constant 0 : i32
    %dma_start3A_55 = arith.constant 0 : i32
    %dma_start3A_56 = tpu.memref_slice %arg2[%arg0, %dma_start3A_54, %dma_start3A_55] : memref<2x10000x64xf32, #tpu.memory_space<hbm>> -> memref<1x10000x64xf32, #tpu.memory_space<hbm>>
    %dma_start3A_57 = tpu.memref_squeeze %dma_start3A_56 : memref<1x10000x64xf32, #tpu.memory_space<hbm>> -> memref<10000x64xf32, #tpu.memory_space<hbm>>
    %dma_start3A_58 = arith.constant 0 : i32
    %dma_start3A_59 = arith.constant 0 : i32
    %dma_start3A_60 = tpu.memref_slice %dma_start3A_57[%dma_start3A_58, %dma_start3A_59] : memref<10000x64xf32, #tpu.memory_space<hbm>> -> memref<10000x64xf32, #tpu.memory_space<hbm>>
    tpu.enqueue_indirect_dma source(%dma_start3A_60 : memref<10000x64xf32, #tpu.memory_space<hbm>>) target(%dma_start3A_50 : memref<128x64xf32, #tpu.memory_space<vmem>>) offsets(%dma_start3A_53 : memref<128xi32, #tpu.memory_space<vmem>>) semaphore(%arg12 : memref<!tpu.dma_semaphore, #tpu.memory_space<semaphore_mem>>)
    %dma_start3A_61 = arith.constant 2 : i32
    %dma_start3A_62 = arith.constant 2 : i32
    %dma_start3A_63 = arith.constant 0 : i32
    %dma_start3A_64 = arith.constant 0 : i32
    %dma_start3A_65 = tpu.memref_slice %arg8[%dma_start3A_62, %dma_start3A_63, %dma_start3A_64] : memref<8x128x64xf32, #tpu.memory_space<vmem>> -> memref<1x128x64xf32, #tpu.memory_space<vmem>>
    %dma_start3A_66 = tpu.memref_squeeze %dma_start3A_65 : memref<1x128x64xf32, #tpu.memory_space<vmem>> -> memref<128x64xf32, #tpu.memory_space<vmem>>
    %dma_start3A_67 = arith.constant 0 : i32
    %dma_start3A_68 = tpu.memref_slice %arg6[%dma_start3A_61, %dma_start3A_67] : memref<32x128xi32, #tpu.memory_space<vmem>> -> memref<1x128xi32, #tpu.memory_space<vmem>>
    %dma_start3A_69 = tpu.memref_squeeze %dma_start3A_68 : memref<1x128xi32, #tpu.memory_space<vmem>> -> memref<128xi32, #tpu.memory_space<vmem>>
    %dma_start3A_70 = arith.constant 0 : i32
    %dma_start3A_71 = arith.constant 0 : i32
    %dma_start3A_72 = tpu.memref_slice %arg2[%arg0, %dma_start3A_70, %dma_start3A_71] : memref<2x10000x64xf32, #tpu.memory_space<hbm>> -> memref<1x10000x64xf32, #tpu.memory_space<hbm>>
    %dma_start3A_73 = tpu.memref_squeeze %dma_start3A_72 : memref<1x10000x64xf32, #tpu.memory_space<hbm>> -> memref<10000x64xf32, #tpu.memory_space<hbm>>
    %dma_start3A_74 = arith.constant 0 : i32
    %dma_start3A_75 = arith.constant 0 : i32
    %dma_start3A_76 = tpu.memref_slice %dma_start3A_73[%dma_start3A_74, %dma_start3A_75] : memref<10000x64xf32, #tpu.memory_space<hbm>> -> memref<10000x64xf32, #tpu.memory_space<hbm>>
    tpu.enqueue_indirect_dma source(%dma_start3A_76 : memref<10000x64xf32, #tpu.memory_space<hbm>>) target(%dma_start3A_66 : memref<128x64xf32, #tpu.memory_space<vmem>>) offsets(%dma_start3A_69 : memref<128xi32, #tpu.memory_space<vmem>>) semaphore(%arg13 : memref<!tpu.dma_semaphore, #tpu.memory_space<semaphore_mem>>)
    %dma_start3A_77 = arith.constant 3 : i32
    %dma_start3A_78 = arith.constant 3 : i32
    %dma_start3A_79 = arith.constant 0 : i32
    %dma_start3A_80 = arith.constant 0 : i32
    %dma_start3A_81 = tpu.memref_slice %arg8[%dma_start3A_78, %dma_start3A_79, %dma_start3A_80] : memref<8x128x64xf32, #tpu.memory_space<vmem>> -> memref<1x128x64xf32, #tpu.memory_space<vmem>>
    %dma_start3A_82 = tpu.memref_squeeze %dma_start3A_81 : memref<1x128x64xf32, #tpu.memory_space<vmem>> -> memref<128x64xf32, #tpu.memory_space<vmem>>
    %dma_start3A_83 = arith.constant 0 : i32
    %dma_start3A_84 = tpu.memref_slice %arg6[%dma_start3A_77, %dma_start3A_83] : memref<32x128xi32, #tpu.memory_space<vmem>> -> memref<1x128xi32, #tpu.memory_space<vmem>>
    %dma_start3A_85 = tpu.memref_squeeze %dma_start3A_84 : memref<1x128xi32, #tpu.memory_space<vmem>> -> memref<128xi32, #tpu.memory_space<vmem>>
    %dma_start3A_86 = arith.constant 0 : i32
    %dma_start3A_87 = arith.constant 0 : i32
    %dma_start3A_88 = tpu.memref_slice %arg2[%arg0, %dma_start3A_86, %dma_start3A_87] : memref<2x10000x64xf32, #tpu.memory_space<hbm>> -> memref<1x10000x64xf32, #tpu.memory_space<hbm>>
    %dma_start3A_89 = tpu.memref_squeeze %dma_start3A_88 : memref<1x10000x64xf32, #tpu.memory_space<hbm>> -> memref<10000x64xf32, #tpu.memory_space<hbm>>
    %dma_start3A_90 = arith.constant 0 : i32
    %dma_start3A_91 = arith.constant 0 : i32
    %dma_start3A_92 = tpu.memref_slice %dma_start3A_89[%dma_start3A_90, %dma_start3A_91] : memref<10000x64xf32, #tpu.memory_space<hbm>> -> memref<10000x64xf32, #tpu.memory_space<hbm>>
    tpu.enqueue_indirect_dma source(%dma_start3A_92 : memref<10000x64xf32, #tpu.memory_space<hbm>>) target(%dma_start3A_82 : memref<128x64xf32, #tpu.memory_space<vmem>>) offsets(%dma_start3A_85 : memref<128xi32, #tpu.memory_space<vmem>>) semaphore(%arg14 : memref<!tpu.dma_semaphore, #tpu.memory_space<semaphore_mem>>)
    %scan3A_93 = arith.constant 0 : i32
    %scan3A_94 = arith.constant 0 : i32
    %scan3A_95 = arith.constant 1 : i32
    %scan3A_96 = arith.constant 2 : i32
    %scan3A_97 = arith.constant 3 : i32
    %scan3A_98 = arith.constant 4 : i32
    %scan3A_99 = arith.constant 5 : i32
    %scan3A_100 = arith.constant 6 : i32
    %scan3A_101 = arith.constant 7 : i32
    %scan3A_102 = arith.constant 0 : i32
    %scan3A_103 = arith.constant 0 : i32
    %scan3A_104 = arith.constant 20 : i32
    %scan3A_105 = arith.addi %scan3A_103, %scan3A_104 : i32
    %scan3A_106 = arith.constant 1 : i32
    %scan3A_107 = scf.for %scan3A_259 = %scan3A_103 to %scan3A_105 step %scan3A_106 iter_args(%scan3A_260 = %scan3A_102) -> (i32)  : i32 {
      %mul3A_261 = arith.constant 8 : i32
      %mul3A_262 = arith.muli %mul3A_261, %scan3A_259 : i32
      %jit3A = arith.constant 32 : i32
      %eq3A = arith.constant 0 : i32
      %eq3A_263 = arith.cmpi eq, %jit3A, %eq3A : i32
      %jit3A_264 = arith.constant 1 : i32
      %select_n3A = arith.select %eq3A_263, %jit3A_264, %jit3A : i32
      %rem3A = arith.remsi %mul3A_262, %select_n3A : i32
      %ne3A = arith.constant 0 : i32
      %ne3A_265 = arith.cmpi ne, %rem3A, %ne3A : i32
      %lt3A = arith.constant 0 : i32
      %lt3A_266 = arith.cmpi slt, %rem3A, %lt3A : i32
      %lt3A_267 = arith.constant 0 : i32
      %lt3A_268 = arith.cmpi slt, %select_n3A, %lt3A_267 : i32
      %ne3A_269 = arith.xori %lt3A_266, %lt3A_268 : i1
      %and3A = arith.andi %ne3A_269, %ne3A_265 : i1
      %add3A_270 = arith.addi %rem3A, %select_n3A : i32
      %select_n3A_271 = arith.select %and3A, %add3A_270, %rem3A : i32
      %dma_wait3A_272 = arith.constant 0 : i32
      %dma_wait3A_273 = arith.constant 0 : i32
      %dma_wait3A_274 = tpu.memref_slice %arg8[%scan3A_94, %dma_wait3A_272, %dma_wait3A_273] : memref<8x128x64xf32, #tpu.memory_space<vmem>> -> memref<1x128x64xf32, #tpu.memory_space<vmem>>
      %dma_wait3A_275 = tpu.memref_squeeze %dma_wait3A_274 : memref<1x128x64xf32, #tpu.memory_space<vmem>> -> memref<128x64xf32, #tpu.memory_space<vmem>>
      %dma_wait3A_276 = arith.constant 0 : i32
      %dma_wait3A_277 = arith.constant 0 : i32
      %dma_wait3A_278 = tpu.memref_slice %arg2[%scan3A_93, %dma_wait3A_276, %dma_wait3A_277] : memref<2x10000x64xf32, #tpu.memory_space<hbm>> -> memref<1x128x64xf32, #tpu.memory_space<hbm>>
      %dma_wait3A_279 = tpu.memref_squeeze %dma_wait3A_278 : memref<1x128x64xf32, #tpu.memory_space<hbm>> -> memref<128x64xf32, #tpu.memory_space<hbm>>
      %dma_wait3A_280 = arith.constant 0 : i32
      %dma_wait3A_281 = arith.constant 0 : i32
      %dma_wait3A_282 = tpu.memref_slice %arg8[%scan3A_94, %dma_wait3A_280, %dma_wait3A_281] : memref<8x128x64xf32, #tpu.memory_space<vmem>> -> memref<1x128x64xf32, #tpu.memory_space<vmem>>
      %dma_wait3A_283 = tpu.memref_squeeze %dma_wait3A_282 : memref<1x128x64xf32, #tpu.memory_space<vmem>> -> memref<128x64xf32, #tpu.memory_space<vmem>>
      %dma_wait3A_284 = arith.constant 0 : i32
      %dma_wait3A_285 = arith.constant 0 : i32
      %dma_wait3A_286 = tpu.memref_slice %arg2[%scan3A_93, %dma_wait3A_284, %dma_wait3A_285] : memref<2x10000x64xf32, #tpu.memory_space<hbm>> -> memref<1x128x64xf32, #tpu.memory_space<hbm>>
      %dma_wait3A_287 = tpu.memref_squeeze %dma_wait3A_286 : memref<1x128x64xf32, #tpu.memory_space<hbm>> -> memref<128x64xf32, #tpu.memory_space<hbm>>
      tpu.wait_dma2 semaphore(%arg11 : memref<!tpu.dma_semaphore, #tpu.memory_space<semaphore_mem>>) src(%dma_wait3A_287 : memref<128x64xf32, #tpu.memory_space<hbm>>) dst(%dma_wait3A_283 : memref<128x64xf32, #tpu.memory_space<vmem>>)
      %add3A_288 = arith.constant 0 : i32
      %add3A_289 = arith.addi %select_n3A_271, %add3A_288 : i32
      %dma_start3A_290 = arith.constant 0 : i32
      %dma_start3A_291 = arith.constant 0 : i32
      %dma_start3A_292 = tpu.memref_slice %arg8[%scan3A_94, %dma_start3A_290, %dma_start3A_291] : memref<8x128x64xf32, #tpu.memory_space<vmem>> -> memref<1x128x64xf32, #tpu.memory_space<vmem>>
      %dma_start3A_293 = tpu.memref_squeeze %dma_start3A_292 : memref<1x128x64xf32, #tpu.memory_space<vmem>> -> memref<128x64xf32, #tpu.memory_space<vmem>>
      %dma_start3A_294 = arith.constant 0 : i32
      %dma_start3A_295 = tpu.memref_slice %arg7[%add3A_289, %dma_start3A_294] : memref<32x128xi32, #tpu.memory_space<vmem>> -> memref<1x128xi32, #tpu.memory_space<vmem>>
      %dma_start3A_296 = tpu.memref_squeeze %dma_start3A_295 : memref<1x128xi32, #tpu.memory_space<vmem>> -> memref<128xi32, #tpu.memory_space<vmem>>
      %dma_start3A_297 = arith.constant 0 : i32
      %dma_start3A_298 = arith.constant 0 : i32
      %dma_start3A_299 = tpu.memref_slice %arg10[%dma_start3A_297, %dma_start3A_298] : memref<10016x64xf32, #tpu.memory_space<vmem_shared>> -> memref<10016x64xf32, #tpu.memory_space<vmem_shared>>
      tpu.enqueue_indirect_dma source(%dma_start3A_293 : memref<128x64xf32, #tpu.memory_space<vmem>>) target(%dma_start3A_299 : memref<10016x64xf32, #tpu.memory_space<vmem_shared>>) offsets(%dma_start3A_296 : memref<128xi32, #tpu.memory_space<vmem>>) semaphore(%arg19 : memref<!tpu.dma_semaphore, #tpu.memory_space<semaphore_mem>>) {add = true}
      %dma_wait3A_300 = arith.constant 0 : i32
      %dma_wait3A_301 = arith.constant 0 : i32
      %dma_wait3A_302 = tpu.memref_slice %arg8[%scan3A_95, %dma_wait3A_300, %dma_wait3A_301] : memref<8x128x64xf32, #tpu.memory_space<vmem>> -> memref<1x128x64xf32, #tpu.memory_space<vmem>>
      %dma_wait3A_303 = tpu.memref_squeeze %dma_wait3A_302 : memref<1x128x64xf32, #tpu.memory_space<vmem>> -> memref<128x64xf32, #tpu.memory_space<vmem>>
      %dma_wait3A_304 = arith.constant 0 : i32
      %dma_wait3A_305 = arith.constant 0 : i32
      %dma_wait3A_306 = tpu.memref_slice %arg2[%scan3A_93, %dma_wait3A_304, %dma_wait3A_305] : memref<2x10000x64xf32, #tpu.memory_space<hbm>> -> memref<1x128x64xf32, #tpu.memory_space<hbm>>
      %dma_wait3A_307 = tpu.memref_squeeze %dma_wait3A_306 : memref<1x128x64xf32, #tpu.memory_space<hbm>> -> memref<128x64xf32, #tpu.memory_space<hbm>>
      %dma_wait3A_308 = arith.constant 0 : i32
      %dma_wait3A_309 = arith.constant 0 : i32
      %dma_wait3A_310 = tpu.memref_slice %arg8[%scan3A_95, %dma_wait3A_308, %dma_wait3A_309] : memref<8x128x64xf32, #tpu.memory_space<vmem>> -> memref<1x128x64xf32, #tpu.memory_space<vmem>>
      %dma_wait3A_311 = tpu.memref_squeeze %dma_wait3A_310 : memref<1x128x64xf32, #tpu.memory_space<vmem>> -> memref<128x64xf32, #tpu.memory_space<vmem>>
      %dma_wait3A_312 = arith.constant 0 : i32
      %dma_wait3A_313 = arith.constant 0 : i32
      %dma_wait3A_314 = tpu.memref_slice %arg2[%scan3A_93, %dma_wait3A_312, %dma_wait3A_313] : memref<2x10000x64xf32, #tpu.memory_space<hbm>> -> memref<1x128x64xf32, #tpu.memory_space<hbm>>
      %dma_wait3A_315 = tpu.memref_squeeze %dma_wait3A_314 : memref<1x128x64xf32, #tpu.memory_space<hbm>> -> memref<128x64xf32, #tpu.memory_space<hbm>>
      tpu.wait_dma2 semaphore(%arg12 : memref<!tpu.dma_semaphore, #tpu.memory_space<semaphore_mem>>) src(%dma_wait3A_315 : memref<128x64xf32, #tpu.memory_space<hbm>>) dst(%dma_wait3A_311 : memref<128x64xf32, #tpu.memory_space<vmem>>)
      %add3A_316 = arith.constant 1 : i32
      %add3A_317 = arith.addi %select_n3A_271, %add3A_316 : i32
      %dma_start3A_318 = arith.constant 0 : i32
      %dma_start3A_319 = arith.constant 0 : i32
      %dma_start3A_320 = tpu.memref_slice %arg8[%scan3A_95, %dma_start3A_318, %dma_start3A_319] : memref<8x128x64xf32, #tpu.memory_space<vmem>> -> memref<1x128x64xf32, #tpu.memory_space<vmem>>
      %dma_start3A_321 = tpu.memref_squeeze %dma_start3A_320 : memref<1x128x64xf32, #tpu.memory_space<vmem>> -> memref<128x64xf32, #tpu.memory_space<vmem>>
      %dma_start3A_322 = arith.constant 0 : i32
      %dma_start3A_323 = tpu.memref_slice %arg7[%add3A_317, %dma_start3A_322] : memref<32x128xi32, #tpu.memory_space<vmem>> -> memref<1x128xi32, #tpu.memory_space<vmem>>
      %dma_start3A_324 = tpu.memref_squeeze %dma_start3A_323 : memref<1x128xi32, #tpu.memory_space<vmem>> -> memref<128xi32, #tpu.memory_space<vmem>>
      %dma_start3A_325 = arith.constant 0 : i32
      %dma_start3A_326 = arith.constant 0 : i32
      %dma_start3A_327 = tpu.memref_slice %arg10[%dma_start3A_325, %dma_start3A_326] : memref<10016x64xf32, #tpu.memory_space<vmem_shared>> -> memref<10016x64xf32, #tpu.memory_space<vmem_shared>>
      tpu.enqueue_indirect_dma source(%dma_start3A_321 : memref<128x64xf32, #tpu.memory_space<vmem>>) target(%dma_start3A_327 : memref<10016x64xf32, #tpu.memory_space<vmem_shared>>) offsets(%dma_start3A_324 : memref<128xi32, #tpu.memory_space<vmem>>) semaphore(%arg20 : memref<!tpu.dma_semaphore, #tpu.memory_space<semaphore_mem>>) {add = true}
      %dma_wait3A_328 = arith.constant 0 : i32
      %dma_wait3A_329 = arith.constant 0 : i32
      %dma_wait3A_330 = tpu.memref_slice %arg8[%scan3A_96, %dma_wait3A_328, %dma_wait3A_329] : memref<8x128x64xf32, #tpu.memory_space<vmem>> -> memref<1x128x64xf32, #tpu.memory_space<vmem>>
      %dma_wait3A_331 = tpu.memref_squeeze %dma_wait3A_330 : memref<1x128x64xf32, #tpu.memory_space<vmem>> -> memref<128x64xf32, #tpu.memory_space<vmem>>
      %dma_wait3A_332 = arith.constant 0 : i32
      %dma_wait3A_333 = arith.constant 0 : i32
      %dma_wait3A_334 = tpu.memref_slice %arg2[%scan3A_93, %dma_wait3A_332, %dma_wait3A_333] : memref<2x10000x64xf32, #tpu.memory_space<hbm>> -> memref<1x128x64xf32, #tpu.memory_space<hbm>>
      %dma_wait3A_335 = tpu.memref_squeeze %dma_wait3A_334 : memref<1x128x64xf32, #tpu.memory_space<hbm>> -> memref<128x64xf32, #tpu.memory_space<hbm>>
      %dma_wait3A_336 = arith.constant 0 : i32
      %dma_wait3A_337 = arith.constant 0 : i32
      %dma_wait3A_338 = tpu.memref_slice %arg8[%scan3A_96, %dma_wait3A_336, %dma_wait3A_337] : memref<8x128x64xf32, #tpu.memory_space<vmem>> -> memref<1x128x64xf32, #tpu.memory_space<vmem>>
      %dma_wait3A_339 = tpu.memref_squeeze %dma_wait3A_338 : memref<1x128x64xf32, #tpu.memory_space<vmem>> -> memref<128x64xf32, #tpu.memory_space<vmem>>
      %dma_wait3A_340 = arith.constant 0 : i32
      %dma_wait3A_341 = arith.constant 0 : i32
      %dma_wait3A_342 = tpu.memref_slice %arg2[%scan3A_93, %dma_wait3A_340, %dma_wait3A_341] : memref<2x10000x64xf32, #tpu.memory_space<hbm>> -> memref<1x128x64xf32, #tpu.memory_space<hbm>>
      %dma_wait3A_343 = tpu.memref_squeeze %dma_wait3A_342 : memref<1x128x64xf32, #tpu.memory_space<hbm>> -> memref<128x64xf32, #tpu.memory_space<hbm>>
      tpu.wait_dma2 semaphore(%arg13 : memref<!tpu.dma_semaphore, #tpu.memory_space<semaphore_mem>>) src(%dma_wait3A_343 : memref<128x64xf32, #tpu.memory_space<hbm>>) dst(%dma_wait3A_339 : memref<128x64xf32, #tpu.memory_space<vmem>>)
      %add3A_344 = arith.constant 2 : i32
      %add3A_345 = arith.addi %select_n3A_271, %add3A_344 : i32
      %dma_start3A_346 = arith.constant 0 : i32
      %dma_start3A_347 = arith.constant 0 : i32
      %dma_start3A_348 = tpu.memref_slice %arg8[%scan3A_96, %dma_start3A_346, %dma_start3A_347] : memref<8x128x64xf32, #tpu.memory_space<vmem>> -> memref<1x128x64xf32, #tpu.memory_space<vmem>>
      %dma_start3A_349 = tpu.memref_squeeze %dma_start3A_348 : memref<1x128x64xf32, #tpu.memory_space<vmem>> -> memref<128x64xf32, #tpu.memory_space<vmem>>
      %dma_start3A_350 = arith.constant 0 : i32
      %dma_start3A_351 = tpu.memref_slice %arg7[%add3A_345, %dma_start3A_350] : memref<32x128xi32, #tpu.memory_space<vmem>> -> memref<1x128xi32, #tpu.memory_space<vmem>>
      %dma_start3A_352 = tpu.memref_squeeze %dma_start3A_351 : memref<1x128xi32, #tpu.memory_space<vmem>> -> memref<128xi32, #tpu.memory_space<vmem>>
      %dma_start3A_353 = arith.constant 0 : i32
      %dma_start3A_354 = arith.constant 0 : i32
      %dma_start3A_355 = tpu.memref_slice %arg10[%dma_start3A_353, %dma_start3A_354] : memref<10016x64xf32, #tpu.memory_space<vmem_shared>> -> memref<10016x64xf32, #tpu.memory_space<vmem_shared>>
      tpu.enqueue_indirect_dma source(%dma_start3A_349 : memref<128x64xf32, #tpu.memory_space<vmem>>) target(%dma_start3A_355 : memref<10016x64xf32, #tpu.memory_space<vmem_shared>>) offsets(%dma_start3A_352 : memref<128xi32, #tpu.memory_space<vmem>>) semaphore(%arg21 : memref<!tpu.dma_semaphore, #tpu.memory_space<semaphore_mem>>) {add = true}
      %dma_wait3A_356 = arith.constant 0 : i32
      %dma_wait3A_357 = arith.constant 0 : i32
      %dma_wait3A_358 = tpu.memref_slice %arg8[%scan3A_97, %dma_wait3A_356, %dma_wait3A_357] : memref<8x128x64xf32, #tpu.memory_space<vmem>> -> memref<1x128x64xf32, #tpu.memory_space<vmem>>
      %dma_wait3A_359 = tpu.memref_squeeze %dma_wait3A_358 : memref<1x128x64xf32, #tpu.memory_space<vmem>> -> memref<128x64xf32, #tpu.memory_space<vmem>>
      %dma_wait3A_360 = arith.constant 0 : i32
      %dma_wait3A_361 = arith.constant 0 : i32
      %dma_wait3A_362 = tpu.memref_slice %arg2[%scan3A_93, %dma_wait3A_360, %dma_wait3A_361] : memref<2x10000x64xf32, #tpu.memory_space<hbm>> -> memref<1x128x64xf32, #tpu.memory_space<hbm>>
      %dma_wait3A_363 = tpu.memref_squeeze %dma_wait3A_362 : memref<1x128x64xf32, #tpu.memory_space<hbm>> -> memref<128x64xf32, #tpu.memory_space<hbm>>
      %dma_wait3A_364 = arith.constant 0 : i32
      %dma_wait3A_365 = arith.constant 0 : i32
      %dma_wait3A_366 = tpu.memref_slice %arg8[%scan3A_97, %dma_wait3A_364, %dma_wait3A_365] : memref<8x128x64xf32, #tpu.memory_space<vmem>> -> memref<1x128x64xf32, #tpu.memory_space<vmem>>
      %dma_wait3A_367 = tpu.memref_squeeze %dma_wait3A_366 : memref<1x128x64xf32, #tpu.memory_space<vmem>> -> memref<128x64xf32, #tpu.memory_space<vmem>>
      %dma_wait3A_368 = arith.constant 0 : i32
      %dma_wait3A_369 = arith.constant 0 : i32
      %dma_wait3A_370 = tpu.memref_slice %arg2[%scan3A_93, %dma_wait3A_368, %dma_wait3A_369] : memref<2x10000x64xf32, #tpu.memory_space<hbm>> -> memref<1x128x64xf32, #tpu.memory_space<hbm>>
      %dma_wait3A_371 = tpu.memref_squeeze %dma_wait3A_370 : memref<1x128x64xf32, #tpu.memory_space<hbm>> -> memref<128x64xf32, #tpu.memory_space<hbm>>
      tpu.wait_dma2 semaphore(%arg14 : memref<!tpu.dma_semaphore, #tpu.memory_space<semaphore_mem>>) src(%dma_wait3A_371 : memref<128x64xf32, #tpu.memory_space<hbm>>) dst(%dma_wait3A_367 : memref<128x64xf32, #tpu.memory_space<vmem>>)
      %add3A_372 = arith.constant 3 : i32
      %add3A_373 = arith.addi %select_n3A_271, %add3A_372 : i32
      %dma_start3A_374 = arith.constant 0 : i32
      %dma_start3A_375 = arith.constant 0 : i32
      %dma_start3A_376 = tpu.memref_slice %arg8[%scan3A_97, %dma_start3A_374, %dma_start3A_375] : memref<8x128x64xf32, #tpu.memory_space<vmem>> -> memref<1x128x64xf32, #tpu.memory_space<vmem>>
      %dma_start3A_377 = tpu.memref_squeeze %dma_start3A_376 : memref<1x128x64xf32, #tpu.memory_space<vmem>> -> memref<128x64xf32, #tpu.memory_space<vmem>>
      %dma_start3A_378 = arith.constant 0 : i32
      %dma_start3A_379 = tpu.memref_slice %arg7[%add3A_373, %dma_start3A_378] : memref<32x128xi32, #tpu.memory_space<vmem>> -> memref<1x128xi32, #tpu.memory_space<vmem>>
      %dma_start3A_380 = tpu.memref_squeeze %dma_start3A_379 : memref<1x128xi32, #tpu.memory_space<vmem>> -> memref<128xi32, #tpu.memory_space<vmem>>
      %dma_start3A_381 = arith.constant 0 : i32
      %dma_start3A_382 = arith.constant 0 : i32
      %dma_start3A_383 = tpu.memref_slice %arg10[%dma_start3A_381, %dma_start3A_382] : memref<10016x64xf32, #tpu.memory_space<vmem_shared>> -> memref<10016x64xf32, #tpu.memory_space<vmem_shared>>
      tpu.enqueue_indirect_dma source(%dma_start3A_377 : memref<128x64xf32, #tpu.memory_space<vmem>>) target(%dma_start3A_383 : memref<10016x64xf32, #tpu.memory_space<vmem_shared>>) offsets(%dma_start3A_380 : memref<128xi32, #tpu.memory_space<vmem>>) semaphore(%arg22 : memref<!tpu.dma_semaphore, #tpu.memory_space<semaphore_mem>>) {add = true}
      %gt3A = arith.constant 0 : i32
      %gt3A_384 = arith.cmpi sgt, %scan3A_259, %gt3A : i32
      %convert_element_type3A = arith.extui %gt3A_384 : i1 to i32
      %cond3A = arith.constant 0 : i32
      %cond3A_385 = arith.cmpi ne, %convert_element_type3A, %cond3A : i32
      scf.if %cond3A_385 {
        %dma_wait3A_594 = arith.constant 0 : i32
        %dma_wait3A_595 = arith.constant 0 : i32
        %dma_wait3A_596 = tpu.memref_slice %arg8[%scan3A_98, %dma_wait3A_594, %dma_wait3A_595] : memref<8x128x64xf32, #tpu.memory_space<vmem>> -> memref<1x128x64xf32, #tpu.memory_space<vmem>>
        %dma_wait3A_597 = tpu.memref_squeeze %dma_wait3A_596 : memref<1x128x64xf32, #tpu.memory_space<vmem>> -> memref<128x64xf32, #tpu.memory_space<vmem>>
        %dma_wait3A_598 = arith.constant 0 : i32
        %dma_wait3A_599 = arith.constant 0 : i32
        %dma_wait3A_600 = tpu.memref_slice %arg2[%scan3A_93, %dma_wait3A_598, %dma_wait3A_599] : memref<2x10000x64xf32, #tpu.memory_space<hbm>> -> memref<1x128x64xf32, #tpu.memory_space<hbm>>
        %dma_wait3A_601 = tpu.memref_squeeze %dma_wait3A_600 : memref<1x128x64xf32, #tpu.memory_space<hbm>> -> memref<128x64xf32, #tpu.memory_space<hbm>>
        %dma_wait3A_602 = arith.constant 0 : i32
        %dma_wait3A_603 = arith.constant 0 : i32
        %dma_wait3A_604 = tpu.memref_slice %arg8[%scan3A_98, %dma_wait3A_602, %dma_wait3A_603] : memref<8x128x64xf32, #tpu.memory_space<vmem>> -> memref<1x128x64xf32, #tpu.memory_space<vmem>>
        %dma_wait3A_605 = tpu.memref_squeeze %dma_wait3A_604 : memref<1x128x64xf32, #tpu.memory_space<vmem>> -> memref<128x64xf32, #tpu.memory_space<vmem>>
        %dma_wait3A_606 = arith.constant 0 : i32
        %dma_wait3A_607 = arith.constant 0 : i32
        %dma_wait3A_608 = tpu.memref_slice %arg2[%scan3A_93, %dma_wait3A_606, %dma_wait3A_607] : memref<2x10000x64xf32, #tpu.memory_space<hbm>> -> memref<1x128x64xf32, #tpu.memory_space<hbm>>
        %dma_wait3A_609 = tpu.memref_squeeze %dma_wait3A_608 : memref<1x128x64xf32, #tpu.memory_space<hbm>> -> memref<128x64xf32, #tpu.memory_space<hbm>>
        tpu.wait_dma2 semaphore(%arg23 : memref<!tpu.dma_semaphore, #tpu.memory_space<semaphore_mem>>) src(%dma_wait3A_609 : memref<128x64xf32, #tpu.memory_space<hbm>>) dst(%dma_wait3A_605 : memref<128x64xf32, #tpu.memory_space<vmem>>)
        %dma_wait3A_610 = arith.constant 0 : i32
        %dma_wait3A_611 = arith.constant 0 : i32
        %dma_wait3A_612 = tpu.memref_slice %arg8[%scan3A_99, %dma_wait3A_610, %dma_wait3A_611] : memref<8x128x64xf32, #tpu.memory_space<vmem>> -> memref<1x128x64xf32, #tpu.memory_space<vmem>>
        %dma_wait3A_613 = tpu.memref_squeeze %dma_wait3A_612 : memref<1x128x64xf32, #tpu.memory_space<vmem>> -> memref<128x64xf32, #tpu.memory_space<vmem>>
        %dma_wait3A_614 = arith.constant 0 : i32
        %dma_wait3A_615 = arith.constant 0 : i32
        %dma_wait3A_616 = tpu.memref_slice %arg2[%scan3A_93, %dma_wait3A_614, %dma_wait3A_615] : memref<2x10000x64xf32, #tpu.memory_space<hbm>> -> memref<1x128x64xf32, #tpu.memory_space<hbm>>
        %dma_wait3A_617 = tpu.memref_squeeze %dma_wait3A_616 : memref<1x128x64xf32, #tpu.memory_space<hbm>> -> memref<128x64xf32, #tpu.memory_space<hbm>>
        %dma_wait3A_618 = arith.constant 0 : i32
        %dma_wait3A_619 = arith.constant 0 : i32
        %dma_wait3A_620 = tpu.memref_slice %arg8[%scan3A_99, %dma_wait3A_618, %dma_wait3A_619] : memref<8x128x64xf32, #tpu.memory_space<vmem>> -> memref<1x128x64xf32, #tpu.memory_space<vmem>>
        %dma_wait3A_621 = tpu.memref_squeeze %dma_wait3A_620 : memref<1x128x64xf32, #tpu.memory_space<vmem>> -> memref<128x64xf32, #tpu.memory_space<vmem>>
        %dma_wait3A_622 = arith.constant 0 : i32
        %dma_wait3A_623 = arith.constant 0 : i32
        %dma_wait3A_624 = tpu.memref_slice %arg2[%scan3A_93, %dma_wait3A_622, %dma_wait3A_623] : memref<2x10000x64xf32, #tpu.memory_space<hbm>> -> memref<1x128x64xf32, #tpu.memory_space<hbm>>
        %dma_wait3A_625 = tpu.memref_squeeze %dma_wait3A_624 : memref<1x128x64xf32, #tpu.memory_space<hbm>> -> memref<128x64xf32, #tpu.memory_space<hbm>>
        tpu.wait_dma2 semaphore(%arg24 : memref<!tpu.dma_semaphore, #tpu.memory_space<semaphore_mem>>) src(%dma_wait3A_625 : memref<128x64xf32, #tpu.memory_space<hbm>>) dst(%dma_wait3A_621 : memref<128x64xf32, #tpu.memory_space<vmem>>)
        %dma_wait3A_626 = arith.constant 0 : i32
        %dma_wait3A_627 = arith.constant 0 : i32
        %dma_wait3A_628 = tpu.memref_slice %arg8[%scan3A_100, %dma_wait3A_626, %dma_wait3A_627] : memref<8x128x64xf32, #tpu.memory_space<vmem>> -> memref<1x128x64xf32, #tpu.memory_space<vmem>>
        %dma_wait3A_629 = tpu.memref_squeeze %dma_wait3A_628 : memref<1x128x64xf32, #tpu.memory_space<vmem>> -> memref<128x64xf32, #tpu.memory_space<vmem>>
        %dma_wait3A_630 = arith.constant 0 : i32
        %dma_wait3A_631 = arith.constant 0 : i32
        %dma_wait3A_632 = tpu.memref_slice %arg2[%scan3A_93, %dma_wait3A_630, %dma_wait3A_631] : memref<2x10000x64xf32, #tpu.memory_space<hbm>> -> memref<1x128x64xf32, #tpu.memory_space<hbm>>
        %dma_wait3A_633 = tpu.memref_squeeze %dma_wait3A_632 : memref<1x128x64xf32, #tpu.memory_space<hbm>> -> memref<128x64xf32, #tpu.memory_space<hbm>>
        %dma_wait3A_634 = arith.constant 0 : i32
        %dma_wait3A_635 = arith.constant 0 : i32
        %dma_wait3A_636 = tpu.memref_slice %arg8[%scan3A_100, %dma_wait3A_634, %dma_wait3A_635] : memref<8x128x64xf32, #tpu.memory_space<vmem>> -> memref<1x128x64xf32, #tpu.memory_space<vmem>>
        %dma_wait3A_637 = tpu.memref_squeeze %dma_wait3A_636 : memref<1x128x64xf32, #tpu.memory_space<vmem>> -> memref<128x64xf32, #tpu.memory_space<vmem>>
        %dma_wait3A_638 = arith.constant 0 : i32
        %dma_wait3A_639 = arith.constant 0 : i32
        %dma_wait3A_640 = tpu.memref_slice %arg2[%scan3A_93, %dma_wait3A_638, %dma_wait3A_639] : memref<2x10000x64xf32, #tpu.memory_space<hbm>> -> memref<1x128x64xf32, #tpu.memory_space<hbm>>
        %dma_wait3A_641 = tpu.memref_squeeze %dma_wait3A_640 : memref<1x128x64xf32, #tpu.memory_space<hbm>> -> memref<128x64xf32, #tpu.memory_space<hbm>>
        tpu.wait_dma2 semaphore(%arg25 : memref<!tpu.dma_semaphore, #tpu.memory_space<semaphore_mem>>) src(%dma_wait3A_641 : memref<128x64xf32, #tpu.memory_space<hbm>>) dst(%dma_wait3A_637 : memref<128x64xf32, #tpu.memory_space<vmem>>)
        %dma_wait3A_642 = arith.constant 0 : i32
        %dma_wait3A_643 = arith.constant 0 : i32
        %dma_wait3A_644 = tpu.memref_slice %arg8[%scan3A_101, %dma_wait3A_642, %dma_wait3A_643] : memref<8x128x64xf32, #tpu.memory_space<vmem>> -> memref<1x128x64xf32, #tpu.memory_space<vmem>>
        %dma_wait3A_645 = tpu.memref_squeeze %dma_wait3A_644 : memref<1x128x64xf32, #tpu.memory_space<vmem>> -> memref<128x64xf32, #tpu.memory_space<vmem>>
        %dma_wait3A_646 = arith.constant 0 : i32
        %dma_wait3A_647 = arith.constant 0 : i32
        %dma_wait3A_648 = tpu.memref_slice %arg2[%scan3A_93, %dma_wait3A_646, %dma_wait3A_647] : memref<2x10000x64xf32, #tpu.memory_space<hbm>> -> memref<1x128x64xf32, #tpu.memory_space<hbm>>
        %dma_wait3A_649 = tpu.memref_squeeze %dma_wait3A_648 : memref<1x128x64xf32, #tpu.memory_space<hbm>> -> memref<128x64xf32, #tpu.memory_space<hbm>>
        %dma_wait3A_650 = arith.constant 0 : i32
        %dma_wait3A_651 = arith.constant 0 : i32
        %dma_wait3A_652 = tpu.memref_slice %arg8[%scan3A_101, %dma_wait3A_650, %dma_wait3A_651] : memref<8x128x64xf32, #tpu.memory_space<vmem>> -> memref<1x128x64xf32, #tpu.memory_space<vmem>>
        %dma_wait3A_653 = tpu.memref_squeeze %dma_wait3A_652 : memref<1x128x64xf32, #tpu.memory_space<vmem>> -> memref<128x64xf32, #tpu.memory_space<vmem>>
        %dma_wait3A_654 = arith.constant 0 : i32
        %dma_wait3A_655 = arith.constant 0 : i32
        %dma_wait3A_656 = tpu.memref_slice %arg2[%scan3A_93, %dma_wait3A_654, %dma_wait3A_655] : memref<2x10000x64xf32, #tpu.memory_space<hbm>> -> memref<1x128x64xf32, #tpu.memory_space<hbm>>
        %dma_wait3A_657 = tpu.memref_squeeze %dma_wait3A_656 : memref<1x128x64xf32, #tpu.memory_space<hbm>> -> memref<128x64xf32, #tpu.memory_space<hbm>>
        tpu.wait_dma2 semaphore(%arg26 : memref<!tpu.dma_semaphore, #tpu.memory_space<semaphore_mem>>) src(%dma_wait3A_657 : memref<128x64xf32, #tpu.memory_space<hbm>>) dst(%dma_wait3A_653 : memref<128x64xf32, #tpu.memory_space<vmem>>)
      } else {
      }
      %add3A_386 = arith.constant 4 : i32
      %add3A_387 = arith.addi %select_n3A_271, %add3A_386 : i32
      %dma_start3A_388 = arith.constant 0 : i32
      %dma_start3A_389 = arith.constant 0 : i32
      %dma_start3A_390 = tpu.memref_slice %arg8[%scan3A_98, %dma_start3A_388, %dma_start3A_389] : memref<8x128x64xf32, #tpu.memory_space<vmem>> -> memref<1x128x64xf32, #tpu.memory_space<vmem>>
      %dma_start3A_391 = tpu.memref_squeeze %dma_start3A_390 : memref<1x128x64xf32, #tpu.memory_space<vmem>> -> memref<128x64xf32, #tpu.memory_space<vmem>>
      %dma_start3A_392 = arith.constant 0 : i32
      %dma_start3A_393 = tpu.memref_slice %arg6[%add3A_387, %dma_start3A_392] : memref<32x128xi32, #tpu.memory_space<vmem>> -> memref<1x128xi32, #tpu.memory_space<vmem>>
      %dma_start3A_394 = tpu.memref_squeeze %dma_start3A_393 : memref<1x128xi32, #tpu.memory_space<vmem>> -> memref<128xi32, #tpu.memory_space<vmem>>
      %dma_start3A_395 = arith.constant 0 : i32
      %dma_start3A_396 = arith.constant 0 : i32
      %dma_start3A_397 = tpu.memref_slice %arg2[%arg0, %dma_start3A_395, %dma_start3A_396] : memref<2x10000x64xf32, #tpu.memory_space<hbm>> -> memref<1x10000x64xf32, #tpu.memory_space<hbm>>
      %dma_start3A_398 = tpu.memref_squeeze %dma_start3A_397 : memref<1x10000x64xf32, #tpu.memory_space<hbm>> -> memref<10000x64xf32, #tpu.memory_space<hbm>>
      %dma_start3A_399 = arith.constant 0 : i32
      %dma_start3A_400 = arith.constant 0 : i32
      %dma_start3A_401 = tpu.memref_slice %dma_start3A_398[%dma_start3A_399, %dma_start3A_400] : memref<10000x64xf32, #tpu.memory_space<hbm>> -> memref<10000x64xf32, #tpu.memory_space<hbm>>
      tpu.enqueue_indirect_dma source(%dma_start3A_401 : memref<10000x64xf32, #tpu.memory_space<hbm>>) target(%dma_start3A_391 : memref<128x64xf32, #tpu.memory_space<vmem>>) offsets(%dma_start3A_394 : memref<128xi32, #tpu.memory_space<vmem>>) semaphore(%arg15 : memref<!tpu.dma_semaphore, #tpu.memory_space<semaphore_mem>>)
      %add3A_402 = arith.constant 5 : i32
      %add3A_403 = arith.addi %select_n3A_271, %add3A_402 : i32
      %dma_start3A_404 = arith.constant 0 : i32
      %dma_start3A_405 = arith.constant 0 : i32
      %dma_start3A_406 = tpu.memref_slice %arg8[%scan3A_99, %dma_start3A_404, %dma_start3A_405] : memref<8x128x64xf32, #tpu.memory_space<vmem>> -> memref<1x128x64xf32, #tpu.memory_space<vmem>>
      %dma_start3A_407 = tpu.memref_squeeze %dma_start3A_406 : memref<1x128x64xf32, #tpu.memory_space<vmem>> -> memref<128x64xf32, #tpu.memory_space<vmem>>
      %dma_start3A_408 = arith.constant 0 : i32
      %dma_start3A_409 = tpu.memref_slice %arg6[%add3A_403, %dma_start3A_408] : memref<32x128xi32, #tpu.memory_space<vmem>> -> memref<1x128xi32, #tpu.memory_space<vmem>>
      %dma_start3A_410 = tpu.memref_squeeze %dma_start3A_409 : memref<1x128xi32, #tpu.memory_space<vmem>> -> memref<128xi32, #tpu.memory_space<vmem>>
      %dma_start3A_411 = arith.constant 0 : i32
      %dma_start3A_412 = arith.constant 0 : i32
      %dma_start3A_413 = tpu.memref_slice %arg2[%arg0, %dma_start3A_411, %dma_start3A_412] : memref<2x10000x64xf32, #tpu.memory_space<hbm>> -> memref<1x10000x64xf32, #tpu.memory_space<hbm>>
      %dma_start3A_414 = tpu.memref_squeeze %dma_start3A_413 : memref<1x10000x64xf32, #tpu.memory_space<hbm>> -> memref<10000x64xf32, #tpu.memory_space<hbm>>
      %dma_start3A_415 = arith.constant 0 : i32
      %dma_start3A_416 = arith.constant 0 : i32
      %dma_start3A_417 = tpu.memref_slice %dma_start3A_414[%dma_start3A_415, %dma_start3A_416] : memref<10000x64xf32, #tpu.memory_space<hbm>> -> memref<10000x64xf32, #tpu.memory_space<hbm>>
      tpu.enqueue_indirect_dma source(%dma_start3A_417 : memref<10000x64xf32, #tpu.memory_space<hbm>>) target(%dma_start3A_407 : memref<128x64xf32, #tpu.memory_space<vmem>>) offsets(%dma_start3A_410 : memref<128xi32, #tpu.memory_space<vmem>>) semaphore(%arg16 : memref<!tpu.dma_semaphore, #tpu.memory_space<semaphore_mem>>)
      %add3A_418 = arith.constant 6 : i32
      %add3A_419 = arith.addi %select_n3A_271, %add3A_418 : i32
      %dma_start3A_420 = arith.constant 0 : i32
      %dma_start3A_421 = arith.constant 0 : i32
      %dma_start3A_422 = tpu.memref_slice %arg8[%scan3A_100, %dma_start3A_420, %dma_start3A_421] : memref<8x128x64xf32, #tpu.memory_space<vmem>> -> memref<1x128x64xf32, #tpu.memory_space<vmem>>
      %dma_start3A_423 = tpu.memref_squeeze %dma_start3A_422 : memref<1x128x64xf32, #tpu.memory_space<vmem>> -> memref<128x64xf32, #tpu.memory_space<vmem>>
      %dma_start3A_424 = arith.constant 0 : i32
      %dma_start3A_425 = tpu.memref_slice %arg6[%add3A_419, %dma_start3A_424] : memref<32x128xi32, #tpu.memory_space<vmem>> -> memref<1x128xi32, #tpu.memory_space<vmem>>
      %dma_start3A_426 = tpu.memref_squeeze %dma_start3A_425 : memref<1x128xi32, #tpu.memory_space<vmem>> -> memref<128xi32, #tpu.memory_space<vmem>>
      %dma_start3A_427 = arith.constant 0 : i32
      %dma_start3A_428 = arith.constant 0 : i32
      %dma_start3A_429 = tpu.memref_slice %arg2[%arg0, %dma_start3A_427, %dma_start3A_428] : memref<2x10000x64xf32, #tpu.memory_space<hbm>> -> memref<1x10000x64xf32, #tpu.memory_space<hbm>>
      %dma_start3A_430 = tpu.memref_squeeze %dma_start3A_429 : memref<1x10000x64xf32, #tpu.memory_space<hbm>> -> memref<10000x64xf32, #tpu.memory_space<hbm>>
      %dma_start3A_431 = arith.constant 0 : i32
      %dma_start3A_432 = arith.constant 0 : i32
      %dma_start3A_433 = tpu.memref_slice %dma_start3A_430[%dma_start3A_431, %dma_start3A_432] : memref<10000x64xf32, #tpu.memory_space<hbm>> -> memref<10000x64xf32, #tpu.memory_space<hbm>>
      tpu.enqueue_indirect_dma source(%dma_start3A_433 : memref<10000x64xf32, #tpu.memory_space<hbm>>) target(%dma_start3A_423 : memref<128x64xf32, #tpu.memory_space<vmem>>) offsets(%dma_start3A_426 : memref<128xi32, #tpu.memory_space<vmem>>) semaphore(%arg17 : memref<!tpu.dma_semaphore, #tpu.memory_space<semaphore_mem>>)
      %add3A_434 = arith.constant 7 : i32
      %add3A_435 = arith.addi %select_n3A_271, %add3A_434 : i32
      %dma_start3A_436 = arith.constant 0 : i32
      %dma_start3A_437 = arith.constant 0 : i32
      %dma_start3A_438 = tpu.memref_slice %arg8[%scan3A_101, %dma_start3A_436, %dma_start3A_437] : memref<8x128x64xf32, #tpu.memory_space<vmem>> -> memref<1x128x64xf32, #tpu.memory_space<vmem>>
      %dma_start3A_439 = tpu.memref_squeeze %dma_start3A_438 : memref<1x128x64xf32, #tpu.memory_space<vmem>> -> memref<128x64xf32, #tpu.memory_space<vmem>>
      %dma_start3A_440 = arith.constant 0 : i32
      %dma_start3A_441 = tpu.memref_slice %arg6[%add3A_435, %dma_start3A_440] : memref<32x128xi32, #tpu.memory_space<vmem>> -> memref<1x128xi32, #tpu.memory_space<vmem>>
      %dma_start3A_442 = tpu.memref_squeeze %dma_start3A_441 : memref<1x128xi32, #tpu.memory_space<vmem>> -> memref<128xi32, #tpu.memory_space<vmem>>
      %dma_start3A_443 = arith.constant 0 : i32
      %dma_start3A_444 = arith.constant 0 : i32
      %dma_start3A_445 = tpu.memref_slice %arg2[%arg0, %dma_start3A_443, %dma_start3A_444] : memref<2x10000x64xf32, #tpu.memory_space<hbm>> -> memref<1x10000x64xf32, #tpu.memory_space<hbm>>
      %dma_start3A_446 = tpu.memref_squeeze %dma_start3A_445 : memref<1x10000x64xf32, #tpu.memory_space<hbm>> -> memref<10000x64xf32, #tpu.memory_space<hbm>>
      %dma_start3A_447 = arith.constant 0 : i32
      %dma_start3A_448 = arith.constant 0 : i32
      %dma_start3A_449 = tpu.memref_slice %dma_start3A_446[%dma_start3A_447, %dma_start3A_448] : memref<10000x64xf32, #tpu.memory_space<hbm>> -> memref<10000x64xf32, #tpu.memory_space<hbm>>
      tpu.enqueue_indirect_dma source(%dma_start3A_449 : memref<10000x64xf32, #tpu.memory_space<hbm>>) target(%dma_start3A_439 : memref<128x64xf32, #tpu.memory_space<vmem>>) offsets(%dma_start3A_442 : memref<128xi32, #tpu.memory_space<vmem>>) semaphore(%arg18 : memref<!tpu.dma_semaphore, #tpu.memory_space<semaphore_mem>>)
      %dma_wait3A_450 = arith.constant 0 : i32
      %dma_wait3A_451 = arith.constant 0 : i32
      %dma_wait3A_452 = tpu.memref_slice %arg8[%scan3A_98, %dma_wait3A_450, %dma_wait3A_451] : memref<8x128x64xf32, #tpu.memory_space<vmem>> -> memref<1x128x64xf32, #tpu.memory_space<vmem>>
      %dma_wait3A_453 = tpu.memref_squeeze %dma_wait3A_452 : memref<1x128x64xf32, #tpu.memory_space<vmem>> -> memref<128x64xf32, #tpu.memory_space<vmem>>
      %dma_wait3A_454 = arith.constant 0 : i32
      %dma_wait3A_455 = arith.constant 0 : i32
      %dma_wait3A_456 = tpu.memref_slice %arg2[%scan3A_93, %dma_wait3A_454, %dma_wait3A_455] : memref<2x10000x64xf32, #tpu.memory_space<hbm>> -> memref<1x128x64xf32, #tpu.memory_space<hbm>>
      %dma_wait3A_457 = tpu.memref_squeeze %dma_wait3A_456 : memref<1x128x64xf32, #tpu.memory_space<hbm>> -> memref<128x64xf32, #tpu.memory_space<hbm>>
      %dma_wait3A_458 = arith.constant 0 : i32
      %dma_wait3A_459 = arith.constant 0 : i32
      %dma_wait3A_460 = tpu.memref_slice %arg8[%scan3A_98, %dma_wait3A_458, %dma_wait3A_459] : memref<8x128x64xf32, #tpu.memory_space<vmem>> -> memref<1x128x64xf32, #tpu.memory_space<vmem>>
      %dma_wait3A_461 = tpu.memref_squeeze %dma_wait3A_460 : memref<1x128x64xf32, #tpu.memory_space<vmem>> -> memref<128x64xf32, #tpu.memory_space<vmem>>
      %dma_wait3A_462 = arith.constant 0 : i32
      %dma_wait3A_463 = arith.constant 0 : i32
      %dma_wait3A_464 = tpu.memref_slice %arg2[%scan3A_93, %dma_wait3A_462, %dma_wait3A_463] : memref<2x10000x64xf32, #tpu.memory_space<hbm>> -> memref<1x128x64xf32, #tpu.memory_space<hbm>>
      %dma_wait3A_465 = tpu.memref_squeeze %dma_wait3A_464 : memref<1x128x64xf32, #tpu.memory_space<hbm>> -> memref<128x64xf32, #tpu.memory_space<hbm>>
      tpu.wait_dma2 semaphore(%arg15 : memref<!tpu.dma_semaphore, #tpu.memory_space<semaphore_mem>>) src(%dma_wait3A_465 : memref<128x64xf32, #tpu.memory_space<hbm>>) dst(%dma_wait3A_461 : memref<128x64xf32, #tpu.memory_space<vmem>>)
      %add3A_466 = arith.constant 4 : i32
      %add3A_467 = arith.addi %select_n3A_271, %add3A_466 : i32
      %dma_start3A_468 = arith.constant 0 : i32
      %dma_start3A_469 = arith.constant 0 : i32
      %dma_start3A_470 = tpu.memref_slice %arg8[%scan3A_98, %dma_start3A_468, %dma_start3A_469] : memref<8x128x64xf32, #tpu.memory_space<vmem>> -> memref<1x128x64xf32, #tpu.memory_space<vmem>>
      %dma_start3A_471 = tpu.memref_squeeze %dma_start3A_470 : memref<1x128x64xf32, #tpu.memory_space<vmem>> -> memref<128x64xf32, #tpu.memory_space<vmem>>
      %dma_start3A_472 = arith.constant 0 : i32
      %dma_start3A_473 = tpu.memref_slice %arg7[%add3A_467, %dma_start3A_472] : memref<32x128xi32, #tpu.memory_space<vmem>> -> memref<1x128xi32, #tpu.memory_space<vmem>>
      %dma_start3A_474 = tpu.memref_squeeze %dma_start3A_473 : memref<1x128xi32, #tpu.memory_space<vmem>> -> memref<128xi32, #tpu.memory_space<vmem>>
      %dma_start3A_475 = arith.constant 0 : i32
      %dma_start3A_476 = arith.constant 0 : i32
      %dma_start3A_477 = tpu.memref_slice %arg10[%dma_start3A_475, %dma_start3A_476] : memref<10016x64xf32, #tpu.memory_space<vmem_shared>> -> memref<10016x64xf32, #tpu.memory_space<vmem_shared>>
      tpu.enqueue_indirect_dma source(%dma_start3A_471 : memref<128x64xf32, #tpu.memory_space<vmem>>) target(%dma_start3A_477 : memref<10016x64xf32, #tpu.memory_space<vmem_shared>>) offsets(%dma_start3A_474 : memref<128xi32, #tpu.memory_space<vmem>>) semaphore(%arg23 : memref<!tpu.dma_semaphore, #tpu.memory_space<semaphore_mem>>) {add = true}
      %dma_wait3A_478 = arith.constant 0 : i32
      %dma_wait3A_479 = arith.constant 0 : i32
      %dma_wait3A_480 = tpu.memref_slice %arg8[%scan3A_99, %dma_wait3A_478, %dma_wait3A_479] : memref<8x128x64xf32, #tpu.memory_space<vmem>> -> memref<1x128x64xf32, #tpu.memory_space<vmem>>
      %dma_wait3A_481 = tpu.memref_squeeze %dma_wait3A_480 : memref<1x128x64xf32, #tpu.memory_space<vmem>> -> memref<128x64xf32, #tpu.memory_space<vmem>>
      %dma_wait3A_482 = arith.constant 0 : i32
      %dma_wait3A_483 = arith.constant 0 : i32
      %dma_wait3A_484 = tpu.memref_slice %arg2[%scan3A_93, %dma_wait3A_482, %dma_wait3A_483] : memref<2x10000x64xf32, #tpu.memory_space<hbm>> -> memref<1x128x64xf32, #tpu.memory_space<hbm>>
      %dma_wait3A_485 = tpu.memref_squeeze %dma_wait3A_484 : memref<1x128x64xf32, #tpu.memory_space<hbm>> -> memref<128x64xf32, #tpu.memory_space<hbm>>
      %dma_wait3A_486 = arith.constant 0 : i32
      %dma_wait3A_487 = arith.constant 0 : i32
      %dma_wait3A_488 = tpu.memref_slice %arg8[%scan3A_99, %dma_wait3A_486, %dma_wait3A_487] : memref<8x128x64xf32, #tpu.memory_space<vmem>> -> memref<1x128x64xf32, #tpu.memory_space<vmem>>
      %dma_wait3A_489 = tpu.memref_squeeze %dma_wait3A_488 : memref<1x128x64xf32, #tpu.memory_space<vmem>> -> memref<128x64xf32, #tpu.memory_space<vmem>>
      %dma_wait3A_490 = arith.constant 0 : i32
      %dma_wait3A_491 = arith.constant 0 : i32
      %dma_wait3A_492 = tpu.memref_slice %arg2[%scan3A_93, %dma_wait3A_490, %dma_wait3A_491] : memref<2x10000x64xf32, #tpu.memory_space<hbm>> -> memref<1x128x64xf32, #tpu.memory_space<hbm>>
      %dma_wait3A_493 = tpu.memref_squeeze %dma_wait3A_492 : memref<1x128x64xf32, #tpu.memory_space<hbm>> -> memref<128x64xf32, #tpu.memory_space<hbm>>
      tpu.wait_dma2 semaphore(%arg16 : memref<!tpu.dma_semaphore, #tpu.memory_space<semaphore_mem>>) src(%dma_wait3A_493 : memref<128x64xf32, #tpu.memory_space<hbm>>) dst(%dma_wait3A_489 : memref<128x64xf32, #tpu.memory_space<vmem>>)
      %add3A_494 = arith.constant 5 : i32
      %add3A_495 = arith.addi %select_n3A_271, %add3A_494 : i32
      %dma_start3A_496 = arith.constant 0 : i32
      %dma_start3A_497 = arith.constant 0 : i32
      %dma_start3A_498 = tpu.memref_slice %arg8[%scan3A_99, %dma_start3A_496, %dma_start3A_497] : memref<8x128x64xf32, #tpu.memory_space<vmem>> -> memref<1x128x64xf32, #tpu.memory_space<vmem>>
      %dma_start3A_499 = tpu.memref_squeeze %dma_start3A_498 : memref<1x128x64xf32, #tpu.memory_space<vmem>> -> memref<128x64xf32, #tpu.memory_space<vmem>>
      %dma_start3A_500 = arith.constant 0 : i32
      %dma_start3A_501 = tpu.memref_slice %arg7[%add3A_495, %dma_start3A_500] : memref<32x128xi32, #tpu.memory_space<vmem>> -> memref<1x128xi32, #tpu.memory_space<vmem>>
      %dma_start3A_502 = tpu.memref_squeeze %dma_start3A_501 : memref<1x128xi32, #tpu.memory_space<vmem>> -> memref<128xi32, #tpu.memory_space<vmem>>
      %dma_start3A_503 = arith.constant 0 : i32
      %dma_start3A_504 = arith.constant 0 : i32
      %dma_start3A_505 = tpu.memref_slice %arg10[%dma_start3A_503, %dma_start3A_504] : memref<10016x64xf32, #tpu.memory_space<vmem_shared>> -> memref<10016x64xf32, #tpu.memory_space<vmem_shared>>
      tpu.enqueue_indirect_dma source(%dma_start3A_499 : memref<128x64xf32, #tpu.memory_space<vmem>>) target(%dma_start3A_505 : memref<10016x64xf32, #tpu.memory_space<vmem_shared>>) offsets(%dma_start3A_502 : memref<128xi32, #tpu.memory_space<vmem>>) semaphore(%arg24 : memref<!tpu.dma_semaphore, #tpu.memory_space<semaphore_mem>>) {add = true}
      %dma_wait3A_506 = arith.constant 0 : i32
      %dma_wait3A_507 = arith.constant 0 : i32
      %dma_wait3A_508 = tpu.memref_slice %arg8[%scan3A_100, %dma_wait3A_506, %dma_wait3A_507] : memref<8x128x64xf32, #tpu.memory_space<vmem>> -> memref<1x128x64xf32, #tpu.memory_space<vmem>>
      %dma_wait3A_509 = tpu.memref_squeeze %dma_wait3A_508 : memref<1x128x64xf32, #tpu.memory_space<vmem>> -> memref<128x64xf32, #tpu.memory_space<vmem>>
      %dma_wait3A_510 = arith.constant 0 : i32
      %dma_wait3A_511 = arith.constant 0 : i32
      %dma_wait3A_512 = tpu.memref_slice %arg2[%scan3A_93, %dma_wait3A_510, %dma_wait3A_511] : memref<2x10000x64xf32, #tpu.memory_space<hbm>> -> memref<1x128x64xf32, #tpu.memory_space<hbm>>
      %dma_wait3A_513 = tpu.memref_squeeze %dma_wait3A_512 : memref<1x128x64xf32, #tpu.memory_space<hbm>> -> memref<128x64xf32, #tpu.memory_space<hbm>>
      %dma_wait3A_514 = arith.constant 0 : i32
      %dma_wait3A_515 = arith.constant 0 : i32
      %dma_wait3A_516 = tpu.memref_slice %arg8[%scan3A_100, %dma_wait3A_514, %dma_wait3A_515] : memref<8x128x64xf32, #tpu.memory_space<vmem>> -> memref<1x128x64xf32, #tpu.memory_space<vmem>>
      %dma_wait3A_517 = tpu.memref_squeeze %dma_wait3A_516 : memref<1x128x64xf32, #tpu.memory_space<vmem>> -> memref<128x64xf32, #tpu.memory_space<vmem>>
      %dma_wait3A_518 = arith.constant 0 : i32
      %dma_wait3A_519 = arith.constant 0 : i32
      %dma_wait3A_520 = tpu.memref_slice %arg2[%scan3A_93, %dma_wait3A_518, %dma_wait3A_519] : memref<2x10000x64xf32, #tpu.memory_space<hbm>> -> memref<1x128x64xf32, #tpu.memory_space<hbm>>
      %dma_wait3A_521 = tpu.memref_squeeze %dma_wait3A_520 : memref<1x128x64xf32, #tpu.memory_space<hbm>> -> memref<128x64xf32, #tpu.memory_space<hbm>>
      tpu.wait_dma2 semaphore(%arg17 : memref<!tpu.dma_semaphore, #tpu.memory_space<semaphore_mem>>) src(%dma_wait3A_521 : memref<128x64xf32, #tpu.memory_space<hbm>>) dst(%dma_wait3A_517 : memref<128x64xf32, #tpu.memory_space<vmem>>)
      %add3A_522 = arith.constant 6 : i32
      %add3A_523 = arith.addi %select_n3A_271, %add3A_522 : i32
      %dma_start3A_524 = arith.constant 0 : i32
      %dma_start3A_525 = arith.constant 0 : i32
      %dma_start3A_526 = tpu.memref_slice %arg8[%scan3A_100, %dma_start3A_524, %dma_start3A_525] : memref<8x128x64xf32, #tpu.memory_space<vmem>> -> memref<1x128x64xf32, #tpu.memory_space<vmem>>
      %dma_start3A_527 = tpu.memref_squeeze %dma_start3A_526 : memref<1x128x64xf32, #tpu.memory_space<vmem>> -> memref<128x64xf32, #tpu.memory_space<vmem>>
      %dma_start3A_528 = arith.constant 0 : i32
      %dma_start3A_529 = tpu.memref_slice %arg7[%add3A_523, %dma_start3A_528] : memref<32x128xi32, #tpu.memory_space<vmem>> -> memref<1x128xi32, #tpu.memory_space<vmem>>
      %dma_start3A_530 = tpu.memref_squeeze %dma_start3A_529 : memref<1x128xi32, #tpu.memory_space<vmem>> -> memref<128xi32, #tpu.memory_space<vmem>>
      %dma_start3A_531 = arith.constant 0 : i32
      %dma_start3A_532 = arith.constant 0 : i32
      %dma_start3A_533 = tpu.memref_slice %arg10[%dma_start3A_531, %dma_start3A_532] : memref<10016x64xf32, #tpu.memory_space<vmem_shared>> -> memref<10016x64xf32, #tpu.memory_space<vmem_shared>>
      tpu.enqueue_indirect_dma source(%dma_start3A_527 : memref<128x64xf32, #tpu.memory_space<vmem>>) target(%dma_start3A_533 : memref<10016x64xf32, #tpu.memory_space<vmem_shared>>) offsets(%dma_start3A_530 : memref<128xi32, #tpu.memory_space<vmem>>) semaphore(%arg25 : memref<!tpu.dma_semaphore, #tpu.memory_space<semaphore_mem>>) {add = true}
      %dma_wait3A_534 = arith.constant 0 : i32
      %dma_wait3A_535 = arith.constant 0 : i32
      %dma_wait3A_536 = tpu.memref_slice %arg8[%scan3A_101, %dma_wait3A_534, %dma_wait3A_535] : memref<8x128x64xf32, #tpu.memory_space<vmem>> -> memref<1x128x64xf32, #tpu.memory_space<vmem>>
      %dma_wait3A_537 = tpu.memref_squeeze %dma_wait3A_536 : memref<1x128x64xf32, #tpu.memory_space<vmem>> -> memref<128x64xf32, #tpu.memory_space<vmem>>
      %dma_wait3A_538 = arith.constant 0 : i32
      %dma_wait3A_539 = arith.constant 0 : i32
      %dma_wait3A_540 = tpu.memref_slice %arg2[%scan3A_93, %dma_wait3A_538, %dma_wait3A_539] : memref<2x10000x64xf32, #tpu.memory_space<hbm>> -> memref<1x128x64xf32, #tpu.memory_space<hbm>>
      %dma_wait3A_541 = tpu.memref_squeeze %dma_wait3A_540 : memref<1x128x64xf32, #tpu.memory_space<hbm>> -> memref<128x64xf32, #tpu.memory_space<hbm>>
      %dma_wait3A_542 = arith.constant 0 : i32
      %dma_wait3A_543 = arith.constant 0 : i32
      %dma_wait3A_544 = tpu.memref_slice %arg8[%scan3A_101, %dma_wait3A_542, %dma_wait3A_543] : memref<8x128x64xf32, #tpu.memory_space<vmem>> -> memref<1x128x64xf32, #tpu.memory_space<vmem>>
      %dma_wait3A_545 = tpu.memref_squeeze %dma_wait3A_544 : memref<1x128x64xf32, #tpu.memory_space<vmem>> -> memref<128x64xf32, #tpu.memory_space<vmem>>
      %dma_wait3A_546 = arith.constant 0 : i32
      %dma_wait3A_547 = arith.constant 0 : i32
      %dma_wait3A_548 = tpu.memref_slice %arg2[%scan3A_93, %dma_wait3A_546, %dma_wait3A_547] : memref<2x10000x64xf32, #tpu.memory_space<hbm>> -> memref<1x128x64xf32, #tpu.memory_space<hbm>>
      %dma_wait3A_549 = tpu.memref_squeeze %dma_wait3A_548 : memref<1x128x64xf32, #tpu.memory_space<hbm>> -> memref<128x64xf32, #tpu.memory_space<hbm>>
      tpu.wait_dma2 semaphore(%arg18 : memref<!tpu.dma_semaphore, #tpu.memory_space<semaphore_mem>>) src(%dma_wait3A_549 : memref<128x64xf32, #tpu.memory_space<hbm>>) dst(%dma_wait3A_545 : memref<128x64xf32, #tpu.memory_space<vmem>>)
      %add3A_550 = arith.constant 7 : i32
      %add3A_551 = arith.addi %select_n3A_271, %add3A_550 : i32
      %dma_start3A_552 = arith.constant 0 : i32
      %dma_start3A_553 = arith.constant 0 : i32
      %dma_start3A_554 = tpu.memref_slice %arg8[%scan3A_101, %dma_start3A_552, %dma_start3A_553] : memref<8x128x64xf32, #tpu.memory_space<vmem>> -> memref<1x128x64xf32, #tpu.memory_space<vmem>>
      %dma_start3A_555 = tpu.memref_squeeze %dma_start3A_554 : memref<1x128x64xf32, #tpu.memory_space<vmem>> -> memref<128x64xf32, #tpu.memory_space<vmem>>
      %dma_start3A_556 = arith.constant 0 : i32
      %dma_start3A_557 = tpu.memref_slice %arg7[%add3A_551, %dma_start3A_556] : memref<32x128xi32, #tpu.memory_space<vmem>> -> memref<1x128xi32, #tpu.memory_space<vmem>>
      %dma_start3A_558 = tpu.memref_squeeze %dma_start3A_557 : memref<1x128xi32, #tpu.memory_space<vmem>> -> memref<128xi32, #tpu.memory_space<vmem>>
      %dma_start3A_559 = arith.constant 0 : i32
      %dma_start3A_560 = arith.constant 0 : i32
      %dma_start3A_561 = tpu.memref_slice %arg10[%dma_start3A_559, %dma_start3A_560] : memref<10016x64xf32, #tpu.memory_space<vmem_shared>> -> memref<10016x64xf32, #tpu.memory_space<vmem_shared>>
      tpu.enqueue_indirect_dma source(%dma_start3A_555 : memref<128x64xf32, #tpu.memory_space<vmem>>) target(%dma_start3A_561 : memref<10016x64xf32, #tpu.memory_space<vmem_shared>>) offsets(%dma_start3A_558 : memref<128xi32, #tpu.memory_space<vmem>>) semaphore(%arg26 : memref<!tpu.dma_semaphore, #tpu.memory_space<semaphore_mem>>) {add = true}
      %add3A_562 = arith.constant 1 : i32
      %add3A_563 = arith.addi %scan3A_259, %add3A_562 : i32
      %lt3A_564 = arith.constant 20 : i32
      %lt3A_565 = arith.cmpi slt, %add3A_563, %lt3A_564 : i32
      %jit3A_566 = arith.constant 2 : i32
      %eq3A_567 = arith.constant 0 : i32
      %eq3A_568 = arith.cmpi eq, %jit3A_566, %eq3A_567 : i32
      %jit3A_569 = arith.constant 1 : i32
      %select_n3A_570 = arith.select %eq3A_568, %jit3A_569, %jit3A_566 : i32
      %rem3A_571 = arith.remsi %add3A_563, %select_n3A_570 : i32
      %ne3A_572 = arith.constant 0 : i32
      %ne3A_573 = arith.cmpi ne, %rem3A_571, %ne3A_572 : i32
      %lt3A_574 = arith.constant 0 : i32
      %lt3A_575 = arith.cmpi slt, %rem3A_571, %lt3A_574 : i32
      %lt3A_576 = arith.constant 0 : i32
      %lt3A_577 = arith.cmpi slt, %select_n3A_570, %lt3A_576 : i32
      %ne3A_578 = arith.xori %lt3A_575, %lt3A_577 : i1
      %and3A_579 = arith.andi %ne3A_578, %ne3A_573 : i1
      %add3A_580 = arith.addi %rem3A_571, %select_n3A_570 : i32
      %select_n3A_581 = arith.select %and3A_579, %add3A_580, %rem3A_571 : i32
      %eq3A_582 = arith.constant 0 : i32
      %eq3A_583 = arith.cmpi eq, %select_n3A_581, %eq3A_582 : i32
      %and3A_584 = arith.andi %lt3A_565, %eq3A_583 : i1
      %convert_element_type3A_585 = arith.extui %and3A_584 : i1 to i32
      %cond3A_586 = arith.constant 0 : i32
      %cond3A_587 = arith.cmpi ne, %convert_element_type3A_585, %cond3A_586 : i32
      scf.if %cond3A_587 {
        %mul3A_594 = arith.constant 8 : i32
        %mul3A_595 = arith.muli %mul3A_594, %add3A_563 : i32
        %jit3A_596 = arith.constant 32 : i32
        %eq3A_597 = arith.constant 0 : i32
        %eq3A_598 = arith.cmpi eq, %jit3A_596, %eq3A_597 : i32
        %jit3A_599 = arith.constant 1 : i32
        %select_n3A_600 = arith.select %eq3A_598, %jit3A_599, %jit3A_596 : i32
        %rem3A_601 = arith.remsi %mul3A_595, %select_n3A_600 : i32
        %ne3A_602 = arith.constant 0 : i32
        %ne3A_603 = arith.cmpi ne, %rem3A_601, %ne3A_602 : i32
        %lt3A_604 = arith.constant 0 : i32
        %lt3A_605 = arith.cmpi slt, %rem3A_601, %lt3A_604 : i32
        %lt3A_606 = arith.constant 0 : i32
        %lt3A_607 = arith.cmpi slt, %select_n3A_600, %lt3A_606 : i32
        %ne3A_608 = arith.xori %lt3A_605, %lt3A_607 : i1
        %and3A_609 = arith.andi %ne3A_608, %ne3A_603 : i1
        %add3A_610 = arith.addi %rem3A_601, %select_n3A_600 : i32
        %select_n3A_611 = arith.select %and3A_609, %add3A_610, %rem3A_601 : i32
        %mul3A_612 = arith.constant 160 : i32
        %mul3A_613 = arith.muli %arg1, %mul3A_612 : i32
        %mul3A_614 = arith.constant 8 : i32
        %mul3A_615 = arith.muli %mul3A_614, %add3A_563 : i32
        %add3A_616 = arith.addi %mul3A_613, %mul3A_615 : i32
        "tpu.region"() ({
          %run_scoped3A = tpu.sem_alloc : memref<!tpu.dma_semaphore, #tpu.memory_space<semaphore_mem>>
          %dma_start3A_622 = arith.constant 0 : i32
          %dma_start3A_623 = tpu.memref_slice %arg6[%select_n3A_611, %dma_start3A_622] : memref<32x128xi32, #tpu.memory_space<vmem>> -> memref<16x128xi32, #tpu.memory_space<vmem>>
          %dma_start3A_624 = arith.constant 0 : i32
          %dma_start3A_625 = tpu.memref_slice %arg3[%add3A_616, %dma_start3A_624] : memref<2560x128xi32, #tpu.memory_space<hbm>> -> memref<16x128xi32, #tpu.memory_space<hbm>>
          %dma_start3A_626 = arith.constant 0 : i32
          %dma_start3A_627 = tpu.memref_slice %arg6[%select_n3A_611, %dma_start3A_626] : memref<32x128xi32, #tpu.memory_space<vmem>> -> memref<16x128xi32, #tpu.memory_space<vmem>>
          %dma_start3A_628 = arith.constant 0 : i32
          %dma_start3A_629 = tpu.memref_slice %arg3[%add3A_616, %dma_start3A_628] : memref<2560x128xi32, #tpu.memory_space<hbm>> -> memref<16x128xi32, #tpu.memory_space<hbm>>
          tpu.enqueue_dma source(%dma_start3A_629 : memref<16x128xi32, #tpu.memory_space<hbm>>) target(%dma_start3A_627 : memref<16x128xi32, #tpu.memory_space<vmem>>) target_semaphore(%run_scoped3A : memref<!tpu.dma_semaphore, #tpu.memory_space<semaphore_mem>>)
          %dma_wait3A_630 = arith.constant 0 : i32
          %dma_wait3A_631 = tpu.memref_slice %arg6[%select_n3A_611, %dma_wait3A_630] : memref<32x128xi32, #tpu.memory_space<vmem>> -> memref<16x128xi32, #tpu.memory_space<vmem>>
          %dma_wait3A_632 = arith.constant 0 : i32
          %dma_wait3A_633 = tpu.memref_slice %arg3[%add3A_616, %dma_wait3A_632] : memref<2560x128xi32, #tpu.memory_space<hbm>> -> memref<16x128xi32, #tpu.memory_space<hbm>>
          %dma_wait3A_634 = arith.constant 0 : i32
          %dma_wait3A_635 = tpu.memref_slice %arg6[%select_n3A_611, %dma_wait3A_634] : memref<32x128xi32, #tpu.memory_space<vmem>> -> memref<16x128xi32, #tpu.memory_space<vmem>>
          %dma_wait3A_636 = arith.constant 0 : i32
          %dma_wait3A_637 = tpu.memref_slice %arg3[%add3A_616, %dma_wait3A_636] : memref<2560x128xi32, #tpu.memory_space<hbm>> -> memref<16x128xi32, #tpu.memory_space<hbm>>
          tpu.wait_dma2 semaphore(%run_scoped3A : memref<!tpu.dma_semaphore, #tpu.memory_space<semaphore_mem>>) src(%dma_wait3A_637 : memref<16x128xi32, #tpu.memory_space<hbm>>) dst(%dma_wait3A_635 : memref<16x128xi32, #tpu.memory_space<vmem>>)
          tpu.yield
        }) : () -> ()
        %mul3A_617 = arith.constant 160 : i32
        %mul3A_618 = arith.muli %arg1, %mul3A_617 : i32
        %mul3A_619 = arith.constant 8 : i32
        %mul3A_620 = arith.muli %mul3A_619, %add3A_563 : i32
        %add3A_621 = arith.addi %mul3A_618, %mul3A_620 : i32
        "tpu.region"() ({
          %run_scoped3A = tpu.sem_alloc : memref<!tpu.dma_semaphore, #tpu.memory_space<semaphore_mem>>
          %dma_start3A_622 = arith.constant 0 : i32
          %dma_start3A_623 = tpu.memref_slice %arg7[%select_n3A_611, %dma_start3A_622] : memref<32x128xi32, #tpu.memory_space<vmem>> -> memref<16x128xi32, #tpu.memory_space<vmem>>
          %dma_start3A_624 = arith.constant 0 : i32
          %dma_start3A_625 = tpu.memref_slice %arg4[%add3A_621, %dma_start3A_624] : memref<2560x128xi32, #tpu.memory_space<hbm>> -> memref<16x128xi32, #tpu.memory_space<hbm>>
          %dma_start3A_626 = arith.constant 0 : i32
          %dma_start3A_627 = tpu.memref_slice %arg7[%select_n3A_611, %dma_start3A_626] : memref<32x128xi32, #tpu.memory_space<vmem>> -> memref<16x128xi32, #tpu.memory_space<vmem>>
          %dma_start3A_628 = arith.constant 0 : i32
          %dma_start3A_629 = tpu.memref_slice %arg4[%add3A_621, %dma_start3A_628] : memref<2560x128xi32, #tpu.memory_space<hbm>> -> memref<16x128xi32, #tpu.memory_space<hbm>>
          tpu.enqueue_dma source(%dma_start3A_629 : memref<16x128xi32, #tpu.memory_space<hbm>>) target(%dma_start3A_627 : memref<16x128xi32, #tpu.memory_space<vmem>>) target_semaphore(%run_scoped3A : memref<!tpu.dma_semaphore, #tpu.memory_space<semaphore_mem>>)
          %dma_wait3A_630 = arith.constant 0 : i32
          %dma_wait3A_631 = tpu.memref_slice %arg7[%select_n3A_611, %dma_wait3A_630] : memref<32x128xi32, #tpu.memory_space<vmem>> -> memref<16x128xi32, #tpu.memory_space<vmem>>
          %dma_wait3A_632 = arith.constant 0 : i32
          %dma_wait3A_633 = tpu.memref_slice %arg4[%add3A_621, %dma_wait3A_632] : memref<2560x128xi32, #tpu.memory_space<hbm>> -> memref<16x128xi32, #tpu.memory_space<hbm>>
          %dma_wait3A_634 = arith.constant 0 : i32
          %dma_wait3A_635 = tpu.memref_slice %arg7[%select_n3A_611, %dma_wait3A_634] : memref<32x128xi32, #tpu.memory_space<vmem>> -> memref<16x128xi32, #tpu.memory_space<vmem>>
          %dma_wait3A_636 = arith.constant 0 : i32
          %dma_wait3A_637 = tpu.memref_slice %arg4[%add3A_621, %dma_wait3A_636] : memref<2560x128xi32, #tpu.memory_space<hbm>> -> memref<16x128xi32, #tpu.memory_space<hbm>>
          tpu.wait_dma2 semaphore(%run_scoped3A : memref<!tpu.dma_semaphore, #tpu.memory_space<semaphore_mem>>) src(%dma_wait3A_637 : memref<16x128xi32, #tpu.memory_space<hbm>>) dst(%dma_wait3A_635 : memref<16x128xi32, #tpu.memory_space<vmem>>)
          tpu.yield
        }) : () -> ()
      } else {
      }
      %lt3A_588 = arith.constant 20 : i32
      %lt3A_589 = arith.cmpi slt, %add3A_563, %lt3A_588 : i32
      %convert_element_type3A_590 = arith.extui %lt3A_589 : i1 to i32
      %cond3A_591 = arith.constant 0 : i32
      %cond3A_592 = arith.cmpi ne, %convert_element_type3A_590, %cond3A_591 : i32
      scf.if %cond3A_592 {
        %mul3A_594 = arith.constant 8 : i32
        %mul3A_595 = arith.muli %mul3A_594, %add3A_563 : i32
        %jit3A_596 = arith.constant 32 : i32
        %eq3A_597 = arith.constant 0 : i32
        %eq3A_598 = arith.cmpi eq, %jit3A_596, %eq3A_597 : i32
        %jit3A_599 = arith.constant 1 : i32
        %select_n3A_600 = arith.select %eq3A_598, %jit3A_599, %jit3A_596 : i32
        %rem3A_601 = arith.remsi %mul3A_595, %select_n3A_600 : i32
        %ne3A_602 = arith.constant 0 : i32
        %ne3A_603 = arith.cmpi ne, %rem3A_601, %ne3A_602 : i32
        %lt3A_604 = arith.constant 0 : i32
        %lt3A_605 = arith.cmpi slt, %rem3A_601, %lt3A_604 : i32
        %lt3A_606 = arith.constant 0 : i32
        %lt3A_607 = arith.cmpi slt, %select_n3A_600, %lt3A_606 : i32
        %ne3A_608 = arith.xori %lt3A_605, %lt3A_607 : i1
        %and3A_609 = arith.andi %ne3A_608, %ne3A_603 : i1
        %add3A_610 = arith.addi %rem3A_601, %select_n3A_600 : i32
        %select_n3A_611 = arith.select %and3A_609, %add3A_610, %rem3A_601 : i32
        %dma_wait3A_612 = arith.constant 0 : i32
        %dma_wait3A_613 = arith.constant 0 : i32
        %dma_wait3A_614 = tpu.memref_slice %arg8[%scan3A_94, %dma_wait3A_612, %dma_wait3A_613] : memref<8x128x64xf32, #tpu.memory_space<vmem>> -> memref<1x128x64xf32, #tpu.memory_space<vmem>>
        %dma_wait3A_615 = tpu.memref_squeeze %dma_wait3A_614 : memref<1x128x64xf32, #tpu.memory_space<vmem>> -> memref<128x64xf32, #tpu.memory_space<vmem>>
        %dma_wait3A_616 = arith.constant 0 : i32
        %dma_wait3A_617 = arith.constant 0 : i32
        %dma_wait3A_618 = tpu.memref_slice %arg2[%scan3A_93, %dma_wait3A_616, %dma_wait3A_617] : memref<2x10000x64xf32, #tpu.memory_space<hbm>> -> memref<1x128x64xf32, #tpu.memory_space<hbm>>
        %dma_wait3A_619 = tpu.memref_squeeze %dma_wait3A_618 : memref<1x128x64xf32, #tpu.memory_space<hbm>> -> memref<128x64xf32, #tpu.memory_space<hbm>>
        %dma_wait3A_620 = arith.constant 0 : i32
        %dma_wait3A_621 = arith.constant 0 : i32
        %dma_wait3A_622 = tpu.memref_slice %arg8[%scan3A_94, %dma_wait3A_620, %dma_wait3A_621] : memref<8x128x64xf32, #tpu.memory_space<vmem>> -> memref<1x128x64xf32, #tpu.memory_space<vmem>>
        %dma_wait3A_623 = tpu.memref_squeeze %dma_wait3A_622 : memref<1x128x64xf32, #tpu.memory_space<vmem>> -> memref<128x64xf32, #tpu.memory_space<vmem>>
        %dma_wait3A_624 = arith.constant 0 : i32
        %dma_wait3A_625 = arith.constant 0 : i32
        %dma_wait3A_626 = tpu.memref_slice %arg2[%scan3A_93, %dma_wait3A_624, %dma_wait3A_625] : memref<2x10000x64xf32, #tpu.memory_space<hbm>> -> memref<1x128x64xf32, #tpu.memory_space<hbm>>
        %dma_wait3A_627 = tpu.memref_squeeze %dma_wait3A_626 : memref<1x128x64xf32, #tpu.memory_space<hbm>> -> memref<128x64xf32, #tpu.memory_space<hbm>>
        tpu.wait_dma2 semaphore(%arg19 : memref<!tpu.dma_semaphore, #tpu.memory_space<semaphore_mem>>) src(%dma_wait3A_627 : memref<128x64xf32, #tpu.memory_space<hbm>>) dst(%dma_wait3A_623 : memref<128x64xf32, #tpu.memory_space<vmem>>)
        %add3A_628 = arith.constant 0 : i32
        %add3A_629 = arith.addi %select_n3A_611, %add3A_628 : i32
        %dma_start3A_630 = arith.constant 0 : i32
        %dma_start3A_631 = arith.constant 0 : i32
        %dma_start3A_632 = tpu.memref_slice %arg8[%scan3A_94, %dma_start3A_630, %dma_start3A_631] : memref<8x128x64xf32, #tpu.memory_space<vmem>> -> memref<1x128x64xf32, #tpu.memory_space<vmem>>
        %dma_start3A_633 = tpu.memref_squeeze %dma_start3A_632 : memref<1x128x64xf32, #tpu.memory_space<vmem>> -> memref<128x64xf32, #tpu.memory_space<vmem>>
        %dma_start3A_634 = arith.constant 0 : i32
        %dma_start3A_635 = tpu.memref_slice %arg6[%add3A_629, %dma_start3A_634] : memref<32x128xi32, #tpu.memory_space<vmem>> -> memref<1x128xi32, #tpu.memory_space<vmem>>
        %dma_start3A_636 = tpu.memref_squeeze %dma_start3A_635 : memref<1x128xi32, #tpu.memory_space<vmem>> -> memref<128xi32, #tpu.memory_space<vmem>>
        %dma_start3A_637 = arith.constant 0 : i32
        %dma_start3A_638 = arith.constant 0 : i32
        %dma_start3A_639 = tpu.memref_slice %arg2[%arg0, %dma_start3A_637, %dma_start3A_638] : memref<2x10000x64xf32, #tpu.memory_space<hbm>> -> memref<1x10000x64xf32, #tpu.memory_space<hbm>>
        %dma_start3A_640 = tpu.memref_squeeze %dma_start3A_639 : memref<1x10000x64xf32, #tpu.memory_space<hbm>> -> memref<10000x64xf32, #tpu.memory_space<hbm>>
        %dma_start3A_641 = arith.constant 0 : i32
        %dma_start3A_642 = arith.constant 0 : i32
        %dma_start3A_643 = tpu.memref_slice %dma_start3A_640[%dma_start3A_641, %dma_start3A_642] : memref<10000x64xf32, #tpu.memory_space<hbm>> -> memref<10000x64xf32, #tpu.memory_space<hbm>>
        tpu.enqueue_indirect_dma source(%dma_start3A_643 : memref<10000x64xf32, #tpu.memory_space<hbm>>) target(%dma_start3A_633 : memref<128x64xf32, #tpu.memory_space<vmem>>) offsets(%dma_start3A_636 : memref<128xi32, #tpu.memory_space<vmem>>) semaphore(%arg11 : memref<!tpu.dma_semaphore, #tpu.memory_space<semaphore_mem>>)
        %dma_wait3A_644 = arith.constant 0 : i32
        %dma_wait3A_645 = arith.constant 0 : i32
        %dma_wait3A_646 = tpu.memref_slice %arg8[%scan3A_95, %dma_wait3A_644, %dma_wait3A_645] : memref<8x128x64xf32, #tpu.memory_space<vmem>> -> memref<1x128x64xf32, #tpu.memory_space<vmem>>
        %dma_wait3A_647 = tpu.memref_squeeze %dma_wait3A_646 : memref<1x128x64xf32, #tpu.memory_space<vmem>> -> memref<128x64xf32, #tpu.memory_space<vmem>>
        %dma_wait3A_648 = arith.constant 0 : i32
        %dma_wait3A_649 = arith.constant 0 : i32
        %dma_wait3A_650 = tpu.memref_slice %arg2[%scan3A_93, %dma_wait3A_648, %dma_wait3A_649] : memref<2x10000x64xf32, #tpu.memory_space<hbm>> -> memref<1x128x64xf32, #tpu.memory_space<hbm>>
        %dma_wait3A_651 = tpu.memref_squeeze %dma_wait3A_650 : memref<1x128x64xf32, #tpu.memory_space<hbm>> -> memref<128x64xf32, #tpu.memory_space<hbm>>
        %dma_wait3A_652 = arith.constant 0 : i32
        %dma_wait3A_653 = arith.constant 0 : i32
        %dma_wait3A_654 = tpu.memref_slice %arg8[%scan3A_95, %dma_wait3A_652, %dma_wait3A_653] : memref<8x128x64xf32, #tpu.memory_space<vmem>> -> memref<1x128x64xf32, #tpu.memory_space<vmem>>
        %dma_wait3A_655 = tpu.memref_squeeze %dma_wait3A_654 : memref<1x128x64xf32, #tpu.memory_space<vmem>> -> memref<128x64xf32, #tpu.memory_space<vmem>>
        %dma_wait3A_656 = arith.constant 0 : i32
        %dma_wait3A_657 = arith.constant 0 : i32
        %dma_wait3A_658 = tpu.memref_slice %arg2[%scan3A_93, %dma_wait3A_656, %dma_wait3A_657] : memref<2x10000x64xf32, #tpu.memory_space<hbm>> -> memref<1x128x64xf32, #tpu.memory_space<hbm>>
        %dma_wait3A_659 = tpu.memref_squeeze %dma_wait3A_658 : memref<1x128x64xf32, #tpu.memory_space<hbm>> -> memref<128x64xf32, #tpu.memory_space<hbm>>
        tpu.wait_dma2 semaphore(%arg20 : memref<!tpu.dma_semaphore, #tpu.memory_space<semaphore_mem>>) src(%dma_wait3A_659 : memref<128x64xf32, #tpu.memory_space<hbm>>) dst(%dma_wait3A_655 : memref<128x64xf32, #tpu.memory_space<vmem>>)
        %add3A_660 = arith.constant 1 : i32
        %add3A_661 = arith.addi %select_n3A_611, %add3A_660 : i32
        %dma_start3A_662 = arith.constant 0 : i32
        %dma_start3A_663 = arith.constant 0 : i32
        %dma_start3A_664 = tpu.memref_slice %arg8[%scan3A_95, %dma_start3A_662, %dma_start3A_663] : memref<8x128x64xf32, #tpu.memory_space<vmem>> -> memref<1x128x64xf32, #tpu.memory_space<vmem>>
        %dma_start3A_665 = tpu.memref_squeeze %dma_start3A_664 : memref<1x128x64xf32, #tpu.memory_space<vmem>> -> memref<128x64xf32, #tpu.memory_space<vmem>>
        %dma_start3A_666 = arith.constant 0 : i32
        %dma_start3A_667 = tpu.memref_slice %arg6[%add3A_661, %dma_start3A_666] : memref<32x128xi32, #tpu.memory_space<vmem>> -> memref<1x128xi32, #tpu.memory_space<vmem>>
        %dma_start3A_668 = tpu.memref_squeeze %dma_start3A_667 : memref<1x128xi32, #tpu.memory_space<vmem>> -> memref<128xi32, #tpu.memory_space<vmem>>
        %dma_start3A_669 = arith.constant 0 : i32
        %dma_start3A_670 = arith.constant 0 : i32
        %dma_start3A_671 = tpu.memref_slice %arg2[%arg0, %dma_start3A_669, %dma_start3A_670] : memref<2x10000x64xf32, #tpu.memory_space<hbm>> -> memref<1x10000x64xf32, #tpu.memory_space<hbm>>
        %dma_start3A_672 = tpu.memref_squeeze %dma_start3A_671 : memref<1x10000x64xf32, #tpu.memory_space<hbm>> -> memref<10000x64xf32, #tpu.memory_space<hbm>>
        %dma_start3A_673 = arith.constant 0 : i32
        %dma_start3A_674 = arith.constant 0 : i32
        %dma_start3A_675 = tpu.memref_slice %dma_start3A_672[%dma_start3A_673, %dma_start3A_674] : memref<10000x64xf32, #tpu.memory_space<hbm>> -> memref<10000x64xf32, #tpu.memory_space<hbm>>
        tpu.enqueue_indirect_dma source(%dma_start3A_675 : memref<10000x64xf32, #tpu.memory_space<hbm>>) target(%dma_start3A_665 : memref<128x64xf32, #tpu.memory_space<vmem>>) offsets(%dma_start3A_668 : memref<128xi32, #tpu.memory_space<vmem>>) semaphore(%arg12 : memref<!tpu.dma_semaphore, #tpu.memory_space<semaphore_mem>>)
        %dma_wait3A_676 = arith.constant 0 : i32
        %dma_wait3A_677 = arith.constant 0 : i32
        %dma_wait3A_678 = tpu.memref_slice %arg8[%scan3A_96, %dma_wait3A_676, %dma_wait3A_677] : memref<8x128x64xf32, #tpu.memory_space<vmem>> -> memref<1x128x64xf32, #tpu.memory_space<vmem>>
        %dma_wait3A_679 = tpu.memref_squeeze %dma_wait3A_678 : memref<1x128x64xf32, #tpu.memory_space<vmem>> -> memref<128x64xf32, #tpu.memory_space<vmem>>
        %dma_wait3A_680 = arith.constant 0 : i32
        %dma_wait3A_681 = arith.constant 0 : i32
        %dma_wait3A_682 = tpu.memref_slice %arg2[%scan3A_93, %dma_wait3A_680, %dma_wait3A_681] : memref<2x10000x64xf32, #tpu.memory_space<hbm>> -> memref<1x128x64xf32, #tpu.memory_space<hbm>>
        %dma_wait3A_683 = tpu.memref_squeeze %dma_wait3A_682 : memref<1x128x64xf32, #tpu.memory_space<hbm>> -> memref<128x64xf32, #tpu.memory_space<hbm>>
        %dma_wait3A_684 = arith.constant 0 : i32
        %dma_wait3A_685 = arith.constant 0 : i32
        %dma_wait3A_686 = tpu.memref_slice %arg8[%scan3A_96, %dma_wait3A_684, %dma_wait3A_685] : memref<8x128x64xf32, #tpu.memory_space<vmem>> -> memref<1x128x64xf32, #tpu.memory_space<vmem>>
        %dma_wait3A_687 = tpu.memref_squeeze %dma_wait3A_686 : memref<1x128x64xf32, #tpu.memory_space<vmem>> -> memref<128x64xf32, #tpu.memory_space<vmem>>
        %dma_wait3A_688 = arith.constant 0 : i32
        %dma_wait3A_689 = arith.constant 0 : i32
        %dma_wait3A_690 = tpu.memref_slice %arg2[%scan3A_93, %dma_wait3A_688, %dma_wait3A_689] : memref<2x10000x64xf32, #tpu.memory_space<hbm>> -> memref<1x128x64xf32, #tpu.memory_space<hbm>>
        %dma_wait3A_691 = tpu.memref_squeeze %dma_wait3A_690 : memref<1x128x64xf32, #tpu.memory_space<hbm>> -> memref<128x64xf32, #tpu.memory_space<hbm>>
        tpu.wait_dma2 semaphore(%arg21 : memref<!tpu.dma_semaphore, #tpu.memory_space<semaphore_mem>>) src(%dma_wait3A_691 : memref<128x64xf32, #tpu.memory_space<hbm>>) dst(%dma_wait3A_687 : memref<128x64xf32, #tpu.memory_space<vmem>>)
        %add3A_692 = arith.constant 2 : i32
        %add3A_693 = arith.addi %select_n3A_611, %add3A_692 : i32
        %dma_start3A_694 = arith.constant 0 : i32
        %dma_start3A_695 = arith.constant 0 : i32
        %dma_start3A_696 = tpu.memref_slice %arg8[%scan3A_96, %dma_start3A_694, %dma_start3A_695] : memref<8x128x64xf32, #tpu.memory_space<vmem>> -> memref<1x128x64xf32, #tpu.memory_space<vmem>>
        %dma_start3A_697 = tpu.memref_squeeze %dma_start3A_696 : memref<1x128x64xf32, #tpu.memory_space<vmem>> -> memref<128x64xf32, #tpu.memory_space<vmem>>
        %dma_start3A_698 = arith.constant 0 : i32
        %dma_start3A_699 = tpu.memref_slice %arg6[%add3A_693, %dma_start3A_698] : memref<32x128xi32, #tpu.memory_space<vmem>> -> memref<1x128xi32, #tpu.memory_space<vmem>>
        %dma_start3A_700 = tpu.memref_squeeze %dma_start3A_699 : memref<1x128xi32, #tpu.memory_space<vmem>> -> memref<128xi32, #tpu.memory_space<vmem>>
        %dma_start3A_701 = arith.constant 0 : i32
        %dma_start3A_702 = arith.constant 0 : i32
        %dma_start3A_703 = tpu.memref_slice %arg2[%arg0, %dma_start3A_701, %dma_start3A_702] : memref<2x10000x64xf32, #tpu.memory_space<hbm>> -> memref<1x10000x64xf32, #tpu.memory_space<hbm>>
        %dma_start3A_704 = tpu.memref_squeeze %dma_start3A_703 : memref<1x10000x64xf32, #tpu.memory_space<hbm>> -> memref<10000x64xf32, #tpu.memory_space<hbm>>
        %dma_start3A_705 = arith.constant 0 : i32
        %dma_start3A_706 = arith.constant 0 : i32
        %dma_start3A_707 = tpu.memref_slice %dma_start3A_704[%dma_start3A_705, %dma_start3A_706] : memref<10000x64xf32, #tpu.memory_space<hbm>> -> memref<10000x64xf32, #tpu.memory_space<hbm>>
        tpu.enqueue_indirect_dma source(%dma_start3A_707 : memref<10000x64xf32, #tpu.memory_space<hbm>>) target(%dma_start3A_697 : memref<128x64xf32, #tpu.memory_space<vmem>>) offsets(%dma_start3A_700 : memref<128xi32, #tpu.memory_space<vmem>>) semaphore(%arg13 : memref<!tpu.dma_semaphore, #tpu.memory_space<semaphore_mem>>)
        %dma_wait3A_708 = arith.constant 0 : i32
        %dma_wait3A_709 = arith.constant 0 : i32
        %dma_wait3A_710 = tpu.memref_slice %arg8[%scan3A_97, %dma_wait3A_708, %dma_wait3A_709] : memref<8x128x64xf32, #tpu.memory_space<vmem>> -> memref<1x128x64xf32, #tpu.memory_space<vmem>>
        %dma_wait3A_711 = tpu.memref_squeeze %dma_wait3A_710 : memref<1x128x64xf32, #tpu.memory_space<vmem>> -> memref<128x64xf32, #tpu.memory_space<vmem>>
        %dma_wait3A_712 = arith.constant 0 : i32
        %dma_wait3A_713 = arith.constant 0 : i32
        %dma_wait3A_714 = tpu.memref_slice %arg2[%scan3A_93, %dma_wait3A_712, %dma_wait3A_713] : memref<2x10000x64xf32, #tpu.memory_space<hbm>> -> memref<1x128x64xf32, #tpu.memory_space<hbm>>
        %dma_wait3A_715 = tpu.memref_squeeze %dma_wait3A_714 : memref<1x128x64xf32, #tpu.memory_space<hbm>> -> memref<128x64xf32, #tpu.memory_space<hbm>>
        %dma_wait3A_716 = arith.constant 0 : i32
        %dma_wait3A_717 = arith.constant 0 : i32
        %dma_wait3A_718 = tpu.memref_slice %arg8[%scan3A_97, %dma_wait3A_716, %dma_wait3A_717] : memref<8x128x64xf32, #tpu.memory_space<vmem>> -> memref<1x128x64xf32, #tpu.memory_space<vmem>>
        %dma_wait3A_719 = tpu.memref_squeeze %dma_wait3A_718 : memref<1x128x64xf32, #tpu.memory_space<vmem>> -> memref<128x64xf32, #tpu.memory_space<vmem>>
        %dma_wait3A_720 = arith.constant 0 : i32
        %dma_wait3A_721 = arith.constant 0 : i32
        %dma_wait3A_722 = tpu.memref_slice %arg2[%scan3A_93, %dma_wait3A_720, %dma_wait3A_721] : memref<2x10000x64xf32, #tpu.memory_space<hbm>> -> memref<1x128x64xf32, #tpu.memory_space<hbm>>
        %dma_wait3A_723 = tpu.memref_squeeze %dma_wait3A_722 : memref<1x128x64xf32, #tpu.memory_space<hbm>> -> memref<128x64xf32, #tpu.memory_space<hbm>>
        tpu.wait_dma2 semaphore(%arg22 : memref<!tpu.dma_semaphore, #tpu.memory_space<semaphore_mem>>) src(%dma_wait3A_723 : memref<128x64xf32, #tpu.memory_space<hbm>>) dst(%dma_wait3A_719 : memref<128x64xf32, #tpu.memory_space<vmem>>)
        %add3A_724 = arith.constant 3 : i32
        %add3A_725 = arith.addi %select_n3A_611, %add3A_724 : i32
        %dma_start3A_726 = arith.constant 0 : i32
        %dma_start3A_727 = arith.constant 0 : i32
        %dma_start3A_728 = tpu.memref_slice %arg8[%scan3A_97, %dma_start3A_726, %dma_start3A_727] : memref<8x128x64xf32, #tpu.memory_space<vmem>> -> memref<1x128x64xf32, #tpu.memory_space<vmem>>
        %dma_start3A_729 = tpu.memref_squeeze %dma_start3A_728 : memref<1x128x64xf32, #tpu.memory_space<vmem>> -> memref<128x64xf32, #tpu.memory_space<vmem>>
        %dma_start3A_730 = arith.constant 0 : i32
        %dma_start3A_731 = tpu.memref_slice %arg6[%add3A_725, %dma_start3A_730] : memref<32x128xi32, #tpu.memory_space<vmem>> -> memref<1x128xi32, #tpu.memory_space<vmem>>
        %dma_start3A_732 = tpu.memref_squeeze %dma_start3A_731 : memref<1x128xi32, #tpu.memory_space<vmem>> -> memref<128xi32, #tpu.memory_space<vmem>>
        %dma_start3A_733 = arith.constant 0 : i32
        %dma_start3A_734 = arith.constant 0 : i32
        %dma_start3A_735 = tpu.memref_slice %arg2[%arg0, %dma_start3A_733, %dma_start3A_734] : memref<2x10000x64xf32, #tpu.memory_space<hbm>> -> memref<1x10000x64xf32, #tpu.memory_space<hbm>>
        %dma_start3A_736 = tpu.memref_squeeze %dma_start3A_735 : memref<1x10000x64xf32, #tpu.memory_space<hbm>> -> memref<10000x64xf32, #tpu.memory_space<hbm>>
        %dma_start3A_737 = arith.constant 0 : i32
        %dma_start3A_738 = arith.constant 0 : i32
        %dma_start3A_739 = tpu.memref_slice %dma_start3A_736[%dma_start3A_737, %dma_start3A_738] : memref<10000x64xf32, #tpu.memory_space<hbm>> -> memref<10000x64xf32, #tpu.memory_space<hbm>>
        tpu.enqueue_indirect_dma source(%dma_start3A_739 : memref<10000x64xf32, #tpu.memory_space<hbm>>) target(%dma_start3A_729 : memref<128x64xf32, #tpu.memory_space<vmem>>) offsets(%dma_start3A_732 : memref<128xi32, #tpu.memory_space<vmem>>) semaphore(%arg14 : memref<!tpu.dma_semaphore, #tpu.memory_space<semaphore_mem>>)
      } else {
      }
      %scan3A_593 = arith.constant 0 : i32
      scf.yield %scan3A_593 : i32
    }
    %scan3A_108 = arith.constant 20 : i32
    %dma_wait3A = arith.constant 0 : i32
    %dma_wait3A_109 = arith.constant 0 : i32
    %dma_wait3A_110 = arith.constant 0 : i32
    %dma_wait3A_111 = arith.constant 0 : i32
    %dma_wait3A_112 = tpu.memref_slice %arg8[%dma_wait3A_109, %dma_wait3A_110, %dma_wait3A_111] : memref<8x128x64xf32, #tpu.memory_space<vmem>> -> memref<1x128x64xf32, #tpu.memory_space<vmem>>
    %dma_wait3A_113 = tpu.memref_squeeze %dma_wait3A_112 : memref<1x128x64xf32, #tpu.memory_space<vmem>> -> memref<128x64xf32, #tpu.memory_space<vmem>>
    %dma_wait3A_114 = arith.constant 0 : i32
    %dma_wait3A_115 = arith.constant 0 : i32
    %dma_wait3A_116 = tpu.memref_slice %arg2[%dma_wait3A, %dma_wait3A_114, %dma_wait3A_115] : memref<2x10000x64xf32, #tpu.memory_space<hbm>> -> memref<1x128x64xf32, #tpu.memory_space<hbm>>
    %dma_wait3A_117 = tpu.memref_squeeze %dma_wait3A_116 : memref<1x128x64xf32, #tpu.memory_space<hbm>> -> memref<128x64xf32, #tpu.memory_space<hbm>>
    %dma_wait3A_118 = arith.constant 0 : i32
    %dma_wait3A_119 = arith.constant 0 : i32
    %dma_wait3A_120 = tpu.memref_slice %arg8[%dma_wait3A_109, %dma_wait3A_118, %dma_wait3A_119] : memref<8x128x64xf32, #tpu.memory_space<vmem>> -> memref<1x128x64xf32, #tpu.memory_space<vmem>>
    %dma_wait3A_121 = tpu.memref_squeeze %dma_wait3A_120 : memref<1x128x64xf32, #tpu.memory_space<vmem>> -> memref<128x64xf32, #tpu.memory_space<vmem>>
    %dma_wait3A_122 = arith.constant 0 : i32
    %dma_wait3A_123 = arith.constant 0 : i32
    %dma_wait3A_124 = tpu.memref_slice %arg2[%dma_wait3A, %dma_wait3A_122, %dma_wait3A_123] : memref<2x10000x64xf32, #tpu.memory_space<hbm>> -> memref<1x128x64xf32, #tpu.memory_space<hbm>>
    %dma_wait3A_125 = tpu.memref_squeeze %dma_wait3A_124 : memref<1x128x64xf32, #tpu.memory_space<hbm>> -> memref<128x64xf32, #tpu.memory_space<hbm>>
    tpu.wait_dma2 semaphore(%arg19 : memref<!tpu.dma_semaphore, #tpu.memory_space<semaphore_mem>>) src(%dma_wait3A_125 : memref<128x64xf32, #tpu.memory_space<hbm>>) dst(%dma_wait3A_121 : memref<128x64xf32, #tpu.memory_space<vmem>>)
    %dma_wait3A_126 = arith.constant 0 : i32
    %dma_wait3A_127 = arith.constant 1 : i32
    %dma_wait3A_128 = arith.constant 0 : i32
    %dma_wait3A_129 = arith.constant 0 : i32
    %dma_wait3A_130 = tpu.memref_slice %arg8[%dma_wait3A_127, %dma_wait3A_128, %dma_wait3A_129] : memref<8x128x64xf32, #tpu.memory_space<vmem>> -> memref<1x128x64xf32, #tpu.memory_space<vmem>>
    %dma_wait3A_131 = tpu.memref_squeeze %dma_wait3A_130 : memref<1x128x64xf32, #tpu.memory_space<vmem>> -> memref<128x64xf32, #tpu.memory_space<vmem>>
    %dma_wait3A_132 = arith.constant 0 : i32
    %dma_wait3A_133 = arith.constant 0 : i32
    %dma_wait3A_134 = tpu.memref_slice %arg2[%dma_wait3A_126, %dma_wait3A_132, %dma_wait3A_133] : memref<2x10000x64xf32, #tpu.memory_space<hbm>> -> memref<1x128x64xf32, #tpu.memory_space<hbm>>
    %dma_wait3A_135 = tpu.memref_squeeze %dma_wait3A_134 : memref<1x128x64xf32, #tpu.memory_space<hbm>> -> memref<128x64xf32, #tpu.memory_space<hbm>>
    %dma_wait3A_136 = arith.constant 0 : i32
    %dma_wait3A_137 = arith.constant 0 : i32
    %dma_wait3A_138 = tpu.memref_slice %arg8[%dma_wait3A_127, %dma_wait3A_136, %dma_wait3A_137] : memref<8x128x64xf32, #tpu.memory_space<vmem>> -> memref<1x128x64xf32, #tpu.memory_space<vmem>>
    %dma_wait3A_139 = tpu.memref_squeeze %dma_wait3A_138 : memref<1x128x64xf32, #tpu.memory_space<vmem>> -> memref<128x64xf32, #tpu.memory_space<vmem>>
    %dma_wait3A_140 = arith.constant 0 : i32
    %dma_wait3A_141 = arith.constant 0 : i32
    %dma_wait3A_142 = tpu.memref_slice %arg2[%dma_wait3A_126, %dma_wait3A_140, %dma_wait3A_141] : memref<2x10000x64xf32, #tpu.memory_space<hbm>> -> memref<1x128x64xf32, #tpu.memory_space<hbm>>
    %dma_wait3A_143 = tpu.memref_squeeze %dma_wait3A_142 : memref<1x128x64xf32, #tpu.memory_space<hbm>> -> memref<128x64xf32, #tpu.memory_space<hbm>>
    tpu.wait_dma2 semaphore(%arg20 : memref<!tpu.dma_semaphore, #tpu.memory_space<semaphore_mem>>) src(%dma_wait3A_143 : memref<128x64xf32, #tpu.memory_space<hbm>>) dst(%dma_wait3A_139 : memref<128x64xf32, #tpu.memory_space<vmem>>)
    %dma_wait3A_144 = arith.constant 0 : i32
    %dma_wait3A_145 = arith.constant 2 : i32
    %dma_wait3A_146 = arith.constant 0 : i32
    %dma_wait3A_147 = arith.constant 0 : i32
    %dma_wait3A_148 = tpu.memref_slice %arg8[%dma_wait3A_145, %dma_wait3A_146, %dma_wait3A_147] : memref<8x128x64xf32, #tpu.memory_space<vmem>> -> memref<1x128x64xf32, #tpu.memory_space<vmem>>
    %dma_wait3A_149 = tpu.memref_squeeze %dma_wait3A_148 : memref<1x128x64xf32, #tpu.memory_space<vmem>> -> memref<128x64xf32, #tpu.memory_space<vmem>>
    %dma_wait3A_150 = arith.constant 0 : i32
    %dma_wait3A_151 = arith.constant 0 : i32
    %dma_wait3A_152 = tpu.memref_slice %arg2[%dma_wait3A_144, %dma_wait3A_150, %dma_wait3A_151] : memref<2x10000x64xf32, #tpu.memory_space<hbm>> -> memref<1x128x64xf32, #tpu.memory_space<hbm>>
    %dma_wait3A_153 = tpu.memref_squeeze %dma_wait3A_152 : memref<1x128x64xf32, #tpu.memory_space<hbm>> -> memref<128x64xf32, #tpu.memory_space<hbm>>
    %dma_wait3A_154 = arith.constant 0 : i32
    %dma_wait3A_155 = arith.constant 0 : i32
    %dma_wait3A_156 = tpu.memref_slice %arg8[%dma_wait3A_145, %dma_wait3A_154, %dma_wait3A_155] : memref<8x128x64xf32, #tpu.memory_space<vmem>> -> memref<1x128x64xf32, #tpu.memory_space<vmem>>
    %dma_wait3A_157 = tpu.memref_squeeze %dma_wait3A_156 : memref<1x128x64xf32, #tpu.memory_space<vmem>> -> memref<128x64xf32, #tpu.memory_space<vmem>>
    %dma_wait3A_158 = arith.constant 0 : i32
    %dma_wait3A_159 = arith.constant 0 : i32
    %dma_wait3A_160 = tpu.memref_slice %arg2[%dma_wait3A_144, %dma_wait3A_158, %dma_wait3A_159] : memref<2x10000x64xf32, #tpu.memory_space<hbm>> -> memref<1x128x64xf32, #tpu.memory_space<hbm>>
    %dma_wait3A_161 = tpu.memref_squeeze %dma_wait3A_160 : memref<1x128x64xf32, #tpu.memory_space<hbm>> -> memref<128x64xf32, #tpu.memory_space<hbm>>
    tpu.wait_dma2 semaphore(%arg21 : memref<!tpu.dma_semaphore, #tpu.memory_space<semaphore_mem>>) src(%dma_wait3A_161 : memref<128x64xf32, #tpu.memory_space<hbm>>) dst(%dma_wait3A_157 : memref<128x64xf32, #tpu.memory_space<vmem>>)
    %dma_wait3A_162 = arith.constant 0 : i32
    %dma_wait3A_163 = arith.constant 3 : i32
    %dma_wait3A_164 = arith.constant 0 : i32
    %dma_wait3A_165 = arith.constant 0 : i32
    %dma_wait3A_166 = tpu.memref_slice %arg8[%dma_wait3A_163, %dma_wait3A_164, %dma_wait3A_165] : memref<8x128x64xf32, #tpu.memory_space<vmem>> -> memref<1x128x64xf32, #tpu.memory_space<vmem>>
    %dma_wait3A_167 = tpu.memref_squeeze %dma_wait3A_166 : memref<1x128x64xf32, #tpu.memory_space<vmem>> -> memref<128x64xf32, #tpu.memory_space<vmem>>
    %dma_wait3A_168 = arith.constant 0 : i32
    %dma_wait3A_169 = arith.constant 0 : i32
    %dma_wait3A_170 = tpu.memref_slice %arg2[%dma_wait3A_162, %dma_wait3A_168, %dma_wait3A_169] : memref<2x10000x64xf32, #tpu.memory_space<hbm>> -> memref<1x128x64xf32, #tpu.memory_space<hbm>>
    %dma_wait3A_171 = tpu.memref_squeeze %dma_wait3A_170 : memref<1x128x64xf32, #tpu.memory_space<hbm>> -> memref<128x64xf32, #tpu.memory_space<hbm>>
    %dma_wait3A_172 = arith.constant 0 : i32
    %dma_wait3A_173 = arith.constant 0 : i32
    %dma_wait3A_174 = tpu.memref_slice %arg8[%dma_wait3A_163, %dma_wait3A_172, %dma_wait3A_173] : memref<8x128x64xf32, #tpu.memory_space<vmem>> -> memref<1x128x64xf32, #tpu.memory_space<vmem>>
    %dma_wait3A_175 = tpu.memref_squeeze %dma_wait3A_174 : memref<1x128x64xf32, #tpu.memory_space<vmem>> -> memref<128x64xf32, #tpu.memory_space<vmem>>
    %dma_wait3A_176 = arith.constant 0 : i32
    %dma_wait3A_177 = arith.constant 0 : i32
    %dma_wait3A_178 = tpu.memref_slice %arg2[%dma_wait3A_162, %dma_wait3A_176, %dma_wait3A_177] : memref<2x10000x64xf32, #tpu.memory_space<hbm>> -> memref<1x128x64xf32, #tpu.memory_space<hbm>>
    %dma_wait3A_179 = tpu.memref_squeeze %dma_wait3A_178 : memref<1x128x64xf32, #tpu.memory_space<hbm>> -> memref<128x64xf32, #tpu.memory_space<hbm>>
    tpu.wait_dma2 semaphore(%arg22 : memref<!tpu.dma_semaphore, #tpu.memory_space<semaphore_mem>>) src(%dma_wait3A_179 : memref<128x64xf32, #tpu.memory_space<hbm>>) dst(%dma_wait3A_175 : memref<128x64xf32, #tpu.memory_space<vmem>>)
    %dma_wait3A_180 = arith.constant 0 : i32
    %dma_wait3A_181 = arith.constant 4 : i32
    %dma_wait3A_182 = arith.constant 0 : i32
    %dma_wait3A_183 = arith.constant 0 : i32
    %dma_wait3A_184 = tpu.memref_slice %arg8[%dma_wait3A_181, %dma_wait3A_182, %dma_wait3A_183] : memref<8x128x64xf32, #tpu.memory_space<vmem>> -> memref<1x128x64xf32, #tpu.memory_space<vmem>>
    %dma_wait3A_185 = tpu.memref_squeeze %dma_wait3A_184 : memref<1x128x64xf32, #tpu.memory_space<vmem>> -> memref<128x64xf32, #tpu.memory_space<vmem>>
    %dma_wait3A_186 = arith.constant 0 : i32
    %dma_wait3A_187 = arith.constant 0 : i32
    %dma_wait3A_188 = tpu.memref_slice %arg2[%dma_wait3A_180, %dma_wait3A_186, %dma_wait3A_187] : memref<2x10000x64xf32, #tpu.memory_space<hbm>> -> memref<1x128x64xf32, #tpu.memory_space<hbm>>
    %dma_wait3A_189 = tpu.memref_squeeze %dma_wait3A_188 : memref<1x128x64xf32, #tpu.memory_space<hbm>> -> memref<128x64xf32, #tpu.memory_space<hbm>>
    %dma_wait3A_190 = arith.constant 0 : i32
    %dma_wait3A_191 = arith.constant 0 : i32
    %dma_wait3A_192 = tpu.memref_slice %arg8[%dma_wait3A_181, %dma_wait3A_190, %dma_wait3A_191] : memref<8x128x64xf32, #tpu.memory_space<vmem>> -> memref<1x128x64xf32, #tpu.memory_space<vmem>>
    %dma_wait3A_193 = tpu.memref_squeeze %dma_wait3A_192 : memref<1x128x64xf32, #tpu.memory_space<vmem>> -> memref<128x64xf32, #tpu.memory_space<vmem>>
    %dma_wait3A_194 = arith.constant 0 : i32
    %dma_wait3A_195 = arith.constant 0 : i32
    %dma_wait3A_196 = tpu.memref_slice %arg2[%dma_wait3A_180, %dma_wait3A_194, %dma_wait3A_195] : memref<2x10000x64xf32, #tpu.memory_space<hbm>> -> memref<1x128x64xf32, #tpu.memory_space<hbm>>
    %dma_wait3A_197 = tpu.memref_squeeze %dma_wait3A_196 : memref<1x128x64xf32, #tpu.memory_space<hbm>> -> memref<128x64xf32, #tpu.memory_space<hbm>>
    tpu.wait_dma2 semaphore(%arg23 : memref<!tpu.dma_semaphore, #tpu.memory_space<semaphore_mem>>) src(%dma_wait3A_197 : memref<128x64xf32, #tpu.memory_space<hbm>>) dst(%dma_wait3A_193 : memref<128x64xf32, #tpu.memory_space<vmem>>)
    %dma_wait3A_198 = arith.constant 0 : i32
    %dma_wait3A_199 = arith.constant 5 : i32
    %dma_wait3A_200 = arith.constant 0 : i32
    %dma_wait3A_201 = arith.constant 0 : i32
    %dma_wait3A_202 = tpu.memref_slice %arg8[%dma_wait3A_199, %dma_wait3A_200, %dma_wait3A_201] : memref<8x128x64xf32, #tpu.memory_space<vmem>> -> memref<1x128x64xf32, #tpu.memory_space<vmem>>
    %dma_wait3A_203 = tpu.memref_squeeze %dma_wait3A_202 : memref<1x128x64xf32, #tpu.memory_space<vmem>> -> memref<128x64xf32, #tpu.memory_space<vmem>>
    %dma_wait3A_204 = arith.constant 0 : i32
    %dma_wait3A_205 = arith.constant 0 : i32
    %dma_wait3A_206 = tpu.memref_slice %arg2[%dma_wait3A_198, %dma_wait3A_204, %dma_wait3A_205] : memref<2x10000x64xf32, #tpu.memory_space<hbm>> -> memref<1x128x64xf32, #tpu.memory_space<hbm>>
    %dma_wait3A_207 = tpu.memref_squeeze %dma_wait3A_206 : memref<1x128x64xf32, #tpu.memory_space<hbm>> -> memref<128x64xf32, #tpu.memory_space<hbm>>
    %dma_wait3A_208 = arith.constant 0 : i32
    %dma_wait3A_209 = arith.constant 0 : i32
    %dma_wait3A_210 = tpu.memref_slice %arg8[%dma_wait3A_199, %dma_wait3A_208, %dma_wait3A_209] : memref<8x128x64xf32, #tpu.memory_space<vmem>> -> memref<1x128x64xf32, #tpu.memory_space<vmem>>
    %dma_wait3A_211 = tpu.memref_squeeze %dma_wait3A_210 : memref<1x128x64xf32, #tpu.memory_space<vmem>> -> memref<128x64xf32, #tpu.memory_space<vmem>>
    %dma_wait3A_212 = arith.constant 0 : i32
    %dma_wait3A_213 = arith.constant 0 : i32
    %dma_wait3A_214 = tpu.memref_slice %arg2[%dma_wait3A_198, %dma_wait3A_212, %dma_wait3A_213] : memref<2x10000x64xf32, #tpu.memory_space<hbm>> -> memref<1x128x64xf32, #tpu.memory_space<hbm>>
    %dma_wait3A_215 = tpu.memref_squeeze %dma_wait3A_214 : memref<1x128x64xf32, #tpu.memory_space<hbm>> -> memref<128x64xf32, #tpu.memory_space<hbm>>
    tpu.wait_dma2 semaphore(%arg24 : memref<!tpu.dma_semaphore, #tpu.memory_space<semaphore_mem>>) src(%dma_wait3A_215 : memref<128x64xf32, #tpu.memory_space<hbm>>) dst(%dma_wait3A_211 : memref<128x64xf32, #tpu.memory_space<vmem>>)
    %dma_wait3A_216 = arith.constant 0 : i32
    %dma_wait3A_217 = arith.constant 6 : i32
    %dma_wait3A_218 = arith.constant 0 : i32
    %dma_wait3A_219 = arith.constant 0 : i32
    %dma_wait3A_220 = tpu.memref_slice %arg8[%dma_wait3A_217, %dma_wait3A_218, %dma_wait3A_219] : memref<8x128x64xf32, #tpu.memory_space<vmem>> -> memref<1x128x64xf32, #tpu.memory_space<vmem>>
    %dma_wait3A_221 = tpu.memref_squeeze %dma_wait3A_220 : memref<1x128x64xf32, #tpu.memory_space<vmem>> -> memref<128x64xf32, #tpu.memory_space<vmem>>
    %dma_wait3A_222 = arith.constant 0 : i32
    %dma_wait3A_223 = arith.constant 0 : i32
    %dma_wait3A_224 = tpu.memref_slice %arg2[%dma_wait3A_216, %dma_wait3A_222, %dma_wait3A_223] : memref<2x10000x64xf32, #tpu.memory_space<hbm>> -> memref<1x128x64xf32, #tpu.memory_space<hbm>>
    %dma_wait3A_225 = tpu.memref_squeeze %dma_wait3A_224 : memref<1x128x64xf32, #tpu.memory_space<hbm>> -> memref<128x64xf32, #tpu.memory_space<hbm>>
    %dma_wait3A_226 = arith.constant 0 : i32
    %dma_wait3A_227 = arith.constant 0 : i32
    %dma_wait3A_228 = tpu.memref_slice %arg8[%dma_wait3A_217, %dma_wait3A_226, %dma_wait3A_227] : memref<8x128x64xf32, #tpu.memory_space<vmem>> -> memref<1x128x64xf32, #tpu.memory_space<vmem>>
    %dma_wait3A_229 = tpu.memref_squeeze %dma_wait3A_228 : memref<1x128x64xf32, #tpu.memory_space<vmem>> -> memref<128x64xf32, #tpu.memory_space<vmem>>
    %dma_wait3A_230 = arith.constant 0 : i32
    %dma_wait3A_231 = arith.constant 0 : i32
    %dma_wait3A_232 = tpu.memref_slice %arg2[%dma_wait3A_216, %dma_wait3A_230, %dma_wait3A_231] : memref<2x10000x64xf32, #tpu.memory_space<hbm>> -> memref<1x128x64xf32, #tpu.memory_space<hbm>>
    %dma_wait3A_233 = tpu.memref_squeeze %dma_wait3A_232 : memref<1x128x64xf32, #tpu.memory_space<hbm>> -> memref<128x64xf32, #tpu.memory_space<hbm>>
    tpu.wait_dma2 semaphore(%arg25 : memref<!tpu.dma_semaphore, #tpu.memory_space<semaphore_mem>>) src(%dma_wait3A_233 : memref<128x64xf32, #tpu.memory_space<hbm>>) dst(%dma_wait3A_229 : memref<128x64xf32, #tpu.memory_space<vmem>>)
    %dma_wait3A_234 = arith.constant 0 : i32
    %dma_wait3A_235 = arith.constant 7 : i32
    %dma_wait3A_236 = arith.constant 0 : i32
    %dma_wait3A_237 = arith.constant 0 : i32
    %dma_wait3A_238 = tpu.memref_slice %arg8[%dma_wait3A_235, %dma_wait3A_236, %dma_wait3A_237] : memref<8x128x64xf32, #tpu.memory_space<vmem>> -> memref<1x128x64xf32, #tpu.memory_space<vmem>>
    %dma_wait3A_239 = tpu.memref_squeeze %dma_wait3A_238 : memref<1x128x64xf32, #tpu.memory_space<vmem>> -> memref<128x64xf32, #tpu.memory_space<vmem>>
    %dma_wait3A_240 = arith.constant 0 : i32
    %dma_wait3A_241 = arith.constant 0 : i32
    %dma_wait3A_242 = tpu.memref_slice %arg2[%dma_wait3A_234, %dma_wait3A_240, %dma_wait3A_241] : memref<2x10000x64xf32, #tpu.memory_space<hbm>> -> memref<1x128x64xf32, #tpu.memory_space<hbm>>
    %dma_wait3A_243 = tpu.memref_squeeze %dma_wait3A_242 : memref<1x128x64xf32, #tpu.memory_space<hbm>> -> memref<128x64xf32, #tpu.memory_space<hbm>>
    %dma_wait3A_244 = arith.constant 0 : i32
    %dma_wait3A_245 = arith.constant 0 : i32
    %dma_wait3A_246 = tpu.memref_slice %arg8[%dma_wait3A_235, %dma_wait3A_244, %dma_wait3A_245] : memref<8x128x64xf32, #tpu.memory_space<vmem>> -> memref<1x128x64xf32, #tpu.memory_space<vmem>>
    %dma_wait3A_247 = tpu.memref_squeeze %dma_wait3A_246 : memref<1x128x64xf32, #tpu.memory_space<vmem>> -> memref<128x64xf32, #tpu.memory_space<vmem>>
    %dma_wait3A_248 = arith.constant 0 : i32
    %dma_wait3A_249 = arith.constant 0 : i32
    %dma_wait3A_250 = tpu.memref_slice %arg2[%dma_wait3A_234, %dma_wait3A_248, %dma_wait3A_249] : memref<2x10000x64xf32, #tpu.memory_space<hbm>> -> memref<1x128x64xf32, #tpu.memory_space<hbm>>
    %dma_wait3A_251 = tpu.memref_squeeze %dma_wait3A_250 : memref<1x128x64xf32, #tpu.memory_space<hbm>> -> memref<128x64xf32, #tpu.memory_space<hbm>>
    tpu.wait_dma2 semaphore(%arg26 : memref<!tpu.dma_semaphore, #tpu.memory_space<semaphore_mem>>) src(%dma_wait3A_251 : memref<128x64xf32, #tpu.memory_space<hbm>>) dst(%dma_wait3A_247 : memref<128x64xf32, #tpu.memory_space<vmem>>)
    %barrier3A_252 = arith.constant 0 : index
    tpu.barrier barrier_id(%barrier3A_252)
    %mul3A_253 = arith.constant 625 : i32
    %mul3A_254 = arith.muli %arg1, %mul3A_253 : i32
    %mul3A_255 = arith.constant 625 : i32
    %mul3A_256 = arith.muli %arg1, %mul3A_255 : i32
    %mul3A_257 = arith.constant 64 : i32
    %mul3A_258 = arith.muli %arg0, %mul3A_257 : i32
    "tpu.region"() ({
      %run_scoped3A = tpu.sem_alloc : memref<!tpu.dma_semaphore, #tpu.memory_space<semaphore_mem>>
      %dma_start3A_259 = tpu.memref_slice %arg5[%mul3A_256, %mul3A_258] : memref<10000x128xf32, #tpu.memory_space<hbm>> -> memref<625x64xf32, #tpu.memory_space<hbm>>
      %dma_start3A_260 = arith.constant 0 : i32
      %dma_start3A_261 = tpu.memref_slice %arg10[%mul3A_254, %dma_start3A_260] : memref<10016x64xf32, #tpu.memory_space<vmem_shared>> -> memref<625x64xf32, #tpu.memory_space<vmem_shared>>
      tpu.enqueue_dma source(%dma_start3A_261 : memref<625x64xf32, #tpu.memory_space<vmem_shared>>) target(%dma_start3A_259 : memref<625x64xf32, #tpu.memory_space<hbm>>) target_semaphore(%run_scoped3A : memref<!tpu.dma_semaphore, #tpu.memory_space<semaphore_mem>>)
      %dma_wait3A_262 = tpu.memref_slice %arg5[%mul3A_256, %mul3A_258] : memref<10000x128xf32, #tpu.memory_space<hbm>> -> memref<625x64xf32, #tpu.memory_space<hbm>>
      %dma_wait3A_263 = arith.constant 0 : i32
      %dma_wait3A_264 = tpu.memref_slice %arg10[%mul3A_254, %dma_wait3A_263] : memref<10016x64xf32, #tpu.memory_space<vmem_shared>> -> memref<625x64xf32, #tpu.memory_space<vmem_shared>>
      tpu.wait_dma2 semaphore(%run_scoped3A : memref<!tpu.dma_semaphore, #tpu.memory_space<semaphore_mem>>) src(%dma_wait3A_264 : memref<625x64xf32, #tpu.memory_space<vmem_shared>>) dst(%dma_wait3A_262 : memref<625x64xf32, #tpu.memory_space<hbm>>)
      tpu.yield
    }) : () -> ()
    return
  }
}

module attributes {stable_mosaic.version = 14 : i64} {
  func.func @_k2_body(%arg0: i32, %arg1: memref<2000x128xf32, #tpu.memory_space<vmem>>, %arg2: memref<2000x128xf32, #tpu.memory_space<vmem>>, %arg3: memref<128x64xf32, #tpu.memory_space<vmem>>, %arg4: memref<1x64xf32, #tpu.memory_space<vmem>>, %arg5: memref<64x64xf32, #tpu.memory_space<vmem>>, %arg6: memref<1x64xf32, #tpu.memory_space<vmem>>, %arg7: memref<1x64xf32, #tpu.memory_space<vmem>>, %arg8: memref<1x64xf32, #tpu.memory_space<vmem>>, %arg9: memref<2000x64xf32, #tpu.memory_space<vmem>>, %arg10: memref<2x64xf32, #tpu.memory_space<vmem>>, %arg11: memref<2x64xf32, #tpu.memory_space<vmem>>) attributes {dimension_semantics = [#tpu.dimension_semantics<arbitrary>], iteration_bounds = array<i64: 5>, scalar_prefetch = 0 : i64, scratch_operands = 1 : i64, tpu.core_type = #tpu.core_type<tc>, window_params = [{transform_indices = @transform_0, window_bounds = array<i64: 2000, 128>}, {transform_indices = @transform_1, window_bounds = array<i64: 2000, 128>}, {pipeline_mode = #tpu.pipeline_mode<synchronous>, transform_indices = @transform_2, window_bounds = array<i64: 128, 64>}, {pipeline_mode = #tpu.pipeline_mode<synchronous>, transform_indices = @transform_3, window_bounds = array<i64: 1, 64>}, {pipeline_mode = #tpu.pipeline_mode<synchronous>, transform_indices = @transform_4, window_bounds = array<i64: 64, 64>}, {pipeline_mode = #tpu.pipeline_mode<synchronous>, transform_indices = @transform_5, window_bounds = array<i64: 1, 64>}, {pipeline_mode = #tpu.pipeline_mode<synchronous>, transform_indices = @transform_6, window_bounds = array<i64: 1, 64>}, {pipeline_mode = #tpu.pipeline_mode<synchronous>, transform_indices = @transform_7, window_bounds = array<i64: 1, 64>}, {transform_indices = @transform_8, window_bounds = array<i64: 2000, 64>}, {pipeline_mode = #tpu.pipeline_mode<synchronous>, transform_indices = @transform_9, window_bounds = array<i64: 2, 64>}]} {
    %get3A = arith.constant 0 : index
    %get3A_0 = arith.constant 0 : index
    %get3A_1 = vector.load %arg1[%get3A, %get3A_0] : memref<2000x128xf32, #tpu.memory_space<vmem>>, vector<2000x128xf32>
    %get3A_2 = arith.constant 0 : index
    %get3A_3 = arith.constant 0 : index
    %get3A_4 = vector.load %arg2[%get3A_2, %get3A_3] : memref<2000x128xf32, #tpu.memory_space<vmem>>, vector<2000x128xf32>
    %add3A = arith.addf %get3A_1, %get3A_4 : vector<2000x128xf32>
    %get3A_5 = arith.constant 0 : index
    %get3A_6 = arith.constant 0 : index
    %get3A_7 = vector.load %arg3[%get3A_5, %get3A_6] : memref<128x64xf32, #tpu.memory_space<vmem>>, vector<128x64xf32>
    %dot_general3A = arith.constant dense<0.000000e+00> : vector<2000x64xf32>
    %dot_general3A_8 = tpu.matmul %add3A, %get3A_7, %dot_general3A {dimension_numbers = #tpu.dot_dimension_numbers<[1], [0], [0], [1], [0, 0, 1, 1], [], []>, transpose_lhs_hint = false} : vector<2000x128xf32>, vector<128x64xf32>, vector<2000x64xf32> -> vector<2000x64xf32>
    %get3A_9 = arith.constant 0 : index
    %get3A_10 = arith.constant 0 : index
    %get3A_11 = vector.load %arg4[%get3A_9, %get3A_10] : memref<1x64xf32, #tpu.memory_space<vmem>>, vector<1x64xf32>
    %add3A_12 = vector.broadcast %get3A_11 : vector<1x64xf32> to vector<2000x64xf32>
    %add3A_13 = arith.addf %dot_general3A_8, %add3A_12 : vector<2000x64xf32>
    %max3A = arith.constant 0.000000e+00 : f32
    %max3A_14 = vector.broadcast %max3A : f32 to vector<2000x64xf32>
    %max3A_15 = arith.maximumf %add3A_13, %max3A_14 : vector<2000x64xf32>
    %get3A_16 = arith.constant 0 : index
    %get3A_17 = arith.constant 0 : index
    %get3A_18 = vector.load %arg5[%get3A_16, %get3A_17] : memref<64x64xf32, #tpu.memory_space<vmem>>, vector<64x64xf32>
    %dot_general3A_19 = arith.constant dense<0.000000e+00> : vector<2000x64xf32>
    %dot_general3A_20 = tpu.matmul %max3A_15, %get3A_18, %dot_general3A_19 {dimension_numbers = #tpu.dot_dimension_numbers<[1], [0], [0], [1], [0, 0, 1, 1], [], []>, transpose_lhs_hint = false} : vector<2000x64xf32>, vector<64x64xf32>, vector<2000x64xf32> -> vector<2000x64xf32>
    %get3A_21 = arith.constant 0 : index
    %get3A_22 = arith.constant 0 : index
    %get3A_23 = vector.load %arg6[%get3A_21, %get3A_22] : memref<1x64xf32, #tpu.memory_space<vmem>>, vector<1x64xf32>
    %add3A_24 = vector.broadcast %get3A_23 : vector<1x64xf32> to vector<2000x64xf32>
    %add3A_25 = arith.addf %dot_general3A_20, %add3A_24 : vector<2000x64xf32>
    %swap3A = arith.constant 0 : index
    %swap3A_26 = arith.constant 0 : index
    %swap3A_27 = vector.load %arg9[%swap3A, %swap3A_26] : memref<2000x64xf32, #tpu.memory_space<vmem>>, vector<2000x64xf32>
    tpu.vector_store %arg9[%swap3A, %swap3A_26], %add3A_25 {strides = array<i32>} : memref<2000x64xf32, #tpu.memory_space<vmem>>, vector<2000x64xf32>,
    %eq3A = arith.constant 0 : i32
    %eq3A_28 = arith.cmpi eq, %arg0, %eq3A : i32
    %convert_element_type3A = arith.extui %eq3A_28 : i1 to i32
    %cond3A = arith.constant 0 : i32
    %cond3A_29 = arith.cmpi ne, %convert_element_type3A, %cond3A : i32
    scf.if %cond3A_29 {
      %broadcast_in_dim3A_53 = arith.constant 0.000000e+00 : f32
      %broadcast_in_dim3A_54 = vector.broadcast %broadcast_in_dim3A_53 : f32 to vector<2x64xf32>
      %swap3A_55 = arith.constant 0 : index
      %swap3A_56 = arith.constant 0 : index
      %swap3A_57 = vector.load %arg11[%swap3A_55, %swap3A_56] : memref<2x64xf32, #tpu.memory_space<vmem>>, vector<2x64xf32>
      tpu.vector_store %arg11[%swap3A_55, %swap3A_56], %broadcast_in_dim3A_54 {strides = array<i32>} : memref<2x64xf32, #tpu.memory_space<vmem>>, vector<2x64xf32>,
    } else {
    }
    %get3A_30 = arith.constant 0 : index
    %get3A_31 = arith.constant 0 : index
    %get3A_32 = vector.load %arg11[%get3A_30, %get3A_31] : memref<2x64xf32, #tpu.memory_space<vmem>>, vector<1x64xf32>
    %reduce_sum3A = arith.constant dense<0.000000e+00> : vector<64xf32>
    %reduce_sum3A_33 = vector.multi_reduction <add>, %add3A_25, %reduce_sum3A [0] : vector<2000x64xf32> to vector<64xf32>
    %broadcast_in_dim3A = vector.shape_cast %reduce_sum3A_33 : vector<64xf32> to vector<1x64xf32>
    %add3A_34 = arith.addf %get3A_32, %broadcast_in_dim3A : vector<1x64xf32>
    %swap3A_35 = arith.constant 0 : index
    %swap3A_36 = arith.constant 0 : index
    %swap3A_37 = vector.load %arg11[%swap3A_35, %swap3A_36] : memref<2x64xf32, #tpu.memory_space<vmem>>, vector<1x64xf32>
    tpu.vector_store %arg11[%swap3A_35, %swap3A_36], %add3A_34 {strides = array<i32>} : memref<2x64xf32, #tpu.memory_space<vmem>>, vector<1x64xf32>,
    %get3A_38 = arith.constant 1 : index
    %get3A_39 = arith.constant 0 : index
    %get3A_40 = vector.load %arg11[%get3A_38, %get3A_39] : memref<2x64xf32, #tpu.memory_space<vmem>>, vector<1x64xf32>
    %mul3A = arith.mulf %add3A_25, %add3A_25 : vector<2000x64xf32>
    %reduce_sum3A_41 = arith.constant dense<0.000000e+00> : vector<64xf32>
    %reduce_sum3A_42 = vector.multi_reduction <add>, %mul3A, %reduce_sum3A_41 [0] : vector<2000x64xf32> to vector<64xf32>
    %broadcast_in_dim3A_43 = vector.shape_cast %reduce_sum3A_42 : vector<64xf32> to vector<1x64xf32>
    %add3A_44 = arith.addf %get3A_40, %broadcast_in_dim3A_43 : vector<1x64xf32>
    %swap3A_45 = arith.constant 1 : index
    %swap3A_46 = arith.constant 0 : index
    %swap3A_47 = vector.load %arg11[%swap3A_45, %swap3A_46] : memref<2x64xf32, #tpu.memory_space<vmem>>, vector<1x64xf32>
    tpu.vector_store %arg11[%swap3A_45, %swap3A_46], %add3A_44 {strides = array<i32>} : memref<2x64xf32, #tpu.memory_space<vmem>>, vector<1x64xf32>,
    %eq3A_48 = arith.constant 4 : i32
    %eq3A_49 = arith.cmpi eq, %arg0, %eq3A_48 : i32
    %convert_element_type3A_50 = arith.extui %eq3A_49 : i1 to i32
    %cond3A_51 = arith.constant 0 : i32
    %cond3A_52 = arith.cmpi ne, %convert_element_type3A_50, %cond3A_51 : i32
    scf.if %cond3A_52 {
      %get3A_53 = arith.constant 0 : index
      %get3A_54 = arith.constant 0 : index
      %get3A_55 = vector.load %arg11[%get3A_53, %get3A_54] : memref<2x64xf32, #tpu.memory_space<vmem>>, vector<1x64xf32>
      %div3A = arith.constant 1.000000e+04 : f32
      %div3A_56 = vector.broadcast %div3A : f32 to vector<1x64xf32>
      %div3A_57 = arith.divf %get3A_55, %div3A_56 : vector<1x64xf32>
      %get3A_58 = arith.constant 1 : index
      %get3A_59 = arith.constant 0 : index
      %get3A_60 = vector.load %arg11[%get3A_58, %get3A_59] : memref<2x64xf32, #tpu.memory_space<vmem>>, vector<1x64xf32>
      %div3A_61 = arith.constant 1.000000e+04 : f32
      %div3A_62 = vector.broadcast %div3A_61 : f32 to vector<1x64xf32>
      %div3A_63 = arith.divf %get3A_60, %div3A_62 : vector<1x64xf32>
      %mul3A_64 = arith.mulf %div3A_57, %div3A_57 : vector<1x64xf32>
      %sub3A = arith.subf %div3A_63, %mul3A_64 : vector<1x64xf32>
      %get3A_65 = arith.constant 0 : index
      %get3A_66 = arith.constant 0 : index
      %get3A_67 = vector.load %arg7[%get3A_65, %get3A_66] : memref<1x64xf32, #tpu.memory_space<vmem>>, vector<1x64xf32>
      %add3A_68 = arith.constant 9.99999974E-6 : f32
      %add3A_69 = vector.broadcast %add3A_68 : f32 to vector<1x64xf32>
      %add3A_70 = arith.addf %sub3A, %add3A_69 : vector<1x64xf32>
      %rsqrt3A = math.rsqrt %add3A_70 : vector<1x64xf32>
      %mul3A_71 = arith.mulf %get3A_67, %rsqrt3A : vector<1x64xf32>
      %get3A_72 = arith.constant 0 : index
      %get3A_73 = arith.constant 0 : index
      %get3A_74 = vector.load %arg8[%get3A_72, %get3A_73] : memref<1x64xf32, #tpu.memory_space<vmem>>, vector<1x64xf32>
      %mul3A_75 = arith.mulf %div3A_57, %mul3A_71 : vector<1x64xf32>
      %sub3A_76 = arith.subf %get3A_74, %mul3A_75 : vector<1x64xf32>
      %concatenate3A = tpu.concatenate %mul3A_71, %sub3A_76 in 0 : vector<1x64xf32>, vector<1x64xf32> -> vector<2x64xf32>
      %swap3A_77 = arith.constant 0 : index
      %swap3A_78 = arith.constant 0 : index
      %swap3A_79 = vector.load %arg10[%swap3A_77, %swap3A_78] : memref<2x64xf32, #tpu.memory_space<vmem>>, vector<2x64xf32>
      tpu.vector_store %arg10[%swap3A_77, %swap3A_78], %concatenate3A {strides = array<i32>} : memref<2x64xf32, #tpu.memory_space<vmem>>, vector<2x64xf32>,
    } else {
    }
    return
  }
  func.func @transform_0(%arg0: i32) -> (i32, i32) {
    %c0_i32 = arith.constant 0 : i32
    %c0_i32_0 = arith.constant 0 : i32
    return %arg0, %c0_i32 : i32, i32
  }
  func.func @transform_1(%arg0: i32) -> (i32, i32) {
    %c0_i32 = arith.constant 0 : i32
    %c0_i32_0 = arith.constant 0 : i32
    return %arg0, %c0_i32 : i32, i32
  }
  func.func @transform_2(%arg0: i32) -> (i32, i32) {
    %c0_i32 = arith.constant 0 : i32
    %c0_i32_0 = arith.constant 0 : i32
    %c0_i32_1 = arith.constant 0 : i32
    return %c0_i32, %c0_i32_0 : i32, i32
  }
  func.func @transform_3(%arg0: i32) -> (i32, i32) {
    %c0_i32 = arith.constant 0 : i32
    %c0_i32_0 = arith.constant 0 : i32
    %c0_i32_1 = arith.constant 0 : i32
    return %c0_i32, %c0_i32_0 : i32, i32
  }
  func.func @transform_4(%arg0: i32) -> (i32, i32) {
    %c0_i32 = arith.constant 0 : i32
    %c0_i32_0 = arith.constant 0 : i32
    %c0_i32_1 = arith.constant 0 : i32
    return %c0_i32, %c0_i32_0 : i32, i32
  }
  func.func @transform_5(%arg0: i32) -> (i32, i32) {
    %c0_i32 = arith.constant 0 : i32
    %c0_i32_0 = arith.constant 0 : i32
    %c0_i32_1 = arith.constant 0 : i32
    return %c0_i32, %c0_i32_0 : i32, i32
  }
  func.func @transform_6(%arg0: i32) -> (i32, i32) {
    %c0_i32 = arith.constant 0 : i32
    %c0_i32_0 = arith.constant 0 : i32
    %c0_i32_1 = arith.constant 0 : i32
    return %c0_i32, %c0_i32_0 : i32, i32
  }
  func.func @transform_7(%arg0: i32) -> (i32, i32) {
    %c0_i32 = arith.constant 0 : i32
    %c0_i32_0 = arith.constant 0 : i32
    %c0_i32_1 = arith.constant 0 : i32
    return %c0_i32, %c0_i32_0 : i32, i32
  }
  func.func @transform_8(%arg0: i32) -> (i32, i32) {
    %c0_i32 = arith.constant 0 : i32
    %c0_i32_0 = arith.constant 0 : i32
    return %arg0, %c0_i32 : i32, i32
  }
  func.func @transform_9(%arg0: i32) -> (i32, i32) {
    %c0_i32 = arith.constant 0 : i32
    %c0_i32_0 = arith.constant 0 : i32
    %c0_i32_1 = arith.constant 0 : i32
    return %c0_i32, %c0_i32_0 : i32, i32
  }
}

module attributes {stable_mosaic.version = 14 : i64} {
  func.func @_k45_body(%arg0: i32, %arg1: memref<2000x64xf32, #tpu.memory_space<vmem>>, %arg2: memref<2000x1xf32, #tpu.memory_space<vmem>>, %arg3: memref<2000x1xf32, #tpu.memory_space<vmem>>, %arg4: memref<2000x32xf32, #tpu.memory_space<vmem>>, %arg5: memref<2000x32xf32, #tpu.memory_space<vmem>>, %arg6: memref<64x64xf32, #tpu.memory_space<vmem>>, %arg7: memref<1x64xf32, #tpu.memory_space<vmem>>, %arg8: memref<64x64xf32, #tpu.memory_space<vmem>>, %arg9: memref<1x64xf32, #tpu.memory_space<vmem>>, %arg10: memref<1x64xf32, #tpu.memory_space<vmem>>, %arg11: memref<1x1x2000xi32, #tpu.memory_space<vmem>>, %arg12: memref<64x32xf32, #tpu.memory_space<vmem>>, %arg13: memref<1x32xf32, #tpu.memory_space<vmem>>, %arg14: memref<32x3xf32, #tpu.memory_space<vmem>>, %arg15: memref<1x3xf32, #tpu.memory_space<vmem>>, %arg16: memref<64x3xf32, #tpu.memory_space<vmem>>, %arg17: memref<10000x64xf32, #tpu.memory_space<vmem>>, %arg18: memref<2x64xf32, #tpu.memory_space<vmem>>, %arg19: memref<64x64xf32, #tpu.memory_space<vmem>>, %arg20: memref<64x128xf32, #tpu.memory_space<vmem>>) attributes {dimension_semantics = [#tpu.dimension_semantics<arbitrary>], iteration_bounds = array<i64: 10>, scalar_prefetch = 0 : i64, scratch_operands = 4 : i64, tpu.core_type = #tpu.core_type<tc>, window_params = [{transform_indices = @transform_0, window_bounds = array<i64: 2000, 64>}, {transform_indices = @transform_1, window_bounds = array<i64: 2000, 1>}, {transform_indices = @transform_2, window_bounds = array<i64: 2000, 1>}, {transform_indices = @transform_3, window_bounds = array<i64: 2000, 32>}, {transform_indices = @transform_4, window_bounds = array<i64: 2000, 32>}, {pipeline_mode = #tpu.pipeline_mode<synchronous>, transform_indices = @transform_5, window_bounds = array<i64: 64, 64>}, {pipeline_mode = #tpu.pipeline_mode<synchronous>, transform_indices = @transform_6, window_bounds = array<i64: 1, 64>}, {pipeline_mode = #tpu.pipeline_mode<synchronous>, transform_indices = @transform_7, window_bounds = array<i64: 64, 64>}, {pipeline_mode = #tpu.pipeline_mode<synchronous>, transform_indices = @transform_8, window_bounds = array<i64: 1, 64>}, {pipeline_mode = #tpu.pipeline_mode<synchronous>, transform_indices = @transform_9, window_bounds = array<i64: 1, 64>}, {transform_indices = @transform_10, window_bounds = array<i64: 1, 1, 2000>}, {pipeline_mode = #tpu.pipeline_mode<synchronous>, transform_indices = @transform_11, window_bounds = array<i64: 64, 32>}, {pipeline_mode = #tpu.pipeline_mode<synchronous>, transform_indices = @transform_12, window_bounds = array<i64: 1, 32>}, {pipeline_mode = #tpu.pipeline_mode<synchronous>, transform_indices = @transform_13, window_bounds = array<i64: 32, 3>}, {pipeline_mode = #tpu.pipeline_mode<synchronous>, transform_indices = @transform_14, window_bounds = array<i64: 1, 3>}, {pipeline_mode = #tpu.pipeline_mode<synchronous>, transform_indices = @transform_15, window_bounds = array<i64: 64, 3>}]} {
    %lt3A = arith.constant 5 : i32
    %lt3A_0 = arith.cmpi slt, %arg0, %lt3A : i32
    %convert_element_type3A = arith.extui %lt3A_0 : i1 to i32
    %cond3A = arith.constant 0 : i32
    %cond3A_1 = arith.cmpi ne, %convert_element_type3A, %cond3A : i32
    scf.if %cond3A_1 {
      %get3A = arith.constant 0 : index
      %get3A_6 = arith.constant 0 : index
      %get3A_7 = vector.load %arg2[%get3A, %get3A_6] : memref<2000x1xf32, #tpu.memory_space<vmem>>, vector<2000x1xf32>
      %get3A_8 = arith.constant 0 : index
      %get3A_9 = arith.constant 0 : index
      %get3A_10 = vector.load %arg3[%get3A_8, %get3A_9] : memref<2000x1xf32, #tpu.memory_space<vmem>>, vector<2000x1xf32>
      %add3A = arith.addf %get3A_7, %get3A_10 : vector<2000x1xf32>
      %max3A = arith.constant 1.000000e+00 : f32
      %max3A_11 = vector.broadcast %max3A : f32 to vector<2000x1xf32>
      %max3A_12 = arith.maximumf %add3A, %max3A_11 : vector<2000x1xf32>
      %div3A = arith.constant 1.000000e+00 : f32
      %div3A_13 = vector.broadcast %div3A : f32 to vector<2000x1xf32>
      %div3A_14 = arith.divf %div3A_13, %max3A_12 : vector<2000x1xf32>
      %get3A_15 = arith.constant 0 : index
      %get3A_16 = arith.constant 0 : index
      %get3A_17 = vector.load %arg1[%get3A_15, %get3A_16] : memref<2000x64xf32, #tpu.memory_space<vmem>>, vector<2000x64xf32>
      %mul3A = vector.broadcast %div3A_14 : vector<2000x1xf32> to vector<2000x64xf32>
      %mul3A_18 = arith.mulf %get3A_17, %mul3A : vector<2000x64xf32>
      %get3A_19 = arith.constant 0 : index
      %get3A_20 = arith.constant 0 : index
      %get3A_21 = vector.load %arg4[%get3A_19, %get3A_20] : memref<2000x32xf32, #tpu.memory_space<vmem>>, vector<2000x32xf32>
      %get3A_22 = arith.constant 0 : index
      %get3A_23 = arith.constant 0 : index
      %get3A_24 = vector.load %arg5[%get3A_22, %get3A_23] : memref<2000x32xf32, #tpu.memory_space<vmem>>, vector<2000x32xf32>
      %concatenate3A = tpu.concatenate %get3A_21, %get3A_24 in 1 : vector<2000x32xf32>, vector<2000x32xf32> -> vector<2000x64xf32>
      %get3A_25 = arith.constant 0 : index
      %get3A_26 = arith.constant 0 : index
      %get3A_27 = vector.load %arg6[%get3A_25, %get3A_26] : memref<64x64xf32, #tpu.memory_space<vmem>>, vector<64x64xf32>
      %dot_general3A = arith.constant dense<0.000000e+00> : vector<2000x64xf32>
      %dot_general3A_28 = tpu.matmul %mul3A_18, %get3A_27, %dot_general3A {dimension_numbers = #tpu.dot_dimension_numbers<[1], [0], [0], [1], [0, 0, 1, 1], [], []>, transpose_lhs_hint = false} : vector<2000x64xf32>, vector<64x64xf32>, vector<2000x64xf32> -> vector<2000x64xf32>
      %get3A_29 = arith.constant 0 : index
      %get3A_30 = arith.constant 0 : index
      %get3A_31 = vector.load %arg7[%get3A_29, %get3A_30] : memref<1x64xf32, #tpu.memory_space<vmem>>, vector<1x64xf32>
      %add3A_32 = vector.broadcast %get3A_31 : vector<1x64xf32> to vector<2000x64xf32>
      %add3A_33 = arith.addf %dot_general3A_28, %add3A_32 : vector<2000x64xf32>
      %get3A_34 = arith.constant 0 : index
      %get3A_35 = arith.constant 0 : index
      %get3A_36 = vector.load %arg8[%get3A_34, %get3A_35] : memref<64x64xf32, #tpu.memory_space<vmem>>, vector<64x64xf32>
      %dot_general3A_37 = arith.constant dense<0.000000e+00> : vector<2000x64xf32>
      %dot_general3A_38 = tpu.matmul %concatenate3A, %get3A_36, %dot_general3A_37 {dimension_numbers = #tpu.dot_dimension_numbers<[1], [0], [0], [1], [0, 0, 1, 1], [], []>, transpose_lhs_hint = false} : vector<2000x64xf32>, vector<64x64xf32>, vector<2000x64xf32> -> vector<2000x64xf32>
      %add3A_39 = arith.addf %add3A_33, %dot_general3A_38 : vector<2000x64xf32>
      %mul3A_40 = arith.constant 2000 : i32
      %mul3A_41 = arith.muli %arg0, %mul3A_40 : i32
      %swap3A = arith.index_cast %mul3A_41 : i32 to index
      %swap3A_42 = arith.constant 0 : index
      %swap3A_43 = vector.load %arg17[%swap3A, %swap3A_42] : memref<10000x64xf32, #tpu.memory_space<vmem>>, vector<2000x64xf32>
      tpu.vector_store %arg17[%swap3A, %swap3A_42], %add3A_39 {strides = array<i32>} : memref<10000x64xf32, #tpu.memory_space<vmem>>, vector<2000x64xf32>,
      %eq3A = arith.constant 0 : i32
      %eq3A_44 = arith.cmpi eq, %arg0, %eq3A : i32
      %convert_element_type3A_45 = arith.extui %eq3A_44 : i1 to i32
      %cond3A_46 = arith.constant 0 : i32
      %cond3A_47 = arith.cmpi ne, %convert_element_type3A_45, %cond3A_46 : i32
      scf.if %cond3A_47 {
        %broadcast_in_dim3A_72 = arith.constant 0.000000e+00 : f32
        %broadcast_in_dim3A_73 = vector.broadcast %broadcast_in_dim3A_72 : f32 to vector<2x64xf32>
        %swap3A_74 = arith.constant 0 : index
        %swap3A_75 = arith.constant 0 : index
        %swap3A_76 = vector.load %arg18[%swap3A_74, %swap3A_75] : memref<2x64xf32, #tpu.memory_space<vmem>>, vector<2x64xf32>
        tpu.vector_store %arg18[%swap3A_74, %swap3A_75], %broadcast_in_dim3A_73 {strides = array<i32>} : memref<2x64xf32, #tpu.memory_space<vmem>>, vector<2x64xf32>,
        %broadcast_in_dim3A_77 = arith.constant 0.000000e+00 : f32
        %broadcast_in_dim3A_78 = vector.broadcast %broadcast_in_dim3A_77 : f32 to vector<64x64xf32>
        %swap3A_79 = arith.constant 0 : index
        %swap3A_80 = arith.constant 0 : index
        %swap3A_81 = vector.load %arg19[%swap3A_79, %swap3A_80] : memref<64x64xf32, #tpu.memory_space<vmem>>, vector<64x64xf32>
        tpu.vector_store %arg19[%swap3A_79, %swap3A_80], %broadcast_in_dim3A_78 {strides = array<i32>} : memref<64x64xf32, #tpu.memory_space<vmem>>, vector<64x64xf32>,
        %broadcast_in_dim3A_82 = arith.constant 0.000000e+00 : f32
        %broadcast_in_dim3A_83 = vector.broadcast %broadcast_in_dim3A_82 : f32 to vector<64x128xf32>
        %swap3A_84 = arith.constant 0 : index
        %swap3A_85 = arith.constant 0 : index
        %swap3A_86 = vector.load %arg20[%swap3A_84, %swap3A_85] : memref<64x128xf32, #tpu.memory_space<vmem>>, vector<64x128xf32>
        tpu.vector_store %arg20[%swap3A_84, %swap3A_85], %broadcast_in_dim3A_83 {strides = array<i32>} : memref<64x128xf32, #tpu.memory_space<vmem>>, vector<64x128xf32>,
      } else {
      }
      %get3A_48 = arith.constant 0 : index
      %get3A_49 = arith.constant 0 : index
      %get3A_50 = vector.load %arg18[%get3A_48, %get3A_49] : memref<2x64xf32, #tpu.memory_space<vmem>>, vector<1x64xf32>
      %reduce_sum3A = arith.constant dense<0.000000e+00> : vector<64xf32>
      %reduce_sum3A_51 = vector.multi_reduction <add>, %add3A_39, %reduce_sum3A [0] : vector<2000x64xf32> to vector<64xf32>
      %broadcast_in_dim3A = vector.shape_cast %reduce_sum3A_51 : vector<64xf32> to vector<1x64xf32>
      %add3A_52 = arith.addf %get3A_50, %broadcast_in_dim3A : vector<1x64xf32>
      %swap3A_53 = arith.constant 0 : index
      %swap3A_54 = arith.constant 0 : index
      %swap3A_55 = vector.load %arg18[%swap3A_53, %swap3A_54] : memref<2x64xf32, #tpu.memory_space<vmem>>, vector<1x64xf32>
      tpu.vector_store %arg18[%swap3A_53, %swap3A_54], %add3A_52 {strides = array<i32>} : memref<2x64xf32, #tpu.memory_space<vmem>>, vector<1x64xf32>,
      %get3A_56 = arith.constant 1 : index
      %get3A_57 = arith.constant 0 : index
      %get3A_58 = vector.load %arg18[%get3A_56, %get3A_57] : memref<2x64xf32, #tpu.memory_space<vmem>>, vector<1x64xf32>
      %mul3A_59 = arith.mulf %add3A_39, %add3A_39 : vector<2000x64xf32>
      %reduce_sum3A_60 = arith.constant dense<0.000000e+00> : vector<64xf32>
      %reduce_sum3A_61 = vector.multi_reduction <add>, %mul3A_59, %reduce_sum3A_60 [0] : vector<2000x64xf32> to vector<64xf32>
      %broadcast_in_dim3A_62 = vector.shape_cast %reduce_sum3A_61 : vector<64xf32> to vector<1x64xf32>
      %add3A_63 = arith.addf %get3A_58, %broadcast_in_dim3A_62 : vector<1x64xf32>
      %swap3A_64 = arith.constant 1 : index
      %swap3A_65 = arith.constant 0 : index
      %swap3A_66 = vector.load %arg18[%swap3A_64, %swap3A_65] : memref<2x64xf32, #tpu.memory_space<vmem>>, vector<1x64xf32>
      tpu.vector_store %arg18[%swap3A_64, %swap3A_65], %add3A_63 {strides = array<i32>} : memref<2x64xf32, #tpu.memory_space<vmem>>, vector<1x64xf32>,
      %eq3A_67 = arith.constant 4 : i32
      %eq3A_68 = arith.cmpi eq, %arg0, %eq3A_67 : i32
      %convert_element_type3A_69 = arith.extui %eq3A_68 : i1 to i32
      %cond3A_70 = arith.constant 0 : i32
      %cond3A_71 = arith.cmpi ne, %convert_element_type3A_69, %cond3A_70 : i32
      scf.if %cond3A_71 {
        %get3A_72 = arith.constant 0 : index
        %get3A_73 = arith.constant 0 : index
        %get3A_74 = vector.load %arg18[%get3A_72, %get3A_73] : memref<2x64xf32, #tpu.memory_space<vmem>>, vector<1x64xf32>
        %div3A_75 = arith.constant 1.000000e+04 : f32
        %div3A_76 = vector.broadcast %div3A_75 : f32 to vector<1x64xf32>
        %div3A_77 = arith.divf %get3A_74, %div3A_76 : vector<1x64xf32>
        %get3A_78 = arith.constant 1 : index
        %get3A_79 = arith.constant 0 : index
        %get3A_80 = vector.load %arg18[%get3A_78, %get3A_79] : memref<2x64xf32, #tpu.memory_space<vmem>>, vector<1x64xf32>
        %div3A_81 = arith.constant 1.000000e+04 : f32
        %div3A_82 = vector.broadcast %div3A_81 : f32 to vector<1x64xf32>
        %div3A_83 = arith.divf %get3A_80, %div3A_82 : vector<1x64xf32>
        %mul3A_84 = arith.mulf %div3A_77, %div3A_77 : vector<1x64xf32>
        %sub3A = arith.subf %div3A_83, %mul3A_84 : vector<1x64xf32>
        %get3A_85 = arith.constant 0 : index
        %get3A_86 = arith.constant 0 : index
        %get3A_87 = vector.load %arg9[%get3A_85, %get3A_86] : memref<1x64xf32, #tpu.memory_space<vmem>>, vector<1x64xf32>
        %add3A_88 = arith.constant 9.99999974E-6 : f32
        %add3A_89 = vector.broadcast %add3A_88 : f32 to vector<1x64xf32>
        %add3A_90 = arith.addf %sub3A, %add3A_89 : vector<1x64xf32>
        %rsqrt3A = math.rsqrt %add3A_90 : vector<1x64xf32>
        %mul3A_91 = arith.mulf %get3A_87, %rsqrt3A : vector<1x64xf32>
        %get3A_92 = arith.constant 0 : index
        %get3A_93 = arith.constant 0 : index
        %get3A_94 = vector.load %arg10[%get3A_92, %get3A_93] : memref<1x64xf32, #tpu.memory_space<vmem>>, vector<1x64xf32>
        %mul3A_95 = arith.mulf %div3A_77, %mul3A_91 : vector<1x64xf32>
        %sub3A_96 = arith.subf %get3A_94, %mul3A_95 : vector<1x64xf32>
        %concatenate3A_97 = tpu.concatenate %mul3A_91, %sub3A_96 in 0 : vector<1x64xf32>, vector<1x64xf32> -> vector<2x64xf32>
        %swap3A_98 = arith.constant 0 : index
        %swap3A_99 = arith.constant 0 : index
        %swap3A_100 = vector.load %arg18[%swap3A_98, %swap3A_99] : memref<2x64xf32, #tpu.memory_space<vmem>>, vector<2x64xf32>
        tpu.vector_store %arg18[%swap3A_98, %swap3A_99], %concatenate3A_97 {strides = array<i32>} : memref<2x64xf32, #tpu.memory_space<vmem>>, vector<2x64xf32>,
      } else {
      }
    } else {
    }
    %ge3A = arith.constant 5 : i32
    %ge3A_2 = arith.cmpi sge, %arg0, %ge3A : i32
    %convert_element_type3A_3 = arith.extui %ge3A_2 : i1 to i32
    %cond3A_4 = arith.constant 0 : i32
    %cond3A_5 = arith.cmpi ne, %convert_element_type3A_3, %cond3A_4 : i32
    scf.if %cond3A_5 {
      %sub3A = arith.constant 5 : i32
      %sub3A_6 = arith.subi %arg0, %sub3A : i32
      %get3A = arith.constant 0 : index
      %get3A_7 = arith.constant 0 : index
      %get3A_8 = vector.load %arg18[%get3A, %get3A_7] : memref<2x64xf32, #tpu.memory_space<vmem>>, vector<1x64xf32>
      %get3A_9 = arith.constant 1 : index
      %get3A_10 = arith.constant 0 : index
      %get3A_11 = vector.load %arg18[%get3A_9, %get3A_10] : memref<2x64xf32, #tpu.memory_space<vmem>>, vector<1x64xf32>
      %mul3A = arith.constant 2000 : i32
      %mul3A_12 = arith.muli %sub3A_6, %mul3A : i32
      %get3A_13 = arith.index_cast %mul3A_12 : i32 to index
      %get3A_14 = arith.constant 0 : index
      %get3A_15 = vector.load %arg17[%get3A_13, %get3A_14] : memref<10000x64xf32, #tpu.memory_space<vmem>>, vector<2000x64xf32>
      %mul3A_16 = vector.broadcast %get3A_8 : vector<1x64xf32> to vector<2000x64xf32>
      %mul3A_17 = arith.mulf %get3A_15, %mul3A_16 : vector<2000x64xf32>
      %add3A = vector.broadcast %get3A_11 : vector<1x64xf32> to vector<2000x64xf32>
      %add3A_18 = arith.addf %mul3A_17, %add3A : vector<2000x64xf32>
      %max3A = arith.constant 0.000000e+00 : f32
      %max3A_19 = vector.broadcast %max3A : f32 to vector<2000x64xf32>
      %max3A_20 = arith.maximumf %add3A_18, %max3A_19 : vector<2000x64xf32>
      %get3A_21 = arith.constant 0 : index
      %get3A_22 = arith.constant 0 : index
      %get3A_23 = arith.constant 0 : index
      %get3A_24 = vector.load %arg11[%get3A_21, %get3A_22, %get3A_23] : memref<1x1x2000xi32, #tpu.memory_space<vmem>>, vector<1x1x2000xi32>
      %get3A_25 = vector.shape_cast %get3A_24 : vector<1x1x2000xi32> to vector<1x2000xi32>
      %iota3A = tpu.iota {dimensions = array<i32: 0>} : vector<64x2000xi32>
      %eq3A = vector.broadcast %get3A_25 : vector<1x2000xi32> to vector<64x2000xi32>
      %eq3A_26 = arith.cmpi eq, %iota3A, %eq3A : vector<64x2000xi32>
      %convert_element_type3A_27 = arith.extui %eq3A_26 : vector<64x2000xi1> to vector<64x2000xi32>
      %convert_element_type3A_28 = arith.sitofp %convert_element_type3A_27 : vector<64x2000xi32> to vector<64x2000xf32>
      %get3A_29 = arith.constant 0 : index
      %get3A_30 = arith.constant 0 : index
      %get3A_31 = vector.load %arg19[%get3A_29, %get3A_30] : memref<64x64xf32, #tpu.memory_space<vmem>>, vector<64x64xf32>
      %dot_general3A = arith.constant dense<0.000000e+00> : vector<64x64xf32>
      %dot_general3A_32 = tpu.matmul %convert_element_type3A_28, %max3A_20, %dot_general3A {dimension_numbers = #tpu.dot_dimension_numbers<[1], [0], [0], [1], [0, 0, 1, 1], [], []>, transpose_lhs_hint = false} : vector<64x2000xf32>, vector<2000x64xf32>, vector<64x64xf32> -> vector<64x64xf32>
      %add3A_33 = arith.addf %get3A_31, %dot_general3A_32 : vector<64x64xf32>
      %swap3A = arith.constant 0 : index
      %swap3A_34 = arith.constant 0 : index
      %swap3A_35 = vector.load %arg19[%swap3A, %swap3A_34] : memref<64x64xf32, #tpu.memory_space<vmem>>, vector<64x64xf32>
      tpu.vector_store %arg19[%swap3A, %swap3A_34], %add3A_33 {strides = array<i32>} : memref<64x64xf32, #tpu.memory_space<vmem>>, vector<64x64xf32>,
      %get3A_36 = arith.constant 0 : index
      %get3A_37 = arith.constant 0 : index
      %get3A_38 = vector.load %arg20[%get3A_36, %get3A_37] : memref<64x128xf32, #tpu.memory_space<vmem>>, vector<64x128xf32>
      %reduce_sum3A = arith.constant dense<0.000000e+00> : vector<64xf32>
      %reduce_sum3A_39 = vector.multi_reduction <add>, %convert_element_type3A_28, %reduce_sum3A [1] : vector<64x2000xf32> to vector<64xf32>
      %broadcast_in_dim3A = vector.shape_cast %reduce_sum3A_39 : vector<64xf32> to vector<64x1xf32>
      %broadcast_in_dim3A_40 = vector.shape_cast %broadcast_in_dim3A : vector<64x1xf32> to vector<64x1xf32>
      %broadcast_in_dim3A_41 = vector.broadcast %broadcast_in_dim3A_40 : vector<64x1xf32> to vector<64x128xf32>
      %add3A_42 = arith.addf %get3A_38, %broadcast_in_dim3A_41 : vector<64x128xf32>
      %swap3A_43 = arith.constant 0 : index
      %swap3A_44 = arith.constant 0 : index
      %swap3A_45 = vector.load %arg20[%swap3A_43, %swap3A_44] : memref<64x128xf32, #tpu.memory_space<vmem>>, vector<64x128xf32>
      tpu.vector_store %arg20[%swap3A_43, %swap3A_44], %add3A_42 {strides = array<i32>} : memref<64x128xf32, #tpu.memory_space<vmem>>, vector<64x128xf32>,
      %eq3A_46 = arith.constant 9 : i32
      %eq3A_47 = arith.cmpi eq, %arg0, %eq3A_46 : i32
      %convert_element_type3A_48 = arith.extui %eq3A_47 : i1 to i32
      %cond3A_49 = arith.constant 0 : i32
      %cond3A_50 = arith.cmpi ne, %convert_element_type3A_48, %cond3A_49 : i32
      scf.if %cond3A_50 {
        %get3A_51 = arith.constant 0 : index
        %get3A_52 = arith.constant 0 : index
        %get3A_53 = vector.load %arg20[%get3A_51, %get3A_52] : memref<64x128xf32, #tpu.memory_space<vmem>>, vector<64x1xf32>
        %get3A_54 = arith.constant 0 : index
        %get3A_55 = arith.constant 0 : index
        %get3A_56 = vector.load %arg19[%get3A_54, %get3A_55] : memref<64x64xf32, #tpu.memory_space<vmem>>, vector<64x64xf32>
        %max3A_57 = arith.constant 1.000000e+00 : f32
        %max3A_58 = vector.broadcast %max3A_57 : f32 to vector<64x1xf32>
        %max3A_59 = arith.maximumf %get3A_53, %max3A_58 : vector<64x1xf32>
        %div3A = vector.broadcast %max3A_59 : vector<64x1xf32> to vector<64x64xf32>
        %div3A_60 = arith.divf %get3A_56, %div3A : vector<64x64xf32>
        %get3A_61 = arith.constant 0 : index
        %get3A_62 = arith.constant 0 : index
        %get3A_63 = vector.load %arg12[%get3A_61, %get3A_62] : memref<64x32xf32, #tpu.memory_space<vmem>>, vector<64x32xf32>
        %dot_general3A_64 = arith.constant dense<0.000000e+00> : vector<64x32xf32>
        %dot_general3A_65 = tpu.matmul %div3A_60, %get3A_63, %dot_general3A_64 {dimension_numbers = #tpu.dot_dimension_numbers<[1], [0], [0], [1], [0, 0, 1, 1], [], []>, transpose_lhs_hint = false} : vector<64x64xf32>, vector<64x32xf32>, vector<64x32xf32> -> vector<64x32xf32>
        %get3A_66 = arith.constant 0 : index
        %get3A_67 = arith.constant 0 : index
        %get3A_68 = vector.load %arg13[%get3A_66, %get3A_67] : memref<1x32xf32, #tpu.memory_space<vmem>>, vector<1x32xf32>
        %add3A_69 = vector.broadcast %get3A_68 : vector<1x32xf32> to vector<64x32xf32>
        %add3A_70 = arith.addf %dot_general3A_65, %add3A_69 : vector<64x32xf32>
        %max3A_71 = arith.constant 0.000000e+00 : f32
        %max3A_72 = vector.broadcast %max3A_71 : f32 to vector<64x32xf32>
        %max3A_73 = arith.maximumf %add3A_70, %max3A_72 : vector<64x32xf32>
        %get3A_74 = arith.constant 0 : index
        %get3A_75 = arith.constant 0 : index
        %get3A_76 = vector.load %arg14[%get3A_74, %get3A_75] : memref<32x3xf32, #tpu.memory_space<vmem>>, vector<32x3xf32>
        %dot_general3A_77 = arith.constant dense<0.000000e+00> : vector<64x3xf32>
        %dot_general3A_78 = tpu.matmul %max3A_73, %get3A_76, %dot_general3A_77 {dimension_numbers = #tpu.dot_dimension_numbers<[1], [0], [0], [1], [0, 0, 1, 1], [], []>, transpose_lhs_hint = false} : vector<64x32xf32>, vector<32x3xf32>, vector<64x3xf32> -> vector<64x3xf32>
        %get3A_79 = arith.constant 0 : index
        %get3A_80 = arith.constant 0 : index
        %get3A_81 = vector.load %arg15[%get3A_79, %get3A_80] : memref<1x3xf32, #tpu.memory_space<vmem>>, vector<1x3xf32>
        %add3A_82 = vector.broadcast %get3A_81 : vector<1x3xf32> to vector<64x3xf32>
        %add3A_83 = arith.addf %dot_general3A_78, %add3A_82 : vector<64x3xf32>
        %swap3A_84 = arith.constant 0 : index
        %swap3A_85 = arith.constant 0 : index
        %swap3A_86 = vector.load %arg16[%swap3A_84, %swap3A_85] : memref<64x3xf32, #tpu.memory_space<vmem>>, vector<64x3xf32>
        tpu.vector_store %arg16[%swap3A_84, %swap3A_85], %add3A_83 {strides = array<i32>} : memref<64x3xf32, #tpu.memory_space<vmem>>, vector<64x3xf32>,
      } else {
      }
    } else {
    }
    return
  }
  func.func @transform_0(%arg0: i32) -> (i32, i32) {
    %min3A = arith.constant 4 : i32
    %min3A_0 = arith.minsi %arg0, %min3A : i32
    %c0_i32 = arith.constant 0 : i32
    %c0_i32_1 = arith.constant 0 : i32
    return %min3A_0, %c0_i32 : i32, i32
  }
  func.func @transform_1(%arg0: i32) -> (i32, i32) {
    %min3A = arith.constant 4 : i32
    %min3A_0 = arith.minsi %arg0, %min3A : i32
    %c0_i32 = arith.constant 0 : i32
    %c0_i32_1 = arith.constant 0 : i32
    return %min3A_0, %c0_i32 : i32, i32
  }
  func.func @transform_2(%arg0: i32) -> (i32, i32) {
    %min3A = arith.constant 4 : i32
    %min3A_0 = arith.minsi %arg0, %min3A : i32
    %c0_i32 = arith.constant 0 : i32
    %c0_i32_1 = arith.constant 0 : i32
    return %min3A_0, %c0_i32 : i32, i32
  }
  func.func @transform_3(%arg0: i32) -> (i32, i32) {
    %min3A = arith.constant 4 : i32
    %min3A_0 = arith.minsi %arg0, %min3A : i32
    %c0_i32 = arith.constant 0 : i32
    %c0_i32_1 = arith.constant 0 : i32
    return %min3A_0, %c0_i32 : i32, i32
  }
  func.func @transform_4(%arg0: i32) -> (i32, i32) {
    %min3A = arith.constant 4 : i32
    %min3A_0 = arith.minsi %arg0, %min3A : i32
    %c0_i32 = arith.constant 0 : i32
    %c0_i32_1 = arith.constant 0 : i32
    return %min3A_0, %c0_i32 : i32, i32
  }
  func.func @transform_5(%arg0: i32) -> (i32, i32) {
    %c0_i32 = arith.constant 0 : i32
    %c0_i32_0 = arith.constant 0 : i32
    %c0_i32_1 = arith.constant 0 : i32
    return %c0_i32, %c0_i32_0 : i32, i32
  }
  func.func @transform_6(%arg0: i32) -> (i32, i32) {
    %c0_i32 = arith.constant 0 : i32
    %c0_i32_0 = arith.constant 0 : i32
    %c0_i32_1 = arith.constant 0 : i32
    return %c0_i32, %c0_i32_0 : i32, i32
  }
  func.func @transform_7(%arg0: i32) -> (i32, i32) {
    %c0_i32 = arith.constant 0 : i32
    %c0_i32_0 = arith.constant 0 : i32
    %c0_i32_1 = arith.constant 0 : i32
    return %c0_i32, %c0_i32_0 : i32, i32
  }
  func.func @transform_8(%arg0: i32) -> (i32, i32) {
    %c0_i32 = arith.constant 0 : i32
    %c0_i32_0 = arith.constant 0 : i32
    %c0_i32_1 = arith.constant 0 : i32
    return %c0_i32, %c0_i32_0 : i32, i32
  }
  func.func @transform_9(%arg0: i32) -> (i32, i32) {
    %c0_i32 = arith.constant 0 : i32
    %c0_i32_0 = arith.constant 0 : i32
    %c0_i32_1 = arith.constant 0 : i32
    return %c0_i32, %c0_i32_0 : i32, i32
  }
  func.func @transform_10(%arg0: i32) -> (i32, i32, i32) {
    %sub3A = arith.constant 5 : i32
    %sub3A_0 = arith.subi %arg0, %sub3A : i32
    %max3A = arith.constant 0 : i32
    %max3A_1 = arith.maxsi %sub3A_0, %max3A : i32
    %c0_i32 = arith.constant 0 : i32
    %c0_i32_2 = arith.constant 0 : i32
    %c0_i32_3 = arith.constant 0 : i32
    return %max3A_1, %c0_i32, %c0_i32_2 : i32, i32, i32
  }
  func.func @transform_11(%arg0: i32) -> (i32, i32) {
    %c0_i32 = arith.constant 0 : i32
    %c0_i32_0 = arith.constant 0 : i32
    %c0_i32_1 = arith.constant 0 : i32
    return %c0_i32, %c0_i32_0 : i32, i32
  }
  func.func @transform_12(%arg0: i32) -> (i32, i32) {
    %c0_i32 = arith.constant 0 : i32
    %c0_i32_0 = arith.constant 0 : i32
    %c0_i32_1 = arith.constant 0 : i32
    return %c0_i32, %c0_i32_0 : i32, i32
  }
  func.func @transform_13(%arg0: i32) -> (i32, i32) {
    %c0_i32 = arith.constant 0 : i32
    %c0_i32_0 = arith.constant 0 : i32
    %c0_i32_1 = arith.constant 0 : i32
    return %c0_i32, %c0_i32_0 : i32, i32
  }
  func.func @transform_14(%arg0: i32) -> (i32, i32) {
    %c0_i32 = arith.constant 0 : i32
    %c0_i32_0 = arith.constant 0 : i32
    %c0_i32_1 = arith.constant 0 : i32
    return %c0_i32, %c0_i32_0 : i32, i32
  }
  func.func @transform_15(%arg0: i32) -> (i32, i32) {
    %c0_i32 = arith.constant 0 : i32
    %c0_i32_0 = arith.constant 0 : i32
    %c0_i32_1 = arith.constant 0 : i32
    return %c0_i32, %c0_i32_0 : i32, i32
  }
}

</mosaic_0001>

<sc_bundles>
// kernel: kernel.6.cloned.1.call-start
scs
__scs_entry_jumppad:
0x0: {  	(pc) =	sbr.rel $0x88, $3  }
0x1: {  	(tag) =	ssettag $0x0;
	lr =	simm.s32 $0x1  }
0x2: {  	[smem:$0x3F8F] =	sst lr;
	_ =	strace $0xD0000000  }
0x3: {  	_ = 	snop  }
0x4: {  	_ = 	snop  }
0x5: {  	_ = 	snop  }
0x6: {  	_ = 	snop  }
0x7: {  	_ = 	snop  }
__scs_overlays_trampoline_lowered:
0x8: {  	[smem:$0x3F9E] =	sst s0  }
0x9: {  	[smem:$0x3F9F] =	sst s1  }
0xa: {  	[smem:$0x3FA0] =	sst s2  }
0xb: {  	[smem:$0x3FA1] =	sst s3  }
0xc: {  	[smem:$0x3FA2] =	sst s4  }
0xd: {  	[smem:$0x3FA3] =	sst s5  }
0xe: {  	[smem:$0x3FA4] =	sst s6  }
0xf: {  	[smem:$0x3FA5] =	sst s7  }
0x10: {  	[smem:$0x3FA6] =	sst s8  }
0x11: {  	[smem:$0x3FA7] =	sst s9;
	s0 =	simm.s32 @!p0 $0x0  }
0x12: {  	s1 =	sld [smem:$0x3F8D];
	s0 =	simm.s32 @p0 $0x1  }
0x13: {  	[smem:$0x3FA8] =	sst s0;
	s0 =	simm.s32 @!p1 $0x0  }
0x14: {  	s2 =	sld [smem:$0x3F8C];
	s0 =	simm.s32 @p1 $0x1  }
0x15: {  	[smem:$0x3FA9] =	sst s0;
	s0 =	simm.s32 @!p2 $0x0  }
0x16: {  	s3 =	sld [smem:$0x3FDB];
	s0 =	simm.s32 @p2 $0x1  }
0x17: {  	s4 =	simm.s32 $0x1BF5;
	[smem:$0x3FAB] =	sst s0  }
0x18: {  	s0 =	sld [smem:$0x3F8E];
	_ =	swait.ge [sflag:s4], $0x0  }
0x19: {  	s7 =	sld [smem:$0x3F8F]  }
0x1a: {  	s8 =	sadd.s32 $0xFFFFE003, lr  }
0x1b: {  	s9 =	sadd.s32 $0xFFFFFEF7, lr;
	s5 =	simm.s32 $0xFFFFFFFF;
	p2 =	slt.u32 s8, $0xFFFFF086  }
0x1c: {  	p1 =	slt.u32 s9, $0xF7A;
	s5 =	simm.s32 @!p2 $0x0  }
0x1d: {  	s5 =	simm.s32 @p1 $0x1;
	p0 =	seq.s32 s7, s2  }
0x1e: {  	s7 =	smul.u32 @!p0 $0xF7A, s2;
	p2 =	seq.s32 @!p0 s5, $0x0  }
0x1f: {  	s9 =	smul.u32 $0xF7A, s1;
	s8 =	simm.s32 @!p0 $0x1BF5;
	p2 =	por !p2, p0  }
0x20: {  	[sflag:s8] =	ssyncset.s32 @!p0 $0xFFFFF086;
	s6 =	sadd.s32 @!p0 s3, s7;
	s7 =	simm.s32 @!p0 $0x108  }
0x21: {  	s3 =	sadd.s32 s3, s9;
	s6 =	sadd.s32 @!p0 $0x88, s6;
	s7 =	simm.s32 @p2 $0x1082  }
0x22: {  	[simem:s7], [sflag:s8] =	dma.local @!p0 [hbm:s6], $0xF7A  }
0x23: {  	s9 =	sor.u32 $0xD0000000, s2;
	s6 =	simm.s32 $0x108;
	_ =	swait.ge @!p0 [sflag:s8], $0x0  }
0x24: {  	s3 =	sadd.s32 $0x88, s3;
	s6 =	simm.s32 @!p1 $0x1082;
	[sflag:s4] =	ssyncset.s32 $0xFFFFF086  }
0x25: {  	[simem:s6], [sflag:s4] =	dma.local [hbm:s3], $0xF7A  }
0x26: {  	[smem:$0x3F8F] =	sst s1;
	(tag) =	ssettag s2;
	_ =	strace s9  }
0x27: {  	s1 =	sld [smem:$0x3F9F]  }
0x28: {  	s2 =	sld [smem:$0x3FA0]  }
0x29: {  	s4 =	sld [smem:$0x3FA2]  }
0x2a: {  	p0 =	seq.s32 s5, $0x0;
	s5 =	sld [smem:$0x3FA3]  }
0x2b: {  	s6 =	sld [smem:$0x3FA4]  }
0x2c: {  	s7 =	sld [smem:$0x3FA5]  }
0x2d: {  	s3 =	simm.s32 $0x108;
	s8 =	sld [smem:$0x3FA6]  }
0x2e: {  	s3 =	simm.s32 @!p0 $0x1082;
	s9 =	sld [smem:$0x3FA7]  }
0x2f: {  	lr =	sadd.s32 s0, s3;
	s0 =	sld [smem:$0x3F9E]  }
0x30: {  	s3 =	sld [smem:$0x3FA1]  }
0x31: {  	[smem:$0x3FAA] =	sst s10  }
0x32: {  	s10 =	sld [smem:$0x3FA8];
	_ =	sdelay $0x3  }
0x33: {  	p0 =	seq.s32 s10, $0x1;
	s10 =	sld [smem:$0x3FAA];
	_ =	sdelay $0x3  }
0x34: {  	[smem:$0x3FAA] =	sst s10  }
0x35: {  	s10 =	sld [smem:$0x3FA9];
	_ =	sdelay $0x3  }
0x36: {  	p1 =	seq.s32 s10, $0x1;
	s10 =	sld [smem:$0x3FAA];
	_ =	sdelay $0x3  }
0x37: {  	[smem:$0x3FAA] =	sst s10  }
0x38: {  	s10 =	sld [smem:$0x3FAB]  }
0x39: {  	_ = 	snop;
	(pc) =	sbr.ind lr, $3  }
0x3a: {  	_ = 	snop  }
0x3b: {  	_ = 	snop  }
0x3c: {  	p2 =	seq.s32 s10, $0x1;
	s10 =	sld [smem:$0x3FAA]  }
0x3d: {  	_ =	shalt  }
0x3e: {  	_ =	shalt  }
0x3f: {  	_ =	shalt  }
0x40: {  	_ =	shalt  }
0x41: {  	_ =	shalt  }
0x42: {  	_ =	shalt  }
0x43: {  	_ =	shalt  }
0x44: {  	_ =	shalt  }
0x45: {  	_ =	shalt  }
0x46: {  	_ =	shalt  }
0x47: {  	_ =	shalt  }
0x48: {  	_ =	shalt  }
0x49: {  	_ =	shalt  }
0x4a: {  	_ =	shalt  }
0x4b: {  	_ =	shalt  }
0x4c: {  	_ =	shalt  }
0x4d: {  	_ =	shalt  }
0x4e: {  	_ =	shalt  }
0x4f: {  	_ =	shalt  }
0x50: {  	_ =	shalt  }
0x51: {  	_ =	shalt  }
0x52: {  	_ =	shalt  }
0x53: {  	_ =	shalt  }
0x54: {  	_ =	shalt  }
0x55: {  	_ =	shalt  }
0x56: {  	_ =	shalt  }
0x57: {  	_ =	shalt  }
0x58: {  	_ =	shalt  }
0x59: {  	_ =	shalt  }
0x5a: {  	_ =	shalt  }
0x5b: {  	_ =	shalt  }
0x5c: {  	_ =	shalt  }
0x5d: {  	_ =	shalt  }
0x5e: {  	_ =	shalt  }
0x5f: {  	_ =	shalt  }
0x60: {  	_ =	shalt  }
0x61: {  	_ =	shalt  }
0x62: {  	_ =	shalt  }
0x63: {  	_ =	shalt  }
0x64: {  	_ =	shalt  }
0x65: {  	_ =	shalt  }
0x66: {  	_ =	shalt  }
0x67: {  	_ =	shalt  }
0x68: {  	_ =	shalt  }
0x69: {  	_ =	shalt  }
0x6a: {  	_ =	shalt  }
0x6b: {  	_ =	shalt  }
0x6c: {  	_ =	shalt  }
0x6d: {  	_ =	shalt  }
0x6e: {  	_ =	shalt  }
0x6f: {  	_ =	shalt  }
0x70: {  	_ =	shalt  }
0x71: {  	_ =	shalt  }
0x72: {  	_ =	shalt  }
0x73: {  	_ =	shalt  }
0x74: {  	_ =	shalt  }
0x75: {  	_ =	shalt  }
0x76: {  	_ =	shalt  }
0x77: {  	_ =	shalt  }
0x78: {  	_ =	shalt  }
0x79: {  	_ =	shalt  }
0x7a: {  	_ =	shalt  }
0x7b: {  	_ =	shalt  }
0x7c: {  	_ =	shalt  }
0x7d: {  	_ =	shalt  }
0x7e: {  	_ =	shalt  }
0x7f: {  	_ =	shalt  }
0x80: {  	_ =	shalt  }
0x81: {  	_ =	shalt  }
0x82: {  	_ =	shalt  }
0x83: {  	_ =	shalt  }
0x84: {  	_ =	shalt  }
0x85: {  	_ =	shalt  }
0x86: {  	_ =	shalt  }
0x87: {  	_ =	shalt  }
.Lfunc_end0:
.L_simem_size_0:
called_computation_lowered:
.L_overlay_start_0:
0x88: {  	s2 =	sld [smem:$0x3FD9]  }
0x89: {  	s3 =	sld [smem:$0x3FFE];
	_ =	sdelay $0x1  }
0x8a: {  	s1 =	srdreg.scid  }
0x8b: {  	s0 =	sand.u32 $0x1, s1  }
0x8c: {  	s16 =	sshll.u32 s0, $0xA;
	s2 =	sadd.s32 s3, s2  }
0x8d: {  	s2 =	sadd.s32 s2, s16  }
0x8e: {  	[smem:$0x3FB6] =	sst s2  }
0x8f: {  	_ = 	snop  }
0x90: {  	(tm) =	ssettm $0x1  }
0x91: {  	s17 =	sld [smem:$0x3FFB];
	_ =	sdelay $0x3  }
0x92: {  	_ =	strace s17  }
0x93: {  	s2 =	sld [smem:$0x3FFC];
	_ =	sdelay $0x3  }
0x94: {  	_ =	strace s2  }
0x95: {  	s2 =	sld [smem:$0x3FFD];
	_ =	sdelay $0x3  }
0x96: {  	_ =	strace s2  }
0x97: {  	_ =	strace $0x8FFFFFFF  }
0x98: {  	s18 =	sld [smem:$0x3FDB];
	_ =	sdelay $0x1  }
0x99: {  	s19 =	simm.s32 $_scs_section_size  }
0x9a: {  	s4 =	simm.s32 $_size__tile_overlayer_lowered;
	s5 =	simm.s32 $_tile_overlayer_lowered  }
0x9b: {  	s22 =	simm.s32 $0x1BFF;
	s21 =	sshll.u32 s5, $0x1;
	s2 =	sadd.s32 s19, s18  }
0x9c: {  	s6 =	simm.s32 $0x0;
	s20 =	sshll.u32 s4, $0x1;
	s4 =	sadd.s32 s21, s2  }
0x9d: {  	[timem:s6], [sflag:s22] =	dma.local [hbm:s4], s20  }
0x9e: {  	_ =	swait.ge [sflag:s22], s20  }
0x9f: {  	s3 =	ssub.s32 $0x0, s20;
	[sflag:s22] =	ssyncset.done $0x0  }
0xa0: {  	[sflag:s22] =	ssyncadd.s32 s3;
	_ =	sdelay $0x1  }
0xa1: {  	s23 =	simm.s32 $0x1B8B  }
0xa2: {  	_ =	swait.ge [sflag:s23], $0x1  }
0xa3: {  	[sflag:s23] =	ssyncset.done $0x0  }
0xa4: {  	s25 =	simm.s32 $0x1B8E;
	s24 =	sld [smem:$0x3FFE];
	[sflag:s23] =	ssyncadd.s32 $0xFFFFFFFF  }
0xa5: {  	s26 =	simm.s32 $execute0_lowered;
	[smem:$0x3FD2] =	sst s25  }
0xa6: {  	s4 =	sshll.u32 s26, $0x1;
	_ =	strace $0x80000046;
	[dreg:$0x1] =	wrdreg $0xFFFFFFFF  }
0xa7: {  	s28 =	simm.s32 $_size_execute0_lowered;
	s2 =	sadd.s32 s2, s4;
	[dreg:$0x0] =	wrdreg $0x0  }
0xa8: {  	s4 =	sshll.u32 s28, $0x1;
	[dreg:$0x2] =	wrdreg s2  }
0xa9: {  	[dreg:$0x3] =	wrdreg s4  }
0xaa: {  	[dreg:$0x4] =	wrdreg $0xC0  }
0xab: {  	_ =	task [dreg:s6], $0x5FFFF  }
0xac: {  	[dreg:$0x1] =	wrdreg $0xFFFFFFFF  }
0xad: {  	[dreg:$0x0] =	wrdreg $0x60  }
0xae: {  	[dreg:$0x2] =	wrdreg s24  }
0xaf: {  	[dreg:$0x3] =	wrdreg $0x130000  }
0xb0: {  	[dreg:$0x4] =	wrdreg $0x9  }
0xb1: {  	_ =	task.clear_ibuf [dreg:s6], $0x5FFFF;
	_ =	strace $0x90000046  }
0xb2: {  	s29 =	simm.s32 $0x9;
	_ =	strace $0x80000048  }
0xb3: {  	_ =	swait.ge [sflag:s29], $0x1  }
0xb4: {  	[sflag:s29] =	ssyncadd.s32 $0xFFFFFFFF  }
0xb5: {  	_ =	strace $0x90000048  }
0xb6: {  	_ =	sfence  }
0xb7: {  	s30 =	sld [smem:$0x0];
	_ =	sdelay $0x2  }
0xb8: {  	s31 =	sshll.u32 s1, $0xD;
	s1 =	sshrl.u32 s1, $0x2  }
0xb9: {  	s3 =	sand.u32 $0x4000, s31;
	s1 =	sadd.s32 s1, s30  }
0xba: {  	s0 =	sor.u32 s3, s0;
	s1 =	sshll.u32 s1, $0x11  }
0xbb: {  	s0 =	sor.u32 s1, s0  }
0xbc: {  	s0 =	sadd.s32 $0x8F2B, s0  }
0xbd: {  	[sflag:s0] =	ssyncadd.remote.s32 $0x1  }
0xbe: {  	_ =	sfence.sel $0xFFFF  }
0xbf: {  	[dreg:$0x0] =	wrdreg $0xFFFFFFFF;
	(pc) =	sbr.abs _section_cstart, $3  }
0xc0: {  	[dreg:$0x1] =	wrdreg $0xFFFFFFFF  }
0xc1: {  	_ =	task.clear_ibuf [dreg:s6], $0x2FFFF;
	_ =	strace $0x9FFFFFFF  }
0xc2: {  	(tm) =	ssettm $0x7FFFFFFF  }
0xc3: {  	_ =	shalt  }
tec
execute0_lowered:
.L_overlay_start_1:
0x0: {  	(tag) =	ssettag $0x1  }
0x1: {  	s0 =	rddreg [dreg:$0x0];
	s1 =	srdreg.scid  }
0x2: {  	s2 =	rddreg [dreg:$0x1];
	s3 =	stileid.u32  }
0x3: {  	s13 =	simm.s32 $0x0;
	s29 =	simm.s32 $0x6000;
	s5 =	smul.u32 $0xA00, s3  }
0x4: {  	s31 =	simm.s32 $0x8000;
	s28 =	simm.s32 $0x3;
	s6 =	smul.u32 $0x13880, s3  }
0x5: {  	s30 =	simm.s32 $0x4;
	s9 =	simm.s32 $0x5;
	s7 =	smul.u32 $0x27200, s3  }
0x6: {  	s10 =	simm.s32 $0x6;
	s1 =	sand.u32 $0x1, s1;
	s20 =	smul.u32 $0x27100, s3  }
0x7: {  	s11 =	simm.s32 $0x7;
	[smem:$0x7FF] =	sst s13;
	s4 =	smul.u32 $0x13880, s1  }
0x8: {  	_ =	strace $0x80000047;
	s8 =	sshll.u32 s1, $0x6;
	s7 =	sshrl.u32 s7, $0x2  }
0x9: {  	s1 =	ssub.s32 $0x2, s1;
	s5 =	sadd.s32 s5, s0;
	s7 =	sadd.s32 s7, s2  }
0xa: {  	s6 =	sor.u32 s8, s6;
	s24 =	sadd.s32 $0x2A800, s5;
	[dreg:$0x4] =	wrdreg s7  }
0xb: {  	s12 =	sshrl.u32 s1, $0x1;
	s25 =	sadd.s32 $0x34800, s5;
	[dreg:$0xe] =	wrdreg s24  }
0xc: {  	s8 =	simm.s32 $0x10000;
	s14 =	sadd.s32 $0x1000, s7;
	[dreg:$0xf] =	wrdreg s25  }
0xd: {  	s4 =	sadd.s32 s4, s0;
	s15 =	sadd.s32 $0x2000, s7;
	[dreg:$0x5] =	wrdreg s14  }
0xe: {  	s6 =	sshrl.u32 s6, $0x3;
	s16 =	sadd.s32 $0x3000, s7;
	[dreg:$0x6] =	wrdreg s15  }
0xf: {  	s1 =	ssub.s32 s1, s12;
	s17 =	sadd.s32 $0x4000, s7;
	[dreg:$0x7] =	wrdreg s16  }
0x10: {  	s12 =	simm.s32 $0x8;
	s18 =	sadd.s32 $0x5000, s7;
	[dreg:$0x8] =	wrdreg s17  }
0x11: {  	s0 =	sadd.s32 s6, s0;
	s19 =	sadd.s32 $0x6000, s7;
	[dreg:$0x9] =	wrdreg s18  }
0x12: {  	s21 =	sadd.s32 $0x7000, s7;
	s22 =	sadd.s32 $0x8000, s7;
	[dreg:$0xa] =	wrdreg s19  }
0x13: {  	s23 =	sadd.s32 $0x9000, s7;
	s6 =	sshrl.u32 s20, $0x2;
	[dreg:$0xb] =	wrdreg s21  }
0x14: {  	s1 =	smax.u32 s1, $0x1;
	s20 =	sadd.s32 $0x2A880, s5;
	[dreg:$0xc] =	wrdreg s22  }
0x15: {  	s24 =	simm.s32 $0x2000;
	s7 =	simm.s32 $0xE000;
	[dreg:$0xd] =	wrdreg s23  }
0x16: {  	s16 =	sadd.s32 $0x3600, s4;
	s0 =	sadd.s32 $0x3E800, s0;
	s26 =	sadd.s32 s6, s2  }
0x17: {  	[dreg:$0x11] =	wrdreg s1;
	s19 =	sadd.s32 $0x34880, s5;
	s22 =	simm.s32 $0x11  }
0x18: {  	s23 =	simm.s32 $0x80;
	s1 =	simm.s32 $0x2;
	s5 =	simm.s32 $0xA000  }
0x19: {  	s6 =	simm.s32 $0xC000;
	[dreg:$0x10] =	wrdreg s0;
	s0 =	sshrl.u32 s26, $0x3  }
0x1a: {  	v0 =	vimm.f32 $0.0e+00;
	s26 =	simm.s32 $0x4000;
	[dreg:$0x12] =	wrdreg s0;
	s0 =	simm.s32 $0x1  }
.LBB2_1:
0x1b: {  	[dreg:$0x3] =	wrdreg s13;
	s15 =	simm.s32 $0x100;
	s14 =	simm.s32 $0x0  }
.LBB2_2:
0x1c: {  	p0 =	sne.s32 s15, $0x3F00;
	[tilespmem:s14+$0x12030] =	vst v0;
	s17 =	smov.u32 s15;
	s15 =	sadd.s32 $0x100, s15  }
.Ltmp0:
0x1d: {  	[tilespmem:s14+$0x12020] =	vst v0;
	(pc) =	sbr.rel @p0 .LBB2_2-.Ltmp0, $3  }
0x1e: {  	[tilespmem:s14+$0x12000] =	vst v0  }
0x1f: {  	[tilespmem:s14+$0x12010] =	vst v0;
	_ =	sdelay $0x1  }
0x20: {  	s14 =	sshra.s32 s17, $0x2  }
0x21: {  	[tilespmem:s14+$0x12030] =	vst v0  }
0x22: {  	[tilespmem:s14+$0x12020] =	vst v0  }
0x23: {  	[tilespmem:s14+$0x12000] =	vst v0  }
0x24: {  	[tilespmem:s14+$0x12010] =	vst v0;
	s3 =	rddreg [dreg:$0x4];
	s4 =	simm.s32 $0x12000  }
0x25: {  	[spmem:s3] =	stream.linear.scatter [tilespmem:s4], [sflag:$0x11], $0x1000, $0x38;
	[tilespmem:$0x1CC80] =	vst v63  }
0x26: {  	_ =	swait.ge [sflag:s22], $0x1000  }
0x27: {  	[sflag:s22] =	ssyncset.done $0x0  }
0x28: {  	s14 =	rddreg [dreg:$0x5];
	[sflag:s22] =	ssyncadd.s32 $0xFFFFF000  }
0x29: {  	[spmem:s14] =	stream.linear.scatter [tilespmem:s4], [sflag:$0x11], $0x1000, $0x38;
	[tilespmem:$0x1CC80] =	vst v63  }
0x2a: {  	_ =	swait.ge [sflag:s22], $0x1000  }
0x2b: {  	[sflag:s22] =	ssyncset.done $0x0  }
0x2c: {  	s15 =	rddreg [dreg:$0x6];
	[sflag:s22] =	ssyncadd.s32 $0xFFFFF000  }
0x2d: {  	[spmem:s15] =	stream.linear.scatter [tilespmem:s4], [sflag:$0x11], $0x1000, $0x38;
	[tilespmem:$0x1CC80] =	vst v63  }
0x2e: {  	_ =	swait.ge [sflag:s22], $0x1000  }
0x2f: {  	[sflag:s22] =	ssyncset.done $0x0  }
0x30: {  	s17 =	rddreg [dreg:$0x7];
	[sflag:s22] =	ssyncadd.s32 $0xFFFFF000  }
0x31: {  	[spmem:s17] =	stream.linear.scatter [tilespmem:s4], [sflag:$0x11], $0x1000, $0x38;
	[tilespmem:$0x1CC80] =	vst v63  }
0x32: {  	_ =	swait.ge [sflag:s22], $0x1000  }
0x33: {  	[sflag:s22] =	ssyncset.done $0x0  }
0x34: {  	s18 =	rddreg [dreg:$0x8];
	[sflag:s22] =	ssyncadd.s32 $0xFFFFF000  }
0x35: {  	[spmem:s18] =	stream.linear.scatter [tilespmem:s4], [sflag:$0x11], $0x1000, $0x38;
	[tilespmem:$0x1CC80] =	vst v63  }
0x36: {  	_ =	swait.ge [sflag:s22], $0x1000  }
0x37: {  	[sflag:s22] =	ssyncset.done $0x0  }
0x38: {  	s21 =	rddreg [dreg:$0x9];
	[sflag:s22] =	ssyncadd.s32 $0xFFFFF000  }
0x39: {  	[spmem:s21] =	stream.linear.scatter [tilespmem:s4], [sflag:$0x11], $0x1000, $0x38;
	[tilespmem:$0x1CC80] =	vst v63  }
0x3a: {  	_ =	swait.ge [sflag:s22], $0x1000  }
0x3b: {  	[sflag:s22] =	ssyncset.done $0x0  }
0x3c: {  	s25 =	rddreg [dreg:$0xa];
	[sflag:s22] =	ssyncadd.s32 $0xFFFFF000  }
0x3d: {  	[spmem:s25] =	stream.linear.scatter [tilespmem:s4], [sflag:$0x11], $0x1000, $0x38;
	[tilespmem:$0x1CC80] =	vst v63  }
0x3e: {  	_ =	swait.ge [sflag:s22], $0x1000  }
0x3f: {  	[sflag:s22] =	ssyncset.done $0x0  }
0x40: {  	s13 =	rddreg [dreg:$0xb];
	[sflag:s22] =	ssyncadd.s32 $0xFFFFF000  }
0x41: {  	[spmem:s13] =	stream.linear.scatter [tilespmem:s4], [sflag:$0x11], $0x1000, $0x38;
	[tilespmem:$0x1CC80] =	vst v63  }
0x42: {  	_ =	swait.ge [sflag:s22], $0x1000  }
0x43: {  	[sflag:s22] =	ssyncset.done $0x0  }
0x44: {  	s14 =	rddreg [dreg:$0xc];
	[sflag:s22] =	ssyncadd.s32 $0xFFFFF000  }
0x45: {  	[spmem:s14] =	stream.linear.scatter [tilespmem:s4], [sflag:$0x11], $0x1000, $0x38;
	[tilespmem:$0x1CC80] =	vst v63  }
0x46: {  	_ =	swait.ge [sflag:s22], $0x1000  }
0x47: {  	[sflag:s22] =	ssyncset.done $0x0  }
0x48: {  	s15 =	rddreg [dreg:$0xd];
	[sflag:s22] =	ssyncadd.s32 $0xFFFFF000  }
0x49: {  	[spmem:s15] =	stream.linear.scatter [tilespmem:s4], [sflag:$0x11], $0xC80, $0x38;
	[tilespmem:$0x1CC80] =	vst v63  }
0x4a: {  	_ =	swait.ge [sflag:s22], $0xC80  }
0x4b: {  	[sflag:s22] =	ssyncset.done $0x0  }
0x4c: {  	[sflag:s22] =	ssyncadd.s32 $0xFFFFF380  }
0x4d: {  	[bflag:$0x0] =	sbarrier.arrive $0xFFFF  }
0x4e: {  	s14 =	simm.s32 $0x0;
	s17 =	rddreg [dreg:$0xe]  }
0x4f: {  	[tilespmem:s14], [sflag:$0x11] =	stream.linear.gather [hbm4b:s17+s14], $0x800, $0x38;
	[tilespmem:$0x1CC80] =	vst v63  }
0x50: {  	_ =	swait.ge [sflag:s22], $0x800  }
0x51: {  	[sflag:s22] =	ssyncset.done $0x0  }
0x52: {  	s15 =	simm.s32 $0x1000;
	s18 =	rddreg [dreg:$0xf];
	[sflag:s22] =	ssyncadd.s32 $0xFFFFF800  }
0x53: {  	[tilespmem:s15], [sflag:$0x11] =	stream.linear.gather [hbm4b:s18+s14], $0x800, $0x38;
	[tilespmem:$0x1CC80] =	vst v63  }
0x54: {  	_ =	swait.ge [sflag:s22], $0x800  }
0x55: {  	[sflag:s22] =	ssyncset.done $0x0  }
0x56: {  	[sflag:s22] =	ssyncadd.s32 $0xFFFFF800  }
0x57: {  	[tilespmem:s24], [sflag:$0x1] =	stream.indirect.gather [hbm4b:s16+s23], $0x40, s14, s23, $0xb8;
	[tilespmem:$0x1CC80] =	vst v63  }
0x58: {  	_ = 	snop  }
0x59: {  	[tilespmem:s26], [sflag:$0x2] =	stream.indirect.gather [hbm4b:s16+s23], $0x40, s23, s23, $0xb8;
	[tilespmem:$0x1CC80] =	vst v63  }
0x5a: {  	s21 =	simm.s32 $0x100  }
0x5b: {  	[tilespmem:s29], [sflag:$0x3] =	stream.indirect.gather [hbm4b:s16+s23], $0x40, s21, s23, $0xb8;
	[tilespmem:$0x1CC80] =	vst v63  }
0x5c: {  	s25 =	simm.s32 $0x180  }
0x5d: {  	[tilespmem:s31], [sflag:$0x4] =	stream.indirect.gather [hbm4b:s16+s23], $0x40, s25, s23, $0xb8;
	[tilespmem:$0x1CC80] =	vst v63  }
0x5e: {  	s17 =	simm.s32 $0x400;
	s18 =	simm.s32 $0x0;
	s25 =	simm.s32 $0x0  }
.LBB2_4:
0x5f: {  	s4 =	sand.u32 $0x18, s14;
	_ =	swait.ge [sflag:s0], $0x2000  }
0x60: {  	[sflag:s0] =	ssyncset.done $0x0;
	s4 =	sshll.u32 s4, $0x7  }
0x61: {  	[sflag:s0] =	ssyncadd.s32 $0xFFFFE000;
	s13 =	sor.u32 $0x1000, s4  }
0x62: {  	[spmem:s2] =	stream.indirect.scatter.add.f32 [tilespmem:s24], [sflag:$0x9], $0x40, s13, s23, $0xb8;
	[tilespmem:$0x1CC80] =	vst v63  }
0x63: {  	_ =	swait.ge [sflag:s1], $0x2000  }
0x64: {  	[sflag:s1] =	ssyncset.done $0x0  }
0x65: {  	s21 =	sor.u32 $0x1080, s4;
	[sflag:s1] =	ssyncadd.s32 $0xFFFFE000  }
0x66: {  	[spmem:s2] =	stream.indirect.scatter.add.f32 [tilespmem:s26], [sflag:$0xA], $0x40, s21, s23, $0xb8;
	[tilespmem:$0x1CC80] =	vst v63  }
0x67: {  	_ =	swait.ge [sflag:s28], $0x2000  }
0x68: {  	[sflag:s28] =	ssyncset.done $0x0  }
0x69: {  	s3 =	sor.u32 $0x1100, s4;
	[sflag:s28] =	ssyncadd.s32 $0xFFFFE000  }
0x6a: {  	[spmem:s2] =	stream.indirect.scatter.add.f32 [tilespmem:s29], [sflag:$0xB], $0x40, s3, s23, $0xb8;
	[tilespmem:$0x1CC80] =	vst v63  }
0x6b: {  	_ =	swait.ge [sflag:s30], $0x2000  }
0x6c: {  	p0 =	seq.s32 s18, $0x0;
	[sflag:s30] =	ssyncset.done $0x0  }
0x6d: {  	s13 =	simm.s32 @!p0 $0xD;
	s21 =	sor.u32 $0x1180, s4;
	[sflag:s30] =	ssyncadd.s32 $0xFFFFE000  }
0x6e: {  	[spmem:s2] =	stream.indirect.scatter.add.f32 [tilespmem:s31], [sflag:$0xC], $0x40, s21, s23, $0xb8;
	[tilespmem:$0x1CC80] =	vst v63  }
0x6f: {  	_ =	swait.ge @!p0 [sflag:s13], $0x2000  }
0x70: {  	[sflag:s13] =	ssyncset.done @!p0 $0x0  }
0x71: {  	[sflag:s13] =	ssyncadd.s32 @!p0 $0xFFFFE000;
	s13 =	simm.s32 @!p0 $0xE  }
0x72: {  	_ =	swait.ge @!p0 [sflag:s13], $0x2000  }
0x73: {  	[sflag:s13] =	ssyncset.done @!p0 $0x0  }
0x74: {  	[sflag:s13] =	ssyncadd.s32 @!p0 $0xFFFFE000;
	s13 =	simm.s32 @!p0 $0xF  }
0x75: {  	_ =	swait.ge @!p0 [sflag:s13], $0x2000  }
0x76: {  	[sflag:s13] =	ssyncset.done @!p0 $0x0  }
0x77: {  	[sflag:s13] =	ssyncadd.s32 @!p0 $0xFFFFE000;
	s13 =	simm.s32 @!p0 $0x10  }
0x78: {  	_ =	swait.ge @!p0 [sflag:s13], $0x2000  }
0x79: {  	[sflag:s13] =	ssyncset.done @!p0 $0x0  }
0x7a: {  	s3 =	sor.u32 $0x200, s4;
	[sflag:s13] =	ssyncadd.s32 @!p0 $0xFFFFE000  }
0x7b: {  	[tilespmem:s5], [sflag:$0x5] =	stream.indirect.gather [hbm4b:s16+s23], $0x40, s3, s23, $0xb8;
	[tilespmem:$0x1CC80] =	vst v63  }
0x7c: {  	s21 =	sor.u32 $0x280, s4  }
0x7d: {  	[tilespmem:s6], [sflag:$0x6] =	stream.indirect.gather [hbm4b:s16+s23], $0x40, s21, s23, $0xb8;
	[tilespmem:$0x1CC80] =	vst v63  }
0x7e: {  	s3 =	sor.u32 $0x300, s4  }
0x7f: {  	[tilespmem:s7], [sflag:$0x7] =	stream.indirect.gather [hbm4b:s16+s23], $0x40, s3, s23, $0xb8;
	[tilespmem:$0x1CC80] =	vst v63  }
0x80: {  	s21 =	sor.u32 $0x380, s4  }
0x81: {  	[tilespmem:s8], [sflag:$0x8] =	stream.indirect.gather [hbm4b:s16+s23], $0x40, s21, s23, $0xb8;
	[tilespmem:$0x1CC80] =	vst v63  }
0x82: {  	_ =	swait.ge [sflag:s9], $0x2000  }
0x83: {  	[sflag:s9] =	ssyncset.done $0x0  }
0x84: {  	s3 =	sor.u32 $0x1200, s4;
	[sflag:s9] =	ssyncadd.s32 $0xFFFFE000  }
0x85: {  	[spmem:s2] =	stream.indirect.scatter.add.f32 [tilespmem:s5], [sflag:$0xD], $0x40, s3, s23, $0xb8;
	[tilespmem:$0x1CC80] =	vst v63  }
0x86: {  	_ =	swait.ge [sflag:s10], $0x2000  }
0x87: {  	[sflag:s10] =	ssyncset.done $0x0  }
0x88: {  	s21 =	sor.u32 $0x1280, s4;
	[sflag:s10] =	ssyncadd.s32 $0xFFFFE000  }
0x89: {  	[spmem:s2] =	stream.indirect.scatter.add.f32 [tilespmem:s6], [sflag:$0xE], $0x40, s21, s23, $0xb8;
	[tilespmem:$0x1CC80] =	vst v63  }
0x8a: {  	_ =	swait.ge [sflag:s11], $0x2000  }
0x8b: {  	[sflag:s11] =	ssyncset.done $0x0  }
0x8c: {  	s3 =	sor.u32 $0x1300, s4;
	[sflag:s11] =	ssyncadd.s32 $0xFFFFE000  }
0x8d: {  	[spmem:s2] =	stream.indirect.scatter.add.f32 [tilespmem:s7], [sflag:$0xF], $0x40, s3, s23, $0xb8;
	[tilespmem:$0x1CC80] =	vst v63  }
0x8e: {  	s21 =	sand.u32 $0x1, s25;
	_ =	swait.ge [sflag:s12], $0x2000  }
0x8f: {  	p0 =	seq.s32 s18, $0x980;
	p1 =	seq.s32 s21, $0x1;
	[sflag:s12] =	ssyncset.done $0x0  }
0x90: {  	s4 =	sor.u32 $0x1380, s4;
	p1 =	por !p1, p0;
	[sflag:s12] =	ssyncadd.s32 $0xFFFFE000  }
0x91: {  	[spmem:s2] =	stream.indirect.scatter.add.f32 [tilespmem:s8], [sflag:$0x10], $0x40, s4, s23, $0xb8;
	[tilespmem:$0x1CC80] =	vst v63  }
0x92: {  	s13 =	sadd.s32 @!p1 s18, s20;
	s21 =	simm.s32 @!p1 $0x0;
	s4 =	sand.u32 @!p1 $0x800, s17  }
0x93: {  	[tilespmem:s4], [sflag:$0x11] =	stream.linear.gather @!p1 [hbm4b:s13+s21], $0x800, $0x38;
	[tilespmem:$0x1CC80] =	vst v63  }
0x94: {  	s13 =	simm.s32 @!p1 $0x11  }
0x95: {  	_ =	swait.ge @!p1 [sflag:s13], $0x800  }
0x96: {  	[sflag:s13] =	ssyncset.done @!p1 $0x0  }
0x97: {  	s3 =	sadd.s32 @!p1 s18, s19;
	s4 =	sor.u32 @!p1 $0x1000, s4;
	[sflag:s13] =	ssyncadd.s32 @!p1 $0xFFFFF800  }
0x98: {  	[tilespmem:s4], [sflag:$0x11] =	stream.linear.gather @!p1 [hbm4b:s3+s21], $0x800, $0x38;
	[tilespmem:$0x1CC80] =	vst v63  }
0x99: {  	_ =	swait.ge @!p1 [sflag:s13], $0x800  }
0x9a: {  	[sflag:s13] =	ssyncset.done @!p1 $0x0  }
0x9b: {  	s3 =	simm.s32 @!p0 $0x9;
	[sflag:s13] =	ssyncadd.s32 @!p1 $0xFFFFF800  }
0x9c: {  	_ =	swait.ge @!p0 [sflag:s3], $0x2000  }
0x9d: {  	[sflag:s3] =	ssyncset.done @!p0 $0x0  }
0x9e: {  	[sflag:s3] =	ssyncadd.s32 @!p0 $0xFFFFE000;
	s3 =	sshrl.u32 @!p0 s15, $0x2  }
0x9f: {  	s4 =	simm.s32 @!p0 $0x80;
	s13 =	simm.s32 @!p0 $0x2000;
	s3 =	sand.u32 @!p0 $0xC00, s3  }
0xa0: {  	[tilespmem:s13], [sflag:$0x1] =	stream.indirect.gather @!p0 [hbm4b:s16+s4], $0x40, s3, s4, $0xb8;
	[tilespmem:$0x1CC80] =	vst v63  }
0xa1: {  	s13 =	simm.s32 @!p0 $0xA  }
0xa2: {  	_ =	swait.ge @!p0 [sflag:s13], $0x2000  }
0xa3: {  	[sflag:s13] =	ssyncset.done @!p0 $0x0  }
0xa4: {  	s21 =	simm.s32 @!p0 $0x4000;
	[sflag:s13] =	ssyncadd.s32 @!p0 $0xFFFFE000;
	s13 =	sor.u32 @!p0 $0x80, s3  }
0xa5: {  	[tilespmem:s21], [sflag:$0x2] =	stream.indirect.gather @!p0 [hbm4b:s16+s4], $0x40, s13, s4, $0xb8;
	[tilespmem:$0x1CC80] =	vst v63  }
0xa6: {  	s18 =	sadd.s32 @!p0 $0x80, s18;
	s13 =	simm.s32 @!p0 $0xB  }
0xa7: {  	p1 =	sne.s32 @!p0 s18, $0xA00;
	_ =	swait.ge @!p0 [sflag:s13], $0x2000  }
0xa8: {  	p1 =	por p0, !p1;
	[sflag:s13] =	ssyncset.done @!p0 $0x0  }
0xa9: {  	s21 =	simm.s32 @!p0 $0x6000;
	[sflag:s13] =	ssyncadd.s32 @!p0 $0xFFFFE000;
	s13 =	sor.u32 @!p0 $0x100, s3  }
0xaa: {  	[tilespmem:s21], [sflag:$0x3] =	stream.indirect.gather @!p0 [hbm4b:s16+s4], $0x40, s13, s4, $0xb8;
	[tilespmem:$0x1CC80] =	vst v63  }
.Ltmp1:
0xab: {  	s13 =	simm.s32 @!p0 $0xC;
	(pc) =	sbr.rel @!p1 .LBB2_4-.Ltmp1, $4  }
0xac: {  	s14 =	sadd.s32 @!p0 $0x8, s14;
	s25 =	sadd.s32 @!p0 $0x1, s25;
	_ =	swait.ge @!p0 [sflag:s13], $0x2000  }
0xad: {  	s17 =	sadd.s32 @!p0 $0x400, s17;
	s15 =	sadd.s32 @!p0 $0x1000, s15;
	[sflag:s13] =	ssyncset.done @!p0 $0x0  }
0xae: {  	s3 =	sor.u32 @!p0 $0x180, s3;
	[sflag:s13] =	ssyncadd.s32 @!p0 $0xFFFFE000;
	s13 =	simm.s32 @!p0 $0x8000  }
0xaf: {  	[tilespmem:s13], [sflag:$0x4] =	stream.indirect.gather @!p0 [hbm4b:s16+s4], $0x40, s3, s4, $0xb8;
	[tilespmem:$0x1CC80] =	vst v63  }
0xb0: {  	s3 =	simm.s32 $0x9  }
0xb1: {  	_ =	swait.ge [sflag:s3], $0x2000  }
0xb2: {  	[sflag:s3] =	ssyncset.done $0x0  }
0xb3: {  	s25 =	simm.s32 $0xA;
	[sflag:s3] =	ssyncadd.s32 $0xFFFFE000  }
0xb4: {  	_ =	swait.ge [sflag:s25], $0x2000  }
0xb5: {  	[sflag:s25] =	ssyncset.done $0x0  }
0xb6: {  	s4 =	simm.s32 $0xB;
	[sflag:s25] =	ssyncadd.s32 $0xFFFFE000  }
0xb7: {  	_ =	swait.ge [sflag:s4], $0x2000  }
0xb8: {  	[sflag:s4] =	ssyncset.done $0x0  }
0xb9: {  	s13 =	simm.s32 $0xC;
	[sflag:s4] =	ssyncadd.s32 $0xFFFFE000  }
0xba: {  	_ =	swait.ge [sflag:s13], $0x2000  }
0xbb: {  	[sflag:s13] =	ssyncset.done $0x0  }
0xbc: {  	s14 =	simm.s32 $0xD;
	[sflag:s13] =	ssyncadd.s32 $0xFFFFE000  }
0xbd: {  	_ =	swait.ge [sflag:s14], $0x2000  }
0xbe: {  	[sflag:s14] =	ssyncset.done $0x0  }
0xbf: {  	s15 =	simm.s32 $0xE;
	[sflag:s14] =	ssyncadd.s32 $0xFFFFE000  }
0xc0: {  	_ =	swait.ge [sflag:s15], $0x2000  }
0xc1: {  	[sflag:s15] =	ssyncset.done $0x0  }
0xc2: {  	s17 =	simm.s32 $0xF;
	[sflag:s15] =	ssyncadd.s32 $0xFFFFE000  }
0xc3: {  	_ =	swait.ge [sflag:s17], $0x2000  }
0xc4: {  	[sflag:s17] =	ssyncset.done $0x0  }
0xc5: {  	s14 =	simm.s32 $0x10;
	[sflag:s17] =	ssyncadd.s32 $0xFFFFE000  }
0xc6: {  	_ =	swait.ge [sflag:s14], $0x2000  }
0xc7: {  	[sflag:s14] =	ssyncset.done $0x0  }
0xc8: {  	[sflag:s14] =	ssyncadd.s32 $0xFFFFE000  }
0xc9: {  	s18 =	stileid.u32;
	[bflag:$0x0] =	sbarrier.arrive $0xFFFF  }
0xca: {  	s3 =	sshll.u32 s18, $0x6;
	s4 =	rddreg [dreg:$0x10]  }
0xcb: {  	s3 =	sor.u32 $0x1C11, s3;
	s13 =	rddreg [dreg:$0x12]  }
0xcc: {  	[hbm:s4@s14], [sflag:s3] =	dma.strided [spmem:s13@s12], $0x1388, s0, $0x8   }
0xcd: {  	_ =	swait.ge [sflag:s22], $0x1388  }
0xce: {  	s21 =	rddreg [dreg:$0x3]  }
0xcf: {  	s25 =	rddreg [dreg:$0x11];
	s13 =	sadd.s32 $0x1, s21  }
0xd0: {  	p0 =	sne.s32 s13, s25  }
.Ltmp2:
0xd1: {  	_ = 	snop;
	(pc) =	sbr.rel @p0 .LBB2_1-.Ltmp2, $3  }
0xd2: {  	_ =	sdelay $0x1  }
0xd3: {  	[sflag:s22] =	ssyncset.done $0x0  }
0xd4: {  	[sflag:s22] =	ssyncadd.s32 $0xFFFFEC78  }
0xd5: {  	_ =	sfence.sel $0x180000  }
0xd6: {  	[bflag:$0x0] =	sbarrier.arrive $0xFFFF  }
0xd7: {  	_ =	strace $0x90000047  }
0xd8: {  	s0 =	stileid.u32;
	[bflag:$0x2] =	sbarrier.arrive $0xFFFF  }
0xd9: {  	p0 =	sne.s32 s0, $0x0;
	s0 =	rddreg [dreg:$0x2]  }
0xda: {  	s0 =	sadd.s32 @!p0 $0x100000, s0  }
0xdb: {  	[sflag:s0] =	ssyncadd.tile.s32 @!p0 $0x1;
	_ =	shalt  }
.Lfunc_end2:
_tile_overlayer_lowered:
.L_overlay_start_2:
0xdc: {  	(tag) =	ssettag $0x2  }
0xdd: {  	s0 =	rddreg [dreg:$0x0];
	s2 =	stileid.u32  }
0xde: {  	s1 =	rddreg [dreg:$0x1];
	p0 =	sne.s32 s2, $0x0  }
0xdf: {  	s3 =	rddreg [dreg:$0x2];
	[bflag:$0x3] =	sbarrier.arrive $0xFFFF;
	s2 =	simm.s32 @!p0 $0x1C11  }
0xe0: {  	[timem:s3], [sflag:s2] =	dma.local @!p0 [hbm:s0], s1  }
0xe1: {  	s0 =	simm.s32 @!p0 $0x11  }
0xe2: {  	_ =	swait.ge @!p0 [sflag:s0], s1  }
0xe3: {  	s1 =	ssub.s32 @!p0 $0x0, s1;
	[sflag:s0] =	ssyncset.done @!p0 $0x0  }
0xe4: {  	[sflag:s0] =	ssyncadd.s32 @!p0 s1  }
0xe5: {  	[bflag:$0x3] =	sbarrier.arrive $0xFFFF  }
0xe6: {  	_ =	shalt  }

// kernel: kernel.9.cloned.1.call-start
scs
__scs_entry_jumppad:
0x0: {  	(pc) =	sbr.rel $0x88, $3  }
0x1: {  	(tag) =	ssettag $0x0;
	lr =	simm.s32 $0x1  }
0x2: {  	[smem:$0x3F8F] =	sst lr;
	_ =	strace $0xD0000000  }
0x3: {  	_ = 	snop  }
0x4: {  	_ = 	snop  }
0x5: {  	_ = 	snop  }
0x6: {  	_ = 	snop  }
0x7: {  	_ = 	snop  }
__scs_overlays_trampoline_lowered:
0x8: {  	[smem:$0x3F9E] =	sst s0  }
0x9: {  	[smem:$0x3F9F] =	sst s1  }
0xa: {  	[smem:$0x3FA0] =	sst s2  }
0xb: {  	[smem:$0x3FA1] =	sst s3  }
0xc: {  	[smem:$0x3FA2] =	sst s4  }
0xd: {  	[smem:$0x3FA3] =	sst s5  }
0xe: {  	[smem:$0x3FA4] =	sst s6  }
0xf: {  	[smem:$0x3FA5] =	sst s7  }
0x10: {  	[smem:$0x3FA6] =	sst s8  }
0x11: {  	[smem:$0x3FA7] =	sst s9;
	s0 =	simm.s32 @!p0 $0x0  }
0x12: {  	s1 =	sld [smem:$0x3F8D];
	s0 =	simm.s32 @p0 $0x1  }
0x13: {  	[smem:$0x3FA8] =	sst s0;
	s0 =	simm.s32 @!p1 $0x0  }
0x14: {  	s2 =	sld [smem:$0x3F8C];
	s0 =	simm.s32 @p1 $0x1  }
0x15: {  	[smem:$0x3FA9] =	sst s0;
	s0 =	simm.s32 @!p2 $0x0  }
0x16: {  	s3 =	sld [smem:$0x3FDB];
	s0 =	simm.s32 @p2 $0x1  }
0x17: {  	s4 =	simm.s32 $0x1BF5;
	[smem:$0x3FAB] =	sst s0  }
0x18: {  	s0 =	sld [smem:$0x3F8E];
	_ =	swait.ge [sflag:s4], $0x0  }
0x19: {  	s7 =	sld [smem:$0x3F8F]  }
0x1a: {  	s8 =	sadd.s32 $0xFFFFE003, lr  }
0x1b: {  	s9 =	sadd.s32 $0xFFFFFEF7, lr;
	s5 =	simm.s32 $0xFFFFFFFF;
	p2 =	slt.u32 s8, $0xFFFFF086  }
0x1c: {  	p1 =	slt.u32 s9, $0xF7A;
	s5 =	simm.s32 @!p2 $0x0  }
0x1d: {  	s5 =	simm.s32 @p1 $0x1;
	p0 =	seq.s32 s7, s2  }
0x1e: {  	s7 =	smul.u32 @!p0 $0xF7A, s2;
	p2 =	seq.s32 @!p0 s5, $0x0  }
0x1f: {  	s9 =	smul.u32 $0xF7A, s1;
	s8 =	simm.s32 @!p0 $0x1BF5;
	p2 =	por !p2, p0  }
0x20: {  	[sflag:s8] =	ssyncset.s32 @!p0 $0xFFFFF086;
	s6 =	sadd.s32 @!p0 s3, s7;
	s7 =	simm.s32 @!p0 $0x108  }
0x21: {  	s3 =	sadd.s32 s3, s9;
	s6 =	sadd.s32 @!p0 $0x88, s6;
	s7 =	simm.s32 @p2 $0x1082  }
0x22: {  	[simem:s7], [sflag:s8] =	dma.local @!p0 [hbm:s6], $0xF7A  }
0x23: {  	s9 =	sor.u32 $0xD0000000, s2;
	s6 =	simm.s32 $0x108;
	_ =	swait.ge @!p0 [sflag:s8], $0x0  }
0x24: {  	s3 =	sadd.s32 $0x88, s3;
	s6 =	simm.s32 @!p1 $0x1082;
	[sflag:s4] =	ssyncset.s32 $0xFFFFF086  }
0x25: {  	[simem:s6], [sflag:s4] =	dma.local [hbm:s3], $0xF7A  }
0x26: {  	[smem:$0x3F8F] =	sst s1;
	(tag) =	ssettag s2;
	_ =	strace s9  }
0x27: {  	s1 =	sld [smem:$0x3F9F]  }
0x28: {  	s2 =	sld [smem:$0x3FA0]  }
0x29: {  	s4 =	sld [smem:$0x3FA2]  }
0x2a: {  	p0 =	seq.s32 s5, $0x0;
	s5 =	sld [smem:$0x3FA3]  }
0x2b: {  	s6 =	sld [smem:$0x3FA4]  }
0x2c: {  	s7 =	sld [smem:$0x3FA5]  }
0x2d: {  	s3 =	simm.s32 $0x108;
	s8 =	sld [smem:$0x3FA6]  }
0x2e: {  	s3 =	simm.s32 @!p0 $0x1082;
	s9 =	sld [smem:$0x3FA7]  }
0x2f: {  	lr =	sadd.s32 s0, s3;
	s0 =	sld [smem:$0x3F9E]  }
0x30: {  	s3 =	sld [smem:$0x3FA1]  }
0x31: {  	[smem:$0x3FAA] =	sst s10  }
0x32: {  	s10 =	sld [smem:$0x3FA8];
	_ =	sdelay $0x3  }
0x33: {  	p0 =	seq.s32 s10, $0x1;
	s10 =	sld [smem:$0x3FAA];
	_ =	sdelay $0x3  }
0x34: {  	[smem:$0x3FAA] =	sst s10  }
0x35: {  	s10 =	sld [smem:$0x3FA9];
	_ =	sdelay $0x3  }
0x36: {  	p1 =	seq.s32 s10, $0x1;
	s10 =	sld [smem:$0x3FAA];
	_ =	sdelay $0x3  }
0x37: {  	[smem:$0x3FAA] =	sst s10  }
0x38: {  	s10 =	sld [smem:$0x3FAB]  }
0x39: {  	_ = 	snop;
	(pc) =	sbr.ind lr, $3  }
0x3a: {  	_ = 	snop  }
0x3b: {  	_ = 	snop  }
0x3c: {  	p2 =	seq.s32 s10, $0x1;
	s10 =	sld [smem:$0x3FAA]  }
0x3d: {  	_ =	shalt  }
0x3e: {  	_ =	shalt  }
0x3f: {  	_ =	shalt  }
0x40: {  	_ =	shalt  }
0x41: {  	_ =	shalt  }
0x42: {  	_ =	shalt  }
0x43: {  	_ =	shalt  }
0x44: {  	_ =	shalt  }
0x45: {  	_ =	shalt  }
0x46: {  	_ =	shalt  }
0x47: {  	_ =	shalt  }
0x48: {  	_ =	shalt  }
0x49: {  	_ =	shalt  }
0x4a: {  	_ =	shalt  }
0x4b: {  	_ =	shalt  }
0x4c: {  	_ =	shalt  }
0x4d: {  	_ =	shalt  }
0x4e: {  	_ =	shalt  }
0x4f: {  	_ =	shalt  }
0x50: {  	_ =	shalt  }
0x51: {  	_ =	shalt  }
0x52: {  	_ =	shalt  }
0x53: {  	_ =	shalt  }
0x54: {  	_ =	shalt  }
0x55: {  	_ =	shalt  }
0x56: {  	_ =	shalt  }
0x57: {  	_ =	shalt  }
0x58: {  	_ =	shalt  }
0x59: {  	_ =	shalt  }
0x5a: {  	_ =	shalt  }
0x5b: {  	_ =	shalt  }
0x5c: {  	_ =	shalt  }
0x5d: {  	_ =	shalt  }
0x5e: {  	_ =	shalt  }
0x5f: {  	_ =	shalt  }
0x60: {  	_ =	shalt  }
0x61: {  	_ =	shalt  }
0x62: {  	_ =	shalt  }
0x63: {  	_ =	shalt  }
0x64: {  	_ =	shalt  }
0x65: {  	_ =	shalt  }
0x66: {  	_ =	shalt  }
0x67: {  	_ =	shalt  }
0x68: {  	_ =	shalt  }
0x69: {  	_ =	shalt  }
0x6a: {  	_ =	shalt  }
0x6b: {  	_ =	shalt  }
0x6c: {  	_ =	shalt  }
0x6d: {  	_ =	shalt  }
0x6e: {  	_ =	shalt  }
0x6f: {  	_ =	shalt  }
0x70: {  	_ =	shalt  }
0x71: {  	_ =	shalt  }
0x72: {  	_ =	shalt  }
0x73: {  	_ =	shalt  }
0x74: {  	_ =	shalt  }
0x75: {  	_ =	shalt  }
0x76: {  	_ =	shalt  }
0x77: {  	_ =	shalt  }
0x78: {  	_ =	shalt  }
0x79: {  	_ =	shalt  }
0x7a: {  	_ =	shalt  }
0x7b: {  	_ =	shalt  }
0x7c: {  	_ =	shalt  }
0x7d: {  	_ =	shalt  }
0x7e: {  	_ =	shalt  }
0x7f: {  	_ =	shalt  }
0x80: {  	_ =	shalt  }
0x81: {  	_ =	shalt  }
0x82: {  	_ =	shalt  }
0x83: {  	_ =	shalt  }
0x84: {  	_ =	shalt  }
0x85: {  	_ =	shalt  }
0x86: {  	_ =	shalt  }
0x87: {  	_ =	shalt  }
.Lfunc_end0:
.L_simem_size_0:
called_computation.1_lowered:
.L_overlay_start_0:
0x88: {  	s2 =	sld [smem:$0x3FD9]  }
0x89: {  	s3 =	sld [smem:$0x3FFE];
	_ =	sdelay $0x1  }
0x8a: {  	s1 =	srdreg.scid  }
0x8b: {  	s0 =	sand.u32 $0x1, s1  }
0x8c: {  	s17 =	sshll.u32 s0, $0xA;
	s2 =	sadd.s32 s3, s2  }
0x8d: {  	s2 =	sadd.s32 s2, s17  }
0x8e: {  	[smem:$0x3FB6] =	sst s2  }
0x8f: {  	_ = 	snop  }
0x90: {  	s2 =	sld [smem:$0x3FD0];
	(tm) =	ssettm $0x1  }
0x91: {  	s18 =	sld [smem:$0x3FFB];
	_ =	sdelay $0x3  }
0x92: {  	_ =	strace s18  }
0x93: {  	s3 =	sld [smem:$0x3FFC];
	_ =	sdelay $0x3  }
0x94: {  	_ =	strace s3  }
0x95: {  	s3 =	sld [smem:$0x3FFD];
	_ =	sdelay $0x3  }
0x96: {  	_ =	strace s3  }
0x97: {  	_ =	strace $0x8FFFFFFF  }
0x98: {  	s19 =	sld [smem:$0x3FDB];
	_ =	sdelay $0x1  }
0x99: {  	s4 =	simm.s32 $_scs_section_size  }
0x9a: {  	s5 =	simm.s32 $_size__tile_overlayer_lowered;
	s6 =	simm.s32 $_tile_overlayer_lowered  }
0x9b: {  	s22 =	simm.s32 $0x1BFF;
	s21 =	sshll.u32 s6, $0x1;
	s3 =	sadd.s32 s4, s19  }
0x9c: {  	s7 =	simm.s32 $0x0;
	s20 =	sshll.u32 s5, $0x1;
	s5 =	sadd.s32 s21, s3  }
0x9d: {  	[timem:s7], [sflag:s22] =	dma.local [hbm:s5], s20  }
0x9e: {  	_ =	swait.ge [sflag:s22], s20  }
0x9f: {  	s4 =	ssub.s32 $0x0, s20;
	[sflag:s22] =	ssyncset.done $0x0  }
0xa0: {  	[sflag:s22] =	ssyncadd.s32 s4;
	_ =	sdelay $0x1  }
0xa1: {  	s23 =	simm.s32 $0x1B8B  }
0xa2: {  	_ =	swait.ge [sflag:s23], $0x1  }
0xa3: {  	[sflag:s23] =	ssyncset.done $0x0  }
0xa4: {  	s25 =	simm.s32 $0x1B8E;
	s24 =	sld [smem:$0x3FFE];
	[sflag:s23] =	ssyncadd.s32 $0xFFFFFFFF  }
0xa5: {  	s26 =	simm.s32 $execute0_lowered;
	[smem:$0x3FD2] =	sst s25  }
0xa6: {  	s5 =	sshll.u32 s26, $0x1;
	_ =	strace $0x80000049;
	[dreg:$0x1] =	wrdreg $0xFFFFFFFF  }
0xa7: {  	s28 =	simm.s32 $_size_execute0_lowered;
	s3 =	sadd.s32 s3, s5;
	[dreg:$0x0] =	wrdreg $0x0  }
0xa8: {  	s5 =	sshll.u32 s28, $0x1;
	[dreg:$0x2] =	wrdreg s3  }
0xa9: {  	[dreg:$0x3] =	wrdreg s5  }
0xaa: {  	[dreg:$0x4] =	wrdreg $0xC0  }
0xab: {  	_ =	task [dreg:s7], $0x5FFFF  }
0xac: {  	[dreg:$0x1] =	wrdreg $0xFFFFFFFF  }
0xad: {  	[dreg:$0x0] =	wrdreg $0x60  }
0xae: {  	[dreg:$0x2] =	wrdreg s24  }
0xaf: {  	[dreg:$0x3] =	wrdreg s2  }
0xb0: {  	[dreg:$0x4] =	wrdreg $0xFAE00  }
0xb1: {  	[dreg:$0x5] =	wrdreg $0x149200  }
0xb2: {  	[dreg:$0x6] =	wrdreg $0x9  }
0xb3: {  	_ =	task.clear_ibuf [dreg:s7], $0x7FFFF;
	_ =	strace $0x90000049  }
0xb4: {  	s29 =	simm.s32 $0x9;
	_ =	strace $0x8000004B  }
0xb5: {  	_ =	swait.ge [sflag:s29], $0x1  }
0xb6: {  	[sflag:s29] =	ssyncadd.s32 $0xFFFFFFFF  }
0xb7: {  	_ =	strace $0x9000004B  }
0xb8: {  	_ =	sfence  }
0xb9: {  	s30 =	sld [smem:$0x0];
	_ =	sdelay $0x2  }
0xba: {  	s31 =	sshll.u32 s1, $0xD;
	s1 =	sshrl.u32 s1, $0x2  }
0xbb: {  	s3 =	sand.u32 $0x4000, s31;
	s1 =	sadd.s32 s1, s30  }
0xbc: {  	s0 =	sor.u32 s3, s0;
	s1 =	sshll.u32 s1, $0x11  }
0xbd: {  	s0 =	sor.u32 s1, s0  }
0xbe: {  	s0 =	sadd.s32 $0x8F2B, s0  }
0xbf: {  	[sflag:s0] =	ssyncadd.remote.s32 $0x1  }
0xc0: {  	_ =	sfence.sel $0xFFFF  }
0xc1: {  	[dreg:$0x0] =	wrdreg $0xFFFFFFFF;
	(pc) =	sbr.abs _section_cstart, $3  }
0xc2: {  	[dreg:$0x1] =	wrdreg $0xFFFFFFFF  }
0xc3: {  	_ =	task.clear_ibuf [dreg:s7], $0x2FFFF;
	_ =	strace $0x9FFFFFFF  }
0xc4: {  	(tm) =	ssettm $0x7FFFFFFF  }
0xc5: {  	_ =	shalt  }
tec
execute0_lowered:
.L_overlay_start_1:
0x0: {  	(tag) =	ssettag $0x1  }
0x1: {  	s0 =	rddreg [dreg:$0x0]  }
0x2: {  	s3 =	rddreg [dreg:$0x1]  }
0x3: {  	s14 =	rddreg [dreg:$0x2]  }
0x4: {  	s2 =	rddreg [dreg:$0x3];
	s4 =	stileid.u32  }
0x5: {  	s6 =	srdreg.scid;
	s16 =	simm.s32 $0x0;
	s29 =	simm.s32 $0x3  }
0x6: {  	s30 =	simm.s32 $0x11;
	s28 =	simm.s32 $0x7;
	s5 =	smul.u32 $0xA00, s4  }
0x7: {  	s6 =	sand.u32 $0x1, s6;
	s7 =	smul.u32 $0x9C40, s4;
	[smem:$0x7FF] =	sst s16  }
0x8: {  	s1 =	sadd.s32 $0x3E800, s0;
	s11 =	smul.u32 $0x13900, s4;
	s12 =	sadd.s32 $0x17000, s0  }
0x9: {  	s17 =	smul.u32 $0x4E20, s4;
	p1 =	seq.s32 s4, $0x0;
	s8 =	sshll.u32 s6, $0x5  }
0xa: {  	_ =	strace $0x8000004A;
	[dreg:$0x6] =	wrdreg s12;
	s13 =	sshll.u32 s6, $0x2  }
0xb: {  	s15 =	smul.u32 $0x4E200, s6;
	s5 =	sadd.s32 s5, s0;
	s3 =	sadd.s32 s3, s13  }
0xc: {  	s11 =	sshrl.u32 s11, $0x2;
	[dreg:$0x8] =	wrdreg s3;
	s31 =	sadd.s32 $0x2A800, s5  }
0xd: {  	s11 =	sadd.s32 s11, s14;
	s24 =	sadd.s32 s17, s15;
	[dreg:$0x12] =	wrdreg s31  }
0xe: {  	s26 =	sshrl.u32 s15, $0x3;
	s15 =	sadd.s32 $0x400, s2;
	[dreg:$0x9] =	wrdreg s11  }
0xf: {  	s9 =	ssub.s32 $0x2, s6;
	s19 =	sadd.s32 $0x800, s11;
	[dreg:$0x1a] =	wrdreg s15  }
0x10: {  	p0 =	seq.s32 s6, $0x1;
	s20 =	sadd.s32 $0x1000, s11;
	[dreg:$0xa] =	wrdreg s19  }
0x11: {  	s6 =	sor.u32 s4, s6;
	s21 =	sadd.s32 $0x1800, s11;
	[dreg:$0xb] =	wrdreg s20  }
0x12: {  	s7 =	sor.u32 s8, s7;
	s22 =	sadd.s32 $0x2000, s11;
	[dreg:$0xc] =	wrdreg s21  }
0x13: {  	s10 =	sshrl.u32 s9, $0x1;
	s23 =	sadd.s32 $0x2800, s11;
	[dreg:$0xd] =	wrdreg s22  }
0x14: {  	s7 =	sshrl.u32 s7, $0x3;
	s13 =	sadd.s32 $0x3000, s11;
	[dreg:$0xe] =	wrdreg s23  }
0x15: {  	s9 =	ssub.s32 s9, s10;
	s25 =	sadd.s32 $0x3800, s11;
	[dreg:$0xf] =	wrdreg s13  }
0x16: {  	s7 =	sadd.s32 s7, s0;
	s0 =	sadd.s32 $0x174E4, s0;
	[dreg:$0x10] =	wrdreg s25  }
0x17: {  	p1 =	por !p1, !p0;
	s9 =	smax.u32 s9, $0x1;
	[dreg:$0x15] =	wrdreg s0  }
0x18: {  	s10 =	sshrl.u32 s24, $0x3;
	s24 =	sadd.s32 $0x1800, s2;
	[dreg:$0x16] =	wrdreg s9  }
0x19: {  	s18 =	sadd.s32 s1, s26;
	s26 =	sadd.s32 $0x2000, s2;
	[dreg:$0x1f] =	wrdreg s24  }
0x1a: {  	p3 =	sne.s32 s6, $0x0;
	s31 =	sadd.s32 $0x2400, s2;
	[smem:$0x7FC] =	sst s26  }
0x1b: {  	s6 =	simm.s32 $0x80;
	s12 =	sadd.s32 $0x3600, s7;
	[smem:$0x7FD] =	sst s31  }
0x1c: {  	s3 =	sadd.s32 s17, s14;
	s10 =	sadd.s32 s1, s10;
	[dreg:$0x7] =	wrdreg s12  }
0x1d: {  	p2 =	por !p1, !p1;
	s1 =	sadd.s32 $0x34800, s5;
	[dreg:$0x11] =	wrdreg s10  }
0x1e: {  	s17 =	sadd.s32 $0x34880, s5;
	s7 =	sadd.s32 $0x52200, s7;
	[dreg:$0x13] =	wrdreg s1  }
0x1f: {  	p1 =	sne.s32 s4, $0x0;
	s13 =	sadd.s32 $0x4800, s11;
	[dreg:$0x14] =	wrdreg s7  }
0x20: {  	s15 =	simm.s32 $0x9000;
	s20 =	sadd.s32 $0x800, s2;
	[dreg:$0x19] =	wrdreg s13  }
0x21: {  	s19 =	sadd.s32 $0x2A880, s5;
	s21 =	sadd.s32 $0xC00, s2;
	[dreg:$0x1b] =	wrdreg s20  }
0x22: {  	s22 =	sadd.s32 $0x1000, s2;
	s23 =	sadd.s32 $0x1400, s2;
	[dreg:$0x1c] =	wrdreg s21  }
0x23: {  	s25 =	sadd.s32 $0x1C00, s2;
	s9 =	simm.s32 $0x12;
	[dreg:$0x1d] =	wrdreg s22  }
0x24: {  	s24 =	simm.s32 $0x6000;
	s26 =	simm.s32 $0x6;
	[dreg:$0x1e] =	wrdreg s23  }
0x25: {  	s10 =	sshrl.u32 s3, $0x3;
	s12 =	sadd.s32 $0x4000, s11;
	[smem:$0x7FB] =	sst s25  }
0x26: {  	s7 =	simm.s32 $0xA800;
	s11 =	simm.s32 $0x3000;
	s20 =	simm.s32 $0x4000  }
0x27: {  	s23 =	simm.s32 $0x5000;
	s21 =	simm.s32 $0x2;
	s25 =	simm.s32 $0x5  }
0x28: {  	s1 =	simm.s32 $0x1;
	s13 =	simm.s32 $0x4;
	[dreg:$0x17] =	wrdreg s10  }
0x29: {  	v0 =	vimm.f32 $0.0e+00;
	v1 =	vimm.f32 $1.000000000e+00;
	s22 =	simm.s32 $0x7000;
	[dreg:$0x18] =	wrdreg s12;
	s10 =	simm.s32 $0x2000  }
.LBB2_1:
0x2a: {  	s0 =	simm.s32 $0x80;
	s3 =	simm.s32 $0x0  }
.LBB2_2:
0x2b: {  	p4 =	sne.s32 s0, $0x1F80;
	[tilespmem:s3+$0xA000] =	vst v0;
	s5 =	smov.u32 s0;
	s0 =	sadd.s32 $0x80, s0  }
.Ltmp0:
0x2c: {  	[tilespmem:s3+$0xA010] =	vst v0;
	(pc) =	sbr.rel @p4 .LBB2_2-.Ltmp0, $2  }
0x2d: {  	_ =	sdelay $0x2  }
0x2e: {  	s3 =	sshra.s32 s5, $0x2  }
0x2f: {  	[tilespmem:s3+$0xA000] =	vst v0  }
0x30: {  	[tilespmem:s3+$0xA010] =	vst v0  }
0x31: {  	[tilespmem:$0xF660] =	vst v1  }
0x32: {  	[tilespmem:$0xF670] =	vst v1  }
0x33: {  	[tilespmem:$0xF680] =	vst v1  }
0x34: {  	[tilespmem:$0xF690] =	vst v1  }
0x35: {  	[tilespmem:$0xF6A0] =	vst v1  }
0x36: {  	[tilespmem:$0xF6B0] =	vst v1  }
0x37: {  	[dreg:$0x5] =	wrdreg s16;
	[tilespmem:$0xF6C0] =	vst v1  }
0x38: {  	s0 =	rddreg [dreg:$0x7];
	s16 =	simm.s32 $0x20;
	s4 =	simm.s32 $0x40;
	[tilespmem:$0xF6D0] =	vst v1  }
0x39: {  	[tilespmem:s7], [sflag:$0x12] =	stream.strided.gather [hbm4b:s0+s16], $0x4E20, s4, s16, $0x38;
	[tilespmem:$0x14B98] =	vst v63  }
0x3a: {  	_ =	swait.ge [sflag:s9], $0x4E20  }
0x3b: {  	[sflag:s9] =	ssyncset.done $0x0  }
0x3c: {  	s5 =	simm.s32 $0xF620;
	s31 =	rddreg [dreg:$0x8];
	[sflag:s9] =	ssyncadd.s32 $0xFFFFB1E0  }
0x3d: {  	[tilespmem:s5], [sflag:$0x12] =	stream.strided.gather [hbm4b:s31+s16], $0x40, s4, s16, $0x38;
	[tilespmem:$0x14B98] =	vst v63  }
0x3e: {  	_ =	swait.ge [sflag:s9], $0x40  }
0x3f: {  	[sflag:s9] =	ssyncset.done $0x0  }
0x40: {  	s3 =	simm.s32 $0xA000;
	s8 =	rddreg [dreg:$0x9];
	[sflag:s9] =	ssyncadd.s32 $0xFFFFFFC0  }
0x41: {  	[spmem:s8] =	stream.linear.scatter [tilespmem:s3], [sflag:$0x12], $0x800, $0x38;
	[tilespmem:$0x14B98] =	vst v63  }
0x42: {  	_ =	swait.ge [sflag:s9], $0x800  }
0x43: {  	[sflag:s9] =	ssyncset.done $0x0  }
0x44: {  	s12 =	rddreg [dreg:$0xa];
	[sflag:s9] =	ssyncadd.s32 $0xFFFFF800  }
0x45: {  	[spmem:s12] =	stream.linear.scatter [tilespmem:s3], [sflag:$0x12], $0x800, $0x38;
	[tilespmem:$0x14B98] =	vst v63  }
0x46: {  	_ =	swait.ge [sflag:s9], $0x800  }
0x47: {  	[sflag:s9] =	ssyncset.done $0x0  }
0x48: {  	s16 =	rddreg [dreg:$0xb];
	[sflag:s9] =	ssyncadd.s32 $0xFFFFF800  }
0x49: {  	[spmem:s16] =	stream.linear.scatter [tilespmem:s3], [sflag:$0x12], $0x800, $0x38;
	[tilespmem:$0x14B98] =	vst v63  }
0x4a: {  	_ =	swait.ge [sflag:s9], $0x800  }
0x4b: {  	[sflag:s9] =	ssyncset.done $0x0  }
0x4c: {  	s31 =	rddreg [dreg:$0xc];
	[sflag:s9] =	ssyncadd.s32 $0xFFFFF800  }
0x4d: {  	[spmem:s31] =	stream.linear.scatter [tilespmem:s3], [sflag:$0x12], $0x800, $0x38;
	[tilespmem:$0x14B98] =	vst v63  }
0x4e: {  	_ =	swait.ge [sflag:s9], $0x800  }
0x4f: {  	[sflag:s9] =	ssyncset.done $0x0  }
0x50: {  	s4 =	rddreg [dreg:$0xd];
	[sflag:s9] =	ssyncadd.s32 $0xFFFFF800  }
0x51: {  	[spmem:s4] =	stream.linear.scatter [tilespmem:s3], [sflag:$0x12], $0x800, $0x38;
	[tilespmem:$0x14B98] =	vst v63  }
0x52: {  	_ =	swait.ge [sflag:s9], $0x800  }
0x53: {  	[sflag:s9] =	ssyncset.done $0x0  }
0x54: {  	s5 =	rddreg [dreg:$0xe];
	[sflag:s9] =	ssyncadd.s32 $0xFFFFF800  }
0x55: {  	[spmem:s5] =	stream.linear.scatter [tilespmem:s3], [sflag:$0x12], $0x800, $0x38;
	[tilespmem:$0x14B98] =	vst v63  }
0x56: {  	_ =	swait.ge [sflag:s9], $0x800  }
0x57: {  	[sflag:s9] =	ssyncset.done $0x0  }
0x58: {  	s8 =	rddreg [dreg:$0xf];
	[sflag:s9] =	ssyncadd.s32 $0xFFFFF800  }
0x59: {  	[spmem:s8] =	stream.linear.scatter [tilespmem:s3], [sflag:$0x12], $0x800, $0x38;
	[tilespmem:$0x14B98] =	vst v63  }
0x5a: {  	_ =	swait.ge [sflag:s9], $0x800  }
0x5b: {  	[sflag:s9] =	ssyncset.done $0x0  }
0x5c: {  	s12 =	rddreg [dreg:$0x10];
	[sflag:s9] =	ssyncadd.s32 $0xFFFFF800  }
0x5d: {  	[spmem:s12] =	stream.linear.scatter [tilespmem:s3], [sflag:$0x12], $0x800, $0x38;
	[tilespmem:$0x14B98] =	vst v63  }
0x5e: {  	_ =	swait.ge [sflag:s9], $0x800  }
0x5f: {  	[sflag:s9] =	ssyncset.done $0x0  }
0x60: {  	s16 =	rddreg [dreg:$0x18];
	[sflag:s9] =	ssyncadd.s32 $0xFFFFF800  }
0x61: {  	[spmem:s16] =	stream.linear.scatter [tilespmem:s3], [sflag:$0x12], $0x800, $0x38;
	[tilespmem:$0x14B98] =	vst v63  }
0x62: {  	_ =	swait.ge [sflag:s9], $0x800  }
0x63: {  	[sflag:s9] =	ssyncset.done $0x0  }
.Ltmp1:
0x64: {  	s31 =	rddreg [dreg:$0x19];
	[sflag:s9] =	ssyncadd.s32 $0xFFFFF800;
	(pc) =	sbr.rel @p1 .LBB2_7-.Ltmp1, $4  }
0x65: {  	[spmem:s31] =	stream.linear.scatter [tilespmem:s3], [sflag:$0x12], $0x640, $0x38;
	[tilespmem:$0x14B98] =	vst v63  }
0x66: {  	_ =	swait.ge [sflag:s9], $0x640  }
0x67: {  	[sflag:s9] =	ssyncset.done $0x0  }
0x68: {  	[sflag:s9] =	ssyncadd.s32 $0xFFFFF9C0  }
0x69: {  	s0 =	simm.s32 $0x40;
	s3 =	simm.s32 $0x0  }
.LBB2_5:
0x6a: {  	p4 =	sne.s32 s0, $0xFC0;
	[tilespmem:s3+$0xF6E0] =	vst v0;
	s3 =	smov.u32 s0;
	s0 =	sadd.s32 $0x40, s0  }
.Ltmp2:
0x6b: {  	(pc) =	sbr.rel @p4 .LBB2_5-.Ltmp2, $2  }
0x6c: {  	_ =	sdelay $0x2  }
0x6d: {  	s3 =	sshra.s32 s3, $0x2  }
0x6e: {  	[tilespmem:s3+$0xF6E0] =	vst v0;
	s3 =	simm.s32 $0xF6E0  }
0x6f: {  	[spmem:s2] =	stream.linear.scatter [tilespmem:s3], [sflag:$0x12], $0x400, $0x38;
	[tilespmem:$0x14B98] =	vst v63  }
0x70: {  	_ =	swait.ge [sflag:s9], $0x400  }
0x71: {  	[sflag:s9] =	ssyncset.done $0x0  }
0x72: {  	s0 =	rddreg [dreg:$0x1a];
	[sflag:s9] =	ssyncadd.s32 $0xFFFFFC00  }
0x73: {  	[spmem:s0] =	stream.linear.scatter [tilespmem:s3], [sflag:$0x12], $0x400, $0x38;
	[tilespmem:$0x14B98] =	vst v63  }
0x74: {  	_ =	swait.ge [sflag:s9], $0x400  }
0x75: {  	[sflag:s9] =	ssyncset.done $0x0  }
0x76: {  	s16 =	rddreg [dreg:$0x1b];
	[sflag:s9] =	ssyncadd.s32 $0xFFFFFC00  }
0x77: {  	[spmem:s16] =	stream.linear.scatter [tilespmem:s3], [sflag:$0x12], $0x400, $0x38;
	[tilespmem:$0x14B98] =	vst v63  }
0x78: {  	_ =	swait.ge [sflag:s9], $0x400  }
0x79: {  	[sflag:s9] =	ssyncset.done $0x0  }
0x7a: {  	s31 =	rddreg [dreg:$0x1c];
	[sflag:s9] =	ssyncadd.s32 $0xFFFFFC00  }
0x7b: {  	[spmem:s31] =	stream.linear.scatter [tilespmem:s3], [sflag:$0x12], $0x400, $0x38;
	[tilespmem:$0x14B98] =	vst v63  }
0x7c: {  	_ =	swait.ge [sflag:s9], $0x400  }
0x7d: {  	[sflag:s9] =	ssyncset.done $0x0  }
0x7e: {  	s4 =	rddreg [dreg:$0x1d];
	[sflag:s9] =	ssyncadd.s32 $0xFFFFFC00  }
0x7f: {  	[spmem:s4] =	stream.linear.scatter [tilespmem:s3], [sflag:$0x12], $0x400, $0x38;
	[tilespmem:$0x14B98] =	vst v63  }
0x80: {  	_ =	swait.ge [sflag:s9], $0x400  }
0x81: {  	[sflag:s9] =	ssyncset.done $0x0  }
0x82: {  	s5 =	rddreg [dreg:$0x1e];
	[sflag:s9] =	ssyncadd.s32 $0xFFFFFC00  }
0x83: {  	[spmem:s5] =	stream.linear.scatter [tilespmem:s3], [sflag:$0x12], $0x400, $0x38;
	[tilespmem:$0x14B98] =	vst v63  }
0x84: {  	_ =	swait.ge [sflag:s9], $0x400  }
0x85: {  	[sflag:s9] =	ssyncset.done $0x0  }
0x86: {  	s8 =	rddreg [dreg:$0x1f];
	[sflag:s9] =	ssyncadd.s32 $0xFFFFFC00  }
0x87: {  	[spmem:s8] =	stream.linear.scatter [tilespmem:s3], [sflag:$0x12], $0x400, $0x38;
	[tilespmem:$0x14B98] =	vst v63  }
0x88: {  	_ =	swait.ge [sflag:s9], $0x400  }
0x89: {  	s12 =	sld [smem:$0x7FB]  }
0x8a: {  	[sflag:s9] =	ssyncset.done $0x0  }
0x8b: {  	[sflag:s9] =	ssyncadd.s32 $0xFFFFFC00  }
0x8c: {  	[spmem:s12] =	stream.linear.scatter [tilespmem:s3], [sflag:$0x12], $0x400, $0x38;
	[tilespmem:$0x14B98] =	vst v63  }
0x8d: {  	_ =	swait.ge [sflag:s9], $0x400  }
0x8e: {  	s16 =	sld [smem:$0x7FC]  }
0x8f: {  	[sflag:s9] =	ssyncset.done $0x0  }
0x90: {  	[sflag:s9] =	ssyncadd.s32 $0xFFFFFC00  }
0x91: {  	[spmem:s16] =	stream.linear.scatter [tilespmem:s3], [sflag:$0x12], $0x400, $0x38;
	[tilespmem:$0x14B98] =	vst v63  }
0x92: {  	_ =	swait.ge [sflag:s9], $0x400  }
0x93: {  	s31 =	sld [smem:$0x7FD]  }
0x94: {  	[sflag:s9] =	ssyncset.done $0x0  }
0x95: {  	[sflag:s9] =	ssyncadd.s32 $0xFFFFFC00  }
0x96: {  	[spmem:s31] =	stream.linear.scatter [tilespmem:s3], [sflag:$0x12], $0x320, $0x38;
	[tilespmem:$0x14B98] =	vst v63  }
0x97: {  	_ =	swait.ge [sflag:s9], $0x320  }
0x98: {  	[sflag:s9] =	ssyncset.done $0x0  }
0x99: {  	[sflag:s9] =	ssyncadd.s32 $0xFFFFFCE0  }
.LBB2_7:
0x9a: {  	v2 =	vld [tilespmem:$0xF620]  }
0x9b: {  	v3 =	vld [tilespmem:$0xF630]  }
0x9c: {  	v4 =	vld [tilespmem:$0xF640]  }
0x9d: {  	v5 =	vld [tilespmem:$0xF650];
	s0 =	simm.s32 $0x0  }
0x9e: {  	s3 =	simm.s32 $0x80;
	v6 =	vld [tilespmem:s0+$0xA800]  }
.LBB2_8:
0x9f: {  	p4 =	sne.s32 s3, $0x13800;
	v7 =	vld [tilespmem:s0+$0xA810];
	_ =	sdelay $0x3  }
0xa0: {  	v6 =	vmul.f32 v6, v2  }
0xa1: {  	v7 =	vmul.f32 v7, v3  }
.Ltmp3:
0xa2: {  	v6 =	vadd.f32 v6, v4;
	(pc) =	sbr.rel @p4 .LBB2_8-.Ltmp3, $4  }
0xa3: {  	v7 =	vadd.f32 v7, v5  }
0xa4: {  	v6 =	vmax.f32 v6, $0.0e+00  }
0xa5: {  	s5 =	sshra.s32 s3, $0x2;
	[tilespmem:s0+$0xA800] =	vst v6;
	v7 =	vmax.f32 v7, $0.0e+00  }
0xa6: {  	s3 =	sadd.s32 $0x80, s3;
	v6 =	vld [tilespmem:s5+$0xA800];
	[tilespmem:s0+$0xA810] =	vst v7;
	s0 =	smov.u32 s5  }
0xa7: {  	v7 =	vld [tilespmem:s0+$0xA810];
	_ =	sdelay $0x3  }
0xa8: {  	v2 =	vmul.f32 v6, v2  }
0xa9: {  	v3 =	vmul.f32 v7, v3  }
0xaa: {  	v2 =	vadd.f32 v2, v4  }
0xab: {  	v3 =	vadd.f32 v3, v5  }
0xac: {  	v2 =	vmax.f32 v2, $0.0e+00  }
0xad: {  	[tilespmem:s0+$0xA800] =	vst v2;
	v2 =	vmax.f32 v3, $0.0e+00  }
0xae: {  	s8 =	simm.s32 $0x0;
	s4 =	rddreg [dreg:$0x11];
	[tilespmem:s0+$0xA810] =	vst v2  }
0xaf: {  	[hbm4b:s4+s8] =	stream.linear.scatter [tilespmem:s7], [sflag:$0x12], $0x4E20, $0x38;
	[tilespmem:$0x14B98] =	vst v63  }
0xb0: {  	_ =	swait.ge [sflag:s9], $0x4E20  }
0xb1: {  	[sflag:s9] =	ssyncset.done $0x0  }
0xb2: {  	[sflag:s9] =	ssyncadd.s32 $0xFFFFB1E0  }
0xb3: {  	[bflag:$0x0] =	sbarrier.arrive $0xFFFF  }
0xb4: {  	s5 =	rddreg [dreg:$0x12]  }
0xb5: {  	[tilespmem:s8], [sflag:$0x12] =	stream.linear.gather [hbm4b:s5+s8], $0x800, $0x38;
	[tilespmem:$0x14B98] =	vst v63  }
0xb6: {  	_ =	swait.ge [sflag:s9], $0x800  }
0xb7: {  	[sflag:s9] =	ssyncset.done $0x0  }
0xb8: {  	s31 =	simm.s32 $0x1000;
	s7 =	rddreg [dreg:$0x13];
	[sflag:s9] =	ssyncadd.s32 $0xFFFFF800  }
0xb9: {  	[tilespmem:s31], [sflag:$0x12] =	stream.linear.gather [hbm4b:s7+s8], $0x800, $0x38;
	[tilespmem:$0x14B98] =	vst v63  }
0xba: {  	_ =	swait.ge [sflag:s9], $0x800  }
0xbb: {  	[sflag:s9] =	ssyncset.done $0x0  }
0xbc: {  	[sflag:s9] =	ssyncadd.s32 $0xFFFFF800  }
0xbd: {  	[tilespmem:s10], [sflag:$0x1] =	stream.indirect.gather [hbm4b:s18+s6], $0x20, s8, s6, $0xb8;
	[tilespmem:$0x14B98] =	vst v63  }
0xbe: {  	_ = 	snop  }
0xbf: {  	[tilespmem:s11], [sflag:$0x2] =	stream.indirect.gather [hbm4b:s18+s6], $0x20, s6, s6, $0xb8;
	[tilespmem:$0x14B98] =	vst v63  }
0xc0: {  	s12 =	simm.s32 $0x100;
	s16 =	simm.s32 $0x180  }
0xc1: {  	[tilespmem:s20], [sflag:$0x3] =	stream.indirect.gather [hbm4b:s18+s6], $0x20, s12, s6, $0xb8;
	[tilespmem:$0x14B98] =	vst v63  }
0xc2: {  	s3 =	simm.s32 $0x0;
	s0 =	simm.s32 $0x400;
	s5 =	simm.s32 $0x0  }
0xc3: {  	[tilespmem:s23], [sflag:$0x4] =	stream.indirect.gather [hbm4b:s18+s6], $0x20, s16, s6, $0xb8;
	[tilespmem:$0x14B98] =	vst v63  }
.LBB2_10:
0xc4: {  	s7 =	simm.s32 $0x1  }
0xc5: {  	s4 =	sand.u32 $0x18, s8;
	_ =	swait.ge [sflag:s7], $0x1000  }
0xc6: {  	s4 =	sshll.u32 s4, $0x7;
	[sflag:s7] =	ssyncset.done $0x0  }
0xc7: {  	[sflag:s7] =	ssyncadd.s32 $0xFFFFF000;
	s7 =	sor.u32 $0x1000, s4  }
0xc8: {  	[spmem:s14] =	stream.indirect.scatter.add.f32 [tilespmem:s10], [sflag:$0x9], $0x20, s7, s6, $0xb8;
	[tilespmem:$0x14B98] =	vst v63  }
0xc9: {  	_ =	swait.ge [sflag:s21], $0x1000  }
0xca: {  	[sflag:s21] =	ssyncset.done $0x0  }
0xcb: {  	[sflag:s21] =	ssyncadd.s32 $0xFFFFF000;
	s21 =	sor.u32 $0x1080, s4  }
0xcc: {  	[spmem:s14] =	stream.indirect.scatter.add.f32 [tilespmem:s11], [sflag:$0xA], $0x20, s21, s6, $0xb8;
	[tilespmem:$0x14B98] =	vst v63  }
0xcd: {  	_ =	swait.ge [sflag:s29], $0x1000  }
0xce: {  	[sflag:s29] =	ssyncset.done $0x0  }
0xcf: {  	s9 =	sor.u32 $0x1100, s4;
	[sflag:s29] =	ssyncadd.s32 $0xFFFFF000  }
0xd0: {  	[spmem:s14] =	stream.indirect.scatter.add.f32 [tilespmem:s20], [sflag:$0xB], $0x20, s9, s6, $0xb8;
	[tilespmem:$0x14B98] =	vst v63  }
0xd1: {  	s20 =	simm.s32 $0x4  }
0xd2: {  	_ =	swait.ge [sflag:s20], $0x1000  }
0xd3: {  	p4 =	seq.s32 s5, $0x0;
	[sflag:s20] =	ssyncset.done $0x0  }
0xd4: {  	s10 =	sor.u32 $0x1180, s4;
	s11 =	simm.s32 @!p4 $0xD;
	[sflag:s20] =	ssyncadd.s32 $0xFFFFF000  }
0xd5: {  	[spmem:s14] =	stream.indirect.scatter.add.f32 [tilespmem:s23], [sflag:$0xC], $0x20, s10, s6, $0xb8;
	[tilespmem:$0x14B98] =	vst v63  }
0xd6: {  	_ =	swait.ge @!p4 [sflag:s11], $0x1000  }
0xd7: {  	[sflag:s11] =	ssyncset.done @!p4 $0x0  }
0xd8: {  	[sflag:s11] =	ssyncadd.s32 @!p4 $0xFFFFF000;
	s11 =	simm.s32 @!p4 $0xE  }
0xd9: {  	_ =	swait.ge @!p4 [sflag:s11], $0x1000  }
0xda: {  	[sflag:s11] =	ssyncset.done @!p4 $0x0  }
0xdb: {  	[sflag:s11] =	ssyncadd.s32 @!p4 $0xFFFFF000;
	s11 =	simm.s32 @!p4 $0xF  }
0xdc: {  	_ =	swait.ge @!p4 [sflag:s11], $0x1000  }
0xdd: {  	[sflag:s11] =	ssyncset.done @!p4 $0x0  }
0xde: {  	[sflag:s11] =	ssyncadd.s32 @!p4 $0xFFFFF000;
	s11 =	simm.s32 @!p4 $0x10  }
0xdf: {  	_ =	swait.ge @!p4 [sflag:s11], $0x1000  }
0xe0: {  	[sflag:s11] =	ssyncset.done @!p4 $0x0  }
0xe1: {  	[sflag:s11] =	ssyncadd.s32 @!p4 $0xFFFFF000;
	s11 =	sor.u32 $0x200, s4  }
0xe2: {  	[tilespmem:s24], [sflag:$0x5] =	stream.indirect.gather [hbm4b:s18+s6], $0x20, s11, s6, $0xb8;
	[tilespmem:$0x14B98] =	vst v63  }
0xe3: {  	s29 =	sor.u32 $0x280, s4  }
0xe4: {  	[tilespmem:s22], [sflag:$0x6] =	stream.indirect.gather [hbm4b:s18+s6], $0x20, s29, s6, $0xb8;
	[tilespmem:$0x14B98] =	vst v63  }
0xe5: {  	s12 =	simm.s32 $0x8000;
	s23 =	sor.u32 $0x300, s4  }
0xe6: {  	[tilespmem:s12], [sflag:$0x7] =	stream.indirect.gather [hbm4b:s18+s6], $0x20, s23, s6, $0xb8;
	[tilespmem:$0x14B98] =	vst v63  }
0xe7: {  	s16 =	simm.s32 @p0 $0x80;
	s20 =	smov.u32 s19;
	s4 =	sor.u32 $0x380, s4  }
0xe8: {  	[tilespmem:s15], [sflag:$0x8] =	stream.indirect.gather [hbm4b:s18+s6], $0x20, s4, s6, $0xb8;
	[tilespmem:$0x14B98] =	vst v63  }
0xe9: {  	s19 =	smov.u32 s17;
	s17 =	simm.s32 @p0 $0xF660;
	s24 =	sor.u32 @p0 $0x1000, s11  }
0xea: {  	[spmem:s2] =	stream.indirect.scatter.add.f32 @p0 [tilespmem:s17], [sflag:$0x11], $0x1, s24, s16, $0xb8;
	[tilespmem:$0x14B98] =	vst v63  }
0xeb: {  	s24 =	sor.u32 @p0 $0x1000, s29  }
0xec: {  	[spmem:s2] =	stream.indirect.scatter.add.f32 @p0 [tilespmem:s17], [sflag:$0x11], $0x1, s24, s16, $0xb8;
	[tilespmem:$0x14B98] =	vst v63  }
0xed: {  	s24 =	sor.u32 @p0 $0x1000, s23  }
0xee: {  	[spmem:s2] =	stream.indirect.scatter.add.f32 @p0 [tilespmem:s17], [sflag:$0x11], $0x1, s24, s16, $0xb8;
	[tilespmem:$0x14B98] =	vst v63  }
0xef: {  	s16 =	simm.s32 @!p0 $0x80;
	s17 =	simm.s32 @!p0 $0xF660  }
0xf0: {  	[spmem:s2] =	stream.indirect.scatter.add.f32 @!p0 [tilespmem:s17], [sflag:$0x11], $0x1, s7, s16, $0xb8;
	[tilespmem:$0x14B98] =	vst v63  }
0xf1: {  	_ = 	snop  }
0xf2: {  	[spmem:s2] =	stream.indirect.scatter.add.f32 @!p0 [tilespmem:s17], [sflag:$0x11], $0x1, s21, s16, $0xb8;
	[tilespmem:$0x14B98] =	vst v63  }
0xf3: {  	s7 =	sor.u32 @p0 $0x1000, s4  }
0xf4: {  	[spmem:s2] =	stream.indirect.scatter.add.f32 @!p0 [tilespmem:s17], [sflag:$0x11], $0x1, s9, s16, $0xb8;
	[tilespmem:$0x14B98] =	vst v63  }
0xf5: {  	s10 =	smov.u32 @p0 s7;
	s9 =	simm.s32 $0xF660  }
0xf6: {  	[spmem:s2] =	stream.indirect.scatter.add.f32 [tilespmem:s9], [sflag:$0x11], $0x1, s10, s6, $0xb8;
	[tilespmem:$0x14B98] =	vst v63  }
0xf7: {  	_ =	swait.ge [sflag:s25], $0x1000  }
0xf8: {  	[sflag:s25] =	ssyncset.done $0x0  }
0xf9: {  	s24 =	simm.s32 $0x6000;
	s10 =	sor.u32 $0x1000, s11;
	[sflag:s25] =	ssyncadd.s32 $0xFFFFF000  }
0xfa: {  	[spmem:s14] =	stream.indirect.scatter.add.f32 [tilespmem:s24], [sflag:$0xD], $0x20, s10, s6, $0xb8;
	[tilespmem:$0x14B98] =	vst v63  }
0xfb: {  	_ =	swait.ge [sflag:s26], $0x1000  }
0xfc: {  	[sflag:s26] =	ssyncset.done $0x0  }
0xfd: {  	s16 =	sor.u32 $0x1000, s29;
	[sflag:s26] =	ssyncadd.s32 $0xFFFFF000  }
0xfe: {  	[spmem:s14] =	stream.indirect.scatter.add.f32 [tilespmem:s22], [sflag:$0xE], $0x20, s16, s6, $0xb8;
	[tilespmem:$0x14B98] =	vst v63  }
0xff: {  	_ =	swait.ge [sflag:s28], $0x1000  }
0x100: {  	[sflag:s28] =	ssyncset.done $0x0  }
0x101: {  	s9 =	sor.u32 $0x1000, s23;
	s10 =	simm.s32 $0x8;
	[sflag:s28] =	ssyncadd.s32 $0xFFFFF000  }
0x102: {  	[spmem:s14] =	stream.indirect.scatter.add.f32 [tilespmem:s12], [sflag:$0xF], $0x20, s9, s6, $0xb8;
	[tilespmem:$0x14B98] =	vst v63  }
0x103: {  	_ =	swait.ge [sflag:s10], $0x1000  }
0x104: {  	[sflag:s10] =	ssyncset.done $0x0  }
0x105: {  	s4 =	sor.u32 $0x1000, s4;
	[sflag:s10] =	ssyncadd.s32 $0xFFFFF000  }
0x106: {  	[spmem:s14] =	stream.indirect.scatter.add.f32 [tilespmem:s15], [sflag:$0x10], $0x20, s4, s6, $0xb8;
	[tilespmem:$0x14B98] =	vst v63  }
0x107: {  	_ =	swait.ge [sflag:s30], $0x80  }
0x108: {  	[sflag:s30] =	ssyncset.done $0x0  }
0x109: {  	[sflag:s30] =	ssyncadd.s32 $0xFFFFFF80  }
0x10a: {  	_ =	swait.ge [sflag:s30], $0x80  }
0x10b: {  	[sflag:s30] =	ssyncset.done $0x0  }
0x10c: {  	[sflag:s30] =	ssyncadd.s32 $0xFFFFFF80  }
0x10d: {  	_ =	swait.ge [sflag:s30], $0x80  }
0x10e: {  	p4 =	seq.s32 s5, $0x980;
	s16 =	sand.u32 $0x1, s3;
	[sflag:s30] =	ssyncset.done $0x0  }
0x10f: {  	s17 =	smov.u32 s19;
	p5 =	seq.s32 s16, $0x1;
	[sflag:s30] =	ssyncadd.s32 $0xFFFFFF80  }
0x110: {  	s19 =	smov.u32 s20;
	p5 =	por !p5, p4;
	_ =	swait.ge [sflag:s30], $0x80  }
0x111: {  	s7 =	sadd.s32 @!p5 s5, s19;
	[sflag:s30] =	ssyncset.done $0x0  }
0x112: {  	s9 =	simm.s32 @!p5 $0x0;
	s4 =	sand.u32 @!p5 $0x800, s0;
	[sflag:s30] =	ssyncadd.s32 $0xFFFFFF80  }
0x113: {  	[tilespmem:s4], [sflag:$0x12] =	stream.linear.gather @!p5 [hbm4b:s7+s9], $0x800, $0x38;
	[tilespmem:$0x14B98] =	vst v63  }
0x114: {  	s7 =	simm.s32 @!p5 $0x12  }
0x115: {  	_ =	swait.ge @!p5 [sflag:s7], $0x800  }
0x116: {  	[sflag:s7] =	ssyncset.done @!p5 $0x0  }
0x117: {  	s10 =	sadd.s32 @!p5 s5, s17;
	s4 =	sor.u32 @!p5 $0x1000, s4;
	[sflag:s7] =	ssyncadd.s32 @!p5 $0xFFFFF800  }
0x118: {  	[tilespmem:s4], [sflag:$0x12] =	stream.linear.gather @!p5 [hbm4b:s10+s9], $0x800, $0x38;
	[tilespmem:$0x14B98] =	vst v63  }
0x119: {  	_ =	swait.ge @!p5 [sflag:s7], $0x800  }
0x11a: {  	[sflag:s7] =	ssyncset.done @!p5 $0x0  }
0x11b: {  	s4 =	simm.s32 @!p4 $0x9;
	[sflag:s7] =	ssyncadd.s32 @!p5 $0xFFFFF800  }
0x11c: {  	_ =	swait.ge @!p4 [sflag:s4], $0x1000  }
0x11d: {  	[sflag:s4] =	ssyncset.done @!p4 $0x0  }
0x11e: {  	[sflag:s4] =	ssyncadd.s32 @!p4 $0xFFFFF000;
	s4 =	sshrl.u32 @!p4 s31, $0x2  }
0x11f: {  	s9 =	simm.s32 @!p4 $0x2000;
	s7 =	simm.s32 @!p4 $0x80;
	s4 =	sand.u32 @!p4 $0xC00, s4  }
0x120: {  	[tilespmem:s9], [sflag:$0x1] =	stream.indirect.gather @!p4 [hbm4b:s18+s7], $0x20, s4, s7, $0xb8;
	[tilespmem:$0x14B98] =	vst v63  }
0x121: {  	s9 =	simm.s32 @!p4 $0xA  }
0x122: {  	s8 =	sadd.s32 @!p4 $0x8, s8;
	_ =	swait.ge @!p4 [sflag:s9], $0x1000  }
0x123: {  	s21 =	simm.s32 $0x2;
	s20 =	simm.s32 $0x4000;
	[sflag:s9] =	ssyncset.done @!p4 $0x0  }
0x124: {  	s10 =	simm.s32 @!p4 $0x3000;
	[sflag:s9] =	ssyncadd.s32 @!p4 $0xFFFFF000;
	s9 =	sor.u32 @!p4 $0x80, s4  }
0x125: {  	[tilespmem:s10], [sflag:$0x2] =	stream.indirect.gather @!p4 [hbm4b:s18+s7], $0x20, s9, s7, $0xb8;
	[tilespmem:$0x14B98] =	vst v63  }
0x126: {  	s29 =	simm.s32 $0x3;
	s5 =	sadd.s32 @!p4 $0x80, s5;
	s9 =	simm.s32 @!p4 $0xB  }
0x127: {  	s11 =	simm.s32 $0x3000;
	p5 =	sne.s32 @!p4 s5, $0xA00;
	_ =	swait.ge @!p4 [sflag:s9], $0x1000  }
0x128: {  	s23 =	simm.s32 $0x5000;
	p5 =	por p4, !p5;
	[sflag:s9] =	ssyncset.done @!p4 $0x0  }
0x129: {  	s10 =	simm.s32 @!p4 $0x4000;
	[sflag:s9] =	ssyncadd.s32 @!p4 $0xFFFFF000;
	s9 =	sor.u32 @!p4 $0x100, s4  }
0x12a: {  	[tilespmem:s10], [sflag:$0x3] =	stream.indirect.gather @!p4 [hbm4b:s18+s7], $0x20, s9, s7, $0xb8;
	[tilespmem:$0x14B98] =	vst v63  }
.Ltmp4:
0x12b: {  	s3 =	sadd.s32 @!p4 $0x1, s3;
	s9 =	simm.s32 @!p4 $0xC;
	(pc) =	sbr.rel @!p5 .LBB2_10-.Ltmp4, $4  }
0x12c: {  	s12 =	simm.s32 $0x8;
	s0 =	sadd.s32 @!p4 $0x400, s0;
	_ =	swait.ge @!p4 [sflag:s9], $0x1000  }
0x12d: {  	s31 =	sadd.s32 @!p4 $0x1000, s31;
	s4 =	sor.u32 @!p4 $0x180, s4;
	[sflag:s9] =	ssyncset.done @!p4 $0x0  }
0x12e: {  	s10 =	simm.s32 $0x2000;
	[sflag:s9] =	ssyncadd.s32 @!p4 $0xFFFFF000;
	s9 =	simm.s32 @!p4 $0x5000  }
0x12f: {  	[tilespmem:s9], [sflag:$0x4] =	stream.indirect.gather @!p4 [hbm4b:s18+s7], $0x20, s4, s7, $0xb8;
	[tilespmem:$0x14B98] =	vst v63  }
0x130: {  	s0 =	simm.s32 $0x9  }
0x131: {  	_ =	swait.ge [sflag:s0], $0x1000  }
0x132: {  	[sflag:s0] =	ssyncset.done $0x0  }
0x133: {  	s31 =	simm.s32 $0xA;
	[sflag:s0] =	ssyncadd.s32 $0xFFFFF000  }
0x134: {  	_ =	swait.ge [sflag:s31], $0x1000  }
0x135: {  	[sflag:s31] =	ssyncset.done $0x0  }
0x136: {  	s3 =	simm.s32 $0xB;
	[sflag:s31] =	ssyncadd.s32 $0xFFFFF000  }
0x137: {  	_ =	swait.ge [sflag:s3], $0x1000  }
0x138: {  	[sflag:s3] =	ssyncset.done $0x0  }
0x139: {  	s4 =	simm.s32 $0xC;
	[sflag:s3] =	ssyncadd.s32 $0xFFFFF000  }
0x13a: {  	_ =	swait.ge [sflag:s4], $0x1000  }
0x13b: {  	[sflag:s4] =	ssyncset.done $0x0  }
0x13c: {  	s5 =	simm.s32 $0xD;
	[sflag:s4] =	ssyncadd.s32 $0xFFFFF000  }
0x13d: {  	_ =	swait.ge [sflag:s5], $0x1000  }
0x13e: {  	[sflag:s5] =	ssyncset.done $0x0  }
0x13f: {  	s7 =	simm.s32 $0xE;
	[sflag:s5] =	ssyncadd.s32 $0xFFFFF000  }
0x140: {  	_ =	swait.ge [sflag:s7], $0x1000  }
0x141: {  	[sflag:s7] =	ssyncset.done $0x0  }
0x142: {  	s8 =	simm.s32 $0xF;
	[sflag:s7] =	ssyncadd.s32 $0xFFFFF000  }
0x143: {  	_ =	swait.ge [sflag:s8], $0x1000  }
0x144: {  	[sflag:s8] =	ssyncset.done $0x0  }
0x145: {  	s9 =	simm.s32 $0x10;
	[sflag:s8] =	ssyncadd.s32 $0xFFFFF000  }
0x146: {  	_ =	swait.ge [sflag:s9], $0x1000  }
0x147: {  	[sflag:s9] =	ssyncset.done $0x0  }
0x148: {  	[sflag:s9] =	ssyncadd.s32 $0xFFFFF000  }
0x149: {  	s16 =	stileid.u32;
	[bflag:$0x0] =	sbarrier.arrive $0xFFFF  }
0x14a: {  	s0 =	sshll.u32 s16, $0x6;
	s3 =	rddreg [dreg:$0x14]  }
0x14b: {  	s0 =	sor.u32 $0x1C12, s0;
	s9 =	simm.s32 $0x12;
	s4 =	rddreg [dreg:$0x17]  }
0x14c: {  	[hbm:s3@s12], [sflag:s0] =	dma.strided [spmem:s4@s13], $0x9C4, s1, $0x4   }
0x14d: {  	_ =	swait.ge [sflag:s9], $0x9C4  }
0x14e: {  	[sflag:s9] =	ssyncset.done $0x0  }
0x14f: {  	s3 =	sshrl.u32 @!p3 s2, $0x3;
	s4 =	rddreg [dreg:$0x6];
	[sflag:s9] =	ssyncadd.s32 $0xFFFFF63C  }
0x150: {  	[hbm:s4], [sflag:s0] =	dma.local @!p3 [spmem:s3], $0x4E4  }
0x151: {  	s3 =	simm.s32 @!p3 $0x12  }
0x152: {  	_ =	swait.ge @!p3 [sflag:s3], $0x4E4  }
0x153: {  	[sflag:s3] =	ssyncset.done @!p3 $0x0  }
0x154: {  	s4 =	rddreg [dreg:$0x15];
	[sflag:s3] =	ssyncadd.s32 @!p3 $0xFFFFFB1C;
	s3 =	sshrl.u32 @p2 s2, $0x3  }
0x155: {  	[hbm:s4], [sflag:s0] =	dma.local @p2 [spmem:s3], $0x4E4  }
0x156: {  	s0 =	simm.s32 @p2 $0x12  }
0x157: {  	_ =	swait.ge @p2 [sflag:s0], $0x4E4  }
0x158: {  	s16 =	rddreg [dreg:$0x5]  }
0x159: {  	s31 =	rddreg [dreg:$0x16];
	s16 =	sadd.s32 $0x1, s16  }
0x15a: {  	p4 =	sne.s32 s16, s31  }
.Ltmp5:
0x15b: {  	_ = 	snop;
	(pc) =	sbr.rel @p4 .LBB2_1-.Ltmp5, $3  }
0x15c: {  	_ =	sdelay $0x1  }
0x15d: {  	[sflag:s0] =	ssyncset.done @p2 $0x0  }
0x15e: {  	s7 =	simm.s32 $0xA800;
	[sflag:s0] =	ssyncadd.s32 @p2 $0xFFFFFB1C  }
0x15f: {  	_ =	sfence.sel $0x180000  }
0x160: {  	[bflag:$0x0] =	sbarrier.arrive $0xFFFF  }
0x161: {  	_ =	strace $0x9000004A  }
0x162: {  	[bflag:$0x2] =	sbarrier.arrive $0xFFFF  }
0x163: {  	s0 =	rddreg [dreg:$0x4]  }
0x164: {  	s0 =	sadd.s32 @!p1 $0x100000, s0  }
0x165: {  	[sflag:s0] =	ssyncadd.tile.s32 @!p1 $0x1;
	_ =	shalt  }
.Lfunc_end2:
_tile_overlayer_lowered:
.L_overlay_start_2:
0x166: {  	(tag) =	ssettag $0x2  }
0x167: {  	s0 =	rddreg [dreg:$0x0];
	s2 =	stileid.u32  }
0x168: {  	s1 =	rddreg [dreg:$0x1];
	p0 =	sne.s32 s2, $0x0  }
0x169: {  	s3 =	rddreg [dreg:$0x2];
	[bflag:$0x3] =	sbarrier.arrive $0xFFFF;
	s2 =	simm.s32 @!p0 $0x1C12  }
0x16a: {  	[timem:s3], [sflag:s2] =	dma.local @!p0 [hbm:s0], s1  }
0x16b: {  	s0 =	simm.s32 @!p0 $0x12  }
0x16c: {  	_ =	swait.ge @!p0 [sflag:s0], s1  }
0x16d: {  	s1 =	ssub.s32 @!p0 $0x0, s1;
	[sflag:s0] =	ssyncset.done @!p0 $0x0  }
0x16e: {  	[sflag:s0] =	ssyncadd.s32 @!p0 s1  }
0x16f: {  	[bflag:$0x3] =	sbarrier.arrive $0xFFFF  }
0x170: {  	_ =	shalt  }

</sc_bundles>
